<compile_context>
chip_gen: v7x
topology: tpu7x:2x2x1
jax: 0.10.2.dev20260603
libtpu: 0.0.44.dev20260713+nightly
codegen_flags: <defaults>
</compile_context>

<pallas_src>
import jax
import jax.numpy as jnp
from jax import lax
from jax.experimental import pallas as pl
from jax.experimental.pallas import tpu as pltpu
from jax.experimental.pallas import tpu_sc as plsc

N = 10000
E = 160000
D = 256
H = 4
C = 64
HD = D // 2

NC = 2
NS = 16
NW = NC * NS

RB = 1000
EB = 2000
EW = E // NW
GCH = 128
GCHB = 80
NGB2 = 62
TAIL_B2 = EW - NGB2 * GCHB
ES = E // NS
NG_D = ES // GCH
TAIL_D = ES - NG_D * GCH
NROW = 624
ER = E // GCH
ROWS_D = 80
ROWS_DL = ER - 15 * ROWS_D
ROWS_3 = 40
ROWS_3L = ER - 31 * ROWS_3
NROW_LAST = N - 15 * NROW

_f32 = jnp.float32
_i32 = jnp.int32


def _head_onehot(rows, cols, head_of_col):
    r = lax.broadcasted_iota(_i32, (rows, cols), 0)
    c = lax.broadcasted_iota(_i32, (rows, cols), 1)
    return jnp.where(head_of_col(c) == r, 1.0, 0.0).astype(_f32)


def _tc_pre_body(x_ref, g_ref, b_ref, wq_ref, bq_ref, wk_ref, bk_ref,
                 wv_ref, bv_ref, ws_ref, bs_ref,
                 q_ref, k_ref, v_ref, xsk_ref, xh_ref):
    xb = x_ref[...]
    mu = jnp.mean(xb, axis=-1, keepdims=True)
    var = jnp.mean((xb - mu) ** 2, axis=-1, keepdims=True)
    xn = (xb - mu) / jnp.sqrt(var + 1e-5) * g_ref[...] + b_ref[...]
    q_ref[...] = jnp.dot(xn, wq_ref[...], preferred_element_type=_f32) + bq_ref[...]
    k_ref[...] = jnp.dot(xn, wk_ref[...], preferred_element_type=_f32) + bk_ref[...]
    v_ref[...] = jnp.dot(xn, wv_ref[...], preferred_element_type=_f32) + bv_ref[...]
    xsk_ref[...] = jnp.dot(xn, ws_ref[...], preferred_element_type=_f32) + bs_ref[...]
    xh_ref[0] = xb[:, :HD]
    xh_ref[1] = xb[:, HD:]


def _tc_pre(x, ln1_g, ln1_b, Wq, bq, Wk, bk, Wv, bv, Ws, bs):
    row = pl.BlockSpec((RB, D), lambda i: (i, 0))
    full_w = pl.BlockSpec((D, D), lambda i: (0, 0))
    full_b = pl.BlockSpec((1, D), lambda i: (0, 0))
    return pl.pallas_call(
        _tc_pre_body,
        grid=(N // RB,),
        in_specs=[row, full_b, full_b, full_w, full_b, full_w, full_b,
                  full_w, full_b, full_w, full_b],
        out_specs=[row, row, row, row,
                   pl.BlockSpec((2, RB, HD), lambda i: (0, i, 0))],
        out_shape=[jax.ShapeDtypeStruct((N, D), _f32)] * 4
        + [jax.ShapeDtypeStruct((2, N, HD), _f32)],
    )(x, ln1_g, ln1_b, Wq, bq, Wk, bk, Wv, bv, Ws, bs)


def _sc_gather_body(src_hbm, dst_hbm, q_hbm, k_hbm, v_hbm,
                    qe_hbm, ke_hbm, ve_hbm,
                    si0, di0, si1, di1, sit, dit,
                    qb0, kb0, vb0, qb1, kb1, vb1, g0, g1):
    wid = lax.axis_index("s") * NC + lax.axis_index("c")
    base = wid * EW
    sis = (si0, si1)
    dis = (di0, di1)
    qbs = (qb0, qb1)
    kbs = (kb0, kb1)
    vbs = (vb0, vb1)
    gs = (g0, g1)

    def issue(off, b):
        pltpu.sync_copy(src_hbm.at[pl.ds(off, GCHB)], sis[b].at[0])
        pltpu.sync_copy(dst_hbm.at[pl.ds(off, GCHB)], dis[b].at[0])
        pltpu.async_copy(q_hbm.at[dis[b].at[0]], qbs[b], gs[b])
        pltpu.async_copy(k_hbm.at[sis[b].at[0]], kbs[b], gs[b])
        pltpu.async_copy(v_hbm.at[sis[b].at[0]], vbs[b], gs[b])

    def drain(b):
        pltpu.make_async_copy(q_hbm.at[dis[b].at[0]], qbs[b], gs[b]).wait()
        pltpu.make_async_copy(k_hbm.at[sis[b].at[0]], kbs[b], gs[b]).wait()
        pltpu.make_async_copy(v_hbm.at[sis[b].at[0]], vbs[b], gs[b]).wait()

    issue(base, 0)
    issue(base + GCHB, 1)

    def body(jj, carry):
        for b in (0, 1):
            j = 2 * jj + b
            off = base + j * GCHB
            drain(b)
            pltpu.sync_copy(qbs[b], qe_hbm.at[pl.ds(off, GCHB)])
            pltpu.sync_copy(kbs[b], ke_hbm.at[pl.ds(off, GCHB)])
            pltpu.sync_copy(vbs[b], ve_hbm.at[pl.ds(off, GCHB)])

            @pl.when(j + 2 < NGB2)
            def _():
                issue(base + (j + 2) * GCHB, b)
        return carry

    lax.fori_loop(0, NGB2 // 2, body, 0)

    offt = base + NGB2 * GCHB
    pltpu.sync_copy(src_hbm.at[pl.ds(offt, TAIL_B2)], sit.at[0])
    pltpu.sync_copy(dst_hbm.at[pl.ds(offt, TAIL_B2)], dit.at[0])
    a = pltpu.async_copy(q_hbm.at[dit.at[0]], qb0.at[pl.ds(0, TAIL_B2)], g0)
    b2 = pltpu.async_copy(k_hbm.at[sit.at[0]], kb0.at[pl.ds(0, TAIL_B2)], g0)
    c2 = pltpu.async_copy(v_hbm.at[sit.at[0]], vb0.at[pl.ds(0, TAIL_B2)], g0)
    a.wait()
    b2.wait()
    c2.wait()
    pltpu.sync_copy(qb0.at[pl.ds(0, TAIL_B2)], qe_hbm.at[pl.ds(offt, TAIL_B2)])
    pltpu.sync_copy(kb0.at[pl.ds(0, TAIL_B2)], ke_hbm.at[pl.ds(offt, TAIL_B2)])
    pltpu.sync_copy(vb0.at[pl.ds(0, TAIL_B2)], ve_hbm.at[pl.ds(offt, TAIL_B2)])


def _sc_gather(src, dst, q, k, v):
    mesh = plsc.VectorSubcoreMesh(core_axis_name="c", subcore_axis_name="s",
                                  num_cores=NC, num_subcores=NS)
    f = pl.kernel(
        _sc_gather_body,
        out_type=[jax.ShapeDtypeStruct((E, D), _f32)] * 3,
        mesh=mesh,
        scratch_types=[
            pltpu.VMEM((1, GCHB), _i32), pltpu.VMEM((1, GCHB), _i32),
            pltpu.VMEM((1, GCHB), _i32), pltpu.VMEM((1, GCHB), _i32),
            pltpu.VMEM((1, TAIL_B2), _i32), pltpu.VMEM((1, TAIL_B2), _i32),
            pltpu.VMEM((GCHB, D), _f32), pltpu.VMEM((GCHB, D), _f32),
            pltpu.VMEM((GCHB, D), _f32), pltpu.VMEM((GCHB, D), _f32),
            pltpu.VMEM((GCHB, D), _f32), pltpu.VMEM((GCHB, D), _f32),
            pltpu.SemaphoreType.DMA, pltpu.SemaphoreType.DMA,
        ],
    )
    return f(src, dst, q, k, v)


def _tc_logits_body(qe_ref, ke_ref, ve_ref, wv_ref, wd_ref):
    qk = qe_ref[...] * ke_ref[...]
    S = _head_onehot(H, D, lambda c: c // C)
    logits = jnp.dot(qk, S.T, preferred_element_type=_f32) * (1.0 / 8.0)
    w = jnp.exp(logits)
    wfull = jnp.dot(w, S, preferred_element_type=_f32)
    wv = ve_ref[...] * wfull
    wv_ref[0] = wv[:, :HD]
    wv_ref[1] = wv[:, HD:]
    SA = _head_onehot(H, HD, lambda c: c // 32)
    wd_ref[...] = jnp.dot(w, SA, preferred_element_type=_f32)


def _tc_logits(qe, ke, ve):
    row = pl.BlockSpec((EB, D), lambda i: (i, 0))
    return pl.pallas_call(
        _tc_logits_body,
        grid=(E // EB,),
        in_specs=[row, row, row],
        out_specs=[pl.BlockSpec((2, EB, HD), lambda i: (0, i, 0)),
                   pl.BlockSpec((EB, HD), lambda i: (i, 0))],
        out_shape=[jax.ShapeDtypeStruct((2, E, HD), _f32),
                   jax.ShapeDtypeStruct((E, HD), _f32)],
    )(qe, ke, ve)


def _sc_agg_body(dst3_hbm, wv_hbm, zrow_hbm, agg_hbm,
                 dall, wb0, wb1, acc_sp, g0, g1):
    cid = lax.axis_index("c")
    sid = lax.axis_index("s")
    wbs = (wb0, wb1)
    gs = (g0, g1)

    def stripes(fn):
        @pl.when(sid < 15)
        def _():
            fn(sid * NROW, NROW)

        @pl.when(sid == 15)
        def _():
            fn(15 * NROW, NROW_LAST)

    stripes(lambda r0, sz: pltpu.sync_copy(zrow_hbm.at[pl.ds(r0, sz)],
                                           acc_sp.at[pl.ds(r0, sz)]))
    plsc.subcore_barrier()

    def run(r0, nrows):
        pltpu.sync_copy(dst3_hbm.at[pl.ds(r0, nrows)],
                        dall.at[pl.ds(0, nrows)])
        base = r0 * GCH

        def issue(j, b):
            pltpu.async_copy(wv_hbm.at[cid, pl.ds(base + j * GCH, GCH)],
                             wbs[b], gs[b])

        issue(0, 0)
        issue(1, 1)

        def body(jj, carry):
            for b in (0, 1):
                j = 2 * jj + b
                pltpu.make_async_copy(
                    wv_hbm.at[cid, pl.ds(base + j * GCH, GCH)],
                    wbs[b], gs[b]).wait()
                pltpu.sync_copy(wbs[b], acc_sp.at[dall.at[j, 0]], add=True)

                @pl.when(j + 2 < nrows)
                def _():
                    issue(j + 2, b)
            return carry

        lax.fori_loop(0, nrows // 2, body, 0)

    @pl.when(sid < 15)
    def _():
        run(sid * ROWS_D, ROWS_D)

    @pl.when(sid == 15)
    def _():
        run(15 * ROWS_D, ROWS_DL)

    plsc.subcore_barrier()

    stripes(lambda r0, sz: pltpu.sync_copy(acc_sp.at[pl.ds(r0, sz)],
                                           agg_hbm.at[cid, pl.ds(r0, sz)]))


def _sc_agg(dst2, wv, zrow):
    mesh = plsc.VectorSubcoreMesh(core_axis_name="c", subcore_axis_name="s",
                                  num_cores=NC, num_subcores=NS)
    f = pl.kernel(
        _sc_agg_body,
        out_type=jax.ShapeDtypeStruct((2, N, HD), _f32),
        mesh=mesh,
        scratch_types=[
            pltpu.VMEM((ROWS_D, 1, GCH), _i32),
            pltpu.VMEM((GCH, HD), _f32), pltpu.VMEM((GCH, HD), _f32),
            pltpu.VMEM_SHARED((N, HD), _f32),
            pltpu.SemaphoreType.DMA, pltpu.SemaphoreType.DMA,
        ],
    )
    return f(dst2, wv, zrow)


def _sc_den_body(dst3_hbm, wd_hbm, zrow_hbm, den_hbm,
                 dall, wb0, wb1, den_sp, g0, g1):
    cid = lax.axis_index("c")
    sid = lax.axis_index("s")
    wid = cid * NS + sid
    wbs = (wb0, wb1)
    gs = (g0, g1)

    def stripes(fn):
        @pl.when(sid < 15)
        def _():
            fn(sid * NROW, NROW)

        @pl.when(sid == 15)
        def _():
            fn(15 * NROW, NROW_LAST)

    stripes(lambda r0, sz: pltpu.sync_copy(zrow_hbm.at[pl.ds(r0, sz)],
                                           den_sp.at[pl.ds(r0, sz)]))
    plsc.subcore_barrier()

    def run(r0, nrows):
        pltpu.sync_copy(dst3_hbm.at[pl.ds(r0, nrows)],
                        dall.at[pl.ds(0, nrows)])
        base = r0 * GCH

        def issue(j, b):
            pltpu.async_copy(wd_hbm.at[pl.ds(base + j * GCH, GCH)],
                             wbs[b], gs[b])

        issue(0, 0)
        issue(1, 1)

        def body(jj, carry):
            for b in (0, 1):
                j = 2 * jj + b
                pltpu.make_async_copy(
                    wd_hbm.at[pl.ds(base + j * GCH, GCH)],
                    wbs[b], gs[b]).wait()
                pltpu.sync_copy(wbs[b], den_sp.at[dall.at[j, 0]], add=True)

                @pl.when(j + 2 < nrows)
                def _():
                    issue(j + 2, b)
            return carry

        lax.fori_loop(0, nrows // 2, body, 0)

    @pl.when(wid < 31)
    def _():
        run(wid * ROWS_3, ROWS_3)

    @pl.when(wid == 31)
    def _():
        run(31 * ROWS_3, ROWS_3L)

    plsc.subcore_barrier()

    stripes(lambda r0, sz: pltpu.sync_copy(den_sp.at[pl.ds(r0, sz)],
                                           den_hbm.at[cid, pl.ds(r0, sz)]))


def _sc_den(dst2, wd, zrow):
    mesh = plsc.VectorSubcoreMesh(core_axis_name="c", subcore_axis_name="s",
                                  num_cores=NC, num_subcores=NS)
    f = pl.kernel(
        _sc_den_body,
        out_type=jax.ShapeDtypeStruct((2, N, HD), _f32),
        mesh=mesh,
        scratch_types=[
            pltpu.VMEM((ROWS_3, 1, GCH), _i32),
            pltpu.VMEM((GCH, HD), _f32), pltpu.VMEM((GCH, HD), _f32),
            pltpu.VMEM_SHARED((N, HD), _f32),
            pltpu.SemaphoreType.DMA, pltpu.SemaphoreType.DMA,
        ],
    )
    return f(dst2, wd, zrow)


def _sc_nb_body(src_hbm, dst_hbm, xh_hbm, zrow_hbm, nb_hbm,
                s0i, d0i, s1i, d1i, sit, dit, xb0, xb1, acc_sp, g0, g1):
    cid = lax.axis_index("c")
    sid = lax.axis_index("s")
    xbs = (xb0, xb1)
    gs = (g0, g1)

    def stripes(fn):
        @pl.when(sid < 15)
        def _():
            fn(sid * NROW, NROW)

        @pl.when(sid == 15)
        def _():
            fn(15 * NROW, NROW_LAST)

    stripes(lambda r0, sz: pltpu.sync_copy(zrow_hbm.at[pl.ds(r0, sz)],
                                           acc_sp.at[pl.ds(r0, sz)]))
    plsc.subcore_barrier()

    base = sid * ES
    sis = (s0i, s1i)
    dis = (d0i, d1i)

    def issue(off, b):
        pltpu.sync_copy(src_hbm.at[pl.ds(off, GCH)], sis[b].at[0])
        pltpu.sync_copy(dst_hbm.at[pl.ds(off, GCH)], dis[b].at[0])
        pltpu.async_copy(xh_hbm.at[cid].at[sis[b].at[0]], xbs[b], gs[b])

    issue(base, 0)
    issue(base + GCH, 1)

    def body(jj, carry):
        for b in (0, 1):
            j = 2 * jj + b
            pltpu.make_async_copy(xh_hbm.at[cid].at[sis[b].at[0]],
                                  xbs[b], gs[b]).wait()
            pltpu.sync_copy(xbs[b], acc_sp.at[dis[b].at[0]], add=True)

            @pl.when(j + 2 < NG_D)
            def _():
                issue(base + (j + 2) * GCH, b)
        return carry

    lax.fori_loop(0, NG_D // 2, body, 0)

    offt = base + NG_D * GCH
    pltpu.sync_copy(src_hbm.at[pl.ds(offt, TAIL_D)], sit.at[0])
    pltpu.sync_copy(dst_hbm.at[pl.ds(offt, TAIL_D)], dit.at[0])
    a = pltpu.async_copy(xh_hbm.at[cid].at[sit.at[0]],
                         xb0.at[pl.ds(0, TAIL_D)], g0)
    a.wait()
    pltpu.sync_copy(xb0.at[pl.ds(0, TAIL_D)], acc_sp.at[dit.at[0]], add=True)

    plsc.subcore_barrier()

    stripes(lambda r0, sz: pltpu.sync_copy(acc_sp.at[pl.ds(r0, sz)],
                                           nb_hbm.at[cid, pl.ds(r0, sz)]))


def _sc_nb(src1, dst1, xh, zrow):
    mesh = plsc.VectorSubcoreMesh(core_axis_name="c", subcore_axis_name="s",
                                  num_cores=NC, num_subcores=NS)
    f = pl.kernel(
        _sc_nb_body,
        out_type=jax.ShapeDtypeStruct((2, N, HD), _f32),
        mesh=mesh,
        scratch_types=[
            pltpu.VMEM((1, GCH), _i32), pltpu.VMEM((1, GCH), _i32),
            pltpu.VMEM((1, GCH), _i32), pltpu.VMEM((1, GCH), _i32),
            pltpu.VMEM((1, TAIL_D), _i32), pltpu.VMEM((1, TAIL_D), _i32),
            pltpu.VMEM((GCH, HD), _f32), pltpu.VMEM((GCH, HD), _f32),
            pltpu.VMEM_SHARED((N, HD), _f32),
            pltpu.SemaphoreType.DMA, pltpu.SemaphoreType.DMA,
        ],
    )
    return f(src1, dst1, xh, zrow)


def _tc_mid_body(agg_ref, den_ref, xsk_ref, x_ref, nb_ref, w1_ref, c1_ref,
                 rs_ref, out1_ref, h1_ref, stats_ref, acc_ref):
    i = pl.program_id(0)
    numer = jnp.concatenate([agg_ref[0], agg_ref[1]], axis=1)
    r = lax.broadcasted_iota(_i32, (HD, D), 0)
    c = lax.broadcasted_iota(_i32, (HD, D), 1)
    G = jnp.where(r == 32 * (c // C), 1.0, 0.0).astype(_f32)
    sfull = jnp.dot(den_ref[0] + den_ref[1], G, preferred_element_type=_f32)
    x_trans = numer / (sfull + 1e-16) + xsk_ref[...]
    xb = x_ref[...]
    out1 = xb + rs_ref[0, 0] * x_trans
    out1_ref[...] = out1
    nb = jnp.concatenate([nb_ref[0], nb_ref[1]], axis=1)
    h0 = xb + nb
    h1 = jnp.dot(h0, w1_ref[...], preferred_element_type=_f32) + c1_ref[...]
    h1_ref[...] = h1

    @pl.when(i == 0)
    def _():
        acc_ref[...] = jnp.zeros_like(acc_ref)

    acc_ref[0:1] += jnp.sum(h1, axis=0, keepdims=True)
    acc_ref[1:2] += jnp.sum(h1 * h1, axis=0, keepdims=True)
    stats_ref[...] = acc_ref[...]


def _tc_mid(agg, den, xsk, x, nb, W1, c1, rs):
    row = pl.BlockSpec((RB, D), lambda i: (i, 0))
    half = pl.BlockSpec((2, RB, HD), lambda i: (0, i, 0))
    return pl.pallas_call(
        _tc_mid_body,
        grid=(N // RB,),
        in_specs=[half, half, row, row,
                  half, pl.BlockSpec((D, D), lambda i: (0, 0)),
                  pl.BlockSpec((1, D), lambda i: (0, 0)),
                  pl.BlockSpec(memory_space=pltpu.SMEM)],
        out_specs=[row, row, pl.BlockSpec((2, D), lambda i: (0, 0))],
        out_shape=[jax.ShapeDtypeStruct((N, D), _f32),
                   jax.ShapeDtypeStruct((N, D), _f32),
                   jax.ShapeDtypeStruct((2, D), _f32)],
        scratch_shapes=[pltpu.VMEM((2, D), _f32)],
    )(agg, den, xsk, x, nb, W1, c1, rs)


def _gelu(t):
    return 0.5 * t * (1.0 + lax.erf(t * (1.0 / jnp.sqrt(2.0).astype(_f32))))


def _tc_post_body(out1_ref, h1_ref, stats_ref, bng_ref, bnb_ref, w2_ref,
                  c2_ref, g2_ref, b2_ref, wf1_ref, cf1_ref, wf2_ref, cf2_ref,
                  ab_ref, out_ref):
    mu = stats_ref[0:1] * (1.0 / N)
    var = stats_ref[1:2] * (1.0 / N) - mu * mu
    h1 = h1_ref[...]
    h1n = (h1 - mu) / jnp.sqrt(var + 1e-5) * bng_ref[...] + bnb_ref[...]
    h1n = jnp.maximum(h1n, 0.0)
    x_conv = jnp.dot(h1n, w2_ref[...], preferred_element_type=_f32) + c2_ref[...]
    out1 = out1_ref[...]
    g1 = _gelu(out1)
    mu2 = jnp.mean(g1, axis=-1, keepdims=True)
    var2 = jnp.mean((g1 - mu2) ** 2, axis=-1, keepdims=True)
    xn2 = (g1 - mu2) / jnp.sqrt(var2 + 1e-5) * g2_ref[...] + b2_ref[...]
    alpha = ab_ref[0, 0]
    beta = ab_ref[0, 1]
    h = alpha * xn2 + beta * x_conv + (1.0 - alpha - beta) * out1
    f = _gelu(jnp.dot(h, wf1_ref[...], preferred_element_type=_f32) + cf1_ref[...])
    out_ref[...] = jnp.dot(f, wf2_ref[...], preferred_element_type=_f32) + cf2_ref[...]


def _tc_post(out1, h1, stats, bng, bnb, W2, c2, ln2_g, ln2_b,
             Wf1, cf1, Wf2, cf2, ab):
    row = pl.BlockSpec((RB, D), lambda i: (i, 0))
    full_w = pl.BlockSpec((D, D), lambda i: (0, 0))
    full_b = pl.BlockSpec((1, D), lambda i: (0, 0))
    return pl.pallas_call(
        _tc_post_body,
        grid=(N // RB,),
        in_specs=[row, row, pl.BlockSpec((2, D), lambda i: (0, 0)),
                  full_b, full_b, full_w, full_b, full_b, full_b,
                  full_w, full_b, full_w, full_b,
                  pl.BlockSpec(memory_space=pltpu.SMEM)],
        out_specs=row,
        out_shape=jax.ShapeDtypeStruct((N, D), _f32),
    )(out1, h1, stats, bng, bnb, W2, c2, ln2_g, ln2_b, Wf1, cf1, Wf2, cf2, ab)



def kernel(x, edge_index, ln1_g, ln1_b, Wq, bq, Wk, bk, Wv, bv, Ws, bs,
           ln2_g, ln2_b, W1, c1, bng, bnb, W2, c2, Wf1, cf1, Wf2, cf2,
           res_scale, alpha, beta):
    src = edge_index[0]
    dst = edge_index[1]
    r = lambda t: t.reshape(1, D)
    q, k, v, xsk, xh = _tc_pre(x, r(ln1_g), r(ln1_b), Wq, r(bq), Wk, r(bk),
                               Wv, r(bv), Ws, r(bs))
    qe, ke, ve = _sc_gather(src, dst, q, k, v)
    wv, wd = _tc_logits(qe, ke, ve)
    zrow = jnp.zeros((N, HD), _f32)
    src2 = src.reshape(ER, 1, GCH)
    dst2 = dst.reshape(ER, 1, GCH)
    agg = _sc_agg(dst2, wv, zrow)
    den = _sc_den(dst2, wd, zrow)
    nb = _sc_nb(src, dst, xh, zrow)
    rs = res_scale.reshape(1, 1)
    out1, h1, stats = _tc_mid(agg, den, xsk, x, nb, W1, r(c1), rs)
    ab = jnp.stack([alpha, beta]).reshape(1, 2)
    out = _tc_post(out1, h1, stats, r(bng), r(bnb), W2, r(c2), r(ln2_g),
                   r(ln2_b), Wf1, r(cf1), Wf2, r(cf2), ab)
    return out

# --- scband reference (transcript-rebuilt; emitter-appended) ---
"""Pipeline reference for scband-graph-ctransformer-layer-66365834658167 (READ-ONLY COPY).

The authoritative reference and input builder live on the scoring server;
editing this copy changes nothing except your own understanding.
"""

import jax, jax.numpy as jnp
import numpy as np

N = 10000
E = 160000
D = 256
H = 4
C = 64


def layer_norm(x, g, b, eps=1e-5):
    mu = jnp.mean(x, axis=-1, keepdims=True)
    var = jnp.var(x, axis=-1, keepdims=True)
    return (x - mu) / jnp.sqrt(var + eps) * g + b


def gelu(x):
    return jax.nn.gelu(x, approximate=False)


def forward(x, edge_index, ln1_g, ln1_b, Wq, bq, Wk, bk, Wv, bv, Ws, bs,
            ln2_g, ln2_b, W1, c1, bng, bnb, W2, c2, Wf1, cf1, Wf2, cf2,
            res_scale, alpha, beta):
    src = edge_index[0]
    dst = edge_index[1]
    # norm1
    xn1 = layer_norm(x, ln1_g, ln1_b)
    # TransformerConv(in=256, out=64, heads=4, concat=True, root_weight=True)
    q = (xn1 @ Wq + bq).reshape(N, H, C)
    k = (xn1 @ Wk + bk).reshape(N, H, C)
    v = (xn1 @ Wv + bv).reshape(N, H, C)
    logits = jnp.sum(q[dst] * k[src], axis=-1) / jnp.sqrt(float(C))  # [E, H]
    m = jax.ops.segment_max(logits, dst, num_segments=N)
    m = jnp.where(jnp.isfinite(m), m, 0.0)
    e = jnp.exp(logits - m[dst])
    s = jax.ops.segment_sum(e, dst, num_segments=N)
    a = e / (s[dst] + 1e-16)
    msg = a[:, :, None] * v[src]
    agg = jax.ops.segment_sum(msg, dst, num_segments=N).reshape(N, H * C)
    x_trans = agg + xn1 @ Ws + bs  # root/skip connection (lin_skip)
    # residual_proj is Identity (in_dim == out_dim)
    out1 = x + res_scale * x_trans
    # GINConv with nn = Linear -> BatchNorm1d -> ReLU -> Dropout(eval) -> Linear, eps=0
    nb = jax.ops.segment_sum(x[src], dst, num_segments=N)
    h0 = x + nb
    h1 = h0 @ W1 + c1
    mu = jnp.mean(h1, axis=0)
    var = jnp.var(h1, axis=0)
    h1 = (h1 - mu) / jnp.sqrt(var + 1e-5) * bng + bnb
    h1 = jax.nn.relu(h1)
    x_conv = h1 @ W2 + c2
    # norm2 + mixing
    xn2 = layer_norm(gelu(out1), ln2_g, ln2_b)
    h = alpha * xn2 + beta * x_conv + (1.0 - alpha - beta) * out1
    out = gelu(h @ Wf1 + cf1) @ Wf2 + cf2
    return out


def setup_inputs(seed: int = 0):
    key = jax.random.key(seed)
    ks = jax.random.split(key, 12)

    def w(k, shape):
        return jax.random.normal(k, shape, dtype=jnp.float32) * 0.05

    x = jax.random.normal(ks[0], (N, D), dtype=jnp.float32)
    edge_index = jax.random.randint(ks[1], (2, E), 0, N, dtype=jnp.int32)
    return {
        "x": x, "edge_index": edge_index,
        "ln1_g": jnp.ones((D,), jnp.float32), "ln1_b": jnp.zeros((D,), jnp.float32),
        "Wq": w(ks[2], (D, H * C)), "bq": jnp.zeros((H * C,), jnp.float32),
        "Wk": w(ks[3], (D, H * C)), "bk": jnp.zeros((H * C,), jnp.float32),
        "Wv": w(ks[4], (D, H * C)), "bv": jnp.zeros((H * C,), jnp.float32),
        "Ws": w(ks[5], (D, D)), "bs": jnp.zeros((D,), jnp.float32),
        "ln2_g": jnp.ones((D,), jnp.float32), "ln2_b": jnp.zeros((D,), jnp.float32),
        "W1": w(ks[6], (D, D)), "c1": jnp.zeros((D,), jnp.float32),
        "bng": jnp.ones((D,), jnp.float32), "bnb": jnp.zeros((D,), jnp.float32),
        "W2": w(ks[7], (D, D)), "c2": jnp.zeros((D,), jnp.float32),
        "Wf1": w(ks[8], (D, D)), "cf1": jnp.zeros((D,), jnp.float32),
        "Wf2": w(ks[9], (D, D)), "cf2": jnp.zeros((D,), jnp.float32),
        "res_scale": jnp.array(0.1, dtype=jnp.float32),
        "alpha": jnp.array(0.5, dtype=jnp.float32),
        "beta": jnp.array(0.5, dtype=jnp.float32),
    }


def reference(x, edge_index, ln1_g, ln1_b, Wq, bq, Wk, bk, Wv, bv, Ws, bs,
              ln2_g, ln2_b, W1, c1, bng, bnb, W2, c2, Wf1, cf1, Wf2, cf2,
              res_scale, alpha, beta):
    return forward(x, edge_index, ln1_g, ln1_b, Wq, bq, Wk, bk, Wv, bv, Ws, bs,
                   ln2_g, ln2_b, W1, c1, bng, bnb, W2, c2, Wf1, cf1, Wf2, cf2,
                   res_scale, alpha, beta)

if __name__ == "__main__":
    import jax
    _d = setup_inputs()
    print(jax.jit(kernel)(*tuple(_d.values())))

</pallas_src>

<mosaic_0001>
#map = affine_map<(d0, d1) -> (0, 0, 0)>
#map1 = affine_map<(d0, d1) -> (0, 0)>
module attributes {stable_mosaic.version = 14 : i64} {
  func.func @_sc_den_body(%arg0: i32, %arg1: i32, %arg2: memref<1250x1x128xi32, #tpu.memory_space<hbm>>, %arg3: memref<160000x128xf32, #tpu.memory_space<hbm>>, %arg4: memref<10000x128xf32, #tpu.memory_space<hbm>>, %arg5: memref<2x10000x128xf32, #tpu.memory_space<hbm>>, %arg6: memref<40x1x128xi32, #tpu.memory_space<vmem>>, %arg7: memref<128x128xf32, #tpu.memory_space<vmem>>, %arg8: memref<128x128xf32, #tpu.memory_space<vmem>>, %arg9: memref<10000x128xf32, #tpu.memory_space<vmem_shared>>, %arg10: memref<!tpu.dma_semaphore, #tpu.memory_space<semaphore_mem>>, %arg11: memref<!tpu.dma_semaphore, #tpu.memory_space<semaphore_mem>>) attributes {dimension_semantics = [#tpu.dimension_semantics<core_parallel>, #tpu.dimension_semantics<subcore_parallel>], iteration_bounds = array<i64: 2, 16>, scalar_prefetch = 0 : i64, scratch_operands = 6 : i64, tpu.core_type = #tpu.core_type<sc_vector_subcore>, window_params = [{transform_indices = #map}, {transform_indices = #map1}, {transform_indices = #map1}, {transform_indices = #map}]} {
    %mul3A = arith.constant 16 : i32
    %mul3A_0 = arith.muli %arg0, %mul3A : i32
    %add3A = arith.addi %mul3A_0, %arg1 : i32
    %lt3A = arith.constant 15 : i32
    %lt3A_1 = arith.cmpi slt, %arg1, %lt3A : i32
    %convert_element_type3A = arith.extui %lt3A_1 : i1 to i32
    %cond3A = arith.constant 0 : i32
    %cond3A_2 = arith.cmpi ne, %convert_element_type3A, %cond3A : i32
    scf.if %cond3A_2 {
      %mul3A_28 = arith.constant 624 : i32
      %mul3A_29 = arith.muli %arg1, %mul3A_28 : i32
      "tpu.region"() ({
        %run_scoped3A = tpu.sem_alloc : memref<!tpu.dma_semaphore, #tpu.memory_space<semaphore_mem>>
        %dma_start3A = arith.constant 0 : i32
        %dma_start3A_30 = tpu.memref_slice %arg9[%mul3A_29, %dma_start3A] : memref<10000x128xf32, #tpu.memory_space<vmem_shared>> -> memref<624x128xf32, #tpu.memory_space<vmem_shared>>
        %dma_start3A_31 = arith.constant 0 : i32
        %dma_start3A_32 = tpu.memref_slice %arg4[%mul3A_29, %dma_start3A_31] : memref<10000x128xf32, #tpu.memory_space<hbm>> -> memref<624x128xf32, #tpu.memory_space<hbm>>
        tpu.enqueue_dma source(%dma_start3A_32 : memref<624x128xf32, #tpu.memory_space<hbm>>) target(%dma_start3A_30 : memref<624x128xf32, #tpu.memory_space<vmem_shared>>) target_semaphore(%run_scoped3A : memref<!tpu.dma_semaphore, #tpu.memory_space<semaphore_mem>>)
        %dma_wait3A = arith.constant 0 : i32
        %dma_wait3A_33 = tpu.memref_slice %arg9[%mul3A_29, %dma_wait3A] : memref<10000x128xf32, #tpu.memory_space<vmem_shared>> -> memref<624x128xf32, #tpu.memory_space<vmem_shared>>
        %dma_wait3A_34 = arith.constant 0 : i32
        %dma_wait3A_35 = tpu.memref_slice %arg4[%mul3A_29, %dma_wait3A_34] : memref<10000x128xf32, #tpu.memory_space<hbm>> -> memref<624x128xf32, #tpu.memory_space<hbm>>
        tpu.wait_dma2 semaphore(%run_scoped3A : memref<!tpu.dma_semaphore, #tpu.memory_space<semaphore_mem>>) src(%dma_wait3A_35 : memref<624x128xf32, #tpu.memory_space<hbm>>) dst(%dma_wait3A_33 : memref<624x128xf32, #tpu.memory_space<vmem_shared>>)
        tpu.yield
      }) : () -> ()
    } else {
    }
    %eq3A = arith.constant 15 : i32
    %eq3A_3 = arith.cmpi eq, %arg1, %eq3A : i32
    %convert_element_type3A_4 = arith.extui %eq3A_3 : i1 to i32
    %cond3A_5 = arith.constant 0 : i32
    %cond3A_6 = arith.cmpi ne, %convert_element_type3A_4, %cond3A_5 : i32
    scf.if %cond3A_6 {
      "tpu.region"() ({
        %run_scoped3A = tpu.sem_alloc : memref<!tpu.dma_semaphore, #tpu.memory_space<semaphore_mem>>
        %dma_start3A = arith.constant 9360 : i32
        %dma_start3A_28 = arith.constant 0 : i32
        %dma_start3A_29 = tpu.memref_slice %arg9[%dma_start3A, %dma_start3A_28] : memref<10000x128xf32, #tpu.memory_space<vmem_shared>> -> memref<640x128xf32, #tpu.memory_space<vmem_shared>>
        %dma_start3A_30 = arith.constant 9360 : i32
        %dma_start3A_31 = arith.constant 0 : i32
        %dma_start3A_32 = tpu.memref_slice %arg4[%dma_start3A_30, %dma_start3A_31] : memref<10000x128xf32, #tpu.memory_space<hbm>> -> memref<640x128xf32, #tpu.memory_space<hbm>>
        tpu.enqueue_dma source(%dma_start3A_32 : memref<640x128xf32, #tpu.memory_space<hbm>>) target(%dma_start3A_29 : memref<640x128xf32, #tpu.memory_space<vmem_shared>>) target_semaphore(%run_scoped3A : memref<!tpu.dma_semaphore, #tpu.memory_space<semaphore_mem>>)
        %dma_wait3A = arith.constant 9360 : i32
        %dma_wait3A_33 = arith.constant 0 : i32
        %dma_wait3A_34 = tpu.memref_slice %arg9[%dma_wait3A, %dma_wait3A_33] : memref<10000x128xf32, #tpu.memory_space<vmem_shared>> -> memref<640x128xf32, #tpu.memory_space<vmem_shared>>
        %dma_wait3A_35 = arith.constant 9360 : i32
        %dma_wait3A_36 = arith.constant 0 : i32
        %dma_wait3A_37 = tpu.memref_slice %arg4[%dma_wait3A_35, %dma_wait3A_36] : memref<10000x128xf32, #tpu.memory_space<hbm>> -> memref<640x128xf32, #tpu.memory_space<hbm>>
        tpu.wait_dma2 semaphore(%run_scoped3A : memref<!tpu.dma_semaphore, #tpu.memory_space<semaphore_mem>>) src(%dma_wait3A_37 : memref<640x128xf32, #tpu.memory_space<hbm>>) dst(%dma_wait3A_34 : memref<640x128xf32, #tpu.memory_space<vmem_shared>>)
        tpu.yield
      }) : () -> ()
    } else {
    }
    %barrier3A = arith.constant 0 : index
    tpu.barrier barrier_id(%barrier3A)
    %lt3A_7 = arith.constant 31 : i32
    %lt3A_8 = arith.cmpi slt, %add3A, %lt3A_7 : i32
    %convert_element_type3A_9 = arith.extui %lt3A_8 : i1 to i32
    %cond3A_10 = arith.constant 0 : i32
    %cond3A_11 = arith.cmpi ne, %convert_element_type3A_9, %cond3A_10 : i32
    scf.if %cond3A_11 {
      %mul3A_28 = arith.constant 40 : i32
      %mul3A_29 = arith.muli %add3A, %mul3A_28 : i32
      "tpu.region"() ({
        %run_scoped3A = tpu.sem_alloc : memref<!tpu.dma_semaphore, #tpu.memory_space<semaphore_mem>>
        %dma_start3A_48 = arith.constant 0 : i32
        %dma_start3A_49 = arith.constant 0 : i32
        %dma_start3A_50 = arith.constant 0 : i32
        %dma_start3A_51 = tpu.memref_slice %arg6[%dma_start3A_48, %dma_start3A_49, %dma_start3A_50] : memref<40x1x128xi32, #tpu.memory_space<vmem>> -> memref<40x1x128xi32, #tpu.memory_space<vmem>>
        %dma_start3A_52 = arith.constant 0 : i32
        %dma_start3A_53 = arith.constant 0 : i32
        %dma_start3A_54 = tpu.memref_slice %arg2[%mul3A_29, %dma_start3A_52, %dma_start3A_53] : memref<1250x1x128xi32, #tpu.memory_space<hbm>> -> memref<40x1x128xi32, #tpu.memory_space<hbm>>
        %dma_start3A_55 = arith.constant 0 : i32
        %dma_start3A_56 = arith.constant 0 : i32
        %dma_start3A_57 = arith.constant 0 : i32
        %dma_start3A_58 = tpu.memref_slice %arg6[%dma_start3A_55, %dma_start3A_56, %dma_start3A_57] : memref<40x1x128xi32, #tpu.memory_space<vmem>> -> memref<40x1x128xi32, #tpu.memory_space<vmem>>
        %dma_start3A_59 = arith.constant 0 : i32
        %dma_start3A_60 = arith.constant 0 : i32
        %dma_start3A_61 = tpu.memref_slice %arg2[%mul3A_29, %dma_start3A_59, %dma_start3A_60] : memref<1250x1x128xi32, #tpu.memory_space<hbm>> -> memref<40x1x128xi32, #tpu.memory_space<hbm>>
        tpu.enqueue_dma source(%dma_start3A_61 : memref<40x1x128xi32, #tpu.memory_space<hbm>>) target(%dma_start3A_58 : memref<40x1x128xi32, #tpu.memory_space<vmem>>) target_semaphore(%run_scoped3A : memref<!tpu.dma_semaphore, #tpu.memory_space<semaphore_mem>>)
        %dma_wait3A = arith.constant 0 : i32
        %dma_wait3A_62 = arith.constant 0 : i32
        %dma_wait3A_63 = arith.constant 0 : i32
        %dma_wait3A_64 = tpu.memref_slice %arg6[%dma_wait3A, %dma_wait3A_62, %dma_wait3A_63] : memref<40x1x128xi32, #tpu.memory_space<vmem>> -> memref<40x1x128xi32, #tpu.memory_space<vmem>>
        %dma_wait3A_65 = arith.constant 0 : i32
        %dma_wait3A_66 = arith.constant 0 : i32
        %dma_wait3A_67 = tpu.memref_slice %arg2[%mul3A_29, %dma_wait3A_65, %dma_wait3A_66] : memref<1250x1x128xi32, #tpu.memory_space<hbm>> -> memref<40x1x128xi32, #tpu.memory_space<hbm>>
        %dma_wait3A_68 = arith.constant 0 : i32
        %dma_wait3A_69 = arith.constant 0 : i32
        %dma_wait3A_70 = arith.constant 0 : i32
        %dma_wait3A_71 = tpu.memref_slice %arg6[%dma_wait3A_68, %dma_wait3A_69, %dma_wait3A_70] : memref<40x1x128xi32, #tpu.memory_space<vmem>> -> memref<40x1x128xi32, #tpu.memory_space<vmem>>
        %dma_wait3A_72 = arith.constant 0 : i32
        %dma_wait3A_73 = arith.constant 0 : i32
        %dma_wait3A_74 = tpu.memref_slice %arg2[%mul3A_29, %dma_wait3A_72, %dma_wait3A_73] : memref<1250x1x128xi32, #tpu.memory_space<hbm>> -> memref<40x1x128xi32, #tpu.memory_space<hbm>>
        tpu.wait_dma2 semaphore(%run_scoped3A : memref<!tpu.dma_semaphore, #tpu.memory_space<semaphore_mem>>) src(%dma_wait3A_74 : memref<40x1x128xi32, #tpu.memory_space<hbm>>) dst(%dma_wait3A_71 : memref<40x1x128xi32, #tpu.memory_space<vmem>>)
        tpu.yield
      }) : () -> ()
      %mul3A_30 = arith.constant 128 : i32
      %mul3A_31 = arith.muli %mul3A_29, %mul3A_30 : i32
      %add3A_32 = arith.constant 0 : i32
      %add3A_33 = arith.addi %mul3A_31, %add3A_32 : i32
      %dma_start3A = arith.constant 0 : i32
      %dma_start3A_34 = tpu.memref_slice %arg3[%add3A_33, %dma_start3A] : memref<160000x128xf32, #tpu.memory_space<hbm>> -> memref<128x128xf32, #tpu.memory_space<hbm>>
      %dma_start3A_35 = arith.constant 0 : i32
      %dma_start3A_36 = tpu.memref_slice %arg3[%add3A_33, %dma_start3A_35] : memref<160000x128xf32, #tpu.memory_space<hbm>> -> memref<128x128xf32, #tpu.memory_space<hbm>>
      tpu.enqueue_dma source(%dma_start3A_36 : memref<128x128xf32, #tpu.memory_space<hbm>>) target(%arg7 : memref<128x128xf32, #tpu.memory_space<vmem>>) target_semaphore(%arg10 : memref<!tpu.dma_semaphore, #tpu.memory_space<semaphore_mem>>)
      %add3A_37 = arith.constant 128 : i32
      %add3A_38 = arith.addi %mul3A_31, %add3A_37 : i32
      %dma_start3A_39 = arith.constant 0 : i32
      %dma_start3A_40 = tpu.memref_slice %arg3[%add3A_38, %dma_start3A_39] : memref<160000x128xf32, #tpu.memory_space<hbm>> -> memref<128x128xf32, #tpu.memory_space<hbm>>
      %dma_start3A_41 = arith.constant 0 : i32
      %dma_start3A_42 = tpu.memref_slice %arg3[%add3A_38, %dma_start3A_41] : memref<160000x128xf32, #tpu.memory_space<hbm>> -> memref<128x128xf32, #tpu.memory_space<hbm>>
      tpu.enqueue_dma source(%dma_start3A_42 : memref<128x128xf32, #tpu.memory_space<hbm>>) target(%arg8 : memref<128x128xf32, #tpu.memory_space<vmem>>) target_semaphore(%arg11 : memref<!tpu.dma_semaphore, #tpu.memory_space<semaphore_mem>>)
      %scan3A = arith.constant 0 : i32
      %scan3A_43 = arith.constant 0 : i32
      %scan3A_44 = arith.constant 20 : i32
      %scan3A_45 = arith.addi %scan3A_43, %scan3A_44 : i32
      %scan3A_46 = arith.constant 1 : i32
      scf.for %scan3A_48 = %scan3A_43 to %scan3A_45 step %scan3A_46  : i32 {
        %mul3A_49 = arith.constant 2 : i32
        %mul3A_50 = arith.muli %mul3A_49, %scan3A_48 : i32
        %add3A_51 = arith.constant 0 : i32
        %add3A_52 = arith.addi %mul3A_50, %add3A_51 : i32
        %mul3A_53 = arith.constant 128 : i32
        %mul3A_54 = arith.muli %add3A_52, %mul3A_53 : i32
        %add3A_55 = arith.addi %mul3A_31, %mul3A_54 : i32
        %dma_wait3A = arith.constant 0 : i32
        %dma_wait3A_56 = tpu.memref_slice %arg3[%add3A_55, %dma_wait3A] : memref<160000x128xf32, #tpu.memory_space<hbm>> -> memref<128x128xf32, #tpu.memory_space<hbm>>
        %dma_wait3A_57 = arith.constant 0 : i32
        %dma_wait3A_58 = tpu.memref_slice %arg3[%add3A_55, %dma_wait3A_57] : memref<160000x128xf32, #tpu.memory_space<hbm>> -> memref<128x128xf32, #tpu.memory_space<hbm>>
        tpu.wait_dma2 semaphore(%arg10 : memref<!tpu.dma_semaphore, #tpu.memory_space<semaphore_mem>>) src(%dma_wait3A_58 : memref<128x128xf32, #tpu.memory_space<hbm>>) dst(%arg7 : memref<128x128xf32, #tpu.memory_space<vmem>>)
        %run_scoped3A = arith.constant 0 : i32
        "tpu.region"() ({
          %run_scoped3A_85 = tpu.sem_alloc : memref<!tpu.dma_semaphore, #tpu.memory_space<semaphore_mem>>
          %dma_start3A_86 = arith.constant 0 : i32
          %dma_start3A_87 = tpu.memref_slice %arg6[%add3A_52, %run_scoped3A, %dma_start3A_86] : memref<40x1x128xi32, #tpu.memory_space<vmem>> -> memref<1x1x128xi32, #tpu.memory_space<vmem>>
          %dma_start3A_88 = tpu.memref_squeeze %dma_start3A_87 : memref<1x1x128xi32, #tpu.memory_space<vmem>> -> memref<128xi32, #tpu.memory_space<vmem>>
          %dma_start3A_89 = arith.constant 0 : i32
          %dma_start3A_90 = arith.constant 0 : i32
          %dma_start3A_91 = tpu.memref_slice %arg9[%dma_start3A_89, %dma_start3A_90] : memref<10000x128xf32, #tpu.memory_space<vmem_shared>> -> memref<10000x128xf32, #tpu.memory_space<vmem_shared>>
          tpu.enqueue_indirect_dma source(%arg7 : memref<128x128xf32, #tpu.memory_space<vmem>>) target(%dma_start3A_91 : memref<10000x128xf32, #tpu.memory_space<vmem_shared>>) offsets(%dma_start3A_88 : memref<128xi32, #tpu.memory_space<vmem>>) semaphore(%run_scoped3A_85 : memref<!tpu.dma_semaphore, #tpu.memory_space<semaphore_mem>>) {add = true}
          %dma_wait3A_92 = arith.constant 0 : i32
          %dma_wait3A_93 = tpu.memref_slice %arg6[%add3A_52, %run_scoped3A, %dma_wait3A_92] : memref<40x1x128xi32, #tpu.memory_space<vmem>> -> memref<1x1x128xi32, #tpu.memory_space<vmem>>
          %dma_wait3A_94 = tpu.memref_squeeze %dma_wait3A_93 : memref<1x1x128xi32, #tpu.memory_space<vmem>> -> memref<128xi32, #tpu.memory_space<vmem>>
          %dma_wait3A_95 = arith.constant 0 : i32
          %dma_wait3A_96 = arith.constant 0 : i32
          %dma_wait3A_97 = tpu.memref_slice %arg9[%dma_wait3A_95, %dma_wait3A_96] : memref<10000x128xf32, #tpu.memory_space<vmem_shared>> -> memref<10000x128xf32, #tpu.memory_space<vmem_shared>>
          tpu.wait_indirect_dma semaphore(%run_scoped3A_85 : memref<!tpu.dma_semaphore, #tpu.memory_space<semaphore_mem>>) src(%arg7 : memref<128x128xf32, #tpu.memory_space<vmem>>) dst(%dma_wait3A_97 : memref<10000x128xf32, #tpu.memory_space<vmem_shared>>)
          tpu.yield
        }) : () -> ()
        %add3A_59 = arith.constant 2 : i32
        %add3A_60 = arith.addi %add3A_52, %add3A_59 : i32
        %lt3A_61 = arith.constant 40 : i32
        %lt3A_62 = arith.cmpi slt, %add3A_60, %lt3A_61 : i32
        %convert_element_type3A_63 = arith.extui %lt3A_62 : i1 to i32
        %cond3A_64 = arith.constant 0 : i32
        %cond3A_65 = arith.cmpi ne, %convert_element_type3A_63, %cond3A_64 : i32
        scf.if %cond3A_65 {
          %add3A_85 = arith.constant 2 : i32
          %add3A_86 = arith.addi %add3A_52, %add3A_85 : i32
          %mul3A_87 = arith.constant 128 : i32
          %mul3A_88 = arith.muli %add3A_86, %mul3A_87 : i32
          %add3A_89 = arith.addi %mul3A_31, %mul3A_88 : i32
          %dma_start3A_90 = arith.constant 0 : i32
          %dma_start3A_91 = tpu.memref_slice %arg3[%add3A_89, %dma_start3A_90] : memref<160000x128xf32, #tpu.memory_space<hbm>> -> memref<128x128xf32, #tpu.memory_space<hbm>>
          %dma_start3A_92 = arith.constant 0 : i32
          %dma_start3A_93 = tpu.memref_slice %arg3[%add3A_89, %dma_start3A_92] : memref<160000x128xf32, #tpu.memory_space<hbm>> -> memref<128x128xf32, #tpu.memory_space<hbm>>
          tpu.enqueue_dma source(%dma_start3A_93 : memref<128x128xf32, #tpu.memory_space<hbm>>) target(%arg7 : memref<128x128xf32, #tpu.memory_space<vmem>>) target_semaphore(%arg10 : memref<!tpu.dma_semaphore, #tpu.memory_space<semaphore_mem>>)
        } else {
        }
        %mul3A_66 = arith.constant 2 : i32
        %mul3A_67 = arith.muli %mul3A_66, %scan3A_48 : i32
        %add3A_68 = arith.constant 1 : i32
        %add3A_69 = arith.addi %mul3A_67, %add3A_68 : i32
        %mul3A_70 = arith.constant 128 : i32
        %mul3A_71 = arith.muli %add3A_69, %mul3A_70 : i32
        %add3A_72 = arith.addi %mul3A_31, %mul3A_71 : i32
        %dma_wait3A_73 = arith.constant 0 : i32
        %dma_wait3A_74 = tpu.memref_slice %arg3[%add3A_72, %dma_wait3A_73] : memref<160000x128xf32, #tpu.memory_space<hbm>> -> memref<128x128xf32, #tpu.memory_space<hbm>>
        %dma_wait3A_75 = arith.constant 0 : i32
        %dma_wait3A_76 = tpu.memref_slice %arg3[%add3A_72, %dma_wait3A_75] : memref<160000x128xf32, #tpu.memory_space<hbm>> -> memref<128x128xf32, #tpu.memory_space<hbm>>
        tpu.wait_dma2 semaphore(%arg11 : memref<!tpu.dma_semaphore, #tpu.memory_space<semaphore_mem>>) src(%dma_wait3A_76 : memref<128x128xf32, #tpu.memory_space<hbm>>) dst(%arg8 : memref<128x128xf32, #tpu.memory_space<vmem>>)
        %run_scoped3A_77 = arith.constant 0 : i32
        "tpu.region"() ({
          %run_scoped3A_85 = tpu.sem_alloc : memref<!tpu.dma_semaphore, #tpu.memory_space<semaphore_mem>>
          %dma_start3A_86 = arith.constant 0 : i32
          %dma_start3A_87 = tpu.memref_slice %arg6[%add3A_69, %run_scoped3A_77, %dma_start3A_86] : memref<40x1x128xi32, #tpu.memory_space<vmem>> -> memref<1x1x128xi32, #tpu.memory_space<vmem>>
          %dma_start3A_88 = tpu.memref_squeeze %dma_start3A_87 : memref<1x1x128xi32, #tpu.memory_space<vmem>> -> memref<128xi32, #tpu.memory_space<vmem>>
          %dma_start3A_89 = arith.constant 0 : i32
          %dma_start3A_90 = arith.constant 0 : i32
          %dma_start3A_91 = tpu.memref_slice %arg9[%dma_start3A_89, %dma_start3A_90] : memref<10000x128xf32, #tpu.memory_space<vmem_shared>> -> memref<10000x128xf32, #tpu.memory_space<vmem_shared>>
          tpu.enqueue_indirect_dma source(%arg8 : memref<128x128xf32, #tpu.memory_space<vmem>>) target(%dma_start3A_91 : memref<10000x128xf32, #tpu.memory_space<vmem_shared>>) offsets(%dma_start3A_88 : memref<128xi32, #tpu.memory_space<vmem>>) semaphore(%run_scoped3A_85 : memref<!tpu.dma_semaphore, #tpu.memory_space<semaphore_mem>>) {add = true}
          %dma_wait3A_92 = arith.constant 0 : i32
          %dma_wait3A_93 = tpu.memref_slice %arg6[%add3A_69, %run_scoped3A_77, %dma_wait3A_92] : memref<40x1x128xi32, #tpu.memory_space<vmem>> -> memref<1x1x128xi32, #tpu.memory_space<vmem>>
          %dma_wait3A_94 = tpu.memref_squeeze %dma_wait3A_93 : memref<1x1x128xi32, #tpu.memory_space<vmem>> -> memref<128xi32, #tpu.memory_space<vmem>>
          %dma_wait3A_95 = arith.constant 0 : i32
          %dma_wait3A_96 = arith.constant 0 : i32
          %dma_wait3A_97 = tpu.memref_slice %arg9[%dma_wait3A_95, %dma_wait3A_96] : memref<10000x128xf32, #tpu.memory_space<vmem_shared>> -> memref<10000x128xf32, #tpu.memory_space<vmem_shared>>
          tpu.wait_indirect_dma semaphore(%run_scoped3A_85 : memref<!tpu.dma_semaphore, #tpu.memory_space<semaphore_mem>>) src(%arg8 : memref<128x128xf32, #tpu.memory_space<vmem>>) dst(%dma_wait3A_97 : memref<10000x128xf32, #tpu.memory_space<vmem_shared>>)
          tpu.yield
        }) : () -> ()
        %add3A_78 = arith.constant 2 : i32
        %add3A_79 = arith.addi %add3A_69, %add3A_78 : i32
        %lt3A_80 = arith.constant 40 : i32
        %lt3A_81 = arith.cmpi slt, %add3A_79, %lt3A_80 : i32
        %convert_element_type3A_82 = arith.extui %lt3A_81 : i1 to i32
        %cond3A_83 = arith.constant 0 : i32
        %cond3A_84 = arith.cmpi ne, %convert_element_type3A_82, %cond3A_83 : i32
        scf.if %cond3A_84 {
          %add3A_85 = arith.constant 2 : i32
          %add3A_86 = arith.addi %add3A_69, %add3A_85 : i32
          %mul3A_87 = arith.constant 128 : i32
          %mul3A_88 = arith.muli %add3A_86, %mul3A_87 : i32
          %add3A_89 = arith.addi %mul3A_31, %mul3A_88 : i32
          %dma_start3A_90 = arith.constant 0 : i32
          %dma_start3A_91 = tpu.memref_slice %arg3[%add3A_89, %dma_start3A_90] : memref<160000x128xf32, #tpu.memory_space<hbm>> -> memref<128x128xf32, #tpu.memory_space<hbm>>
          %dma_start3A_92 = arith.constant 0 : i32
          %dma_start3A_93 = tpu.memref_slice %arg3[%add3A_89, %dma_start3A_92] : memref<160000x128xf32, #tpu.memory_space<hbm>> -> memref<128x128xf32, #tpu.memory_space<hbm>>
          tpu.enqueue_dma source(%dma_start3A_93 : memref<128x128xf32, #tpu.memory_space<hbm>>) target(%arg8 : memref<128x128xf32, #tpu.memory_space<vmem>>) target_semaphore(%arg11 : memref<!tpu.dma_semaphore, #tpu.memory_space<semaphore_mem>>)
        } else {
        }
      }
      %scan3A_47 = arith.constant 20 : i32
    } else {
    }
    %eq3A_12 = arith.constant 31 : i32
    %eq3A_13 = arith.cmpi eq, %add3A, %eq3A_12 : i32
    %convert_element_type3A_14 = arith.extui %eq3A_13 : i1 to i32
    %cond3A_15 = arith.constant 0 : i32
    %cond3A_16 = arith.cmpi ne, %convert_element_type3A_14, %cond3A_15 : i32
    scf.if %cond3A_16 {
      "tpu.region"() ({
        %run_scoped3A = tpu.sem_alloc : memref<!tpu.dma_semaphore, #tpu.memory_space<semaphore_mem>>
        %dma_start3A_44 = arith.constant 0 : i32
        %dma_start3A_45 = arith.constant 0 : i32
        %dma_start3A_46 = arith.constant 0 : i32
        %dma_start3A_47 = tpu.memref_slice %arg6[%dma_start3A_44, %dma_start3A_45, %dma_start3A_46] : memref<40x1x128xi32, #tpu.memory_space<vmem>> -> memref<10x1x128xi32, #tpu.memory_space<vmem>>
        %dma_start3A_48 = arith.constant 1240 : i32
        %dma_start3A_49 = arith.constant 0 : i32
        %dma_start3A_50 = arith.constant 0 : i32
        %dma_start3A_51 = tpu.memref_slice %arg2[%dma_start3A_48, %dma_start3A_49, %dma_start3A_50] : memref<1250x1x128xi32, #tpu.memory_space<hbm>> -> memref<10x1x128xi32, #tpu.memory_space<hbm>>
        %dma_start3A_52 = arith.constant 0 : i32
        %dma_start3A_53 = arith.constant 0 : i32
        %dma_start3A_54 = arith.constant 0 : i32
        %dma_start3A_55 = tpu.memref_slice %arg6[%dma_start3A_52, %dma_start3A_53, %dma_start3A_54] : memref<40x1x128xi32, #tpu.memory_space<vmem>> -> memref<10x1x128xi32, #tpu.memory_space<vmem>>
        %dma_start3A_56 = arith.constant 1240 : i32
        %dma_start3A_57 = arith.constant 0 : i32
        %dma_start3A_58 = arith.constant 0 : i32
        %dma_start3A_59 = tpu.memref_slice %arg2[%dma_start3A_56, %dma_start3A_57, %dma_start3A_58] : memref<1250x1x128xi32, #tpu.memory_space<hbm>> -> memref<10x1x128xi32, #tpu.memory_space<hbm>>
        tpu.enqueue_dma source(%dma_start3A_59 : memref<10x1x128xi32, #tpu.memory_space<hbm>>) target(%dma_start3A_55 : memref<10x1x128xi32, #tpu.memory_space<vmem>>) target_semaphore(%run_scoped3A : memref<!tpu.dma_semaphore, #tpu.memory_space<semaphore_mem>>)
        %dma_wait3A = arith.constant 0 : i32
        %dma_wait3A_60 = arith.constant 0 : i32
        %dma_wait3A_61 = arith.constant 0 : i32
        %dma_wait3A_62 = tpu.memref_slice %arg6[%dma_wait3A, %dma_wait3A_60, %dma_wait3A_61] : memref<40x1x128xi32, #tpu.memory_space<vmem>> -> memref<10x1x128xi32, #tpu.memory_space<vmem>>
        %dma_wait3A_63 = arith.constant 1240 : i32
        %dma_wait3A_64 = arith.constant 0 : i32
        %dma_wait3A_65 = arith.constant 0 : i32
        %dma_wait3A_66 = tpu.memref_slice %arg2[%dma_wait3A_63, %dma_wait3A_64, %dma_wait3A_65] : memref<1250x1x128xi32, #tpu.memory_space<hbm>> -> memref<10x1x128xi32, #tpu.memory_space<hbm>>
        %dma_wait3A_67 = arith.constant 0 : i32
        %dma_wait3A_68 = arith.constant 0 : i32
        %dma_wait3A_69 = arith.constant 0 : i32
        %dma_wait3A_70 = tpu.memref_slice %arg6[%dma_wait3A_67, %dma_wait3A_68, %dma_wait3A_69] : memref<40x1x128xi32, #tpu.memory_space<vmem>> -> memref<10x1x128xi32, #tpu.memory_space<vmem>>
        %dma_wait3A_71 = arith.constant 1240 : i32
        %dma_wait3A_72 = arith.constant 0 : i32
        %dma_wait3A_73 = arith.constant 0 : i32
        %dma_wait3A_74 = tpu.memref_slice %arg2[%dma_wait3A_71, %dma_wait3A_72, %dma_wait3A_73] : memref<1250x1x128xi32, #tpu.memory_space<hbm>> -> memref<10x1x128xi32, #tpu.memory_space<hbm>>
        tpu.wait_dma2 semaphore(%run_scoped3A : memref<!tpu.dma_semaphore, #tpu.memory_space<semaphore_mem>>) src(%dma_wait3A_74 : memref<10x1x128xi32, #tpu.memory_space<hbm>>) dst(%dma_wait3A_70 : memref<10x1x128xi32, #tpu.memory_space<vmem>>)
        tpu.yield
      }) : () -> ()
      %dma_start3A = arith.constant 158720 : i32
      %dma_start3A_28 = arith.constant 0 : i32
      %dma_start3A_29 = tpu.memref_slice %arg3[%dma_start3A, %dma_start3A_28] : memref<160000x128xf32, #tpu.memory_space<hbm>> -> memref<128x128xf32, #tpu.memory_space<hbm>>
      %dma_start3A_30 = arith.constant 158720 : i32
      %dma_start3A_31 = arith.constant 0 : i32
      %dma_start3A_32 = tpu.memref_slice %arg3[%dma_start3A_30, %dma_start3A_31] : memref<160000x128xf32, #tpu.memory_space<hbm>> -> memref<128x128xf32, #tpu.memory_space<hbm>>
      tpu.enqueue_dma source(%dma_start3A_32 : memref<128x128xf32, #tpu.memory_space<hbm>>) target(%arg7 : memref<128x128xf32, #tpu.memory_space<vmem>>) target_semaphore(%arg10 : memref<!tpu.dma_semaphore, #tpu.memory_space<semaphore_mem>>)
      %dma_start3A_33 = arith.constant 158848 : i32
      %dma_start3A_34 = arith.constant 0 : i32
      %dma_start3A_35 = tpu.memref_slice %arg3[%dma_start3A_33, %dma_start3A_34] : memref<160000x128xf32, #tpu.memory_space<hbm>> -> memref<128x128xf32, #tpu.memory_space<hbm>>
      %dma_start3A_36 = arith.constant 158848 : i32
      %dma_start3A_37 = arith.constant 0 : i32
      %dma_start3A_38 = tpu.memref_slice %arg3[%dma_start3A_36, %dma_start3A_37] : memref<160000x128xf32, #tpu.memory_space<hbm>> -> memref<128x128xf32, #tpu.memory_space<hbm>>
      tpu.enqueue_dma source(%dma_start3A_38 : memref<128x128xf32, #tpu.memory_space<hbm>>) target(%arg8 : memref<128x128xf32, #tpu.memory_space<vmem>>) target_semaphore(%arg11 : memref<!tpu.dma_semaphore, #tpu.memory_space<semaphore_mem>>)
      %scan3A = arith.constant 0 : i32
      %scan3A_39 = arith.constant 0 : i32
      %scan3A_40 = arith.constant 5 : i32
      %scan3A_41 = arith.addi %scan3A_39, %scan3A_40 : i32
      %scan3A_42 = arith.constant 1 : i32
      scf.for %scan3A_44 = %scan3A_39 to %scan3A_41 step %scan3A_42  : i32 {
        %mul3A_45 = arith.constant 2 : i32
        %mul3A_46 = arith.muli %mul3A_45, %scan3A_44 : i32
        %add3A_47 = arith.constant 0 : i32
        %add3A_48 = arith.addi %mul3A_46, %add3A_47 : i32
        %mul3A_49 = arith.constant 128 : i32
        %mul3A_50 = arith.muli %add3A_48, %mul3A_49 : i32
        %add3A_51 = arith.constant 158720 : i32
        %add3A_52 = arith.addi %add3A_51, %mul3A_50 : i32
        %dma_wait3A = arith.constant 0 : i32
        %dma_wait3A_53 = tpu.memref_slice %arg3[%add3A_52, %dma_wait3A] : memref<160000x128xf32, #tpu.memory_space<hbm>> -> memref<128x128xf32, #tpu.memory_space<hbm>>
        %dma_wait3A_54 = arith.constant 0 : i32
        %dma_wait3A_55 = tpu.memref_slice %arg3[%add3A_52, %dma_wait3A_54] : memref<160000x128xf32, #tpu.memory_space<hbm>> -> memref<128x128xf32, #tpu.memory_space<hbm>>
        tpu.wait_dma2 semaphore(%arg10 : memref<!tpu.dma_semaphore, #tpu.memory_space<semaphore_mem>>) src(%dma_wait3A_55 : memref<128x128xf32, #tpu.memory_space<hbm>>) dst(%arg7 : memref<128x128xf32, #tpu.memory_space<vmem>>)
        %run_scoped3A = arith.constant 0 : i32
        "tpu.region"() ({
          %run_scoped3A_83 = tpu.sem_alloc : memref<!tpu.dma_semaphore, #tpu.memory_space<semaphore_mem>>
          %dma_start3A_84 = arith.constant 0 : i32
          %dma_start3A_85 = tpu.memref_slice %arg6[%add3A_48, %run_scoped3A, %dma_start3A_84] : memref<40x1x128xi32, #tpu.memory_space<vmem>> -> memref<1x1x128xi32, #tpu.memory_space<vmem>>
          %dma_start3A_86 = tpu.memref_squeeze %dma_start3A_85 : memref<1x1x128xi32, #tpu.memory_space<vmem>> -> memref<128xi32, #tpu.memory_space<vmem>>
          %dma_start3A_87 = arith.constant 0 : i32
          %dma_start3A_88 = arith.constant 0 : i32
          %dma_start3A_89 = tpu.memref_slice %arg9[%dma_start3A_87, %dma_start3A_88] : memref<10000x128xf32, #tpu.memory_space<vmem_shared>> -> memref<10000x128xf32, #tpu.memory_space<vmem_shared>>
          tpu.enqueue_indirect_dma source(%arg7 : memref<128x128xf32, #tpu.memory_space<vmem>>) target(%dma_start3A_89 : memref<10000x128xf32, #tpu.memory_space<vmem_shared>>) offsets(%dma_start3A_86 : memref<128xi32, #tpu.memory_space<vmem>>) semaphore(%run_scoped3A_83 : memref<!tpu.dma_semaphore, #tpu.memory_space<semaphore_mem>>) {add = true}
          %dma_wait3A_90 = arith.constant 0 : i32
          %dma_wait3A_91 = tpu.memref_slice %arg6[%add3A_48, %run_scoped3A, %dma_wait3A_90] : memref<40x1x128xi32, #tpu.memory_space<vmem>> -> memref<1x1x128xi32, #tpu.memory_space<vmem>>
          %dma_wait3A_92 = tpu.memref_squeeze %dma_wait3A_91 : memref<1x1x128xi32, #tpu.memory_space<vmem>> -> memref<128xi32, #tpu.memory_space<vmem>>
          %dma_wait3A_93 = arith.constant 0 : i32
          %dma_wait3A_94 = arith.constant 0 : i32
          %dma_wait3A_95 = tpu.memref_slice %arg9[%dma_wait3A_93, %dma_wait3A_94] : memref<10000x128xf32, #tpu.memory_space<vmem_shared>> -> memref<10000x128xf32, #tpu.memory_space<vmem_shared>>
          tpu.wait_indirect_dma semaphore(%run_scoped3A_83 : memref<!tpu.dma_semaphore, #tpu.memory_space<semaphore_mem>>) src(%arg7 : memref<128x128xf32, #tpu.memory_space<vmem>>) dst(%dma_wait3A_95 : memref<10000x128xf32, #tpu.memory_space<vmem_shared>>)
          tpu.yield
        }) : () -> ()
        %add3A_56 = arith.constant 2 : i32
        %add3A_57 = arith.addi %add3A_48, %add3A_56 : i32
        %lt3A_58 = arith.constant 10 : i32
        %lt3A_59 = arith.cmpi slt, %add3A_57, %lt3A_58 : i32
        %convert_element_type3A_60 = arith.extui %lt3A_59 : i1 to i32
        %cond3A_61 = arith.constant 0 : i32
        %cond3A_62 = arith.cmpi ne, %convert_element_type3A_60, %cond3A_61 : i32
        scf.if %cond3A_62 {
          %add3A_83 = arith.constant 2 : i32
          %add3A_84 = arith.addi %add3A_48, %add3A_83 : i32
          %mul3A_85 = arith.constant 128 : i32
          %mul3A_86 = arith.muli %add3A_84, %mul3A_85 : i32
          %add3A_87 = arith.constant 158720 : i32
          %add3A_88 = arith.addi %add3A_87, %mul3A_86 : i32
          %dma_start3A_89 = arith.constant 0 : i32
          %dma_start3A_90 = tpu.memref_slice %arg3[%add3A_88, %dma_start3A_89] : memref<160000x128xf32, #tpu.memory_space<hbm>> -> memref<128x128xf32, #tpu.memory_space<hbm>>
          %dma_start3A_91 = arith.constant 0 : i32
          %dma_start3A_92 = tpu.memref_slice %arg3[%add3A_88, %dma_start3A_91] : memref<160000x128xf32, #tpu.memory_space<hbm>> -> memref<128x128xf32, #tpu.memory_space<hbm>>
          tpu.enqueue_dma source(%dma_start3A_92 : memref<128x128xf32, #tpu.memory_space<hbm>>) target(%arg7 : memref<128x128xf32, #tpu.memory_space<vmem>>) target_semaphore(%arg10 : memref<!tpu.dma_semaphore, #tpu.memory_space<semaphore_mem>>)
        } else {
        }
        %mul3A_63 = arith.constant 2 : i32
        %mul3A_64 = arith.muli %mul3A_63, %scan3A_44 : i32
        %add3A_65 = arith.constant 1 : i32
        %add3A_66 = arith.addi %mul3A_64, %add3A_65 : i32
        %mul3A_67 = arith.constant 128 : i32
        %mul3A_68 = arith.muli %add3A_66, %mul3A_67 : i32
        %add3A_69 = arith.constant 158720 : i32
        %add3A_70 = arith.addi %add3A_69, %mul3A_68 : i32
        %dma_wait3A_71 = arith.constant 0 : i32
        %dma_wait3A_72 = tpu.memref_slice %arg3[%add3A_70, %dma_wait3A_71] : memref<160000x128xf32, #tpu.memory_space<hbm>> -> memref<128x128xf32, #tpu.memory_space<hbm>>
        %dma_wait3A_73 = arith.constant 0 : i32
        %dma_wait3A_74 = tpu.memref_slice %arg3[%add3A_70, %dma_wait3A_73] : memref<160000x128xf32, #tpu.memory_space<hbm>> -> memref<128x128xf32, #tpu.memory_space<hbm>>
        tpu.wait_dma2 semaphore(%arg11 : memref<!tpu.dma_semaphore, #tpu.memory_space<semaphore_mem>>) src(%dma_wait3A_74 : memref<128x128xf32, #tpu.memory_space<hbm>>) dst(%arg8 : memref<128x128xf32, #tpu.memory_space<vmem>>)
        %run_scoped3A_75 = arith.constant 0 : i32
        "tpu.region"() ({
          %run_scoped3A_83 = tpu.sem_alloc : memref<!tpu.dma_semaphore, #tpu.memory_space<semaphore_mem>>
          %dma_start3A_84 = arith.constant 0 : i32
          %dma_start3A_85 = tpu.memref_slice %arg6[%add3A_66, %run_scoped3A_75, %dma_start3A_84] : memref<40x1x128xi32, #tpu.memory_space<vmem>> -> memref<1x1x128xi32, #tpu.memory_space<vmem>>
          %dma_start3A_86 = tpu.memref_squeeze %dma_start3A_85 : memref<1x1x128xi32, #tpu.memory_space<vmem>> -> memref<128xi32, #tpu.memory_space<vmem>>
          %dma_start3A_87 = arith.constant 0 : i32
          %dma_start3A_88 = arith.constant 0 : i32
          %dma_start3A_89 = tpu.memref_slice %arg9[%dma_start3A_87, %dma_start3A_88] : memref<10000x128xf32, #tpu.memory_space<vmem_shared>> -> memref<10000x128xf32, #tpu.memory_space<vmem_shared>>
          tpu.enqueue_indirect_dma source(%arg8 : memref<128x128xf32, #tpu.memory_space<vmem>>) target(%dma_start3A_89 : memref<10000x128xf32, #tpu.memory_space<vmem_shared>>) offsets(%dma_start3A_86 : memref<128xi32, #tpu.memory_space<vmem>>) semaphore(%run_scoped3A_83 : memref<!tpu.dma_semaphore, #tpu.memory_space<semaphore_mem>>) {add = true}
          %dma_wait3A_90 = arith.constant 0 : i32
          %dma_wait3A_91 = tpu.memref_slice %arg6[%add3A_66, %run_scoped3A_75, %dma_wait3A_90] : memref<40x1x128xi32, #tpu.memory_space<vmem>> -> memref<1x1x128xi32, #tpu.memory_space<vmem>>
          %dma_wait3A_92 = tpu.memref_squeeze %dma_wait3A_91 : memref<1x1x128xi32, #tpu.memory_space<vmem>> -> memref<128xi32, #tpu.memory_space<vmem>>
          %dma_wait3A_93 = arith.constant 0 : i32
          %dma_wait3A_94 = arith.constant 0 : i32
          %dma_wait3A_95 = tpu.memref_slice %arg9[%dma_wait3A_93, %dma_wait3A_94] : memref<10000x128xf32, #tpu.memory_space<vmem_shared>> -> memref<10000x128xf32, #tpu.memory_space<vmem_shared>>
          tpu.wait_indirect_dma semaphore(%run_scoped3A_83 : memref<!tpu.dma_semaphore, #tpu.memory_space<semaphore_mem>>) src(%arg8 : memref<128x128xf32, #tpu.memory_space<vmem>>) dst(%dma_wait3A_95 : memref<10000x128xf32, #tpu.memory_space<vmem_shared>>)
          tpu.yield
        }) : () -> ()
        %add3A_76 = arith.constant 2 : i32
        %add3A_77 = arith.addi %add3A_66, %add3A_76 : i32
        %lt3A_78 = arith.constant 10 : i32
        %lt3A_79 = arith.cmpi slt, %add3A_77, %lt3A_78 : i32
        %convert_element_type3A_80 = arith.extui %lt3A_79 : i1 to i32
        %cond3A_81 = arith.constant 0 : i32
        %cond3A_82 = arith.cmpi ne, %convert_element_type3A_80, %cond3A_81 : i32
        scf.if %cond3A_82 {
          %add3A_83 = arith.constant 2 : i32
          %add3A_84 = arith.addi %add3A_66, %add3A_83 : i32
          %mul3A_85 = arith.constant 128 : i32
          %mul3A_86 = arith.muli %add3A_84, %mul3A_85 : i32
          %add3A_87 = arith.constant 158720 : i32
          %add3A_88 = arith.addi %add3A_87, %mul3A_86 : i32
          %dma_start3A_89 = arith.constant 0 : i32
          %dma_start3A_90 = tpu.memref_slice %arg3[%add3A_88, %dma_start3A_89] : memref<160000x128xf32, #tpu.memory_space<hbm>> -> memref<128x128xf32, #tpu.memory_space<hbm>>
          %dma_start3A_91 = arith.constant 0 : i32
          %dma_start3A_92 = tpu.memref_slice %arg3[%add3A_88, %dma_start3A_91] : memref<160000x128xf32, #tpu.memory_space<hbm>> -> memref<128x128xf32, #tpu.memory_space<hbm>>
          tpu.enqueue_dma source(%dma_start3A_92 : memref<128x128xf32, #tpu.memory_space<hbm>>) target(%arg8 : memref<128x128xf32, #tpu.memory_space<vmem>>) target_semaphore(%arg11 : memref<!tpu.dma_semaphore, #tpu.memory_space<semaphore_mem>>)
        } else {
        }
      }
      %scan3A_43 = arith.constant 5 : i32
    } else {
    }
    %barrier3A_17 = arith.constant 0 : index
    tpu.barrier barrier_id(%barrier3A_17)
    %lt3A_18 = arith.constant 15 : i32
    %lt3A_19 = arith.cmpi slt, %arg1, %lt3A_18 : i32
    %convert_element_type3A_20 = arith.extui %lt3A_19 : i1 to i32
    %cond3A_21 = arith.constant 0 : i32
    %cond3A_22 = arith.cmpi ne, %convert_element_type3A_20, %cond3A_21 : i32
    scf.if %cond3A_22 {
      %mul3A_28 = arith.constant 624 : i32
      %mul3A_29 = arith.muli %arg1, %mul3A_28 : i32
      "tpu.region"() ({
        %run_scoped3A = tpu.sem_alloc : memref<!tpu.dma_semaphore, #tpu.memory_space<semaphore_mem>>
        %dma_start3A = arith.constant 0 : i32
        %dma_start3A_30 = tpu.memref_slice %arg5[%arg0, %mul3A_29, %dma_start3A] : memref<2x10000x128xf32, #tpu.memory_space<hbm>> -> memref<1x624x128xf32, #tpu.memory_space<hbm>>
        %dma_start3A_31 = tpu.memref_squeeze %dma_start3A_30 : memref<1x624x128xf32, #tpu.memory_space<hbm>> -> memref<624x128xf32, #tpu.memory_space<hbm>>
        %dma_start3A_32 = arith.constant 0 : i32
        %dma_start3A_33 = tpu.memref_slice %arg9[%mul3A_29, %dma_start3A_32] : memref<10000x128xf32, #tpu.memory_space<vmem_shared>> -> memref<624x128xf32, #tpu.memory_space<vmem_shared>>
        tpu.enqueue_dma source(%dma_start3A_33 : memref<624x128xf32, #tpu.memory_space<vmem_shared>>) target(%dma_start3A_31 : memref<624x128xf32, #tpu.memory_space<hbm>>) target_semaphore(%run_scoped3A : memref<!tpu.dma_semaphore, #tpu.memory_space<semaphore_mem>>)
        %dma_wait3A = arith.constant 0 : i32
        %dma_wait3A_34 = tpu.memref_slice %arg5[%arg0, %mul3A_29, %dma_wait3A] : memref<2x10000x128xf32, #tpu.memory_space<hbm>> -> memref<1x624x128xf32, #tpu.memory_space<hbm>>
        %dma_wait3A_35 = tpu.memref_squeeze %dma_wait3A_34 : memref<1x624x128xf32, #tpu.memory_space<hbm>> -> memref<624x128xf32, #tpu.memory_space<hbm>>
        %dma_wait3A_36 = arith.constant 0 : i32
        %dma_wait3A_37 = tpu.memref_slice %arg9[%mul3A_29, %dma_wait3A_36] : memref<10000x128xf32, #tpu.memory_space<vmem_shared>> -> memref<624x128xf32, #tpu.memory_space<vmem_shared>>
        tpu.wait_dma2 semaphore(%run_scoped3A : memref<!tpu.dma_semaphore, #tpu.memory_space<semaphore_mem>>) src(%dma_wait3A_37 : memref<624x128xf32, #tpu.memory_space<vmem_shared>>) dst(%dma_wait3A_35 : memref<624x128xf32, #tpu.memory_space<hbm>>)
        tpu.yield
      }) : () -> ()
    } else {
    }
    %eq3A_23 = arith.constant 15 : i32
    %eq3A_24 = arith.cmpi eq, %arg1, %eq3A_23 : i32
    %convert_element_type3A_25 = arith.extui %eq3A_24 : i1 to i32
    %cond3A_26 = arith.constant 0 : i32
    %cond3A_27 = arith.cmpi ne, %convert_element_type3A_25, %cond3A_26 : i32
    scf.if %cond3A_27 {
      "tpu.region"() ({
        %run_scoped3A = tpu.sem_alloc : memref<!tpu.dma_semaphore, #tpu.memory_space<semaphore_mem>>
        %dma_start3A = arith.constant 9360 : i32
        %dma_start3A_28 = arith.constant 0 : i32
        %dma_start3A_29 = tpu.memref_slice %arg5[%arg0, %dma_start3A, %dma_start3A_28] : memref<2x10000x128xf32, #tpu.memory_space<hbm>> -> memref<1x640x128xf32, #tpu.memory_space<hbm>>
        %dma_start3A_30 = tpu.memref_squeeze %dma_start3A_29 : memref<1x640x128xf32, #tpu.memory_space<hbm>> -> memref<640x128xf32, #tpu.memory_space<hbm>>
        %dma_start3A_31 = arith.constant 9360 : i32
        %dma_start3A_32 = arith.constant 0 : i32
        %dma_start3A_33 = tpu.memref_slice %arg9[%dma_start3A_31, %dma_start3A_32] : memref<10000x128xf32, #tpu.memory_space<vmem_shared>> -> memref<640x128xf32, #tpu.memory_space<vmem_shared>>
        tpu.enqueue_dma source(%dma_start3A_33 : memref<640x128xf32, #tpu.memory_space<vmem_shared>>) target(%dma_start3A_30 : memref<640x128xf32, #tpu.memory_space<hbm>>) target_semaphore(%run_scoped3A : memref<!tpu.dma_semaphore, #tpu.memory_space<semaphore_mem>>)
        %dma_wait3A = arith.constant 9360 : i32
        %dma_wait3A_34 = arith.constant 0 : i32
        %dma_wait3A_35 = tpu.memref_slice %arg5[%arg0, %dma_wait3A, %dma_wait3A_34] : memref<2x10000x128xf32, #tpu.memory_space<hbm>> -> memref<1x640x128xf32, #tpu.memory_space<hbm>>
        %dma_wait3A_36 = tpu.memref_squeeze %dma_wait3A_35 : memref<1x640x128xf32, #tpu.memory_space<hbm>> -> memref<640x128xf32, #tpu.memory_space<hbm>>
        %dma_wait3A_37 = arith.constant 9360 : i32
        %dma_wait3A_38 = arith.constant 0 : i32
        %dma_wait3A_39 = tpu.memref_slice %arg9[%dma_wait3A_37, %dma_wait3A_38] : memref<10000x128xf32, #tpu.memory_space<vmem_shared>> -> memref<640x128xf32, #tpu.memory_space<vmem_shared>>
        tpu.wait_dma2 semaphore(%run_scoped3A : memref<!tpu.dma_semaphore, #tpu.memory_space<semaphore_mem>>) src(%dma_wait3A_39 : memref<640x128xf32, #tpu.memory_space<vmem_shared>>) dst(%dma_wait3A_36 : memref<640x128xf32, #tpu.memory_space<hbm>>)
        tpu.yield
      }) : () -> ()
    } else {
    }
    return
  }
}

#map = affine_map<(d0, d1) -> (0, 0, 0)>
#map1 = affine_map<(d0, d1) -> (0, 0)>
module attributes {stable_mosaic.version = 14 : i64} {
  func.func @_sc_agg_body(%arg0: i32, %arg1: i32, %arg2: memref<1250x1x128xi32, #tpu.memory_space<hbm>>, %arg3: memref<2x160000x128xf32, #tpu.memory_space<hbm>>, %arg4: memref<10000x128xf32, #tpu.memory_space<hbm>>, %arg5: memref<2x10000x128xf32, #tpu.memory_space<hbm>>, %arg6: memref<80x1x128xi32, #tpu.memory_space<vmem>>, %arg7: memref<128x128xf32, #tpu.memory_space<vmem>>, %arg8: memref<128x128xf32, #tpu.memory_space<vmem>>, %arg9: memref<10000x128xf32, #tpu.memory_space<vmem_shared>>, %arg10: memref<!tpu.dma_semaphore, #tpu.memory_space<semaphore_mem>>, %arg11: memref<!tpu.dma_semaphore, #tpu.memory_space<semaphore_mem>>) attributes {dimension_semantics = [#tpu.dimension_semantics<core_parallel>, #tpu.dimension_semantics<subcore_parallel>], iteration_bounds = array<i64: 2, 16>, scalar_prefetch = 0 : i64, scratch_operands = 6 : i64, tpu.core_type = #tpu.core_type<sc_vector_subcore>, window_params = [{transform_indices = #map}, {transform_indices = #map}, {transform_indices = #map1}, {transform_indices = #map}]} {
    %lt3A = arith.constant 15 : i32
    %lt3A_0 = arith.cmpi slt, %arg1, %lt3A : i32
    %convert_element_type3A = arith.extui %lt3A_0 : i1 to i32
    %cond3A = arith.constant 0 : i32
    %cond3A_1 = arith.cmpi ne, %convert_element_type3A, %cond3A : i32
    scf.if %cond3A_1 {
      %mul3A = arith.constant 624 : i32
      %mul3A_27 = arith.muli %arg1, %mul3A : i32
      "tpu.region"() ({
        %run_scoped3A = tpu.sem_alloc : memref<!tpu.dma_semaphore, #tpu.memory_space<semaphore_mem>>
        %dma_start3A = arith.constant 0 : i32
        %dma_start3A_28 = tpu.memref_slice %arg9[%mul3A_27, %dma_start3A] : memref<10000x128xf32, #tpu.memory_space<vmem_shared>> -> memref<624x128xf32, #tpu.memory_space<vmem_shared>>
        %dma_start3A_29 = arith.constant 0 : i32
        %dma_start3A_30 = tpu.memref_slice %arg4[%mul3A_27, %dma_start3A_29] : memref<10000x128xf32, #tpu.memory_space<hbm>> -> memref<624x128xf32, #tpu.memory_space<hbm>>
        tpu.enqueue_dma source(%dma_start3A_30 : memref<624x128xf32, #tpu.memory_space<hbm>>) target(%dma_start3A_28 : memref<624x128xf32, #tpu.memory_space<vmem_shared>>) target_semaphore(%run_scoped3A : memref<!tpu.dma_semaphore, #tpu.memory_space<semaphore_mem>>)
        %dma_wait3A = arith.constant 0 : i32
        %dma_wait3A_31 = tpu.memref_slice %arg9[%mul3A_27, %dma_wait3A] : memref<10000x128xf32, #tpu.memory_space<vmem_shared>> -> memref<624x128xf32, #tpu.memory_space<vmem_shared>>
        %dma_wait3A_32 = arith.constant 0 : i32
        %dma_wait3A_33 = tpu.memref_slice %arg4[%mul3A_27, %dma_wait3A_32] : memref<10000x128xf32, #tpu.memory_space<hbm>> -> memref<624x128xf32, #tpu.memory_space<hbm>>
        tpu.wait_dma2 semaphore(%run_scoped3A : memref<!tpu.dma_semaphore, #tpu.memory_space<semaphore_mem>>) src(%dma_wait3A_33 : memref<624x128xf32, #tpu.memory_space<hbm>>) dst(%dma_wait3A_31 : memref<624x128xf32, #tpu.memory_space<vmem_shared>>)
        tpu.yield
      }) : () -> ()
    } else {
    }
    %eq3A = arith.constant 15 : i32
    %eq3A_2 = arith.cmpi eq, %arg1, %eq3A : i32
    %convert_element_type3A_3 = arith.extui %eq3A_2 : i1 to i32
    %cond3A_4 = arith.constant 0 : i32
    %cond3A_5 = arith.cmpi ne, %convert_element_type3A_3, %cond3A_4 : i32
    scf.if %cond3A_5 {
      "tpu.region"() ({
        %run_scoped3A = tpu.sem_alloc : memref<!tpu.dma_semaphore, #tpu.memory_space<semaphore_mem>>
        %dma_start3A = arith.constant 9360 : i32
        %dma_start3A_27 = arith.constant 0 : i32
        %dma_start3A_28 = tpu.memref_slice %arg9[%dma_start3A, %dma_start3A_27] : memref<10000x128xf32, #tpu.memory_space<vmem_shared>> -> memref<640x128xf32, #tpu.memory_space<vmem_shared>>
        %dma_start3A_29 = arith.constant 9360 : i32
        %dma_start3A_30 = arith.constant 0 : i32
        %dma_start3A_31 = tpu.memref_slice %arg4[%dma_start3A_29, %dma_start3A_30] : memref<10000x128xf32, #tpu.memory_space<hbm>> -> memref<640x128xf32, #tpu.memory_space<hbm>>
        tpu.enqueue_dma source(%dma_start3A_31 : memref<640x128xf32, #tpu.memory_space<hbm>>) target(%dma_start3A_28 : memref<640x128xf32, #tpu.memory_space<vmem_shared>>) target_semaphore(%run_scoped3A : memref<!tpu.dma_semaphore, #tpu.memory_space<semaphore_mem>>)
        %dma_wait3A = arith.constant 9360 : i32
        %dma_wait3A_32 = arith.constant 0 : i32
        %dma_wait3A_33 = tpu.memref_slice %arg9[%dma_wait3A, %dma_wait3A_32] : memref<10000x128xf32, #tpu.memory_space<vmem_shared>> -> memref<640x128xf32, #tpu.memory_space<vmem_shared>>
        %dma_wait3A_34 = arith.constant 9360 : i32
        %dma_wait3A_35 = arith.constant 0 : i32
        %dma_wait3A_36 = tpu.memref_slice %arg4[%dma_wait3A_34, %dma_wait3A_35] : memref<10000x128xf32, #tpu.memory_space<hbm>> -> memref<640x128xf32, #tpu.memory_space<hbm>>
        tpu.wait_dma2 semaphore(%run_scoped3A : memref<!tpu.dma_semaphore, #tpu.memory_space<semaphore_mem>>) src(%dma_wait3A_36 : memref<640x128xf32, #tpu.memory_space<hbm>>) dst(%dma_wait3A_33 : memref<640x128xf32, #tpu.memory_space<vmem_shared>>)
        tpu.yield
      }) : () -> ()
    } else {
    }
    %barrier3A = arith.constant 0 : index
    tpu.barrier barrier_id(%barrier3A)
    %lt3A_6 = arith.constant 15 : i32
    %lt3A_7 = arith.cmpi slt, %arg1, %lt3A_6 : i32
    %convert_element_type3A_8 = arith.extui %lt3A_7 : i1 to i32
    %cond3A_9 = arith.constant 0 : i32
    %cond3A_10 = arith.cmpi ne, %convert_element_type3A_8, %cond3A_9 : i32
    scf.if %cond3A_10 {
      %mul3A = arith.constant 80 : i32
      %mul3A_27 = arith.muli %arg1, %mul3A : i32
      "tpu.region"() ({
        %run_scoped3A = tpu.sem_alloc : memref<!tpu.dma_semaphore, #tpu.memory_space<semaphore_mem>>
        %dma_start3A_49 = arith.constant 0 : i32
        %dma_start3A_50 = arith.constant 0 : i32
        %dma_start3A_51 = arith.constant 0 : i32
        %dma_start3A_52 = tpu.memref_slice %arg6[%dma_start3A_49, %dma_start3A_50, %dma_start3A_51] : memref<80x1x128xi32, #tpu.memory_space<vmem>> -> memref<80x1x128xi32, #tpu.memory_space<vmem>>
        %dma_start3A_53 = arith.constant 0 : i32
        %dma_start3A_54 = arith.constant 0 : i32
        %dma_start3A_55 = tpu.memref_slice %arg2[%mul3A_27, %dma_start3A_53, %dma_start3A_54] : memref<1250x1x128xi32, #tpu.memory_space<hbm>> -> memref<80x1x128xi32, #tpu.memory_space<hbm>>
        %dma_start3A_56 = arith.constant 0 : i32
        %dma_start3A_57 = arith.constant 0 : i32
        %dma_start3A_58 = arith.constant 0 : i32
        %dma_start3A_59 = tpu.memref_slice %arg6[%dma_start3A_56, %dma_start3A_57, %dma_start3A_58] : memref<80x1x128xi32, #tpu.memory_space<vmem>> -> memref<80x1x128xi32, #tpu.memory_space<vmem>>
        %dma_start3A_60 = arith.constant 0 : i32
        %dma_start3A_61 = arith.constant 0 : i32
        %dma_start3A_62 = tpu.memref_slice %arg2[%mul3A_27, %dma_start3A_60, %dma_start3A_61] : memref<1250x1x128xi32, #tpu.memory_space<hbm>> -> memref<80x1x128xi32, #tpu.memory_space<hbm>>
        tpu.enqueue_dma source(%dma_start3A_62 : memref<80x1x128xi32, #tpu.memory_space<hbm>>) target(%dma_start3A_59 : memref<80x1x128xi32, #tpu.memory_space<vmem>>) target_semaphore(%run_scoped3A : memref<!tpu.dma_semaphore, #tpu.memory_space<semaphore_mem>>)
        %dma_wait3A = arith.constant 0 : i32
        %dma_wait3A_63 = arith.constant 0 : i32
        %dma_wait3A_64 = arith.constant 0 : i32
        %dma_wait3A_65 = tpu.memref_slice %arg6[%dma_wait3A, %dma_wait3A_63, %dma_wait3A_64] : memref<80x1x128xi32, #tpu.memory_space<vmem>> -> memref<80x1x128xi32, #tpu.memory_space<vmem>>
        %dma_wait3A_66 = arith.constant 0 : i32
        %dma_wait3A_67 = arith.constant 0 : i32
        %dma_wait3A_68 = tpu.memref_slice %arg2[%mul3A_27, %dma_wait3A_66, %dma_wait3A_67] : memref<1250x1x128xi32, #tpu.memory_space<hbm>> -> memref<80x1x128xi32, #tpu.memory_space<hbm>>
        %dma_wait3A_69 = arith.constant 0 : i32
        %dma_wait3A_70 = arith.constant 0 : i32
        %dma_wait3A_71 = arith.constant 0 : i32
        %dma_wait3A_72 = tpu.memref_slice %arg6[%dma_wait3A_69, %dma_wait3A_70, %dma_wait3A_71] : memref<80x1x128xi32, #tpu.memory_space<vmem>> -> memref<80x1x128xi32, #tpu.memory_space<vmem>>
        %dma_wait3A_73 = arith.constant 0 : i32
        %dma_wait3A_74 = arith.constant 0 : i32
        %dma_wait3A_75 = tpu.memref_slice %arg2[%mul3A_27, %dma_wait3A_73, %dma_wait3A_74] : memref<1250x1x128xi32, #tpu.memory_space<hbm>> -> memref<80x1x128xi32, #tpu.memory_space<hbm>>
        tpu.wait_dma2 semaphore(%run_scoped3A : memref<!tpu.dma_semaphore, #tpu.memory_space<semaphore_mem>>) src(%dma_wait3A_75 : memref<80x1x128xi32, #tpu.memory_space<hbm>>) dst(%dma_wait3A_72 : memref<80x1x128xi32, #tpu.memory_space<vmem>>)
        tpu.yield
      }) : () -> ()
      %mul3A_28 = arith.constant 128 : i32
      %mul3A_29 = arith.muli %mul3A_27, %mul3A_28 : i32
      %add3A = arith.constant 0 : i32
      %add3A_30 = arith.addi %mul3A_29, %add3A : i32
      %dma_start3A = arith.constant 0 : i32
      %dma_start3A_31 = tpu.memref_slice %arg3[%arg0, %add3A_30, %dma_start3A] : memref<2x160000x128xf32, #tpu.memory_space<hbm>> -> memref<1x128x128xf32, #tpu.memory_space<hbm>>
      %dma_start3A_32 = tpu.memref_squeeze %dma_start3A_31 : memref<1x128x128xf32, #tpu.memory_space<hbm>> -> memref<128x128xf32, #tpu.memory_space<hbm>>
      %dma_start3A_33 = arith.constant 0 : i32
      %dma_start3A_34 = tpu.memref_slice %arg3[%arg0, %add3A_30, %dma_start3A_33] : memref<2x160000x128xf32, #tpu.memory_space<hbm>> -> memref<1x128x128xf32, #tpu.memory_space<hbm>>
      %dma_start3A_35 = tpu.memref_squeeze %dma_start3A_34 : memref<1x128x128xf32, #tpu.memory_space<hbm>> -> memref<128x128xf32, #tpu.memory_space<hbm>>
      tpu.enqueue_dma source(%dma_start3A_35 : memref<128x128xf32, #tpu.memory_space<hbm>>) target(%arg7 : memref<128x128xf32, #tpu.memory_space<vmem>>) target_semaphore(%arg10 : memref<!tpu.dma_semaphore, #tpu.memory_space<semaphore_mem>>)
      %add3A_36 = arith.constant 128 : i32
      %add3A_37 = arith.addi %mul3A_29, %add3A_36 : i32
      %dma_start3A_38 = arith.constant 0 : i32
      %dma_start3A_39 = tpu.memref_slice %arg3[%arg0, %add3A_37, %dma_start3A_38] : memref<2x160000x128xf32, #tpu.memory_space<hbm>> -> memref<1x128x128xf32, #tpu.memory_space<hbm>>
      %dma_start3A_40 = tpu.memref_squeeze %dma_start3A_39 : memref<1x128x128xf32, #tpu.memory_space<hbm>> -> memref<128x128xf32, #tpu.memory_space<hbm>>
      %dma_start3A_41 = arith.constant 0 : i32
      %dma_start3A_42 = tpu.memref_slice %arg3[%arg0, %add3A_37, %dma_start3A_41] : memref<2x160000x128xf32, #tpu.memory_space<hbm>> -> memref<1x128x128xf32, #tpu.memory_space<hbm>>
      %dma_start3A_43 = tpu.memref_squeeze %dma_start3A_42 : memref<1x128x128xf32, #tpu.memory_space<hbm>> -> memref<128x128xf32, #tpu.memory_space<hbm>>
      tpu.enqueue_dma source(%dma_start3A_43 : memref<128x128xf32, #tpu.memory_space<hbm>>) target(%arg8 : memref<128x128xf32, #tpu.memory_space<vmem>>) target_semaphore(%arg11 : memref<!tpu.dma_semaphore, #tpu.memory_space<semaphore_mem>>)
      %scan3A = arith.constant 0 : i32
      %scan3A_44 = arith.constant 0 : i32
      %scan3A_45 = arith.constant 40 : i32
      %scan3A_46 = arith.addi %scan3A_44, %scan3A_45 : i32
      %scan3A_47 = arith.constant 1 : i32
      scf.for %scan3A_49 = %scan3A_44 to %scan3A_46 step %scan3A_47  : i32 {
        %mul3A_50 = arith.constant 2 : i32
        %mul3A_51 = arith.muli %mul3A_50, %scan3A_49 : i32
        %add3A_52 = arith.constant 0 : i32
        %add3A_53 = arith.addi %mul3A_51, %add3A_52 : i32
        %mul3A_54 = arith.constant 128 : i32
        %mul3A_55 = arith.muli %add3A_53, %mul3A_54 : i32
        %add3A_56 = arith.addi %mul3A_29, %mul3A_55 : i32
        %dma_wait3A = arith.constant 0 : i32
        %dma_wait3A_57 = tpu.memref_slice %arg3[%arg0, %add3A_56, %dma_wait3A] : memref<2x160000x128xf32, #tpu.memory_space<hbm>> -> memref<1x128x128xf32, #tpu.memory_space<hbm>>
        %dma_wait3A_58 = tpu.memref_squeeze %dma_wait3A_57 : memref<1x128x128xf32, #tpu.memory_space<hbm>> -> memref<128x128xf32, #tpu.memory_space<hbm>>
        %dma_wait3A_59 = arith.constant 0 : i32
        %dma_wait3A_60 = tpu.memref_slice %arg3[%arg0, %add3A_56, %dma_wait3A_59] : memref<2x160000x128xf32, #tpu.memory_space<hbm>> -> memref<1x128x128xf32, #tpu.memory_space<hbm>>
        %dma_wait3A_61 = tpu.memref_squeeze %dma_wait3A_60 : memref<1x128x128xf32, #tpu.memory_space<hbm>> -> memref<128x128xf32, #tpu.memory_space<hbm>>
        tpu.wait_dma2 semaphore(%arg10 : memref<!tpu.dma_semaphore, #tpu.memory_space<semaphore_mem>>) src(%dma_wait3A_61 : memref<128x128xf32, #tpu.memory_space<hbm>>) dst(%arg7 : memref<128x128xf32, #tpu.memory_space<vmem>>)
        %run_scoped3A = arith.constant 0 : i32
        "tpu.region"() ({
          %run_scoped3A_90 = tpu.sem_alloc : memref<!tpu.dma_semaphore, #tpu.memory_space<semaphore_mem>>
          %dma_start3A_91 = arith.constant 0 : i32
          %dma_start3A_92 = tpu.memref_slice %arg6[%add3A_53, %run_scoped3A, %dma_start3A_91] : memref<80x1x128xi32, #tpu.memory_space<vmem>> -> memref<1x1x128xi32, #tpu.memory_space<vmem>>
          %dma_start3A_93 = tpu.memref_squeeze %dma_start3A_92 : memref<1x1x128xi32, #tpu.memory_space<vmem>> -> memref<128xi32, #tpu.memory_space<vmem>>
          %dma_start3A_94 = arith.constant 0 : i32
          %dma_start3A_95 = arith.constant 0 : i32
          %dma_start3A_96 = tpu.memref_slice %arg9[%dma_start3A_94, %dma_start3A_95] : memref<10000x128xf32, #tpu.memory_space<vmem_shared>> -> memref<10000x128xf32, #tpu.memory_space<vmem_shared>>
          tpu.enqueue_indirect_dma source(%arg7 : memref<128x128xf32, #tpu.memory_space<vmem>>) target(%dma_start3A_96 : memref<10000x128xf32, #tpu.memory_space<vmem_shared>>) offsets(%dma_start3A_93 : memref<128xi32, #tpu.memory_space<vmem>>) semaphore(%run_scoped3A_90 : memref<!tpu.dma_semaphore, #tpu.memory_space<semaphore_mem>>) {add = true}
          %dma_wait3A_97 = arith.constant 0 : i32
          %dma_wait3A_98 = tpu.memref_slice %arg6[%add3A_53, %run_scoped3A, %dma_wait3A_97] : memref<80x1x128xi32, #tpu.memory_space<vmem>> -> memref<1x1x128xi32, #tpu.memory_space<vmem>>
          %dma_wait3A_99 = tpu.memref_squeeze %dma_wait3A_98 : memref<1x1x128xi32, #tpu.memory_space<vmem>> -> memref<128xi32, #tpu.memory_space<vmem>>
          %dma_wait3A_100 = arith.constant 0 : i32
          %dma_wait3A_101 = arith.constant 0 : i32
          %dma_wait3A_102 = tpu.memref_slice %arg9[%dma_wait3A_100, %dma_wait3A_101] : memref<10000x128xf32, #tpu.memory_space<vmem_shared>> -> memref<10000x128xf32, #tpu.memory_space<vmem_shared>>
          tpu.wait_indirect_dma semaphore(%run_scoped3A_90 : memref<!tpu.dma_semaphore, #tpu.memory_space<semaphore_mem>>) src(%arg7 : memref<128x128xf32, #tpu.memory_space<vmem>>) dst(%dma_wait3A_102 : memref<10000x128xf32, #tpu.memory_space<vmem_shared>>)
          tpu.yield
        }) : () -> ()
        %add3A_62 = arith.constant 2 : i32
        %add3A_63 = arith.addi %add3A_53, %add3A_62 : i32
        %lt3A_64 = arith.constant 80 : i32
        %lt3A_65 = arith.cmpi slt, %add3A_63, %lt3A_64 : i32
        %convert_element_type3A_66 = arith.extui %lt3A_65 : i1 to i32
        %cond3A_67 = arith.constant 0 : i32
        %cond3A_68 = arith.cmpi ne, %convert_element_type3A_66, %cond3A_67 : i32
        scf.if %cond3A_68 {
          %add3A_90 = arith.constant 2 : i32
          %add3A_91 = arith.addi %add3A_53, %add3A_90 : i32
          %mul3A_92 = arith.constant 128 : i32
          %mul3A_93 = arith.muli %add3A_91, %mul3A_92 : i32
          %add3A_94 = arith.addi %mul3A_29, %mul3A_93 : i32
          %dma_start3A_95 = arith.constant 0 : i32
          %dma_start3A_96 = tpu.memref_slice %arg3[%arg0, %add3A_94, %dma_start3A_95] : memref<2x160000x128xf32, #tpu.memory_space<hbm>> -> memref<1x128x128xf32, #tpu.memory_space<hbm>>
          %dma_start3A_97 = tpu.memref_squeeze %dma_start3A_96 : memref<1x128x128xf32, #tpu.memory_space<hbm>> -> memref<128x128xf32, #tpu.memory_space<hbm>>
          %dma_start3A_98 = arith.constant 0 : i32
          %dma_start3A_99 = tpu.memref_slice %arg3[%arg0, %add3A_94, %dma_start3A_98] : memref<2x160000x128xf32, #tpu.memory_space<hbm>> -> memref<1x128x128xf32, #tpu.memory_space<hbm>>
          %dma_start3A_100 = tpu.memref_squeeze %dma_start3A_99 : memref<1x128x128xf32, #tpu.memory_space<hbm>> -> memref<128x128xf32, #tpu.memory_space<hbm>>
          tpu.enqueue_dma source(%dma_start3A_100 : memref<128x128xf32, #tpu.memory_space<hbm>>) target(%arg7 : memref<128x128xf32, #tpu.memory_space<vmem>>) target_semaphore(%arg10 : memref<!tpu.dma_semaphore, #tpu.memory_space<semaphore_mem>>)
        } else {
        }
        %mul3A_69 = arith.constant 2 : i32
        %mul3A_70 = arith.muli %mul3A_69, %scan3A_49 : i32
        %add3A_71 = arith.constant 1 : i32
        %add3A_72 = arith.addi %mul3A_70, %add3A_71 : i32
        %mul3A_73 = arith.constant 128 : i32
        %mul3A_74 = arith.muli %add3A_72, %mul3A_73 : i32
        %add3A_75 = arith.addi %mul3A_29, %mul3A_74 : i32
        %dma_wait3A_76 = arith.constant 0 : i32
        %dma_wait3A_77 = tpu.memref_slice %arg3[%arg0, %add3A_75, %dma_wait3A_76] : memref<2x160000x128xf32, #tpu.memory_space<hbm>> -> memref<1x128x128xf32, #tpu.memory_space<hbm>>
        %dma_wait3A_78 = tpu.memref_squeeze %dma_wait3A_77 : memref<1x128x128xf32, #tpu.memory_space<hbm>> -> memref<128x128xf32, #tpu.memory_space<hbm>>
        %dma_wait3A_79 = arith.constant 0 : i32
        %dma_wait3A_80 = tpu.memref_slice %arg3[%arg0, %add3A_75, %dma_wait3A_79] : memref<2x160000x128xf32, #tpu.memory_space<hbm>> -> memref<1x128x128xf32, #tpu.memory_space<hbm>>
        %dma_wait3A_81 = tpu.memref_squeeze %dma_wait3A_80 : memref<1x128x128xf32, #tpu.memory_space<hbm>> -> memref<128x128xf32, #tpu.memory_space<hbm>>
        tpu.wait_dma2 semaphore(%arg11 : memref<!tpu.dma_semaphore, #tpu.memory_space<semaphore_mem>>) src(%dma_wait3A_81 : memref<128x128xf32, #tpu.memory_space<hbm>>) dst(%arg8 : memref<128x128xf32, #tpu.memory_space<vmem>>)
        %run_scoped3A_82 = arith.constant 0 : i32
        "tpu.region"() ({
          %run_scoped3A_90 = tpu.sem_alloc : memref<!tpu.dma_semaphore, #tpu.memory_space<semaphore_mem>>
          %dma_start3A_91 = arith.constant 0 : i32
          %dma_start3A_92 = tpu.memref_slice %arg6[%add3A_72, %run_scoped3A_82, %dma_start3A_91] : memref<80x1x128xi32, #tpu.memory_space<vmem>> -> memref<1x1x128xi32, #tpu.memory_space<vmem>>
          %dma_start3A_93 = tpu.memref_squeeze %dma_start3A_92 : memref<1x1x128xi32, #tpu.memory_space<vmem>> -> memref<128xi32, #tpu.memory_space<vmem>>
          %dma_start3A_94 = arith.constant 0 : i32
          %dma_start3A_95 = arith.constant 0 : i32
          %dma_start3A_96 = tpu.memref_slice %arg9[%dma_start3A_94, %dma_start3A_95] : memref<10000x128xf32, #tpu.memory_space<vmem_shared>> -> memref<10000x128xf32, #tpu.memory_space<vmem_shared>>
          tpu.enqueue_indirect_dma source(%arg8 : memref<128x128xf32, #tpu.memory_space<vmem>>) target(%dma_start3A_96 : memref<10000x128xf32, #tpu.memory_space<vmem_shared>>) offsets(%dma_start3A_93 : memref<128xi32, #tpu.memory_space<vmem>>) semaphore(%run_scoped3A_90 : memref<!tpu.dma_semaphore, #tpu.memory_space<semaphore_mem>>) {add = true}
          %dma_wait3A_97 = arith.constant 0 : i32
          %dma_wait3A_98 = tpu.memref_slice %arg6[%add3A_72, %run_scoped3A_82, %dma_wait3A_97] : memref<80x1x128xi32, #tpu.memory_space<vmem>> -> memref<1x1x128xi32, #tpu.memory_space<vmem>>
          %dma_wait3A_99 = tpu.memref_squeeze %dma_wait3A_98 : memref<1x1x128xi32, #tpu.memory_space<vmem>> -> memref<128xi32, #tpu.memory_space<vmem>>
          %dma_wait3A_100 = arith.constant 0 : i32
          %dma_wait3A_101 = arith.constant 0 : i32
          %dma_wait3A_102 = tpu.memref_slice %arg9[%dma_wait3A_100, %dma_wait3A_101] : memref<10000x128xf32, #tpu.memory_space<vmem_shared>> -> memref<10000x128xf32, #tpu.memory_space<vmem_shared>>
          tpu.wait_indirect_dma semaphore(%run_scoped3A_90 : memref<!tpu.dma_semaphore, #tpu.memory_space<semaphore_mem>>) src(%arg8 : memref<128x128xf32, #tpu.memory_space<vmem>>) dst(%dma_wait3A_102 : memref<10000x128xf32, #tpu.memory_space<vmem_shared>>)
          tpu.yield
        }) : () -> ()
        %add3A_83 = arith.constant 2 : i32
        %add3A_84 = arith.addi %add3A_72, %add3A_83 : i32
        %lt3A_85 = arith.constant 80 : i32
        %lt3A_86 = arith.cmpi slt, %add3A_84, %lt3A_85 : i32
        %convert_element_type3A_87 = arith.extui %lt3A_86 : i1 to i32
        %cond3A_88 = arith.constant 0 : i32
        %cond3A_89 = arith.cmpi ne, %convert_element_type3A_87, %cond3A_88 : i32
        scf.if %cond3A_89 {
          %add3A_90 = arith.constant 2 : i32
          %add3A_91 = arith.addi %add3A_72, %add3A_90 : i32
          %mul3A_92 = arith.constant 128 : i32
          %mul3A_93 = arith.muli %add3A_91, %mul3A_92 : i32
          %add3A_94 = arith.addi %mul3A_29, %mul3A_93 : i32
          %dma_start3A_95 = arith.constant 0 : i32
          %dma_start3A_96 = tpu.memref_slice %arg3[%arg0, %add3A_94, %dma_start3A_95] : memref<2x160000x128xf32, #tpu.memory_space<hbm>> -> memref<1x128x128xf32, #tpu.memory_space<hbm>>
          %dma_start3A_97 = tpu.memref_squeeze %dma_start3A_96 : memref<1x128x128xf32, #tpu.memory_space<hbm>> -> memref<128x128xf32, #tpu.memory_space<hbm>>
          %dma_start3A_98 = arith.constant 0 : i32
          %dma_start3A_99 = tpu.memref_slice %arg3[%arg0, %add3A_94, %dma_start3A_98] : memref<2x160000x128xf32, #tpu.memory_space<hbm>> -> memref<1x128x128xf32, #tpu.memory_space<hbm>>
          %dma_start3A_100 = tpu.memref_squeeze %dma_start3A_99 : memref<1x128x128xf32, #tpu.memory_space<hbm>> -> memref<128x128xf32, #tpu.memory_space<hbm>>
          tpu.enqueue_dma source(%dma_start3A_100 : memref<128x128xf32, #tpu.memory_space<hbm>>) target(%arg8 : memref<128x128xf32, #tpu.memory_space<vmem>>) target_semaphore(%arg11 : memref<!tpu.dma_semaphore, #tpu.memory_space<semaphore_mem>>)
        } else {
        }
      }
      %scan3A_48 = arith.constant 40 : i32
    } else {
    }
    %eq3A_11 = arith.constant 15 : i32
    %eq3A_12 = arith.cmpi eq, %arg1, %eq3A_11 : i32
    %convert_element_type3A_13 = arith.extui %eq3A_12 : i1 to i32
    %cond3A_14 = arith.constant 0 : i32
    %cond3A_15 = arith.cmpi ne, %convert_element_type3A_13, %cond3A_14 : i32
    scf.if %cond3A_15 {
      "tpu.region"() ({
        %run_scoped3A = tpu.sem_alloc : memref<!tpu.dma_semaphore, #tpu.memory_space<semaphore_mem>>
        %dma_start3A_47 = arith.constant 0 : i32
        %dma_start3A_48 = arith.constant 0 : i32
        %dma_start3A_49 = arith.constant 0 : i32
        %dma_start3A_50 = tpu.memref_slice %arg6[%dma_start3A_47, %dma_start3A_48, %dma_start3A_49] : memref<80x1x128xi32, #tpu.memory_space<vmem>> -> memref<50x1x128xi32, #tpu.memory_space<vmem>>
        %dma_start3A_51 = arith.constant 1200 : i32
        %dma_start3A_52 = arith.constant 0 : i32
        %dma_start3A_53 = arith.constant 0 : i32
        %dma_start3A_54 = tpu.memref_slice %arg2[%dma_start3A_51, %dma_start3A_52, %dma_start3A_53] : memref<1250x1x128xi32, #tpu.memory_space<hbm>> -> memref<50x1x128xi32, #tpu.memory_space<hbm>>
        %dma_start3A_55 = arith.constant 0 : i32
        %dma_start3A_56 = arith.constant 0 : i32
        %dma_start3A_57 = arith.constant 0 : i32
        %dma_start3A_58 = tpu.memref_slice %arg6[%dma_start3A_55, %dma_start3A_56, %dma_start3A_57] : memref<80x1x128xi32, #tpu.memory_space<vmem>> -> memref<50x1x128xi32, #tpu.memory_space<vmem>>
        %dma_start3A_59 = arith.constant 1200 : i32
        %dma_start3A_60 = arith.constant 0 : i32
        %dma_start3A_61 = arith.constant 0 : i32
        %dma_start3A_62 = tpu.memref_slice %arg2[%dma_start3A_59, %dma_start3A_60, %dma_start3A_61] : memref<1250x1x128xi32, #tpu.memory_space<hbm>> -> memref<50x1x128xi32, #tpu.memory_space<hbm>>
        tpu.enqueue_dma source(%dma_start3A_62 : memref<50x1x128xi32, #tpu.memory_space<hbm>>) target(%dma_start3A_58 : memref<50x1x128xi32, #tpu.memory_space<vmem>>) target_semaphore(%run_scoped3A : memref<!tpu.dma_semaphore, #tpu.memory_space<semaphore_mem>>)
        %dma_wait3A = arith.constant 0 : i32
        %dma_wait3A_63 = arith.constant 0 : i32
        %dma_wait3A_64 = arith.constant 0 : i32
        %dma_wait3A_65 = tpu.memref_slice %arg6[%dma_wait3A, %dma_wait3A_63, %dma_wait3A_64] : memref<80x1x128xi32, #tpu.memory_space<vmem>> -> memref<50x1x128xi32, #tpu.memory_space<vmem>>
        %dma_wait3A_66 = arith.constant 1200 : i32
        %dma_wait3A_67 = arith.constant 0 : i32
        %dma_wait3A_68 = arith.constant 0 : i32
        %dma_wait3A_69 = tpu.memref_slice %arg2[%dma_wait3A_66, %dma_wait3A_67, %dma_wait3A_68] : memref<1250x1x128xi32, #tpu.memory_space<hbm>> -> memref<50x1x128xi32, #tpu.memory_space<hbm>>
        %dma_wait3A_70 = arith.constant 0 : i32
        %dma_wait3A_71 = arith.constant 0 : i32
        %dma_wait3A_72 = arith.constant 0 : i32
        %dma_wait3A_73 = tpu.memref_slice %arg6[%dma_wait3A_70, %dma_wait3A_71, %dma_wait3A_72] : memref<80x1x128xi32, #tpu.memory_space<vmem>> -> memref<50x1x128xi32, #tpu.memory_space<vmem>>
        %dma_wait3A_74 = arith.constant 1200 : i32
        %dma_wait3A_75 = arith.constant 0 : i32
        %dma_wait3A_76 = arith.constant 0 : i32
        %dma_wait3A_77 = tpu.memref_slice %arg2[%dma_wait3A_74, %dma_wait3A_75, %dma_wait3A_76] : memref<1250x1x128xi32, #tpu.memory_space<hbm>> -> memref<50x1x128xi32, #tpu.memory_space<hbm>>
        tpu.wait_dma2 semaphore(%run_scoped3A : memref<!tpu.dma_semaphore, #tpu.memory_space<semaphore_mem>>) src(%dma_wait3A_77 : memref<50x1x128xi32, #tpu.memory_space<hbm>>) dst(%dma_wait3A_73 : memref<50x1x128xi32, #tpu.memory_space<vmem>>)
        tpu.yield
      }) : () -> ()
      %dma_start3A = arith.constant 153600 : i32
      %dma_start3A_27 = arith.constant 0 : i32
      %dma_start3A_28 = tpu.memref_slice %arg3[%arg0, %dma_start3A, %dma_start3A_27] : memref<2x160000x128xf32, #tpu.memory_space<hbm>> -> memref<1x128x128xf32, #tpu.memory_space<hbm>>
      %dma_start3A_29 = tpu.memref_squeeze %dma_start3A_28 : memref<1x128x128xf32, #tpu.memory_space<hbm>> -> memref<128x128xf32, #tpu.memory_space<hbm>>
      %dma_start3A_30 = arith.constant 153600 : i32
      %dma_start3A_31 = arith.constant 0 : i32
      %dma_start3A_32 = tpu.memref_slice %arg3[%arg0, %dma_start3A_30, %dma_start3A_31] : memref<2x160000x128xf32, #tpu.memory_space<hbm>> -> memref<1x128x128xf32, #tpu.memory_space<hbm>>
      %dma_start3A_33 = tpu.memref_squeeze %dma_start3A_32 : memref<1x128x128xf32, #tpu.memory_space<hbm>> -> memref<128x128xf32, #tpu.memory_space<hbm>>
      tpu.enqueue_dma source(%dma_start3A_33 : memref<128x128xf32, #tpu.memory_space<hbm>>) target(%arg7 : memref<128x128xf32, #tpu.memory_space<vmem>>) target_semaphore(%arg10 : memref<!tpu.dma_semaphore, #tpu.memory_space<semaphore_mem>>)
      %dma_start3A_34 = arith.constant 153728 : i32
      %dma_start3A_35 = arith.constant 0 : i32
      %dma_start3A_36 = tpu.memref_slice %arg3[%arg0, %dma_start3A_34, %dma_start3A_35] : memref<2x160000x128xf32, #tpu.memory_space<hbm>> -> memref<1x128x128xf32, #tpu.memory_space<hbm>>
      %dma_start3A_37 = tpu.memref_squeeze %dma_start3A_36 : memref<1x128x128xf32, #tpu.memory_space<hbm>> -> memref<128x128xf32, #tpu.memory_space<hbm>>
      %dma_start3A_38 = arith.constant 153728 : i32
      %dma_start3A_39 = arith.constant 0 : i32
      %dma_start3A_40 = tpu.memref_slice %arg3[%arg0, %dma_start3A_38, %dma_start3A_39] : memref<2x160000x128xf32, #tpu.memory_space<hbm>> -> memref<1x128x128xf32, #tpu.memory_space<hbm>>
      %dma_start3A_41 = tpu.memref_squeeze %dma_start3A_40 : memref<1x128x128xf32, #tpu.memory_space<hbm>> -> memref<128x128xf32, #tpu.memory_space<hbm>>
      tpu.enqueue_dma source(%dma_start3A_41 : memref<128x128xf32, #tpu.memory_space<hbm>>) target(%arg8 : memref<128x128xf32, #tpu.memory_space<vmem>>) target_semaphore(%arg11 : memref<!tpu.dma_semaphore, #tpu.memory_space<semaphore_mem>>)
      %scan3A = arith.constant 0 : i32
      %scan3A_42 = arith.constant 0 : i32
      %scan3A_43 = arith.constant 25 : i32
      %scan3A_44 = arith.addi %scan3A_42, %scan3A_43 : i32
      %scan3A_45 = arith.constant 1 : i32
      scf.for %scan3A_47 = %scan3A_42 to %scan3A_44 step %scan3A_45  : i32 {
        %mul3A = arith.constant 2 : i32
        %mul3A_48 = arith.muli %mul3A, %scan3A_47 : i32
        %add3A = arith.constant 0 : i32
        %add3A_49 = arith.addi %mul3A_48, %add3A : i32
        %mul3A_50 = arith.constant 128 : i32
        %mul3A_51 = arith.muli %add3A_49, %mul3A_50 : i32
        %add3A_52 = arith.constant 153600 : i32
        %add3A_53 = arith.addi %add3A_52, %mul3A_51 : i32
        %dma_wait3A = arith.constant 0 : i32
        %dma_wait3A_54 = tpu.memref_slice %arg3[%arg0, %add3A_53, %dma_wait3A] : memref<2x160000x128xf32, #tpu.memory_space<hbm>> -> memref<1x128x128xf32, #tpu.memory_space<hbm>>
        %dma_wait3A_55 = tpu.memref_squeeze %dma_wait3A_54 : memref<1x128x128xf32, #tpu.memory_space<hbm>> -> memref<128x128xf32, #tpu.memory_space<hbm>>
        %dma_wait3A_56 = arith.constant 0 : i32
        %dma_wait3A_57 = tpu.memref_slice %arg3[%arg0, %add3A_53, %dma_wait3A_56] : memref<2x160000x128xf32, #tpu.memory_space<hbm>> -> memref<1x128x128xf32, #tpu.memory_space<hbm>>
        %dma_wait3A_58 = tpu.memref_squeeze %dma_wait3A_57 : memref<1x128x128xf32, #tpu.memory_space<hbm>> -> memref<128x128xf32, #tpu.memory_space<hbm>>
        tpu.wait_dma2 semaphore(%arg10 : memref<!tpu.dma_semaphore, #tpu.memory_space<semaphore_mem>>) src(%dma_wait3A_58 : memref<128x128xf32, #tpu.memory_space<hbm>>) dst(%arg7 : memref<128x128xf32, #tpu.memory_space<vmem>>)
        %run_scoped3A = arith.constant 0 : i32
        "tpu.region"() ({
          %run_scoped3A_88 = tpu.sem_alloc : memref<!tpu.dma_semaphore, #tpu.memory_space<semaphore_mem>>
          %dma_start3A_89 = arith.constant 0 : i32
          %dma_start3A_90 = tpu.memref_slice %arg6[%add3A_49, %run_scoped3A, %dma_start3A_89] : memref<80x1x128xi32, #tpu.memory_space<vmem>> -> memref<1x1x128xi32, #tpu.memory_space<vmem>>
          %dma_start3A_91 = tpu.memref_squeeze %dma_start3A_90 : memref<1x1x128xi32, #tpu.memory_space<vmem>> -> memref<128xi32, #tpu.memory_space<vmem>>
          %dma_start3A_92 = arith.constant 0 : i32
          %dma_start3A_93 = arith.constant 0 : i32
          %dma_start3A_94 = tpu.memref_slice %arg9[%dma_start3A_92, %dma_start3A_93] : memref<10000x128xf32, #tpu.memory_space<vmem_shared>> -> memref<10000x128xf32, #tpu.memory_space<vmem_shared>>
          tpu.enqueue_indirect_dma source(%arg7 : memref<128x128xf32, #tpu.memory_space<vmem>>) target(%dma_start3A_94 : memref<10000x128xf32, #tpu.memory_space<vmem_shared>>) offsets(%dma_start3A_91 : memref<128xi32, #tpu.memory_space<vmem>>) semaphore(%run_scoped3A_88 : memref<!tpu.dma_semaphore, #tpu.memory_space<semaphore_mem>>) {add = true}
          %dma_wait3A_95 = arith.constant 0 : i32
          %dma_wait3A_96 = tpu.memref_slice %arg6[%add3A_49, %run_scoped3A, %dma_wait3A_95] : memref<80x1x128xi32, #tpu.memory_space<vmem>> -> memref<1x1x128xi32, #tpu.memory_space<vmem>>
          %dma_wait3A_97 = tpu.memref_squeeze %dma_wait3A_96 : memref<1x1x128xi32, #tpu.memory_space<vmem>> -> memref<128xi32, #tpu.memory_space<vmem>>
          %dma_wait3A_98 = arith.constant 0 : i32
          %dma_wait3A_99 = arith.constant 0 : i32
          %dma_wait3A_100 = tpu.memref_slice %arg9[%dma_wait3A_98, %dma_wait3A_99] : memref<10000x128xf32, #tpu.memory_space<vmem_shared>> -> memref<10000x128xf32, #tpu.memory_space<vmem_shared>>
          tpu.wait_indirect_dma semaphore(%run_scoped3A_88 : memref<!tpu.dma_semaphore, #tpu.memory_space<semaphore_mem>>) src(%arg7 : memref<128x128xf32, #tpu.memory_space<vmem>>) dst(%dma_wait3A_100 : memref<10000x128xf32, #tpu.memory_space<vmem_shared>>)
          tpu.yield
        }) : () -> ()
        %add3A_59 = arith.constant 2 : i32
        %add3A_60 = arith.addi %add3A_49, %add3A_59 : i32
        %lt3A_61 = arith.constant 50 : i32
        %lt3A_62 = arith.cmpi slt, %add3A_60, %lt3A_61 : i32
        %convert_element_type3A_63 = arith.extui %lt3A_62 : i1 to i32
        %cond3A_64 = arith.constant 0 : i32
        %cond3A_65 = arith.cmpi ne, %convert_element_type3A_63, %cond3A_64 : i32
        scf.if %cond3A_65 {
          %add3A_88 = arith.constant 2 : i32
          %add3A_89 = arith.addi %add3A_49, %add3A_88 : i32
          %mul3A_90 = arith.constant 128 : i32
          %mul3A_91 = arith.muli %add3A_89, %mul3A_90 : i32
          %add3A_92 = arith.constant 153600 : i32
          %add3A_93 = arith.addi %add3A_92, %mul3A_91 : i32
          %dma_start3A_94 = arith.constant 0 : i32
          %dma_start3A_95 = tpu.memref_slice %arg3[%arg0, %add3A_93, %dma_start3A_94] : memref<2x160000x128xf32, #tpu.memory_space<hbm>> -> memref<1x128x128xf32, #tpu.memory_space<hbm>>
          %dma_start3A_96 = tpu.memref_squeeze %dma_start3A_95 : memref<1x128x128xf32, #tpu.memory_space<hbm>> -> memref<128x128xf32, #tpu.memory_space<hbm>>
          %dma_start3A_97 = arith.constant 0 : i32
          %dma_start3A_98 = tpu.memref_slice %arg3[%arg0, %add3A_93, %dma_start3A_97] : memref<2x160000x128xf32, #tpu.memory_space<hbm>> -> memref<1x128x128xf32, #tpu.memory_space<hbm>>
          %dma_start3A_99 = tpu.memref_squeeze %dma_start3A_98 : memref<1x128x128xf32, #tpu.memory_space<hbm>> -> memref<128x128xf32, #tpu.memory_space<hbm>>
          tpu.enqueue_dma source(%dma_start3A_99 : memref<128x128xf32, #tpu.memory_space<hbm>>) target(%arg7 : memref<128x128xf32, #tpu.memory_space<vmem>>) target_semaphore(%arg10 : memref<!tpu.dma_semaphore, #tpu.memory_space<semaphore_mem>>)
        } else {
        }
        %mul3A_66 = arith.constant 2 : i32
        %mul3A_67 = arith.muli %mul3A_66, %scan3A_47 : i32
        %add3A_68 = arith.constant 1 : i32
        %add3A_69 = arith.addi %mul3A_67, %add3A_68 : i32
        %mul3A_70 = arith.constant 128 : i32
        %mul3A_71 = arith.muli %add3A_69, %mul3A_70 : i32
        %add3A_72 = arith.constant 153600 : i32
        %add3A_73 = arith.addi %add3A_72, %mul3A_71 : i32
        %dma_wait3A_74 = arith.constant 0 : i32
        %dma_wait3A_75 = tpu.memref_slice %arg3[%arg0, %add3A_73, %dma_wait3A_74] : memref<2x160000x128xf32, #tpu.memory_space<hbm>> -> memref<1x128x128xf32, #tpu.memory_space<hbm>>
        %dma_wait3A_76 = tpu.memref_squeeze %dma_wait3A_75 : memref<1x128x128xf32, #tpu.memory_space<hbm>> -> memref<128x128xf32, #tpu.memory_space<hbm>>
        %dma_wait3A_77 = arith.constant 0 : i32
        %dma_wait3A_78 = tpu.memref_slice %arg3[%arg0, %add3A_73, %dma_wait3A_77] : memref<2x160000x128xf32, #tpu.memory_space<hbm>> -> memref<1x128x128xf32, #tpu.memory_space<hbm>>
        %dma_wait3A_79 = tpu.memref_squeeze %dma_wait3A_78 : memref<1x128x128xf32, #tpu.memory_space<hbm>> -> memref<128x128xf32, #tpu.memory_space<hbm>>
        tpu.wait_dma2 semaphore(%arg11 : memref<!tpu.dma_semaphore, #tpu.memory_space<semaphore_mem>>) src(%dma_wait3A_79 : memref<128x128xf32, #tpu.memory_space<hbm>>) dst(%arg8 : memref<128x128xf32, #tpu.memory_space<vmem>>)
        %run_scoped3A_80 = arith.constant 0 : i32
        "tpu.region"() ({
          %run_scoped3A_88 = tpu.sem_alloc : memref<!tpu.dma_semaphore, #tpu.memory_space<semaphore_mem>>
          %dma_start3A_89 = arith.constant 0 : i32
          %dma_start3A_90 = tpu.memref_slice %arg6[%add3A_69, %run_scoped3A_80, %dma_start3A_89] : memref<80x1x128xi32, #tpu.memory_space<vmem>> -> memref<1x1x128xi32, #tpu.memory_space<vmem>>
          %dma_start3A_91 = tpu.memref_squeeze %dma_start3A_90 : memref<1x1x128xi32, #tpu.memory_space<vmem>> -> memref<128xi32, #tpu.memory_space<vmem>>
          %dma_start3A_92 = arith.constant 0 : i32
          %dma_start3A_93 = arith.constant 0 : i32
          %dma_start3A_94 = tpu.memref_slice %arg9[%dma_start3A_92, %dma_start3A_93] : memref<10000x128xf32, #tpu.memory_space<vmem_shared>> -> memref<10000x128xf32, #tpu.memory_space<vmem_shared>>
          tpu.enqueue_indirect_dma source(%arg8 : memref<128x128xf32, #tpu.memory_space<vmem>>) target(%dma_start3A_94 : memref<10000x128xf32, #tpu.memory_space<vmem_shared>>) offsets(%dma_start3A_91 : memref<128xi32, #tpu.memory_space<vmem>>) semaphore(%run_scoped3A_88 : memref<!tpu.dma_semaphore, #tpu.memory_space<semaphore_mem>>) {add = true}
          %dma_wait3A_95 = arith.constant 0 : i32
          %dma_wait3A_96 = tpu.memref_slice %arg6[%add3A_69, %run_scoped3A_80, %dma_wait3A_95] : memref<80x1x128xi32, #tpu.memory_space<vmem>> -> memref<1x1x128xi32, #tpu.memory_space<vmem>>
          %dma_wait3A_97 = tpu.memref_squeeze %dma_wait3A_96 : memref<1x1x128xi32, #tpu.memory_space<vmem>> -> memref<128xi32, #tpu.memory_space<vmem>>
          %dma_wait3A_98 = arith.constant 0 : i32
          %dma_wait3A_99 = arith.constant 0 : i32
          %dma_wait3A_100 = tpu.memref_slice %arg9[%dma_wait3A_98, %dma_wait3A_99] : memref<10000x128xf32, #tpu.memory_space<vmem_shared>> -> memref<10000x128xf32, #tpu.memory_space<vmem_shared>>
          tpu.wait_indirect_dma semaphore(%run_scoped3A_88 : memref<!tpu.dma_semaphore, #tpu.memory_space<semaphore_mem>>) src(%arg8 : memref<128x128xf32, #tpu.memory_space<vmem>>) dst(%dma_wait3A_100 : memref<10000x128xf32, #tpu.memory_space<vmem_shared>>)
          tpu.yield
        }) : () -> ()
        %add3A_81 = arith.constant 2 : i32
        %add3A_82 = arith.addi %add3A_69, %add3A_81 : i32
        %lt3A_83 = arith.constant 50 : i32
        %lt3A_84 = arith.cmpi slt, %add3A_82, %lt3A_83 : i32
        %convert_element_type3A_85 = arith.extui %lt3A_84 : i1 to i32
        %cond3A_86 = arith.constant 0 : i32
        %cond3A_87 = arith.cmpi ne, %convert_element_type3A_85, %cond3A_86 : i32
        scf.if %cond3A_87 {
          %add3A_88 = arith.constant 2 : i32
          %add3A_89 = arith.addi %add3A_69, %add3A_88 : i32
          %mul3A_90 = arith.constant 128 : i32
          %mul3A_91 = arith.muli %add3A_89, %mul3A_90 : i32
          %add3A_92 = arith.constant 153600 : i32
          %add3A_93 = arith.addi %add3A_92, %mul3A_91 : i32
          %dma_start3A_94 = arith.constant 0 : i32
          %dma_start3A_95 = tpu.memref_slice %arg3[%arg0, %add3A_93, %dma_start3A_94] : memref<2x160000x128xf32, #tpu.memory_space<hbm>> -> memref<1x128x128xf32, #tpu.memory_space<hbm>>
          %dma_start3A_96 = tpu.memref_squeeze %dma_start3A_95 : memref<1x128x128xf32, #tpu.memory_space<hbm>> -> memref<128x128xf32, #tpu.memory_space<hbm>>
          %dma_start3A_97 = arith.constant 0 : i32
          %dma_start3A_98 = tpu.memref_slice %arg3[%arg0, %add3A_93, %dma_start3A_97] : memref<2x160000x128xf32, #tpu.memory_space<hbm>> -> memref<1x128x128xf32, #tpu.memory_space<hbm>>
          %dma_start3A_99 = tpu.memref_squeeze %dma_start3A_98 : memref<1x128x128xf32, #tpu.memory_space<hbm>> -> memref<128x128xf32, #tpu.memory_space<hbm>>
          tpu.enqueue_dma source(%dma_start3A_99 : memref<128x128xf32, #tpu.memory_space<hbm>>) target(%arg8 : memref<128x128xf32, #tpu.memory_space<vmem>>) target_semaphore(%arg11 : memref<!tpu.dma_semaphore, #tpu.memory_space<semaphore_mem>>)
        } else {
        }
      }
      %scan3A_46 = arith.constant 25 : i32
    } else {
    }
    %barrier3A_16 = arith.constant 0 : index
    tpu.barrier barrier_id(%barrier3A_16)
    %lt3A_17 = arith.constant 15 : i32
    %lt3A_18 = arith.cmpi slt, %arg1, %lt3A_17 : i32
    %convert_element_type3A_19 = arith.extui %lt3A_18 : i1 to i32
    %cond3A_20 = arith.constant 0 : i32
    %cond3A_21 = arith.cmpi ne, %convert_element_type3A_19, %cond3A_20 : i32
    scf.if %cond3A_21 {
      %mul3A = arith.constant 624 : i32
      %mul3A_27 = arith.muli %arg1, %mul3A : i32
      "tpu.region"() ({
        %run_scoped3A = tpu.sem_alloc : memref<!tpu.dma_semaphore, #tpu.memory_space<semaphore_mem>>
        %dma_start3A = arith.constant 0 : i32
        %dma_start3A_28 = tpu.memref_slice %arg5[%arg0, %mul3A_27, %dma_start3A] : memref<2x10000x128xf32, #tpu.memory_space<hbm>> -> memref<1x624x128xf32, #tpu.memory_space<hbm>>
        %dma_start3A_29 = tpu.memref_squeeze %dma_start3A_28 : memref<1x624x128xf32, #tpu.memory_space<hbm>> -> memref<624x128xf32, #tpu.memory_space<hbm>>
        %dma_start3A_30 = arith.constant 0 : i32
        %dma_start3A_31 = tpu.memref_slice %arg9[%mul3A_27, %dma_start3A_30] : memref<10000x128xf32, #tpu.memory_space<vmem_shared>> -> memref<624x128xf32, #tpu.memory_space<vmem_shared>>
        tpu.enqueue_dma source(%dma_start3A_31 : memref<624x128xf32, #tpu.memory_space<vmem_shared>>) target(%dma_start3A_29 : memref<624x128xf32, #tpu.memory_space<hbm>>) target_semaphore(%run_scoped3A : memref<!tpu.dma_semaphore, #tpu.memory_space<semaphore_mem>>)
        %dma_wait3A = arith.constant 0 : i32
        %dma_wait3A_32 = tpu.memref_slice %arg5[%arg0, %mul3A_27, %dma_wait3A] : memref<2x10000x128xf32, #tpu.memory_space<hbm>> -> memref<1x624x128xf32, #tpu.memory_space<hbm>>
        %dma_wait3A_33 = tpu.memref_squeeze %dma_wait3A_32 : memref<1x624x128xf32, #tpu.memory_space<hbm>> -> memref<624x128xf32, #tpu.memory_space<hbm>>
        %dma_wait3A_34 = arith.constant 0 : i32
        %dma_wait3A_35 = tpu.memref_slice %arg9[%mul3A_27, %dma_wait3A_34] : memref<10000x128xf32, #tpu.memory_space<vmem_shared>> -> memref<624x128xf32, #tpu.memory_space<vmem_shared>>
        tpu.wait_dma2 semaphore(%run_scoped3A : memref<!tpu.dma_semaphore, #tpu.memory_space<semaphore_mem>>) src(%dma_wait3A_35 : memref<624x128xf32, #tpu.memory_space<vmem_shared>>) dst(%dma_wait3A_33 : memref<624x128xf32, #tpu.memory_space<hbm>>)
        tpu.yield
      }) : () -> ()
    } else {
    }
    %eq3A_22 = arith.constant 15 : i32
    %eq3A_23 = arith.cmpi eq, %arg1, %eq3A_22 : i32
    %convert_element_type3A_24 = arith.extui %eq3A_23 : i1 to i32
    %cond3A_25 = arith.constant 0 : i32
    %cond3A_26 = arith.cmpi ne, %convert_element_type3A_24, %cond3A_25 : i32
    scf.if %cond3A_26 {
      "tpu.region"() ({
        %run_scoped3A = tpu.sem_alloc : memref<!tpu.dma_semaphore, #tpu.memory_space<semaphore_mem>>
        %dma_start3A = arith.constant 9360 : i32
        %dma_start3A_27 = arith.constant 0 : i32
        %dma_start3A_28 = tpu.memref_slice %arg5[%arg0, %dma_start3A, %dma_start3A_27] : memref<2x10000x128xf32, #tpu.memory_space<hbm>> -> memref<1x640x128xf32, #tpu.memory_space<hbm>>
        %dma_start3A_29 = tpu.memref_squeeze %dma_start3A_28 : memref<1x640x128xf32, #tpu.memory_space<hbm>> -> memref<640x128xf32, #tpu.memory_space<hbm>>
        %dma_start3A_30 = arith.constant 9360 : i32
        %dma_start3A_31 = arith.constant 0 : i32
        %dma_start3A_32 = tpu.memref_slice %arg9[%dma_start3A_30, %dma_start3A_31] : memref<10000x128xf32, #tpu.memory_space<vmem_shared>> -> memref<640x128xf32, #tpu.memory_space<vmem_shared>>
        tpu.enqueue_dma source(%dma_start3A_32 : memref<640x128xf32, #tpu.memory_space<vmem_shared>>) target(%dma_start3A_29 : memref<640x128xf32, #tpu.memory_space<hbm>>) target_semaphore(%run_scoped3A : memref<!tpu.dma_semaphore, #tpu.memory_space<semaphore_mem>>)
        %dma_wait3A = arith.constant 9360 : i32
        %dma_wait3A_33 = arith.constant 0 : i32
        %dma_wait3A_34 = tpu.memref_slice %arg5[%arg0, %dma_wait3A, %dma_wait3A_33] : memref<2x10000x128xf32, #tpu.memory_space<hbm>> -> memref<1x640x128xf32, #tpu.memory_space<hbm>>
        %dma_wait3A_35 = tpu.memref_squeeze %dma_wait3A_34 : memref<1x640x128xf32, #tpu.memory_space<hbm>> -> memref<640x128xf32, #tpu.memory_space<hbm>>
        %dma_wait3A_36 = arith.constant 9360 : i32
        %dma_wait3A_37 = arith.constant 0 : i32
        %dma_wait3A_38 = tpu.memref_slice %arg9[%dma_wait3A_36, %dma_wait3A_37] : memref<10000x128xf32, #tpu.memory_space<vmem_shared>> -> memref<640x128xf32, #tpu.memory_space<vmem_shared>>
        tpu.wait_dma2 semaphore(%run_scoped3A : memref<!tpu.dma_semaphore, #tpu.memory_space<semaphore_mem>>) src(%dma_wait3A_38 : memref<640x128xf32, #tpu.memory_space<vmem_shared>>) dst(%dma_wait3A_35 : memref<640x128xf32, #tpu.memory_space<hbm>>)
        tpu.yield
      }) : () -> ()
    } else {
    }
    return
  }
}

#map = affine_map<(d0, d1) -> (0)>
#map1 = affine_map<(d0, d1) -> (0, 0)>
module attributes {stable_mosaic.version = 14 : i64} {
  func.func @_sc_gather_body(%arg0: i32, %arg1: i32, %arg2: memref<160000xi32, #tpu.memory_space<hbm>>, %arg3: memref<160000xi32, #tpu.memory_space<hbm>>, %arg4: memref<10000x256xf32, #tpu.memory_space<hbm>>, %arg5: memref<10000x256xf32, #tpu.memory_space<hbm>>, %arg6: memref<10000x256xf32, #tpu.memory_space<hbm>>, %arg7: memref<160000x256xf32, #tpu.memory_space<hbm>>, %arg8: memref<160000x256xf32, #tpu.memory_space<hbm>>, %arg9: memref<160000x256xf32, #tpu.memory_space<hbm>>, %arg10: memref<1x80xi32, #tpu.memory_space<vmem>>, %arg11: memref<1x80xi32, #tpu.memory_space<vmem>>, %arg12: memref<1x80xi32, #tpu.memory_space<vmem>>, %arg13: memref<1x80xi32, #tpu.memory_space<vmem>>, %arg14: memref<1x40xi32, #tpu.memory_space<vmem>>, %arg15: memref<1x40xi32, #tpu.memory_space<vmem>>, %arg16: memref<80x256xf32, #tpu.memory_space<vmem>>, %arg17: memref<80x256xf32, #tpu.memory_space<vmem>>, %arg18: memref<80x256xf32, #tpu.memory_space<vmem>>, %arg19: memref<80x256xf32, #tpu.memory_space<vmem>>, %arg20: memref<80x256xf32, #tpu.memory_space<vmem>>, %arg21: memref<80x256xf32, #tpu.memory_space<vmem>>, %arg22: memref<!tpu.dma_semaphore, #tpu.memory_space<semaphore_mem>>, %arg23: memref<!tpu.dma_semaphore, #tpu.memory_space<semaphore_mem>>) attributes {dimension_semantics = [#tpu.dimension_semantics<core_parallel>, #tpu.dimension_semantics<subcore_parallel>], iteration_bounds = array<i64: 2, 16>, scalar_prefetch = 0 : i64, scratch_operands = 14 : i64, tpu.core_type = #tpu.core_type<sc_vector_subcore>, window_params = [{transform_indices = #map}, {transform_indices = #map}, {transform_indices = #map1}, {transform_indices = #map1}, {transform_indices = #map1}, {transform_indices = #map1}, {transform_indices = #map1}, {transform_indices = #map1}]} {
    %mul3A = arith.constant 2 : i32
    %mul3A_0 = arith.muli %arg1, %mul3A : i32
    %add3A = arith.addi %mul3A_0, %arg0 : i32
    %mul3A_1 = arith.constant 5000 : i32
    %mul3A_2 = arith.muli %add3A, %mul3A_1 : i32
    %run_scoped3A = arith.constant 0 : i32
    "tpu.region"() ({
      %run_scoped3A_117 = tpu.sem_alloc : memref<!tpu.dma_semaphore, #tpu.memory_space<semaphore_mem>>
      %dma_start3A_118 = arith.constant 0 : i32
      %dma_start3A_119 = tpu.memref_slice %arg10[%run_scoped3A, %dma_start3A_118] : memref<1x80xi32, #tpu.memory_space<vmem>> -> memref<1x80xi32, #tpu.memory_space<vmem>>
      %dma_start3A_120 = tpu.memref_squeeze %dma_start3A_119 : memref<1x80xi32, #tpu.memory_space<vmem>> -> memref<80xi32, #tpu.memory_space<vmem>>
      %dma_start3A_121 = tpu.memref_slice %arg2[%mul3A_2] : memref<160000xi32, #tpu.memory_space<hbm>> -> memref<80xi32, #tpu.memory_space<hbm>>
      %dma_start3A_122 = arith.constant 0 : i32
      %dma_start3A_123 = tpu.memref_slice %arg10[%run_scoped3A, %dma_start3A_122] : memref<1x80xi32, #tpu.memory_space<vmem>> -> memref<1x80xi32, #tpu.memory_space<vmem>>
      %dma_start3A_124 = tpu.memref_squeeze %dma_start3A_123 : memref<1x80xi32, #tpu.memory_space<vmem>> -> memref<80xi32, #tpu.memory_space<vmem>>
      %dma_start3A_125 = tpu.memref_slice %arg2[%mul3A_2] : memref<160000xi32, #tpu.memory_space<hbm>> -> memref<80xi32, #tpu.memory_space<hbm>>
      tpu.enqueue_dma source(%dma_start3A_125 : memref<80xi32, #tpu.memory_space<hbm>>) target(%dma_start3A_124 : memref<80xi32, #tpu.memory_space<vmem>>) target_semaphore(%run_scoped3A_117 : memref<!tpu.dma_semaphore, #tpu.memory_space<semaphore_mem>>)
      %dma_wait3A_126 = arith.constant 0 : i32
      %dma_wait3A_127 = tpu.memref_slice %arg10[%run_scoped3A, %dma_wait3A_126] : memref<1x80xi32, #tpu.memory_space<vmem>> -> memref<1x80xi32, #tpu.memory_space<vmem>>
      %dma_wait3A_128 = tpu.memref_squeeze %dma_wait3A_127 : memref<1x80xi32, #tpu.memory_space<vmem>> -> memref<80xi32, #tpu.memory_space<vmem>>
      %dma_wait3A_129 = tpu.memref_slice %arg2[%mul3A_2] : memref<160000xi32, #tpu.memory_space<hbm>> -> memref<80xi32, #tpu.memory_space<hbm>>
      %dma_wait3A_130 = arith.constant 0 : i32
      %dma_wait3A_131 = tpu.memref_slice %arg10[%run_scoped3A, %dma_wait3A_130] : memref<1x80xi32, #tpu.memory_space<vmem>> -> memref<1x80xi32, #tpu.memory_space<vmem>>
      %dma_wait3A_132 = tpu.memref_squeeze %dma_wait3A_131 : memref<1x80xi32, #tpu.memory_space<vmem>> -> memref<80xi32, #tpu.memory_space<vmem>>
      %dma_wait3A_133 = tpu.memref_slice %arg2[%mul3A_2] : memref<160000xi32, #tpu.memory_space<hbm>> -> memref<80xi32, #tpu.memory_space<hbm>>
      tpu.wait_dma2 semaphore(%run_scoped3A_117 : memref<!tpu.dma_semaphore, #tpu.memory_space<semaphore_mem>>) src(%dma_wait3A_133 : memref<80xi32, #tpu.memory_space<hbm>>) dst(%dma_wait3A_132 : memref<80xi32, #tpu.memory_space<vmem>>)
      tpu.yield
    }) : () -> ()
    %run_scoped3A_3 = arith.constant 0 : i32
    "tpu.region"() ({
      %run_scoped3A_117 = tpu.sem_alloc : memref<!tpu.dma_semaphore, #tpu.memory_space<semaphore_mem>>
      %dma_start3A_118 = arith.constant 0 : i32
      %dma_start3A_119 = tpu.memref_slice %arg11[%run_scoped3A_3, %dma_start3A_118] : memref<1x80xi32, #tpu.memory_space<vmem>> -> memref<1x80xi32, #tpu.memory_space<vmem>>
      %dma_start3A_120 = tpu.memref_squeeze %dma_start3A_119 : memref<1x80xi32, #tpu.memory_space<vmem>> -> memref<80xi32, #tpu.memory_space<vmem>>
      %dma_start3A_121 = tpu.memref_slice %arg3[%mul3A_2] : memref<160000xi32, #tpu.memory_space<hbm>> -> memref<80xi32, #tpu.memory_space<hbm>>
      %dma_start3A_122 = arith.constant 0 : i32
      %dma_start3A_123 = tpu.memref_slice %arg11[%run_scoped3A_3, %dma_start3A_122] : memref<1x80xi32, #tpu.memory_space<vmem>> -> memref<1x80xi32, #tpu.memory_space<vmem>>
      %dma_start3A_124 = tpu.memref_squeeze %dma_start3A_123 : memref<1x80xi32, #tpu.memory_space<vmem>> -> memref<80xi32, #tpu.memory_space<vmem>>
      %dma_start3A_125 = tpu.memref_slice %arg3[%mul3A_2] : memref<160000xi32, #tpu.memory_space<hbm>> -> memref<80xi32, #tpu.memory_space<hbm>>
      tpu.enqueue_dma source(%dma_start3A_125 : memref<80xi32, #tpu.memory_space<hbm>>) target(%dma_start3A_124 : memref<80xi32, #tpu.memory_space<vmem>>) target_semaphore(%run_scoped3A_117 : memref<!tpu.dma_semaphore, #tpu.memory_space<semaphore_mem>>)
      %dma_wait3A_126 = arith.constant 0 : i32
      %dma_wait3A_127 = tpu.memref_slice %arg11[%run_scoped3A_3, %dma_wait3A_126] : memref<1x80xi32, #tpu.memory_space<vmem>> -> memref<1x80xi32, #tpu.memory_space<vmem>>
      %dma_wait3A_128 = tpu.memref_squeeze %dma_wait3A_127 : memref<1x80xi32, #tpu.memory_space<vmem>> -> memref<80xi32, #tpu.memory_space<vmem>>
      %dma_wait3A_129 = tpu.memref_slice %arg3[%mul3A_2] : memref<160000xi32, #tpu.memory_space<hbm>> -> memref<80xi32, #tpu.memory_space<hbm>>
      %dma_wait3A_130 = arith.constant 0 : i32
      %dma_wait3A_131 = tpu.memref_slice %arg11[%run_scoped3A_3, %dma_wait3A_130] : memref<1x80xi32, #tpu.memory_space<vmem>> -> memref<1x80xi32, #tpu.memory_space<vmem>>
      %dma_wait3A_132 = tpu.memref_squeeze %dma_wait3A_131 : memref<1x80xi32, #tpu.memory_space<vmem>> -> memref<80xi32, #tpu.memory_space<vmem>>
      %dma_wait3A_133 = tpu.memref_slice %arg3[%mul3A_2] : memref<160000xi32, #tpu.memory_space<hbm>> -> memref<80xi32, #tpu.memory_space<hbm>>
      tpu.wait_dma2 semaphore(%run_scoped3A_117 : memref<!tpu.dma_semaphore, #tpu.memory_space<semaphore_mem>>) src(%dma_wait3A_133 : memref<80xi32, #tpu.memory_space<hbm>>) dst(%dma_wait3A_132 : memref<80xi32, #tpu.memory_space<vmem>>)
      tpu.yield
    }) : () -> ()
    %dma_start3A = arith.constant 0 : i32
    %dma_start3A_4 = arith.constant 0 : i32
    %dma_start3A_5 = tpu.memref_slice %arg11[%dma_start3A, %dma_start3A_4] : memref<1x80xi32, #tpu.memory_space<vmem>> -> memref<1x80xi32, #tpu.memory_space<vmem>>
    %dma_start3A_6 = tpu.memref_squeeze %dma_start3A_5 : memref<1x80xi32, #tpu.memory_space<vmem>> -> memref<80xi32, #tpu.memory_space<vmem>>
    %dma_start3A_7 = arith.constant 0 : i32
    %dma_start3A_8 = arith.constant 0 : i32
    %dma_start3A_9 = tpu.memref_slice %arg4[%dma_start3A_7, %dma_start3A_8] : memref<10000x256xf32, #tpu.memory_space<hbm>> -> memref<10000x256xf32, #tpu.memory_space<hbm>>
    tpu.enqueue_indirect_dma source(%dma_start3A_9 : memref<10000x256xf32, #tpu.memory_space<hbm>>) target(%arg16 : memref<80x256xf32, #tpu.memory_space<vmem>>) offsets(%dma_start3A_6 : memref<80xi32, #tpu.memory_space<vmem>>) semaphore(%arg22 : memref<!tpu.dma_semaphore, #tpu.memory_space<semaphore_mem>>)
    %dma_start3A_10 = arith.constant 0 : i32
    %dma_start3A_11 = arith.constant 0 : i32
    %dma_start3A_12 = tpu.memref_slice %arg10[%dma_start3A_10, %dma_start3A_11] : memref<1x80xi32, #tpu.memory_space<vmem>> -> memref<1x80xi32, #tpu.memory_space<vmem>>
    %dma_start3A_13 = tpu.memref_squeeze %dma_start3A_12 : memref<1x80xi32, #tpu.memory_space<vmem>> -> memref<80xi32, #tpu.memory_space<vmem>>
    %dma_start3A_14 = arith.constant 0 : i32
    %dma_start3A_15 = arith.constant 0 : i32
    %dma_start3A_16 = tpu.memref_slice %arg5[%dma_start3A_14, %dma_start3A_15] : memref<10000x256xf32, #tpu.memory_space<hbm>> -> memref<10000x256xf32, #tpu.memory_space<hbm>>
    tpu.enqueue_indirect_dma source(%dma_start3A_16 : memref<10000x256xf32, #tpu.memory_space<hbm>>) target(%arg17 : memref<80x256xf32, #tpu.memory_space<vmem>>) offsets(%dma_start3A_13 : memref<80xi32, #tpu.memory_space<vmem>>) semaphore(%arg22 : memref<!tpu.dma_semaphore, #tpu.memory_space<semaphore_mem>>)
    %dma_start3A_17 = arith.constant 0 : i32
    %dma_start3A_18 = arith.constant 0 : i32
    %dma_start3A_19 = tpu.memref_slice %arg10[%dma_start3A_17, %dma_start3A_18] : memref<1x80xi32, #tpu.memory_space<vmem>> -> memref<1x80xi32, #tpu.memory_space<vmem>>
    %dma_start3A_20 = tpu.memref_squeeze %dma_start3A_19 : memref<1x80xi32, #tpu.memory_space<vmem>> -> memref<80xi32, #tpu.memory_space<vmem>>
    %dma_start3A_21 = arith.constant 0 : i32
    %dma_start3A_22 = arith.constant 0 : i32
    %dma_start3A_23 = tpu.memref_slice %arg6[%dma_start3A_21, %dma_start3A_22] : memref<10000x256xf32, #tpu.memory_space<hbm>> -> memref<10000x256xf32, #tpu.memory_space<hbm>>
    tpu.enqueue_indirect_dma source(%dma_start3A_23 : memref<10000x256xf32, #tpu.memory_space<hbm>>) target(%arg18 : memref<80x256xf32, #tpu.memory_space<vmem>>) offsets(%dma_start3A_20 : memref<80xi32, #tpu.memory_space<vmem>>) semaphore(%arg22 : memref<!tpu.dma_semaphore, #tpu.memory_space<semaphore_mem>>)
    %add3A_24 = arith.constant 80 : i32
    %add3A_25 = arith.addi %mul3A_2, %add3A_24 : i32
    %run_scoped3A_26 = arith.constant 0 : i32
    "tpu.region"() ({
      %run_scoped3A_117 = tpu.sem_alloc : memref<!tpu.dma_semaphore, #tpu.memory_space<semaphore_mem>>
      %dma_start3A_118 = arith.constant 0 : i32
      %dma_start3A_119 = tpu.memref_slice %arg12[%run_scoped3A_26, %dma_start3A_118] : memref<1x80xi32, #tpu.memory_space<vmem>> -> memref<1x80xi32, #tpu.memory_space<vmem>>
      %dma_start3A_120 = tpu.memref_squeeze %dma_start3A_119 : memref<1x80xi32, #tpu.memory_space<vmem>> -> memref<80xi32, #tpu.memory_space<vmem>>
      %dma_start3A_121 = tpu.memref_slice %arg2[%add3A_25] : memref<160000xi32, #tpu.memory_space<hbm>> -> memref<80xi32, #tpu.memory_space<hbm>>
      %dma_start3A_122 = arith.constant 0 : i32
      %dma_start3A_123 = tpu.memref_slice %arg12[%run_scoped3A_26, %dma_start3A_122] : memref<1x80xi32, #tpu.memory_space<vmem>> -> memref<1x80xi32, #tpu.memory_space<vmem>>
      %dma_start3A_124 = tpu.memref_squeeze %dma_start3A_123 : memref<1x80xi32, #tpu.memory_space<vmem>> -> memref<80xi32, #tpu.memory_space<vmem>>
      %dma_start3A_125 = tpu.memref_slice %arg2[%add3A_25] : memref<160000xi32, #tpu.memory_space<hbm>> -> memref<80xi32, #tpu.memory_space<hbm>>
      tpu.enqueue_dma source(%dma_start3A_125 : memref<80xi32, #tpu.memory_space<hbm>>) target(%dma_start3A_124 : memref<80xi32, #tpu.memory_space<vmem>>) target_semaphore(%run_scoped3A_117 : memref<!tpu.dma_semaphore, #tpu.memory_space<semaphore_mem>>)
      %dma_wait3A_126 = arith.constant 0 : i32
      %dma_wait3A_127 = tpu.memref_slice %arg12[%run_scoped3A_26, %dma_wait3A_126] : memref<1x80xi32, #tpu.memory_space<vmem>> -> memref<1x80xi32, #tpu.memory_space<vmem>>
      %dma_wait3A_128 = tpu.memref_squeeze %dma_wait3A_127 : memref<1x80xi32, #tpu.memory_space<vmem>> -> memref<80xi32, #tpu.memory_space<vmem>>
      %dma_wait3A_129 = tpu.memref_slice %arg2[%add3A_25] : memref<160000xi32, #tpu.memory_space<hbm>> -> memref<80xi32, #tpu.memory_space<hbm>>
      %dma_wait3A_130 = arith.constant 0 : i32
      %dma_wait3A_131 = tpu.memref_slice %arg12[%run_scoped3A_26, %dma_wait3A_130] : memref<1x80xi32, #tpu.memory_space<vmem>> -> memref<1x80xi32, #tpu.memory_space<vmem>>
      %dma_wait3A_132 = tpu.memref_squeeze %dma_wait3A_131 : memref<1x80xi32, #tpu.memory_space<vmem>> -> memref<80xi32, #tpu.memory_space<vmem>>
      %dma_wait3A_133 = tpu.memref_slice %arg2[%add3A_25] : memref<160000xi32, #tpu.memory_space<hbm>> -> memref<80xi32, #tpu.memory_space<hbm>>
      tpu.wait_dma2 semaphore(%run_scoped3A_117 : memref<!tpu.dma_semaphore, #tpu.memory_space<semaphore_mem>>) src(%dma_wait3A_133 : memref<80xi32, #tpu.memory_space<hbm>>) dst(%dma_wait3A_132 : memref<80xi32, #tpu.memory_space<vmem>>)
      tpu.yield
    }) : () -> ()
    %run_scoped3A_27 = arith.constant 0 : i32
    "tpu.region"() ({
      %run_scoped3A_117 = tpu.sem_alloc : memref<!tpu.dma_semaphore, #tpu.memory_space<semaphore_mem>>
      %dma_start3A_118 = arith.constant 0 : i32
      %dma_start3A_119 = tpu.memref_slice %arg13[%run_scoped3A_27, %dma_start3A_118] : memref<1x80xi32, #tpu.memory_space<vmem>> -> memref<1x80xi32, #tpu.memory_space<vmem>>
      %dma_start3A_120 = tpu.memref_squeeze %dma_start3A_119 : memref<1x80xi32, #tpu.memory_space<vmem>> -> memref<80xi32, #tpu.memory_space<vmem>>
      %dma_start3A_121 = tpu.memref_slice %arg3[%add3A_25] : memref<160000xi32, #tpu.memory_space<hbm>> -> memref<80xi32, #tpu.memory_space<hbm>>
      %dma_start3A_122 = arith.constant 0 : i32
      %dma_start3A_123 = tpu.memref_slice %arg13[%run_scoped3A_27, %dma_start3A_122] : memref<1x80xi32, #tpu.memory_space<vmem>> -> memref<1x80xi32, #tpu.memory_space<vmem>>
      %dma_start3A_124 = tpu.memref_squeeze %dma_start3A_123 : memref<1x80xi32, #tpu.memory_space<vmem>> -> memref<80xi32, #tpu.memory_space<vmem>>
      %dma_start3A_125 = tpu.memref_slice %arg3[%add3A_25] : memref<160000xi32, #tpu.memory_space<hbm>> -> memref<80xi32, #tpu.memory_space<hbm>>
      tpu.enqueue_dma source(%dma_start3A_125 : memref<80xi32, #tpu.memory_space<hbm>>) target(%dma_start3A_124 : memref<80xi32, #tpu.memory_space<vmem>>) target_semaphore(%run_scoped3A_117 : memref<!tpu.dma_semaphore, #tpu.memory_space<semaphore_mem>>)
      %dma_wait3A_126 = arith.constant 0 : i32
      %dma_wait3A_127 = tpu.memref_slice %arg13[%run_scoped3A_27, %dma_wait3A_126] : memref<1x80xi32, #tpu.memory_space<vmem>> -> memref<1x80xi32, #tpu.memory_space<vmem>>
      %dma_wait3A_128 = tpu.memref_squeeze %dma_wait3A_127 : memref<1x80xi32, #tpu.memory_space<vmem>> -> memref<80xi32, #tpu.memory_space<vmem>>
      %dma_wait3A_129 = tpu.memref_slice %arg3[%add3A_25] : memref<160000xi32, #tpu.memory_space<hbm>> -> memref<80xi32, #tpu.memory_space<hbm>>
      %dma_wait3A_130 = arith.constant 0 : i32
      %dma_wait3A_131 = tpu.memref_slice %arg13[%run_scoped3A_27, %dma_wait3A_130] : memref<1x80xi32, #tpu.memory_space<vmem>> -> memref<1x80xi32, #tpu.memory_space<vmem>>
      %dma_wait3A_132 = tpu.memref_squeeze %dma_wait3A_131 : memref<1x80xi32, #tpu.memory_space<vmem>> -> memref<80xi32, #tpu.memory_space<vmem>>
      %dma_wait3A_133 = tpu.memref_slice %arg3[%add3A_25] : memref<160000xi32, #tpu.memory_space<hbm>> -> memref<80xi32, #tpu.memory_space<hbm>>
      tpu.wait_dma2 semaphore(%run_scoped3A_117 : memref<!tpu.dma_semaphore, #tpu.memory_space<semaphore_mem>>) src(%dma_wait3A_133 : memref<80xi32, #tpu.memory_space<hbm>>) dst(%dma_wait3A_132 : memref<80xi32, #tpu.memory_space<vmem>>)
      tpu.yield
    }) : () -> ()
    %dma_start3A_28 = arith.constant 0 : i32
    %dma_start3A_29 = arith.constant 0 : i32
    %dma_start3A_30 = tpu.memref_slice %arg13[%dma_start3A_28, %dma_start3A_29] : memref<1x80xi32, #tpu.memory_space<vmem>> -> memref<1x80xi32, #tpu.memory_space<vmem>>
    %dma_start3A_31 = tpu.memref_squeeze %dma_start3A_30 : memref<1x80xi32, #tpu.memory_space<vmem>> -> memref<80xi32, #tpu.memory_space<vmem>>
    %dma_start3A_32 = arith.constant 0 : i32
    %dma_start3A_33 = arith.constant 0 : i32
    %dma_start3A_34 = tpu.memref_slice %arg4[%dma_start3A_32, %dma_start3A_33] : memref<10000x256xf32, #tpu.memory_space<hbm>> -> memref<10000x256xf32, #tpu.memory_space<hbm>>
    tpu.enqueue_indirect_dma source(%dma_start3A_34 : memref<10000x256xf32, #tpu.memory_space<hbm>>) target(%arg19 : memref<80x256xf32, #tpu.memory_space<vmem>>) offsets(%dma_start3A_31 : memref<80xi32, #tpu.memory_space<vmem>>) semaphore(%arg23 : memref<!tpu.dma_semaphore, #tpu.memory_space<semaphore_mem>>)
    %dma_start3A_35 = arith.constant 0 : i32
    %dma_start3A_36 = arith.constant 0 : i32
    %dma_start3A_37 = tpu.memref_slice %arg12[%dma_start3A_35, %dma_start3A_36] : memref<1x80xi32, #tpu.memory_space<vmem>> -> memref<1x80xi32, #tpu.memory_space<vmem>>
    %dma_start3A_38 = tpu.memref_squeeze %dma_start3A_37 : memref<1x80xi32, #tpu.memory_space<vmem>> -> memref<80xi32, #tpu.memory_space<vmem>>
    %dma_start3A_39 = arith.constant 0 : i32
    %dma_start3A_40 = arith.constant 0 : i32
    %dma_start3A_41 = tpu.memref_slice %arg5[%dma_start3A_39, %dma_start3A_40] : memref<10000x256xf32, #tpu.memory_space<hbm>> -> memref<10000x256xf32, #tpu.memory_space<hbm>>
    tpu.enqueue_indirect_dma source(%dma_start3A_41 : memref<10000x256xf32, #tpu.memory_space<hbm>>) target(%arg20 : memref<80x256xf32, #tpu.memory_space<vmem>>) offsets(%dma_start3A_38 : memref<80xi32, #tpu.memory_space<vmem>>) semaphore(%arg23 : memref<!tpu.dma_semaphore, #tpu.memory_space<semaphore_mem>>)
    %dma_start3A_42 = arith.constant 0 : i32
    %dma_start3A_43 = arith.constant 0 : i32
    %dma_start3A_44 = tpu.memref_slice %arg12[%dma_start3A_42, %dma_start3A_43] : memref<1x80xi32, #tpu.memory_space<vmem>> -> memref<1x80xi32, #tpu.memory_space<vmem>>
    %dma_start3A_45 = tpu.memref_squeeze %dma_start3A_44 : memref<1x80xi32, #tpu.memory_space<vmem>> -> memref<80xi32, #tpu.memory_space<vmem>>
    %dma_start3A_46 = arith.constant 0 : i32
    %dma_start3A_47 = arith.constant 0 : i32
    %dma_start3A_48 = tpu.memref_slice %arg6[%dma_start3A_46, %dma_start3A_47] : memref<10000x256xf32, #tpu.memory_space<hbm>> -> memref<10000x256xf32, #tpu.memory_space<hbm>>
    tpu.enqueue_indirect_dma source(%dma_start3A_48 : memref<10000x256xf32, #tpu.memory_space<hbm>>) target(%arg21 : memref<80x256xf32, #tpu.memory_space<vmem>>) offsets(%dma_start3A_45 : memref<80xi32, #tpu.memory_space<vmem>>) semaphore(%arg23 : memref<!tpu.dma_semaphore, #tpu.memory_space<semaphore_mem>>)
    %scan3A = arith.constant 0 : i32
    %scan3A_49 = arith.constant 0 : i32
    %scan3A_50 = arith.constant 31 : i32
    %scan3A_51 = arith.addi %scan3A_49, %scan3A_50 : i32
    %scan3A_52 = arith.constant 1 : i32
    scf.for %scan3A_117 = %scan3A_49 to %scan3A_51 step %scan3A_52  : i32 {
      %mul3A_118 = arith.constant 2 : i32
      %mul3A_119 = arith.muli %mul3A_118, %scan3A_117 : i32
      %add3A_120 = arith.constant 0 : i32
      %add3A_121 = arith.addi %mul3A_119, %add3A_120 : i32
      %mul3A_122 = arith.constant 80 : i32
      %mul3A_123 = arith.muli %add3A_121, %mul3A_122 : i32
      %add3A_124 = arith.addi %mul3A_2, %mul3A_123 : i32
      %dma_wait3A_125 = arith.constant 0 : i32
      %dma_wait3A_126 = arith.constant 0 : i32
      %dma_wait3A_127 = tpu.memref_slice %arg11[%dma_wait3A_125, %dma_wait3A_126] : memref<1x80xi32, #tpu.memory_space<vmem>> -> memref<1x80xi32, #tpu.memory_space<vmem>>
      %dma_wait3A_128 = tpu.memref_squeeze %dma_wait3A_127 : memref<1x80xi32, #tpu.memory_space<vmem>> -> memref<80xi32, #tpu.memory_space<vmem>>
      %dma_wait3A_129 = arith.constant 0 : i32
      %dma_wait3A_130 = arith.constant 0 : i32
      %dma_wait3A_131 = tpu.memref_slice %arg4[%dma_wait3A_129, %dma_wait3A_130] : memref<10000x256xf32, #tpu.memory_space<hbm>> -> memref<10000x256xf32, #tpu.memory_space<hbm>>
      tpu.wait_indirect_dma semaphore(%arg22 : memref<!tpu.dma_semaphore, #tpu.memory_space<semaphore_mem>>) src(%dma_wait3A_131 : memref<10000x256xf32, #tpu.memory_space<hbm>>) dst(%arg16 : memref<80x256xf32, #tpu.memory_space<vmem>>)
      %dma_wait3A_132 = arith.constant 0 : i32
      %dma_wait3A_133 = arith.constant 0 : i32
      %dma_wait3A_134 = tpu.memref_slice %arg10[%dma_wait3A_132, %dma_wait3A_133] : memref<1x80xi32, #tpu.memory_space<vmem>> -> memref<1x80xi32, #tpu.memory_space<vmem>>
      %dma_wait3A_135 = tpu.memref_squeeze %dma_wait3A_134 : memref<1x80xi32, #tpu.memory_space<vmem>> -> memref<80xi32, #tpu.memory_space<vmem>>
      %dma_wait3A_136 = arith.constant 0 : i32
      %dma_wait3A_137 = arith.constant 0 : i32
      %dma_wait3A_138 = tpu.memref_slice %arg5[%dma_wait3A_136, %dma_wait3A_137] : memref<10000x256xf32, #tpu.memory_space<hbm>> -> memref<10000x256xf32, #tpu.memory_space<hbm>>
      tpu.wait_indirect_dma semaphore(%arg22 : memref<!tpu.dma_semaphore, #tpu.memory_space<semaphore_mem>>) src(%dma_wait3A_138 : memref<10000x256xf32, #tpu.memory_space<hbm>>) dst(%arg17 : memref<80x256xf32, #tpu.memory_space<vmem>>)
      %dma_wait3A_139 = arith.constant 0 : i32
      %dma_wait3A_140 = arith.constant 0 : i32
      %dma_wait3A_141 = tpu.memref_slice %arg10[%dma_wait3A_139, %dma_wait3A_140] : memref<1x80xi32, #tpu.memory_space<vmem>> -> memref<1x80xi32, #tpu.memory_space<vmem>>
      %dma_wait3A_142 = tpu.memref_squeeze %dma_wait3A_141 : memref<1x80xi32, #tpu.memory_space<vmem>> -> memref<80xi32, #tpu.memory_space<vmem>>
      %dma_wait3A_143 = arith.constant 0 : i32
      %dma_wait3A_144 = arith.constant 0 : i32
      %dma_wait3A_145 = tpu.memref_slice %arg6[%dma_wait3A_143, %dma_wait3A_144] : memref<10000x256xf32, #tpu.memory_space<hbm>> -> memref<10000x256xf32, #tpu.memory_space<hbm>>
      tpu.wait_indirect_dma semaphore(%arg22 : memref<!tpu.dma_semaphore, #tpu.memory_space<semaphore_mem>>) src(%dma_wait3A_145 : memref<10000x256xf32, #tpu.memory_space<hbm>>) dst(%arg18 : memref<80x256xf32, #tpu.memory_space<vmem>>)
      "tpu.region"() ({
        %run_scoped3A_185 = tpu.sem_alloc : memref<!tpu.dma_semaphore, #tpu.memory_space<semaphore_mem>>
        %dma_start3A_186 = arith.constant 0 : i32
        %dma_start3A_187 = tpu.memref_slice %arg7[%add3A_124, %dma_start3A_186] : memref<160000x256xf32, #tpu.memory_space<hbm>> -> memref<80x256xf32, #tpu.memory_space<hbm>>
        %dma_start3A_188 = arith.constant 0 : i32
        %dma_start3A_189 = tpu.memref_slice %arg7[%add3A_124, %dma_start3A_188] : memref<160000x256xf32, #tpu.memory_space<hbm>> -> memref<80x256xf32, #tpu.memory_space<hbm>>
        tpu.enqueue_dma source(%arg16 : memref<80x256xf32, #tpu.memory_space<vmem>>) target(%dma_start3A_189 : memref<80x256xf32, #tpu.memory_space<hbm>>) target_semaphore(%run_scoped3A_185 : memref<!tpu.dma_semaphore, #tpu.memory_space<semaphore_mem>>)
        %dma_wait3A_190 = arith.constant 0 : i32
        %dma_wait3A_191 = tpu.memref_slice %arg7[%add3A_124, %dma_wait3A_190] : memref<160000x256xf32, #tpu.memory_space<hbm>> -> memref<80x256xf32, #tpu.memory_space<hbm>>
        %dma_wait3A_192 = arith.constant 0 : i32
        %dma_wait3A_193 = tpu.memref_slice %arg7[%add3A_124, %dma_wait3A_192] : memref<160000x256xf32, #tpu.memory_space<hbm>> -> memref<80x256xf32, #tpu.memory_space<hbm>>
        tpu.wait_dma2 semaphore(%run_scoped3A_185 : memref<!tpu.dma_semaphore, #tpu.memory_space<semaphore_mem>>) src(%arg16 : memref<80x256xf32, #tpu.memory_space<vmem>>) dst(%dma_wait3A_193 : memref<80x256xf32, #tpu.memory_space<hbm>>)
        tpu.yield
      }) : () -> ()
      "tpu.region"() ({
        %run_scoped3A_185 = tpu.sem_alloc : memref<!tpu.dma_semaphore, #tpu.memory_space<semaphore_mem>>
        %dma_start3A_186 = arith.constant 0 : i32
        %dma_start3A_187 = tpu.memref_slice %arg8[%add3A_124, %dma_start3A_186] : memref<160000x256xf32, #tpu.memory_space<hbm>> -> memref<80x256xf32, #tpu.memory_space<hbm>>
        %dma_start3A_188 = arith.constant 0 : i32
        %dma_start3A_189 = tpu.memref_slice %arg8[%add3A_124, %dma_start3A_188] : memref<160000x256xf32, #tpu.memory_space<hbm>> -> memref<80x256xf32, #tpu.memory_space<hbm>>
        tpu.enqueue_dma source(%arg17 : memref<80x256xf32, #tpu.memory_space<vmem>>) target(%dma_start3A_189 : memref<80x256xf32, #tpu.memory_space<hbm>>) target_semaphore(%run_scoped3A_185 : memref<!tpu.dma_semaphore, #tpu.memory_space<semaphore_mem>>)
        %dma_wait3A_190 = arith.constant 0 : i32
        %dma_wait3A_191 = tpu.memref_slice %arg8[%add3A_124, %dma_wait3A_190] : memref<160000x256xf32, #tpu.memory_space<hbm>> -> memref<80x256xf32, #tpu.memory_space<hbm>>
        %dma_wait3A_192 = arith.constant 0 : i32
        %dma_wait3A_193 = tpu.memref_slice %arg8[%add3A_124, %dma_wait3A_192] : memref<160000x256xf32, #tpu.memory_space<hbm>> -> memref<80x256xf32, #tpu.memory_space<hbm>>
        tpu.wait_dma2 semaphore(%run_scoped3A_185 : memref<!tpu.dma_semaphore, #tpu.memory_space<semaphore_mem>>) src(%arg17 : memref<80x256xf32, #tpu.memory_space<vmem>>) dst(%dma_wait3A_193 : memref<80x256xf32, #tpu.memory_space<hbm>>)
        tpu.yield
      }) : () -> ()
      "tpu.region"() ({
        %run_scoped3A_185 = tpu.sem_alloc : memref<!tpu.dma_semaphore, #tpu.memory_space<semaphore_mem>>
        %dma_start3A_186 = arith.constant 0 : i32
        %dma_start3A_187 = tpu.memref_slice %arg9[%add3A_124, %dma_start3A_186] : memref<160000x256xf32, #tpu.memory_space<hbm>> -> memref<80x256xf32, #tpu.memory_space<hbm>>
        %dma_start3A_188 = arith.constant 0 : i32
        %dma_start3A_189 = tpu.memref_slice %arg9[%add3A_124, %dma_start3A_188] : memref<160000x256xf32, #tpu.memory_space<hbm>> -> memref<80x256xf32, #tpu.memory_space<hbm>>
        tpu.enqueue_dma source(%arg18 : memref<80x256xf32, #tpu.memory_space<vmem>>) target(%dma_start3A_189 : memref<80x256xf32, #tpu.memory_space<hbm>>) target_semaphore(%run_scoped3A_185 : memref<!tpu.dma_semaphore, #tpu.memory_space<semaphore_mem>>)
        %dma_wait3A_190 = arith.constant 0 : i32
        %dma_wait3A_191 = tpu.memref_slice %arg9[%add3A_124, %dma_wait3A_190] : memref<160000x256xf32, #tpu.memory_space<hbm>> -> memref<80x256xf32, #tpu.memory_space<hbm>>
        %dma_wait3A_192 = arith.constant 0 : i32
        %dma_wait3A_193 = tpu.memref_slice %arg9[%add3A_124, %dma_wait3A_192] : memref<160000x256xf32, #tpu.memory_space<hbm>> -> memref<80x256xf32, #tpu.memory_space<hbm>>
        tpu.wait_dma2 semaphore(%run_scoped3A_185 : memref<!tpu.dma_semaphore, #tpu.memory_space<semaphore_mem>>) src(%arg18 : memref<80x256xf32, #tpu.memory_space<vmem>>) dst(%dma_wait3A_193 : memref<80x256xf32, #tpu.memory_space<hbm>>)
        tpu.yield
      }) : () -> ()
      %add3A_146 = arith.constant 2 : i32
      %add3A_147 = arith.addi %add3A_121, %add3A_146 : i32
      %lt3A = arith.constant 62 : i32
      %lt3A_148 = arith.cmpi slt, %add3A_147, %lt3A : i32
      %convert_element_type3A = arith.extui %lt3A_148 : i1 to i32
      %cond3A = arith.constant 0 : i32
      %cond3A_149 = arith.cmpi ne, %convert_element_type3A, %cond3A : i32
      scf.if %cond3A_149 {
        %add3A_185 = arith.constant 2 : i32
        %add3A_186 = arith.addi %add3A_121, %add3A_185 : i32
        %mul3A_187 = arith.constant 80 : i32
        %mul3A_188 = arith.muli %add3A_186, %mul3A_187 : i32
        %add3A_189 = arith.addi %mul3A_2, %mul3A_188 : i32
        %run_scoped3A_190 = arith.constant 0 : i32
        "tpu.region"() ({
          %run_scoped3A_213 = tpu.sem_alloc : memref<!tpu.dma_semaphore, #tpu.memory_space<semaphore_mem>>
          %dma_start3A_214 = arith.constant 0 : i32
          %dma_start3A_215 = tpu.memref_slice %arg10[%run_scoped3A_190, %dma_start3A_214] : memref<1x80xi32, #tpu.memory_space<vmem>> -> memref<1x80xi32, #tpu.memory_space<vmem>>
          %dma_start3A_216 = tpu.memref_squeeze %dma_start3A_215 : memref<1x80xi32, #tpu.memory_space<vmem>> -> memref<80xi32, #tpu.memory_space<vmem>>
          %dma_start3A_217 = tpu.memref_slice %arg2[%add3A_189] : memref<160000xi32, #tpu.memory_space<hbm>> -> memref<80xi32, #tpu.memory_space<hbm>>
          %dma_start3A_218 = arith.constant 0 : i32
          %dma_start3A_219 = tpu.memref_slice %arg10[%run_scoped3A_190, %dma_start3A_218] : memref<1x80xi32, #tpu.memory_space<vmem>> -> memref<1x80xi32, #tpu.memory_space<vmem>>
          %dma_start3A_220 = tpu.memref_squeeze %dma_start3A_219 : memref<1x80xi32, #tpu.memory_space<vmem>> -> memref<80xi32, #tpu.memory_space<vmem>>
          %dma_start3A_221 = tpu.memref_slice %arg2[%add3A_189] : memref<160000xi32, #tpu.memory_space<hbm>> -> memref<80xi32, #tpu.memory_space<hbm>>
          tpu.enqueue_dma source(%dma_start3A_221 : memref<80xi32, #tpu.memory_space<hbm>>) target(%dma_start3A_220 : memref<80xi32, #tpu.memory_space<vmem>>) target_semaphore(%run_scoped3A_213 : memref<!tpu.dma_semaphore, #tpu.memory_space<semaphore_mem>>)
          %dma_wait3A_222 = arith.constant 0 : i32
          %dma_wait3A_223 = tpu.memref_slice %arg10[%run_scoped3A_190, %dma_wait3A_222] : memref<1x80xi32, #tpu.memory_space<vmem>> -> memref<1x80xi32, #tpu.memory_space<vmem>>
          %dma_wait3A_224 = tpu.memref_squeeze %dma_wait3A_223 : memref<1x80xi32, #tpu.memory_space<vmem>> -> memref<80xi32, #tpu.memory_space<vmem>>
          %dma_wait3A_225 = tpu.memref_slice %arg2[%add3A_189] : memref<160000xi32, #tpu.memory_space<hbm>> -> memref<80xi32, #tpu.memory_space<hbm>>
          %dma_wait3A_226 = arith.constant 0 : i32
          %dma_wait3A_227 = tpu.memref_slice %arg10[%run_scoped3A_190, %dma_wait3A_226] : memref<1x80xi32, #tpu.memory_space<vmem>> -> memref<1x80xi32, #tpu.memory_space<vmem>>
          %dma_wait3A_228 = tpu.memref_squeeze %dma_wait3A_227 : memref<1x80xi32, #tpu.memory_space<vmem>> -> memref<80xi32, #tpu.memory_space<vmem>>
          %dma_wait3A_229 = tpu.memref_slice %arg2[%add3A_189] : memref<160000xi32, #tpu.memory_space<hbm>> -> memref<80xi32, #tpu.memory_space<hbm>>
          tpu.wait_dma2 semaphore(%run_scoped3A_213 : memref<!tpu.dma_semaphore, #tpu.memory_space<semaphore_mem>>) src(%dma_wait3A_229 : memref<80xi32, #tpu.memory_space<hbm>>) dst(%dma_wait3A_228 : memref<80xi32, #tpu.memory_space<vmem>>)
          tpu.yield
        }) : () -> ()
        %run_scoped3A_191 = arith.constant 0 : i32
        "tpu.region"() ({
          %run_scoped3A_213 = tpu.sem_alloc : memref<!tpu.dma_semaphore, #tpu.memory_space<semaphore_mem>>
          %dma_start3A_214 = arith.constant 0 : i32
          %dma_start3A_215 = tpu.memref_slice %arg11[%run_scoped3A_191, %dma_start3A_214] : memref<1x80xi32, #tpu.memory_space<vmem>> -> memref<1x80xi32, #tpu.memory_space<vmem>>
          %dma_start3A_216 = tpu.memref_squeeze %dma_start3A_215 : memref<1x80xi32, #tpu.memory_space<vmem>> -> memref<80xi32, #tpu.memory_space<vmem>>
          %dma_start3A_217 = tpu.memref_slice %arg3[%add3A_189] : memref<160000xi32, #tpu.memory_space<hbm>> -> memref<80xi32, #tpu.memory_space<hbm>>
          %dma_start3A_218 = arith.constant 0 : i32
          %dma_start3A_219 = tpu.memref_slice %arg11[%run_scoped3A_191, %dma_start3A_218] : memref<1x80xi32, #tpu.memory_space<vmem>> -> memref<1x80xi32, #tpu.memory_space<vmem>>
          %dma_start3A_220 = tpu.memref_squeeze %dma_start3A_219 : memref<1x80xi32, #tpu.memory_space<vmem>> -> memref<80xi32, #tpu.memory_space<vmem>>
          %dma_start3A_221 = tpu.memref_slice %arg3[%add3A_189] : memref<160000xi32, #tpu.memory_space<hbm>> -> memref<80xi32, #tpu.memory_space<hbm>>
          tpu.enqueue_dma source(%dma_start3A_221 : memref<80xi32, #tpu.memory_space<hbm>>) target(%dma_start3A_220 : memref<80xi32, #tpu.memory_space<vmem>>) target_semaphore(%run_scoped3A_213 : memref<!tpu.dma_semaphore, #tpu.memory_space<semaphore_mem>>)
          %dma_wait3A_222 = arith.constant 0 : i32
          %dma_wait3A_223 = tpu.memref_slice %arg11[%run_scoped3A_191, %dma_wait3A_222] : memref<1x80xi32, #tpu.memory_space<vmem>> -> memref<1x80xi32, #tpu.memory_space<vmem>>
          %dma_wait3A_224 = tpu.memref_squeeze %dma_wait3A_223 : memref<1x80xi32, #tpu.memory_space<vmem>> -> memref<80xi32, #tpu.memory_space<vmem>>
          %dma_wait3A_225 = tpu.memref_slice %arg3[%add3A_189] : memref<160000xi32, #tpu.memory_space<hbm>> -> memref<80xi32, #tpu.memory_space<hbm>>
          %dma_wait3A_226 = arith.constant 0 : i32
          %dma_wait3A_227 = tpu.memref_slice %arg11[%run_scoped3A_191, %dma_wait3A_226] : memref<1x80xi32, #tpu.memory_space<vmem>> -> memref<1x80xi32, #tpu.memory_space<vmem>>
          %dma_wait3A_228 = tpu.memref_squeeze %dma_wait3A_227 : memref<1x80xi32, #tpu.memory_space<vmem>> -> memref<80xi32, #tpu.memory_space<vmem>>
          %dma_wait3A_229 = tpu.memref_slice %arg3[%add3A_189] : memref<160000xi32, #tpu.memory_space<hbm>> -> memref<80xi32, #tpu.memory_space<hbm>>
          tpu.wait_dma2 semaphore(%run_scoped3A_213 : memref<!tpu.dma_semaphore, #tpu.memory_space<semaphore_mem>>) src(%dma_wait3A_229 : memref<80xi32, #tpu.memory_space<hbm>>) dst(%dma_wait3A_228 : memref<80xi32, #tpu.memory_space<vmem>>)
          tpu.yield
        }) : () -> ()
        %dma_start3A_192 = arith.constant 0 : i32
        %dma_start3A_193 = arith.constant 0 : i32
        %dma_start3A_194 = tpu.memref_slice %arg11[%dma_start3A_192, %dma_start3A_193] : memref<1x80xi32, #tpu.memory_space<vmem>> -> memref<1x80xi32, #tpu.memory_space<vmem>>
        %dma_start3A_195 = tpu.memref_squeeze %dma_start3A_194 : memref<1x80xi32, #tpu.memory_space<vmem>> -> memref<80xi32, #tpu.memory_space<vmem>>
        %dma_start3A_196 = arith.constant 0 : i32
        %dma_start3A_197 = arith.constant 0 : i32
        %dma_start3A_198 = tpu.memref_slice %arg4[%dma_start3A_196, %dma_start3A_197] : memref<10000x256xf32, #tpu.memory_space<hbm>> -> memref<10000x256xf32, #tpu.memory_space<hbm>>
        tpu.enqueue_indirect_dma source(%dma_start3A_198 : memref<10000x256xf32, #tpu.memory_space<hbm>>) target(%arg16 : memref<80x256xf32, #tpu.memory_space<vmem>>) offsets(%dma_start3A_195 : memref<80xi32, #tpu.memory_space<vmem>>) semaphore(%arg22 : memref<!tpu.dma_semaphore, #tpu.memory_space<semaphore_mem>>)
        %dma_start3A_199 = arith.constant 0 : i32
        %dma_start3A_200 = arith.constant 0 : i32
        %dma_start3A_201 = tpu.memref_slice %arg10[%dma_start3A_199, %dma_start3A_200] : memref<1x80xi32, #tpu.memory_space<vmem>> -> memref<1x80xi32, #tpu.memory_space<vmem>>
        %dma_start3A_202 = tpu.memref_squeeze %dma_start3A_201 : memref<1x80xi32, #tpu.memory_space<vmem>> -> memref<80xi32, #tpu.memory_space<vmem>>
        %dma_start3A_203 = arith.constant 0 : i32
        %dma_start3A_204 = arith.constant 0 : i32
        %dma_start3A_205 = tpu.memref_slice %arg5[%dma_start3A_203, %dma_start3A_204] : memref<10000x256xf32, #tpu.memory_space<hbm>> -> memref<10000x256xf32, #tpu.memory_space<hbm>>
        tpu.enqueue_indirect_dma source(%dma_start3A_205 : memref<10000x256xf32, #tpu.memory_space<hbm>>) target(%arg17 : memref<80x256xf32, #tpu.memory_space<vmem>>) offsets(%dma_start3A_202 : memref<80xi32, #tpu.memory_space<vmem>>) semaphore(%arg22 : memref<!tpu.dma_semaphore, #tpu.memory_space<semaphore_mem>>)
        %dma_start3A_206 = arith.constant 0 : i32
        %dma_start3A_207 = arith.constant 0 : i32
        %dma_start3A_208 = tpu.memref_slice %arg10[%dma_start3A_206, %dma_start3A_207] : memref<1x80xi32, #tpu.memory_space<vmem>> -> memref<1x80xi32, #tpu.memory_space<vmem>>
        %dma_start3A_209 = tpu.memref_squeeze %dma_start3A_208 : memref<1x80xi32, #tpu.memory_space<vmem>> -> memref<80xi32, #tpu.memory_space<vmem>>
        %dma_start3A_210 = arith.constant 0 : i32
        %dma_start3A_211 = arith.constant 0 : i32
        %dma_start3A_212 = tpu.memref_slice %arg6[%dma_start3A_210, %dma_start3A_211] : memref<10000x256xf32, #tpu.memory_space<hbm>> -> memref<10000x256xf32, #tpu.memory_space<hbm>>
        tpu.enqueue_indirect_dma source(%dma_start3A_212 : memref<10000x256xf32, #tpu.memory_space<hbm>>) target(%arg18 : memref<80x256xf32, #tpu.memory_space<vmem>>) offsets(%dma_start3A_209 : memref<80xi32, #tpu.memory_space<vmem>>) semaphore(%arg22 : memref<!tpu.dma_semaphore, #tpu.memory_space<semaphore_mem>>)
      } else {
      }
      %mul3A_150 = arith.constant 2 : i32
      %mul3A_151 = arith.muli %mul3A_150, %scan3A_117 : i32
      %add3A_152 = arith.constant 1 : i32
      %add3A_153 = arith.addi %mul3A_151, %add3A_152 : i32
      %mul3A_154 = arith.constant 80 : i32
      %mul3A_155 = arith.muli %add3A_153, %mul3A_154 : i32
      %add3A_156 = arith.addi %mul3A_2, %mul3A_155 : i32
      %dma_wait3A_157 = arith.constant 0 : i32
      %dma_wait3A_158 = arith.constant 0 : i32
      %dma_wait3A_159 = tpu.memref_slice %arg13[%dma_wait3A_157, %dma_wait3A_158] : memref<1x80xi32, #tpu.memory_space<vmem>> -> memref<1x80xi32, #tpu.memory_space<vmem>>
      %dma_wait3A_160 = tpu.memref_squeeze %dma_wait3A_159 : memref<1x80xi32, #tpu.memory_space<vmem>> -> memref<80xi32, #tpu.memory_space<vmem>>
      %dma_wait3A_161 = arith.constant 0 : i32
      %dma_wait3A_162 = arith.constant 0 : i32
      %dma_wait3A_163 = tpu.memref_slice %arg4[%dma_wait3A_161, %dma_wait3A_162] : memref<10000x256xf32, #tpu.memory_space<hbm>> -> memref<10000x256xf32, #tpu.memory_space<hbm>>
      tpu.wait_indirect_dma semaphore(%arg23 : memref<!tpu.dma_semaphore, #tpu.memory_space<semaphore_mem>>) src(%dma_wait3A_163 : memref<10000x256xf32, #tpu.memory_space<hbm>>) dst(%arg19 : memref<80x256xf32, #tpu.memory_space<vmem>>)
      %dma_wait3A_164 = arith.constant 0 : i32
      %dma_wait3A_165 = arith.constant 0 : i32
      %dma_wait3A_166 = tpu.memref_slice %arg12[%dma_wait3A_164, %dma_wait3A_165] : memref<1x80xi32, #tpu.memory_space<vmem>> -> memref<1x80xi32, #tpu.memory_space<vmem>>
      %dma_wait3A_167 = tpu.memref_squeeze %dma_wait3A_166 : memref<1x80xi32, #tpu.memory_space<vmem>> -> memref<80xi32, #tpu.memory_space<vmem>>
      %dma_wait3A_168 = arith.constant 0 : i32
      %dma_wait3A_169 = arith.constant 0 : i32
      %dma_wait3A_170 = tpu.memref_slice %arg5[%dma_wait3A_168, %dma_wait3A_169] : memref<10000x256xf32, #tpu.memory_space<hbm>> -> memref<10000x256xf32, #tpu.memory_space<hbm>>
      tpu.wait_indirect_dma semaphore(%arg23 : memref<!tpu.dma_semaphore, #tpu.memory_space<semaphore_mem>>) src(%dma_wait3A_170 : memref<10000x256xf32, #tpu.memory_space<hbm>>) dst(%arg20 : memref<80x256xf32, #tpu.memory_space<vmem>>)
      %dma_wait3A_171 = arith.constant 0 : i32
      %dma_wait3A_172 = arith.constant 0 : i32
      %dma_wait3A_173 = tpu.memref_slice %arg12[%dma_wait3A_171, %dma_wait3A_172] : memref<1x80xi32, #tpu.memory_space<vmem>> -> memref<1x80xi32, #tpu.memory_space<vmem>>
      %dma_wait3A_174 = tpu.memref_squeeze %dma_wait3A_173 : memref<1x80xi32, #tpu.memory_space<vmem>> -> memref<80xi32, #tpu.memory_space<vmem>>
      %dma_wait3A_175 = arith.constant 0 : i32
      %dma_wait3A_176 = arith.constant 0 : i32
      %dma_wait3A_177 = tpu.memref_slice %arg6[%dma_wait3A_175, %dma_wait3A_176] : memref<10000x256xf32, #tpu.memory_space<hbm>> -> memref<10000x256xf32, #tpu.memory_space<hbm>>
      tpu.wait_indirect_dma semaphore(%arg23 : memref<!tpu.dma_semaphore, #tpu.memory_space<semaphore_mem>>) src(%dma_wait3A_177 : memref<10000x256xf32, #tpu.memory_space<hbm>>) dst(%arg21 : memref<80x256xf32, #tpu.memory_space<vmem>>)
      "tpu.region"() ({
        %run_scoped3A_185 = tpu.sem_alloc : memref<!tpu.dma_semaphore, #tpu.memory_space<semaphore_mem>>
        %dma_start3A_186 = arith.constant 0 : i32
        %dma_start3A_187 = tpu.memref_slice %arg7[%add3A_156, %dma_start3A_186] : memref<160000x256xf32, #tpu.memory_space<hbm>> -> memref<80x256xf32, #tpu.memory_space<hbm>>
        %dma_start3A_188 = arith.constant 0 : i32
        %dma_start3A_189 = tpu.memref_slice %arg7[%add3A_156, %dma_start3A_188] : memref<160000x256xf32, #tpu.memory_space<hbm>> -> memref<80x256xf32, #tpu.memory_space<hbm>>
        tpu.enqueue_dma source(%arg19 : memref<80x256xf32, #tpu.memory_space<vmem>>) target(%dma_start3A_189 : memref<80x256xf32, #tpu.memory_space<hbm>>) target_semaphore(%run_scoped3A_185 : memref<!tpu.dma_semaphore, #tpu.memory_space<semaphore_mem>>)
        %dma_wait3A_190 = arith.constant 0 : i32
        %dma_wait3A_191 = tpu.memref_slice %arg7[%add3A_156, %dma_wait3A_190] : memref<160000x256xf32, #tpu.memory_space<hbm>> -> memref<80x256xf32, #tpu.memory_space<hbm>>
        %dma_wait3A_192 = arith.constant 0 : i32
        %dma_wait3A_193 = tpu.memref_slice %arg7[%add3A_156, %dma_wait3A_192] : memref<160000x256xf32, #tpu.memory_space<hbm>> -> memref<80x256xf32, #tpu.memory_space<hbm>>
        tpu.wait_dma2 semaphore(%run_scoped3A_185 : memref<!tpu.dma_semaphore, #tpu.memory_space<semaphore_mem>>) src(%arg19 : memref<80x256xf32, #tpu.memory_space<vmem>>) dst(%dma_wait3A_193 : memref<80x256xf32, #tpu.memory_space<hbm>>)
        tpu.yield
      }) : () -> ()
      "tpu.region"() ({
        %run_scoped3A_185 = tpu.sem_alloc : memref<!tpu.dma_semaphore, #tpu.memory_space<semaphore_mem>>
        %dma_start3A_186 = arith.constant 0 : i32
        %dma_start3A_187 = tpu.memref_slice %arg8[%add3A_156, %dma_start3A_186] : memref<160000x256xf32, #tpu.memory_space<hbm>> -> memref<80x256xf32, #tpu.memory_space<hbm>>
        %dma_start3A_188 = arith.constant 0 : i32
        %dma_start3A_189 = tpu.memref_slice %arg8[%add3A_156, %dma_start3A_188] : memref<160000x256xf32, #tpu.memory_space<hbm>> -> memref<80x256xf32, #tpu.memory_space<hbm>>
        tpu.enqueue_dma source(%arg20 : memref<80x256xf32, #tpu.memory_space<vmem>>) target(%dma_start3A_189 : memref<80x256xf32, #tpu.memory_space<hbm>>) target_semaphore(%run_scoped3A_185 : memref<!tpu.dma_semaphore, #tpu.memory_space<semaphore_mem>>)
        %dma_wait3A_190 = arith.constant 0 : i32
        %dma_wait3A_191 = tpu.memref_slice %arg8[%add3A_156, %dma_wait3A_190] : memref<160000x256xf32, #tpu.memory_space<hbm>> -> memref<80x256xf32, #tpu.memory_space<hbm>>
        %dma_wait3A_192 = arith.constant 0 : i32
        %dma_wait3A_193 = tpu.memref_slice %arg8[%add3A_156, %dma_wait3A_192] : memref<160000x256xf32, #tpu.memory_space<hbm>> -> memref<80x256xf32, #tpu.memory_space<hbm>>
        tpu.wait_dma2 semaphore(%run_scoped3A_185 : memref<!tpu.dma_semaphore, #tpu.memory_space<semaphore_mem>>) src(%arg20 : memref<80x256xf32, #tpu.memory_space<vmem>>) dst(%dma_wait3A_193 : memref<80x256xf32, #tpu.memory_space<hbm>>)
        tpu.yield
      }) : () -> ()
      "tpu.region"() ({
        %run_scoped3A_185 = tpu.sem_alloc : memref<!tpu.dma_semaphore, #tpu.memory_space<semaphore_mem>>
        %dma_start3A_186 = arith.constant 0 : i32
        %dma_start3A_187 = tpu.memref_slice %arg9[%add3A_156, %dma_start3A_186] : memref<160000x256xf32, #tpu.memory_space<hbm>> -> memref<80x256xf32, #tpu.memory_space<hbm>>
        %dma_start3A_188 = arith.constant 0 : i32
        %dma_start3A_189 = tpu.memref_slice %arg9[%add3A_156, %dma_start3A_188] : memref<160000x256xf32, #tpu.memory_space<hbm>> -> memref<80x256xf32, #tpu.memory_space<hbm>>
        tpu.enqueue_dma source(%arg21 : memref<80x256xf32, #tpu.memory_space<vmem>>) target(%dma_start3A_189 : memref<80x256xf32, #tpu.memory_space<hbm>>) target_semaphore(%run_scoped3A_185 : memref<!tpu.dma_semaphore, #tpu.memory_space<semaphore_mem>>)
        %dma_wait3A_190 = arith.constant 0 : i32
        %dma_wait3A_191 = tpu.memref_slice %arg9[%add3A_156, %dma_wait3A_190] : memref<160000x256xf32, #tpu.memory_space<hbm>> -> memref<80x256xf32, #tpu.memory_space<hbm>>
        %dma_wait3A_192 = arith.constant 0 : i32
        %dma_wait3A_193 = tpu.memref_slice %arg9[%add3A_156, %dma_wait3A_192] : memref<160000x256xf32, #tpu.memory_space<hbm>> -> memref<80x256xf32, #tpu.memory_space<hbm>>
        tpu.wait_dma2 semaphore(%run_scoped3A_185 : memref<!tpu.dma_semaphore, #tpu.memory_space<semaphore_mem>>) src(%arg21 : memref<80x256xf32, #tpu.memory_space<vmem>>) dst(%dma_wait3A_193 : memref<80x256xf32, #tpu.memory_space<hbm>>)
        tpu.yield
      }) : () -> ()
      %add3A_178 = arith.constant 2 : i32
      %add3A_179 = arith.addi %add3A_153, %add3A_178 : i32
      %lt3A_180 = arith.constant 62 : i32
      %lt3A_181 = arith.cmpi slt, %add3A_179, %lt3A_180 : i32
      %convert_element_type3A_182 = arith.extui %lt3A_181 : i1 to i32
      %cond3A_183 = arith.constant 0 : i32
      %cond3A_184 = arith.cmpi ne, %convert_element_type3A_182, %cond3A_183 : i32
      scf.if %cond3A_184 {
        %add3A_185 = arith.constant 2 : i32
        %add3A_186 = arith.addi %add3A_153, %add3A_185 : i32
        %mul3A_187 = arith.constant 80 : i32
        %mul3A_188 = arith.muli %add3A_186, %mul3A_187 : i32
        %add3A_189 = arith.addi %mul3A_2, %mul3A_188 : i32
        %run_scoped3A_190 = arith.constant 0 : i32
        "tpu.region"() ({
          %run_scoped3A_213 = tpu.sem_alloc : memref<!tpu.dma_semaphore, #tpu.memory_space<semaphore_mem>>
          %dma_start3A_214 = arith.constant 0 : i32
          %dma_start3A_215 = tpu.memref_slice %arg12[%run_scoped3A_190, %dma_start3A_214] : memref<1x80xi32, #tpu.memory_space<vmem>> -> memref<1x80xi32, #tpu.memory_space<vmem>>
          %dma_start3A_216 = tpu.memref_squeeze %dma_start3A_215 : memref<1x80xi32, #tpu.memory_space<vmem>> -> memref<80xi32, #tpu.memory_space<vmem>>
          %dma_start3A_217 = tpu.memref_slice %arg2[%add3A_189] : memref<160000xi32, #tpu.memory_space<hbm>> -> memref<80xi32, #tpu.memory_space<hbm>>
          %dma_start3A_218 = arith.constant 0 : i32
          %dma_start3A_219 = tpu.memref_slice %arg12[%run_scoped3A_190, %dma_start3A_218] : memref<1x80xi32, #tpu.memory_space<vmem>> -> memref<1x80xi32, #tpu.memory_space<vmem>>
          %dma_start3A_220 = tpu.memref_squeeze %dma_start3A_219 : memref<1x80xi32, #tpu.memory_space<vmem>> -> memref<80xi32, #tpu.memory_space<vmem>>
          %dma_start3A_221 = tpu.memref_slice %arg2[%add3A_189] : memref<160000xi32, #tpu.memory_space<hbm>> -> memref<80xi32, #tpu.memory_space<hbm>>
          tpu.enqueue_dma source(%dma_start3A_221 : memref<80xi32, #tpu.memory_space<hbm>>) target(%dma_start3A_220 : memref<80xi32, #tpu.memory_space<vmem>>) target_semaphore(%run_scoped3A_213 : memref<!tpu.dma_semaphore, #tpu.memory_space<semaphore_mem>>)
          %dma_wait3A_222 = arith.constant 0 : i32
          %dma_wait3A_223 = tpu.memref_slice %arg12[%run_scoped3A_190, %dma_wait3A_222] : memref<1x80xi32, #tpu.memory_space<vmem>> -> memref<1x80xi32, #tpu.memory_space<vmem>>
          %dma_wait3A_224 = tpu.memref_squeeze %dma_wait3A_223 : memref<1x80xi32, #tpu.memory_space<vmem>> -> memref<80xi32, #tpu.memory_space<vmem>>
          %dma_wait3A_225 = tpu.memref_slice %arg2[%add3A_189] : memref<160000xi32, #tpu.memory_space<hbm>> -> memref<80xi32, #tpu.memory_space<hbm>>
          %dma_wait3A_226 = arith.constant 0 : i32
          %dma_wait3A_227 = tpu.memref_slice %arg12[%run_scoped3A_190, %dma_wait3A_226] : memref<1x80xi32, #tpu.memory_space<vmem>> -> memref<1x80xi32, #tpu.memory_space<vmem>>
          %dma_wait3A_228 = tpu.memref_squeeze %dma_wait3A_227 : memref<1x80xi32, #tpu.memory_space<vmem>> -> memref<80xi32, #tpu.memory_space<vmem>>
          %dma_wait3A_229 = tpu.memref_slice %arg2[%add3A_189] : memref<160000xi32, #tpu.memory_space<hbm>> -> memref<80xi32, #tpu.memory_space<hbm>>
          tpu.wait_dma2 semaphore(%run_scoped3A_213 : memref<!tpu.dma_semaphore, #tpu.memory_space<semaphore_mem>>) src(%dma_wait3A_229 : memref<80xi32, #tpu.memory_space<hbm>>) dst(%dma_wait3A_228 : memref<80xi32, #tpu.memory_space<vmem>>)
          tpu.yield
        }) : () -> ()
        %run_scoped3A_191 = arith.constant 0 : i32
        "tpu.region"() ({
          %run_scoped3A_213 = tpu.sem_alloc : memref<!tpu.dma_semaphore, #tpu.memory_space<semaphore_mem>>
          %dma_start3A_214 = arith.constant 0 : i32
          %dma_start3A_215 = tpu.memref_slice %arg13[%run_scoped3A_191, %dma_start3A_214] : memref<1x80xi32, #tpu.memory_space<vmem>> -> memref<1x80xi32, #tpu.memory_space<vmem>>
          %dma_start3A_216 = tpu.memref_squeeze %dma_start3A_215 : memref<1x80xi32, #tpu.memory_space<vmem>> -> memref<80xi32, #tpu.memory_space<vmem>>
          %dma_start3A_217 = tpu.memref_slice %arg3[%add3A_189] : memref<160000xi32, #tpu.memory_space<hbm>> -> memref<80xi32, #tpu.memory_space<hbm>>
          %dma_start3A_218 = arith.constant 0 : i32
          %dma_start3A_219 = tpu.memref_slice %arg13[%run_scoped3A_191, %dma_start3A_218] : memref<1x80xi32, #tpu.memory_space<vmem>> -> memref<1x80xi32, #tpu.memory_space<vmem>>
          %dma_start3A_220 = tpu.memref_squeeze %dma_start3A_219 : memref<1x80xi32, #tpu.memory_space<vmem>> -> memref<80xi32, #tpu.memory_space<vmem>>
          %dma_start3A_221 = tpu.memref_slice %arg3[%add3A_189] : memref<160000xi32, #tpu.memory_space<hbm>> -> memref<80xi32, #tpu.memory_space<hbm>>
          tpu.enqueue_dma source(%dma_start3A_221 : memref<80xi32, #tpu.memory_space<hbm>>) target(%dma_start3A_220 : memref<80xi32, #tpu.memory_space<vmem>>) target_semaphore(%run_scoped3A_213 : memref<!tpu.dma_semaphore, #tpu.memory_space<semaphore_mem>>)
          %dma_wait3A_222 = arith.constant 0 : i32
          %dma_wait3A_223 = tpu.memref_slice %arg13[%run_scoped3A_191, %dma_wait3A_222] : memref<1x80xi32, #tpu.memory_space<vmem>> -> memref<1x80xi32, #tpu.memory_space<vmem>>
          %dma_wait3A_224 = tpu.memref_squeeze %dma_wait3A_223 : memref<1x80xi32, #tpu.memory_space<vmem>> -> memref<80xi32, #tpu.memory_space<vmem>>
          %dma_wait3A_225 = tpu.memref_slice %arg3[%add3A_189] : memref<160000xi32, #tpu.memory_space<hbm>> -> memref<80xi32, #tpu.memory_space<hbm>>
          %dma_wait3A_226 = arith.constant 0 : i32
          %dma_wait3A_227 = tpu.memref_slice %arg13[%run_scoped3A_191, %dma_wait3A_226] : memref<1x80xi32, #tpu.memory_space<vmem>> -> memref<1x80xi32, #tpu.memory_space<vmem>>
          %dma_wait3A_228 = tpu.memref_squeeze %dma_wait3A_227 : memref<1x80xi32, #tpu.memory_space<vmem>> -> memref<80xi32, #tpu.memory_space<vmem>>
          %dma_wait3A_229 = tpu.memref_slice %arg3[%add3A_189] : memref<160000xi32, #tpu.memory_space<hbm>> -> memref<80xi32, #tpu.memory_space<hbm>>
          tpu.wait_dma2 semaphore(%run_scoped3A_213 : memref<!tpu.dma_semaphore, #tpu.memory_space<semaphore_mem>>) src(%dma_wait3A_229 : memref<80xi32, #tpu.memory_space<hbm>>) dst(%dma_wait3A_228 : memref<80xi32, #tpu.memory_space<vmem>>)
          tpu.yield
        }) : () -> ()
        %dma_start3A_192 = arith.constant 0 : i32
        %dma_start3A_193 = arith.constant 0 : i32
        %dma_start3A_194 = tpu.memref_slice %arg13[%dma_start3A_192, %dma_start3A_193] : memref<1x80xi32, #tpu.memory_space<vmem>> -> memref<1x80xi32, #tpu.memory_space<vmem>>
        %dma_start3A_195 = tpu.memref_squeeze %dma_start3A_194 : memref<1x80xi32, #tpu.memory_space<vmem>> -> memref<80xi32, #tpu.memory_space<vmem>>
        %dma_start3A_196 = arith.constant 0 : i32
        %dma_start3A_197 = arith.constant 0 : i32
        %dma_start3A_198 = tpu.memref_slice %arg4[%dma_start3A_196, %dma_start3A_197] : memref<10000x256xf32, #tpu.memory_space<hbm>> -> memref<10000x256xf32, #tpu.memory_space<hbm>>
        tpu.enqueue_indirect_dma source(%dma_start3A_198 : memref<10000x256xf32, #tpu.memory_space<hbm>>) target(%arg19 : memref<80x256xf32, #tpu.memory_space<vmem>>) offsets(%dma_start3A_195 : memref<80xi32, #tpu.memory_space<vmem>>) semaphore(%arg23 : memref<!tpu.dma_semaphore, #tpu.memory_space<semaphore_mem>>)
        %dma_start3A_199 = arith.constant 0 : i32
        %dma_start3A_200 = arith.constant 0 : i32
        %dma_start3A_201 = tpu.memref_slice %arg12[%dma_start3A_199, %dma_start3A_200] : memref<1x80xi32, #tpu.memory_space<vmem>> -> memref<1x80xi32, #tpu.memory_space<vmem>>
        %dma_start3A_202 = tpu.memref_squeeze %dma_start3A_201 : memref<1x80xi32, #tpu.memory_space<vmem>> -> memref<80xi32, #tpu.memory_space<vmem>>
        %dma_start3A_203 = arith.constant 0 : i32
        %dma_start3A_204 = arith.constant 0 : i32
        %dma_start3A_205 = tpu.memref_slice %arg5[%dma_start3A_203, %dma_start3A_204] : memref<10000x256xf32, #tpu.memory_space<hbm>> -> memref<10000x256xf32, #tpu.memory_space<hbm>>
        tpu.enqueue_indirect_dma source(%dma_start3A_205 : memref<10000x256xf32, #tpu.memory_space<hbm>>) target(%arg20 : memref<80x256xf32, #tpu.memory_space<vmem>>) offsets(%dma_start3A_202 : memref<80xi32, #tpu.memory_space<vmem>>) semaphore(%arg23 : memref<!tpu.dma_semaphore, #tpu.memory_space<semaphore_mem>>)
        %dma_start3A_206 = arith.constant 0 : i32
        %dma_start3A_207 = arith.constant 0 : i32
        %dma_start3A_208 = tpu.memref_slice %arg12[%dma_start3A_206, %dma_start3A_207] : memref<1x80xi32, #tpu.memory_space<vmem>> -> memref<1x80xi32, #tpu.memory_space<vmem>>
        %dma_start3A_209 = tpu.memref_squeeze %dma_start3A_208 : memref<1x80xi32, #tpu.memory_space<vmem>> -> memref<80xi32, #tpu.memory_space<vmem>>
        %dma_start3A_210 = arith.constant 0 : i32
        %dma_start3A_211 = arith.constant 0 : i32
        %dma_start3A_212 = tpu.memref_slice %arg6[%dma_start3A_210, %dma_start3A_211] : memref<10000x256xf32, #tpu.memory_space<hbm>> -> memref<10000x256xf32, #tpu.memory_space<hbm>>
        tpu.enqueue_indirect_dma source(%dma_start3A_212 : memref<10000x256xf32, #tpu.memory_space<hbm>>) target(%arg21 : memref<80x256xf32, #tpu.memory_space<vmem>>) offsets(%dma_start3A_209 : memref<80xi32, #tpu.memory_space<vmem>>) semaphore(%arg23 : memref<!tpu.dma_semaphore, #tpu.memory_space<semaphore_mem>>)
      } else {
      }
    }
    %scan3A_53 = arith.constant 31 : i32
    %add3A_54 = arith.constant 4960 : i32
    %add3A_55 = arith.addi %mul3A_2, %add3A_54 : i32
    %run_scoped3A_56 = arith.constant 0 : i32
    "tpu.region"() ({
      %run_scoped3A_117 = tpu.sem_alloc : memref<!tpu.dma_semaphore, #tpu.memory_space<semaphore_mem>>
      %dma_start3A_118 = arith.constant 0 : i32
      %dma_start3A_119 = tpu.memref_slice %arg14[%run_scoped3A_56, %dma_start3A_118] : memref<1x40xi32, #tpu.memory_space<vmem>> -> memref<1x40xi32, #tpu.memory_space<vmem>>
      %dma_start3A_120 = tpu.memref_squeeze %dma_start3A_119 : memref<1x40xi32, #tpu.memory_space<vmem>> -> memref<40xi32, #tpu.memory_space<vmem>>
      %dma_start3A_121 = tpu.memref_slice %arg2[%add3A_55] : memref<160000xi32, #tpu.memory_space<hbm>> -> memref<40xi32, #tpu.memory_space<hbm>>
      %dma_start3A_122 = arith.constant 0 : i32
      %dma_start3A_123 = tpu.memref_slice %arg14[%run_scoped3A_56, %dma_start3A_122] : memref<1x40xi32, #tpu.memory_space<vmem>> -> memref<1x40xi32, #tpu.memory_space<vmem>>
      %dma_start3A_124 = tpu.memref_squeeze %dma_start3A_123 : memref<1x40xi32, #tpu.memory_space<vmem>> -> memref<40xi32, #tpu.memory_space<vmem>>
      %dma_start3A_125 = tpu.memref_slice %arg2[%add3A_55] : memref<160000xi32, #tpu.memory_space<hbm>> -> memref<40xi32, #tpu.memory_space<hbm>>
      tpu.enqueue_dma source(%dma_start3A_125 : memref<40xi32, #tpu.memory_space<hbm>>) target(%dma_start3A_124 : memref<40xi32, #tpu.memory_space<vmem>>) target_semaphore(%run_scoped3A_117 : memref<!tpu.dma_semaphore, #tpu.memory_space<semaphore_mem>>)
      %dma_wait3A_126 = arith.constant 0 : i32
      %dma_wait3A_127 = tpu.memref_slice %arg14[%run_scoped3A_56, %dma_wait3A_126] : memref<1x40xi32, #tpu.memory_space<vmem>> -> memref<1x40xi32, #tpu.memory_space<vmem>>
      %dma_wait3A_128 = tpu.memref_squeeze %dma_wait3A_127 : memref<1x40xi32, #tpu.memory_space<vmem>> -> memref<40xi32, #tpu.memory_space<vmem>>
      %dma_wait3A_129 = tpu.memref_slice %arg2[%add3A_55] : memref<160000xi32, #tpu.memory_space<hbm>> -> memref<40xi32, #tpu.memory_space<hbm>>
      %dma_wait3A_130 = arith.constant 0 : i32
      %dma_wait3A_131 = tpu.memref_slice %arg14[%run_scoped3A_56, %dma_wait3A_130] : memref<1x40xi32, #tpu.memory_space<vmem>> -> memref<1x40xi32, #tpu.memory_space<vmem>>
      %dma_wait3A_132 = tpu.memref_squeeze %dma_wait3A_131 : memref<1x40xi32, #tpu.memory_space<vmem>> -> memref<40xi32, #tpu.memory_space<vmem>>
      %dma_wait3A_133 = tpu.memref_slice %arg2[%add3A_55] : memref<160000xi32, #tpu.memory_space<hbm>> -> memref<40xi32, #tpu.memory_space<hbm>>
      tpu.wait_dma2 semaphore(%run_scoped3A_117 : memref<!tpu.dma_semaphore, #tpu.memory_space<semaphore_mem>>) src(%dma_wait3A_133 : memref<40xi32, #tpu.memory_space<hbm>>) dst(%dma_wait3A_132 : memref<40xi32, #tpu.memory_space<vmem>>)
      tpu.yield
    }) : () -> ()
    %run_scoped3A_57 = arith.constant 0 : i32
    "tpu.region"() ({
      %run_scoped3A_117 = tpu.sem_alloc : memref<!tpu.dma_semaphore, #tpu.memory_space<semaphore_mem>>
      %dma_start3A_118 = arith.constant 0 : i32
      %dma_start3A_119 = tpu.memref_slice %arg15[%run_scoped3A_57, %dma_start3A_118] : memref<1x40xi32, #tpu.memory_space<vmem>> -> memref<1x40xi32, #tpu.memory_space<vmem>>
      %dma_start3A_120 = tpu.memref_squeeze %dma_start3A_119 : memref<1x40xi32, #tpu.memory_space<vmem>> -> memref<40xi32, #tpu.memory_space<vmem>>
      %dma_start3A_121 = tpu.memref_slice %arg3[%add3A_55] : memref<160000xi32, #tpu.memory_space<hbm>> -> memref<40xi32, #tpu.memory_space<hbm>>
      %dma_start3A_122 = arith.constant 0 : i32
      %dma_start3A_123 = tpu.memref_slice %arg15[%run_scoped3A_57, %dma_start3A_122] : memref<1x40xi32, #tpu.memory_space<vmem>> -> memref<1x40xi32, #tpu.memory_space<vmem>>
      %dma_start3A_124 = tpu.memref_squeeze %dma_start3A_123 : memref<1x40xi32, #tpu.memory_space<vmem>> -> memref<40xi32, #tpu.memory_space<vmem>>
      %dma_start3A_125 = tpu.memref_slice %arg3[%add3A_55] : memref<160000xi32, #tpu.memory_space<hbm>> -> memref<40xi32, #tpu.memory_space<hbm>>
      tpu.enqueue_dma source(%dma_start3A_125 : memref<40xi32, #tpu.memory_space<hbm>>) target(%dma_start3A_124 : memref<40xi32, #tpu.memory_space<vmem>>) target_semaphore(%run_scoped3A_117 : memref<!tpu.dma_semaphore, #tpu.memory_space<semaphore_mem>>)
      %dma_wait3A_126 = arith.constant 0 : i32
      %dma_wait3A_127 = tpu.memref_slice %arg15[%run_scoped3A_57, %dma_wait3A_126] : memref<1x40xi32, #tpu.memory_space<vmem>> -> memref<1x40xi32, #tpu.memory_space<vmem>>
      %dma_wait3A_128 = tpu.memref_squeeze %dma_wait3A_127 : memref<1x40xi32, #tpu.memory_space<vmem>> -> memref<40xi32, #tpu.memory_space<vmem>>
      %dma_wait3A_129 = tpu.memref_slice %arg3[%add3A_55] : memref<160000xi32, #tpu.memory_space<hbm>> -> memref<40xi32, #tpu.memory_space<hbm>>
      %dma_wait3A_130 = arith.constant 0 : i32
      %dma_wait3A_131 = tpu.memref_slice %arg15[%run_scoped3A_57, %dma_wait3A_130] : memref<1x40xi32, #tpu.memory_space<vmem>> -> memref<1x40xi32, #tpu.memory_space<vmem>>
      %dma_wait3A_132 = tpu.memref_squeeze %dma_wait3A_131 : memref<1x40xi32, #tpu.memory_space<vmem>> -> memref<40xi32, #tpu.memory_space<vmem>>
      %dma_wait3A_133 = tpu.memref_slice %arg3[%add3A_55] : memref<160000xi32, #tpu.memory_space<hbm>> -> memref<40xi32, #tpu.memory_space<hbm>>
      tpu.wait_dma2 semaphore(%run_scoped3A_117 : memref<!tpu.dma_semaphore, #tpu.memory_space<semaphore_mem>>) src(%dma_wait3A_133 : memref<40xi32, #tpu.memory_space<hbm>>) dst(%dma_wait3A_132 : memref<40xi32, #tpu.memory_space<vmem>>)
      tpu.yield
    }) : () -> ()
    %dma_start3A_58 = arith.constant 0 : i32
    %dma_start3A_59 = arith.constant 0 : i32
    %dma_start3A_60 = arith.constant 0 : i32
    %dma_start3A_61 = tpu.memref_slice %arg16[%dma_start3A_59, %dma_start3A_60] : memref<80x256xf32, #tpu.memory_space<vmem>> -> memref<40x256xf32, #tpu.memory_space<vmem>>
    %dma_start3A_62 = arith.constant 0 : i32
    %dma_start3A_63 = tpu.memref_slice %arg15[%dma_start3A_58, %dma_start3A_62] : memref<1x40xi32, #tpu.memory_space<vmem>> -> memref<1x40xi32, #tpu.memory_space<vmem>>
    %dma_start3A_64 = tpu.memref_squeeze %dma_start3A_63 : memref<1x40xi32, #tpu.memory_space<vmem>> -> memref<40xi32, #tpu.memory_space<vmem>>
    %dma_start3A_65 = arith.constant 0 : i32
    %dma_start3A_66 = arith.constant 0 : i32
    %dma_start3A_67 = tpu.memref_slice %arg4[%dma_start3A_65, %dma_start3A_66] : memref<10000x256xf32, #tpu.memory_space<hbm>> -> memref<10000x256xf32, #tpu.memory_space<hbm>>
    tpu.enqueue_indirect_dma source(%dma_start3A_67 : memref<10000x256xf32, #tpu.memory_space<hbm>>) target(%dma_start3A_61 : memref<40x256xf32, #tpu.memory_space<vmem>>) offsets(%dma_start3A_64 : memref<40xi32, #tpu.memory_space<vmem>>) semaphore(%arg22 : memref<!tpu.dma_semaphore, #tpu.memory_space<semaphore_mem>>)
    %dma_start3A_68 = arith.constant 0 : i32
    %dma_start3A_69 = arith.constant 0 : i32
    %dma_start3A_70 = arith.constant 0 : i32
    %dma_start3A_71 = tpu.memref_slice %arg17[%dma_start3A_69, %dma_start3A_70] : memref<80x256xf32, #tpu.memory_space<vmem>> -> memref<40x256xf32, #tpu.memory_space<vmem>>
    %dma_start3A_72 = arith.constant 0 : i32
    %dma_start3A_73 = tpu.memref_slice %arg14[%dma_start3A_68, %dma_start3A_72] : memref<1x40xi32, #tpu.memory_space<vmem>> -> memref<1x40xi32, #tpu.memory_space<vmem>>
    %dma_start3A_74 = tpu.memref_squeeze %dma_start3A_73 : memref<1x40xi32, #tpu.memory_space<vmem>> -> memref<40xi32, #tpu.memory_space<vmem>>
    %dma_start3A_75 = arith.constant 0 : i32
    %dma_start3A_76 = arith.constant 0 : i32
    %dma_start3A_77 = tpu.memref_slice %arg5[%dma_start3A_75, %dma_start3A_76] : memref<10000x256xf32, #tpu.memory_space<hbm>> -> memref<10000x256xf32, #tpu.memory_space<hbm>>
    tpu.enqueue_indirect_dma source(%dma_start3A_77 : memref<10000x256xf32, #tpu.memory_space<hbm>>) target(%dma_start3A_71 : memref<40x256xf32, #tpu.memory_space<vmem>>) offsets(%dma_start3A_74 : memref<40xi32, #tpu.memory_space<vmem>>) semaphore(%arg22 : memref<!tpu.dma_semaphore, #tpu.memory_space<semaphore_mem>>)
    %dma_start3A_78 = arith.constant 0 : i32
    %dma_start3A_79 = arith.constant 0 : i32
    %dma_start3A_80 = arith.constant 0 : i32
    %dma_start3A_81 = tpu.memref_slice %arg18[%dma_start3A_79, %dma_start3A_80] : memref<80x256xf32, #tpu.memory_space<vmem>> -> memref<40x256xf32, #tpu.memory_space<vmem>>
    %dma_start3A_82 = arith.constant 0 : i32
    %dma_start3A_83 = tpu.memref_slice %arg14[%dma_start3A_78, %dma_start3A_82] : memref<1x40xi32, #tpu.memory_space<vmem>> -> memref<1x40xi32, #tpu.memory_space<vmem>>
    %dma_start3A_84 = tpu.memref_squeeze %dma_start3A_83 : memref<1x40xi32, #tpu.memory_space<vmem>> -> memref<40xi32, #tpu.memory_space<vmem>>
    %dma_start3A_85 = arith.constant 0 : i32
    %dma_start3A_86 = arith.constant 0 : i32
    %dma_start3A_87 = tpu.memref_slice %arg6[%dma_start3A_85, %dma_start3A_86] : memref<10000x256xf32, #tpu.memory_space<hbm>> -> memref<10000x256xf32, #tpu.memory_space<hbm>>
    tpu.enqueue_indirect_dma source(%dma_start3A_87 : memref<10000x256xf32, #tpu.memory_space<hbm>>) target(%dma_start3A_81 : memref<40x256xf32, #tpu.memory_space<vmem>>) offsets(%dma_start3A_84 : memref<40xi32, #tpu.memory_space<vmem>>) semaphore(%arg22 : memref<!tpu.dma_semaphore, #tpu.memory_space<semaphore_mem>>)
    %dma_wait3A = arith.constant 0 : i32
    %dma_wait3A_88 = arith.constant 0 : i32
    %dma_wait3A_89 = arith.constant 0 : i32
    %dma_wait3A_90 = tpu.memref_slice %arg16[%dma_wait3A_88, %dma_wait3A_89] : memref<80x256xf32, #tpu.memory_space<vmem>> -> memref<40x256xf32, #tpu.memory_space<vmem>>
    %dma_wait3A_91 = arith.constant 0 : i32
    %dma_wait3A_92 = tpu.memref_slice %arg15[%dma_wait3A, %dma_wait3A_91] : memref<1x40xi32, #tpu.memory_space<vmem>> -> memref<1x40xi32, #tpu.memory_space<vmem>>
    %dma_wait3A_93 = tpu.memref_squeeze %dma_wait3A_92 : memref<1x40xi32, #tpu.memory_space<vmem>> -> memref<40xi32, #tpu.memory_space<vmem>>
    %dma_wait3A_94 = arith.constant 0 : i32
    %dma_wait3A_95 = arith.constant 0 : i32
    %dma_wait3A_96 = tpu.memref_slice %arg4[%dma_wait3A_94, %dma_wait3A_95] : memref<10000x256xf32, #tpu.memory_space<hbm>> -> memref<10000x256xf32, #tpu.memory_space<hbm>>
    tpu.wait_indirect_dma semaphore(%arg22 : memref<!tpu.dma_semaphore, #tpu.memory_space<semaphore_mem>>) src(%dma_wait3A_96 : memref<10000x256xf32, #tpu.memory_space<hbm>>) dst(%dma_wait3A_90 : memref<40x256xf32, #tpu.memory_space<vmem>>)
    %dma_wait3A_97 = arith.constant 0 : i32
    %dma_wait3A_98 = arith.constant 0 : i32
    %dma_wait3A_99 = arith.constant 0 : i32
    %dma_wait3A_100 = tpu.memref_slice %arg17[%dma_wait3A_98, %dma_wait3A_99] : memref<80x256xf32, #tpu.memory_space<vmem>> -> memref<40x256xf32, #tpu.memory_space<vmem>>
    %dma_wait3A_101 = arith.constant 0 : i32
    %dma_wait3A_102 = tpu.memref_slice %arg14[%dma_wait3A_97, %dma_wait3A_101] : memref<1x40xi32, #tpu.memory_space<vmem>> -> memref<1x40xi32, #tpu.memory_space<vmem>>
    %dma_wait3A_103 = tpu.memref_squeeze %dma_wait3A_102 : memref<1x40xi32, #tpu.memory_space<vmem>> -> memref<40xi32, #tpu.memory_space<vmem>>
    %dma_wait3A_104 = arith.constant 0 : i32
    %dma_wait3A_105 = arith.constant 0 : i32
    %dma_wait3A_106 = tpu.memref_slice %arg5[%dma_wait3A_104, %dma_wait3A_105] : memref<10000x256xf32, #tpu.memory_space<hbm>> -> memref<10000x256xf32, #tpu.memory_space<hbm>>
    tpu.wait_indirect_dma semaphore(%arg22 : memref<!tpu.dma_semaphore, #tpu.memory_space<semaphore_mem>>) src(%dma_wait3A_106 : memref<10000x256xf32, #tpu.memory_space<hbm>>) dst(%dma_wait3A_100 : memref<40x256xf32, #tpu.memory_space<vmem>>)
    %dma_wait3A_107 = arith.constant 0 : i32
    %dma_wait3A_108 = arith.constant 0 : i32
    %dma_wait3A_109 = arith.constant 0 : i32
    %dma_wait3A_110 = tpu.memref_slice %arg18[%dma_wait3A_108, %dma_wait3A_109] : memref<80x256xf32, #tpu.memory_space<vmem>> -> memref<40x256xf32, #tpu.memory_space<vmem>>
    %dma_wait3A_111 = arith.constant 0 : i32
    %dma_wait3A_112 = tpu.memref_slice %arg14[%dma_wait3A_107, %dma_wait3A_111] : memref<1x40xi32, #tpu.memory_space<vmem>> -> memref<1x40xi32, #tpu.memory_space<vmem>>
    %dma_wait3A_113 = tpu.memref_squeeze %dma_wait3A_112 : memref<1x40xi32, #tpu.memory_space<vmem>> -> memref<40xi32, #tpu.memory_space<vmem>>
    %dma_wait3A_114 = arith.constant 0 : i32
    %dma_wait3A_115 = arith.constant 0 : i32
    %dma_wait3A_116 = tpu.memref_slice %arg6[%dma_wait3A_114, %dma_wait3A_115] : memref<10000x256xf32, #tpu.memory_space<hbm>> -> memref<10000x256xf32, #tpu.memory_space<hbm>>
    tpu.wait_indirect_dma semaphore(%arg22 : memref<!tpu.dma_semaphore, #tpu.memory_space<semaphore_mem>>) src(%dma_wait3A_116 : memref<10000x256xf32, #tpu.memory_space<hbm>>) dst(%dma_wait3A_110 : memref<40x256xf32, #tpu.memory_space<vmem>>)
    "tpu.region"() ({
      %run_scoped3A_117 = tpu.sem_alloc : memref<!tpu.dma_semaphore, #tpu.memory_space<semaphore_mem>>
      %dma_start3A_118 = arith.constant 0 : i32
      %dma_start3A_119 = arith.constant 0 : i32
      %dma_start3A_120 = tpu.memref_slice %arg16[%dma_start3A_118, %dma_start3A_119] : memref<80x256xf32, #tpu.memory_space<vmem>> -> memref<40x256xf32, #tpu.memory_space<vmem>>
      %dma_start3A_121 = arith.constant 0 : i32
      %dma_start3A_122 = tpu.memref_slice %arg7[%add3A_55, %dma_start3A_121] : memref<160000x256xf32, #tpu.memory_space<hbm>> -> memref<40x256xf32, #tpu.memory_space<hbm>>
      %dma_start3A_123 = arith.constant 0 : i32
      %dma_start3A_124 = tpu.memref_slice %arg7[%add3A_55, %dma_start3A_123] : memref<160000x256xf32, #tpu.memory_space<hbm>> -> memref<40x256xf32, #tpu.memory_space<hbm>>
      %dma_start3A_125 = arith.constant 0 : i32
      %dma_start3A_126 = arith.constant 0 : i32
      %dma_start3A_127 = tpu.memref_slice %arg16[%dma_start3A_125, %dma_start3A_126] : memref<80x256xf32, #tpu.memory_space<vmem>> -> memref<40x256xf32, #tpu.memory_space<vmem>>
      tpu.enqueue_dma source(%dma_start3A_127 : memref<40x256xf32, #tpu.memory_space<vmem>>) target(%dma_start3A_124 : memref<40x256xf32, #tpu.memory_space<hbm>>) target_semaphore(%run_scoped3A_117 : memref<!tpu.dma_semaphore, #tpu.memory_space<semaphore_mem>>)
      %dma_wait3A_128 = arith.constant 0 : i32
      %dma_wait3A_129 = arith.constant 0 : i32
      %dma_wait3A_130 = tpu.memref_slice %arg16[%dma_wait3A_128, %dma_wait3A_129] : memref<80x256xf32, #tpu.memory_space<vmem>> -> memref<40x256xf32, #tpu.memory_space<vmem>>
      %dma_wait3A_131 = arith.constant 0 : i32
      %dma_wait3A_132 = tpu.memref_slice %arg7[%add3A_55, %dma_wait3A_131] : memref<160000x256xf32, #tpu.memory_space<hbm>> -> memref<40x256xf32, #tpu.memory_space<hbm>>
      %dma_wait3A_133 = arith.constant 0 : i32
      %dma_wait3A_134 = tpu.memref_slice %arg7[%add3A_55, %dma_wait3A_133] : memref<160000x256xf32, #tpu.memory_space<hbm>> -> memref<40x256xf32, #tpu.memory_space<hbm>>
      %dma_wait3A_135 = arith.constant 0 : i32
      %dma_wait3A_136 = arith.constant 0 : i32
      %dma_wait3A_137 = tpu.memref_slice %arg16[%dma_wait3A_135, %dma_wait3A_136] : memref<80x256xf32, #tpu.memory_space<vmem>> -> memref<40x256xf32, #tpu.memory_space<vmem>>
      tpu.wait_dma2 semaphore(%run_scoped3A_117 : memref<!tpu.dma_semaphore, #tpu.memory_space<semaphore_mem>>) src(%dma_wait3A_137 : memref<40x256xf32, #tpu.memory_space<vmem>>) dst(%dma_wait3A_134 : memref<40x256xf32, #tpu.memory_space<hbm>>)
      tpu.yield
    }) : () -> ()
    "tpu.region"() ({
      %run_scoped3A_117 = tpu.sem_alloc : memref<!tpu.dma_semaphore, #tpu.memory_space<semaphore_mem>>
      %dma_start3A_118 = arith.constant 0 : i32
      %dma_start3A_119 = arith.constant 0 : i32
      %dma_start3A_120 = tpu.memref_slice %arg17[%dma_start3A_118, %dma_start3A_119] : memref<80x256xf32, #tpu.memory_space<vmem>> -> memref<40x256xf32, #tpu.memory_space<vmem>>
      %dma_start3A_121 = arith.constant 0 : i32
      %dma_start3A_122 = tpu.memref_slice %arg8[%add3A_55, %dma_start3A_121] : memref<160000x256xf32, #tpu.memory_space<hbm>> -> memref<40x256xf32, #tpu.memory_space<hbm>>
      %dma_start3A_123 = arith.constant 0 : i32
      %dma_start3A_124 = tpu.memref_slice %arg8[%add3A_55, %dma_start3A_123] : memref<160000x256xf32, #tpu.memory_space<hbm>> -> memref<40x256xf32, #tpu.memory_space<hbm>>
      %dma_start3A_125 = arith.constant 0 : i32
      %dma_start3A_126 = arith.constant 0 : i32
      %dma_start3A_127 = tpu.memref_slice %arg17[%dma_start3A_125, %dma_start3A_126] : memref<80x256xf32, #tpu.memory_space<vmem>> -> memref<40x256xf32, #tpu.memory_space<vmem>>
      tpu.enqueue_dma source(%dma_start3A_127 : memref<40x256xf32, #tpu.memory_space<vmem>>) target(%dma_start3A_124 : memref<40x256xf32, #tpu.memory_space<hbm>>) target_semaphore(%run_scoped3A_117 : memref<!tpu.dma_semaphore, #tpu.memory_space<semaphore_mem>>)
      %dma_wait3A_128 = arith.constant 0 : i32
      %dma_wait3A_129 = arith.constant 0 : i32
      %dma_wait3A_130 = tpu.memref_slice %arg17[%dma_wait3A_128, %dma_wait3A_129] : memref<80x256xf32, #tpu.memory_space<vmem>> -> memref<40x256xf32, #tpu.memory_space<vmem>>
      %dma_wait3A_131 = arith.constant 0 : i32
      %dma_wait3A_132 = tpu.memref_slice %arg8[%add3A_55, %dma_wait3A_131] : memref<160000x256xf32, #tpu.memory_space<hbm>> -> memref<40x256xf32, #tpu.memory_space<hbm>>
      %dma_wait3A_133 = arith.constant 0 : i32
      %dma_wait3A_134 = tpu.memref_slice %arg8[%add3A_55, %dma_wait3A_133] : memref<160000x256xf32, #tpu.memory_space<hbm>> -> memref<40x256xf32, #tpu.memory_space<hbm>>
      %dma_wait3A_135 = arith.constant 0 : i32
      %dma_wait3A_136 = arith.constant 0 : i32
      %dma_wait3A_137 = tpu.memref_slice %arg17[%dma_wait3A_135, %dma_wait3A_136] : memref<80x256xf32, #tpu.memory_space<vmem>> -> memref<40x256xf32, #tpu.memory_space<vmem>>
      tpu.wait_dma2 semaphore(%run_scoped3A_117 : memref<!tpu.dma_semaphore, #tpu.memory_space<semaphore_mem>>) src(%dma_wait3A_137 : memref<40x256xf32, #tpu.memory_space<vmem>>) dst(%dma_wait3A_134 : memref<40x256xf32, #tpu.memory_space<hbm>>)
      tpu.yield
    }) : () -> ()
    "tpu.region"() ({
      %run_scoped3A_117 = tpu.sem_alloc : memref<!tpu.dma_semaphore, #tpu.memory_space<semaphore_mem>>
      %dma_start3A_118 = arith.constant 0 : i32
      %dma_start3A_119 = arith.constant 0 : i32
      %dma_start3A_120 = tpu.memref_slice %arg18[%dma_start3A_118, %dma_start3A_119] : memref<80x256xf32, #tpu.memory_space<vmem>> -> memref<40x256xf32, #tpu.memory_space<vmem>>
      %dma_start3A_121 = arith.constant 0 : i32
      %dma_start3A_122 = tpu.memref_slice %arg9[%add3A_55, %dma_start3A_121] : memref<160000x256xf32, #tpu.memory_space<hbm>> -> memref<40x256xf32, #tpu.memory_space<hbm>>
      %dma_start3A_123 = arith.constant 0 : i32
      %dma_start3A_124 = tpu.memref_slice %arg9[%add3A_55, %dma_start3A_123] : memref<160000x256xf32, #tpu.memory_space<hbm>> -> memref<40x256xf32, #tpu.memory_space<hbm>>
      %dma_start3A_125 = arith.constant 0 : i32
      %dma_start3A_126 = arith.constant 0 : i32
      %dma_start3A_127 = tpu.memref_slice %arg18[%dma_start3A_125, %dma_start3A_126] : memref<80x256xf32, #tpu.memory_space<vmem>> -> memref<40x256xf32, #tpu.memory_space<vmem>>
      tpu.enqueue_dma source(%dma_start3A_127 : memref<40x256xf32, #tpu.memory_space<vmem>>) target(%dma_start3A_124 : memref<40x256xf32, #tpu.memory_space<hbm>>) target_semaphore(%run_scoped3A_117 : memref<!tpu.dma_semaphore, #tpu.memory_space<semaphore_mem>>)
      %dma_wait3A_128 = arith.constant 0 : i32
      %dma_wait3A_129 = arith.constant 0 : i32
      %dma_wait3A_130 = tpu.memref_slice %arg18[%dma_wait3A_128, %dma_wait3A_129] : memref<80x256xf32, #tpu.memory_space<vmem>> -> memref<40x256xf32, #tpu.memory_space<vmem>>
      %dma_wait3A_131 = arith.constant 0 : i32
      %dma_wait3A_132 = tpu.memref_slice %arg9[%add3A_55, %dma_wait3A_131] : memref<160000x256xf32, #tpu.memory_space<hbm>> -> memref<40x256xf32, #tpu.memory_space<hbm>>
      %dma_wait3A_133 = arith.constant 0 : i32
      %dma_wait3A_134 = tpu.memref_slice %arg9[%add3A_55, %dma_wait3A_133] : memref<160000x256xf32, #tpu.memory_space<hbm>> -> memref<40x256xf32, #tpu.memory_space<hbm>>
      %dma_wait3A_135 = arith.constant 0 : i32
      %dma_wait3A_136 = arith.constant 0 : i32
      %dma_wait3A_137 = tpu.memref_slice %arg18[%dma_wait3A_135, %dma_wait3A_136] : memref<80x256xf32, #tpu.memory_space<vmem>> -> memref<40x256xf32, #tpu.memory_space<vmem>>
      tpu.wait_dma2 semaphore(%run_scoped3A_117 : memref<!tpu.dma_semaphore, #tpu.memory_space<semaphore_mem>>) src(%dma_wait3A_137 : memref<40x256xf32, #tpu.memory_space<vmem>>) dst(%dma_wait3A_134 : memref<40x256xf32, #tpu.memory_space<hbm>>)
      tpu.yield
    }) : () -> ()
    return
  }
}

#map = affine_map<(d0, d1) -> (0)>
#map1 = affine_map<(d0, d1) -> (0, 0, 0)>
#map2 = affine_map<(d0, d1) -> (0, 0)>
module attributes {stable_mosaic.version = 14 : i64} {
  func.func @_sc_nb_body(%arg0: i32, %arg1: i32, %arg2: memref<160000xi32, #tpu.memory_space<hbm>>, %arg3: memref<160000xi32, #tpu.memory_space<hbm>>, %arg4: memref<2x10000x128xf32, #tpu.memory_space<hbm>>, %arg5: memref<10000x128xf32, #tpu.memory_space<hbm>>, %arg6: memref<2x10000x128xf32, #tpu.memory_space<hbm>>, %arg7: memref<1x128xi32, #tpu.memory_space<vmem>>, %arg8: memref<1x128xi32, #tpu.memory_space<vmem>>, %arg9: memref<1x128xi32, #tpu.memory_space<vmem>>, %arg10: memref<1x128xi32, #tpu.memory_space<vmem>>, %arg11: memref<1x16xi32, #tpu.memory_space<vmem>>, %arg12: memref<1x16xi32, #tpu.memory_space<vmem>>, %arg13: memref<128x128xf32, #tpu.memory_space<vmem>>, %arg14: memref<128x128xf32, #tpu.memory_space<vmem>>, %arg15: memref<10000x128xf32, #tpu.memory_space<vmem_shared>>, %arg16: memref<!tpu.dma_semaphore, #tpu.memory_space<semaphore_mem>>, %arg17: memref<!tpu.dma_semaphore, #tpu.memory_space<semaphore_mem>>) attributes {dimension_semantics = [#tpu.dimension_semantics<core_parallel>, #tpu.dimension_semantics<subcore_parallel>], iteration_bounds = array<i64: 2, 16>, scalar_prefetch = 0 : i64, scratch_operands = 11 : i64, tpu.core_type = #tpu.core_type<sc_vector_subcore>, window_params = [{transform_indices = #map}, {transform_indices = #map}, {transform_indices = #map1}, {transform_indices = #map2}, {transform_indices = #map1}]} {
    %lt3A = arith.constant 15 : i32
    %lt3A_0 = arith.cmpi slt, %arg1, %lt3A : i32
    %convert_element_type3A = arith.extui %lt3A_0 : i1 to i32
    %cond3A = arith.constant 0 : i32
    %cond3A_1 = arith.cmpi ne, %convert_element_type3A, %cond3A : i32
    scf.if %cond3A_1 {
      %mul3A_80 = arith.constant 624 : i32
      %mul3A_81 = arith.muli %arg1, %mul3A_80 : i32
      "tpu.region"() ({
        %run_scoped3A_82 = tpu.sem_alloc : memref<!tpu.dma_semaphore, #tpu.memory_space<semaphore_mem>>
        %dma_start3A_83 = arith.constant 0 : i32
        %dma_start3A_84 = tpu.memref_slice %arg15[%mul3A_81, %dma_start3A_83] : memref<10000x128xf32, #tpu.memory_space<vmem_shared>> -> memref<624x128xf32, #tpu.memory_space<vmem_shared>>
        %dma_start3A_85 = arith.constant 0 : i32
        %dma_start3A_86 = tpu.memref_slice %arg5[%mul3A_81, %dma_start3A_85] : memref<10000x128xf32, #tpu.memory_space<hbm>> -> memref<624x128xf32, #tpu.memory_space<hbm>>
        tpu.enqueue_dma source(%dma_start3A_86 : memref<624x128xf32, #tpu.memory_space<hbm>>) target(%dma_start3A_84 : memref<624x128xf32, #tpu.memory_space<vmem_shared>>) target_semaphore(%run_scoped3A_82 : memref<!tpu.dma_semaphore, #tpu.memory_space<semaphore_mem>>)
        %dma_wait3A_87 = arith.constant 0 : i32
        %dma_wait3A_88 = tpu.memref_slice %arg15[%mul3A_81, %dma_wait3A_87] : memref<10000x128xf32, #tpu.memory_space<vmem_shared>> -> memref<624x128xf32, #tpu.memory_space<vmem_shared>>
        %dma_wait3A_89 = arith.constant 0 : i32
        %dma_wait3A_90 = tpu.memref_slice %arg5[%mul3A_81, %dma_wait3A_89] : memref<10000x128xf32, #tpu.memory_space<hbm>> -> memref<624x128xf32, #tpu.memory_space<hbm>>
        tpu.wait_dma2 semaphore(%run_scoped3A_82 : memref<!tpu.dma_semaphore, #tpu.memory_space<semaphore_mem>>) src(%dma_wait3A_90 : memref<624x128xf32, #tpu.memory_space<hbm>>) dst(%dma_wait3A_88 : memref<624x128xf32, #tpu.memory_space<vmem_shared>>)
        tpu.yield
      }) : () -> ()
    } else {
    }
    %eq3A = arith.constant 15 : i32
    %eq3A_2 = arith.cmpi eq, %arg1, %eq3A : i32
    %convert_element_type3A_3 = arith.extui %eq3A_2 : i1 to i32
    %cond3A_4 = arith.constant 0 : i32
    %cond3A_5 = arith.cmpi ne, %convert_element_type3A_3, %cond3A_4 : i32
    scf.if %cond3A_5 {
      "tpu.region"() ({
        %run_scoped3A_80 = tpu.sem_alloc : memref<!tpu.dma_semaphore, #tpu.memory_space<semaphore_mem>>
        %dma_start3A_81 = arith.constant 9360 : i32
        %dma_start3A_82 = arith.constant 0 : i32
        %dma_start3A_83 = tpu.memref_slice %arg15[%dma_start3A_81, %dma_start3A_82] : memref<10000x128xf32, #tpu.memory_space<vmem_shared>> -> memref<640x128xf32, #tpu.memory_space<vmem_shared>>
        %dma_start3A_84 = arith.constant 9360 : i32
        %dma_start3A_85 = arith.constant 0 : i32
        %dma_start3A_86 = tpu.memref_slice %arg5[%dma_start3A_84, %dma_start3A_85] : memref<10000x128xf32, #tpu.memory_space<hbm>> -> memref<640x128xf32, #tpu.memory_space<hbm>>
        tpu.enqueue_dma source(%dma_start3A_86 : memref<640x128xf32, #tpu.memory_space<hbm>>) target(%dma_start3A_83 : memref<640x128xf32, #tpu.memory_space<vmem_shared>>) target_semaphore(%run_scoped3A_80 : memref<!tpu.dma_semaphore, #tpu.memory_space<semaphore_mem>>)
        %dma_wait3A_87 = arith.constant 9360 : i32
        %dma_wait3A_88 = arith.constant 0 : i32
        %dma_wait3A_89 = tpu.memref_slice %arg15[%dma_wait3A_87, %dma_wait3A_88] : memref<10000x128xf32, #tpu.memory_space<vmem_shared>> -> memref<640x128xf32, #tpu.memory_space<vmem_shared>>
        %dma_wait3A_90 = arith.constant 9360 : i32
        %dma_wait3A_91 = arith.constant 0 : i32
        %dma_wait3A_92 = tpu.memref_slice %arg5[%dma_wait3A_90, %dma_wait3A_91] : memref<10000x128xf32, #tpu.memory_space<hbm>> -> memref<640x128xf32, #tpu.memory_space<hbm>>
        tpu.wait_dma2 semaphore(%run_scoped3A_80 : memref<!tpu.dma_semaphore, #tpu.memory_space<semaphore_mem>>) src(%dma_wait3A_92 : memref<640x128xf32, #tpu.memory_space<hbm>>) dst(%dma_wait3A_89 : memref<640x128xf32, #tpu.memory_space<vmem_shared>>)
        tpu.yield
      }) : () -> ()
    } else {
    }
    %barrier3A = arith.constant 0 : index
    tpu.barrier barrier_id(%barrier3A)
    %mul3A = arith.constant 10000 : i32
    %mul3A_6 = arith.muli %arg1, %mul3A : i32
    %run_scoped3A = arith.constant 0 : i32
    "tpu.region"() ({
      %run_scoped3A_80 = tpu.sem_alloc : memref<!tpu.dma_semaphore, #tpu.memory_space<semaphore_mem>>
      %dma_start3A_81 = arith.constant 0 : i32
      %dma_start3A_82 = tpu.memref_slice %arg7[%run_scoped3A, %dma_start3A_81] : memref<1x128xi32, #tpu.memory_space<vmem>> -> memref<1x128xi32, #tpu.memory_space<vmem>>
      %dma_start3A_83 = tpu.memref_squeeze %dma_start3A_82 : memref<1x128xi32, #tpu.memory_space<vmem>> -> memref<128xi32, #tpu.memory_space<vmem>>
      %dma_start3A_84 = tpu.memref_slice %arg2[%mul3A_6] : memref<160000xi32, #tpu.memory_space<hbm>> -> memref<128xi32, #tpu.memory_space<hbm>>
      %dma_start3A_85 = arith.constant 0 : i32
      %dma_start3A_86 = tpu.memref_slice %arg7[%run_scoped3A, %dma_start3A_85] : memref<1x128xi32, #tpu.memory_space<vmem>> -> memref<1x128xi32, #tpu.memory_space<vmem>>
      %dma_start3A_87 = tpu.memref_squeeze %dma_start3A_86 : memref<1x128xi32, #tpu.memory_space<vmem>> -> memref<128xi32, #tpu.memory_space<vmem>>
      %dma_start3A_88 = tpu.memref_slice %arg2[%mul3A_6] : memref<160000xi32, #tpu.memory_space<hbm>> -> memref<128xi32, #tpu.memory_space<hbm>>
      tpu.enqueue_dma source(%dma_start3A_88 : memref<128xi32, #tpu.memory_space<hbm>>) target(%dma_start3A_87 : memref<128xi32, #tpu.memory_space<vmem>>) target_semaphore(%run_scoped3A_80 : memref<!tpu.dma_semaphore, #tpu.memory_space<semaphore_mem>>)
      %dma_wait3A_89 = arith.constant 0 : i32
      %dma_wait3A_90 = tpu.memref_slice %arg7[%run_scoped3A, %dma_wait3A_89] : memref<1x128xi32, #tpu.memory_space<vmem>> -> memref<1x128xi32, #tpu.memory_space<vmem>>
      %dma_wait3A_91 = tpu.memref_squeeze %dma_wait3A_90 : memref<1x128xi32, #tpu.memory_space<vmem>> -> memref<128xi32, #tpu.memory_space<vmem>>
      %dma_wait3A_92 = tpu.memref_slice %arg2[%mul3A_6] : memref<160000xi32, #tpu.memory_space<hbm>> -> memref<128xi32, #tpu.memory_space<hbm>>
      %dma_wait3A_93 = arith.constant 0 : i32
      %dma_wait3A_94 = tpu.memref_slice %arg7[%run_scoped3A, %dma_wait3A_93] : memref<1x128xi32, #tpu.memory_space<vmem>> -> memref<1x128xi32, #tpu.memory_space<vmem>>
      %dma_wait3A_95 = tpu.memref_squeeze %dma_wait3A_94 : memref<1x128xi32, #tpu.memory_space<vmem>> -> memref<128xi32, #tpu.memory_space<vmem>>
      %dma_wait3A_96 = tpu.memref_slice %arg2[%mul3A_6] : memref<160000xi32, #tpu.memory_space<hbm>> -> memref<128xi32, #tpu.memory_space<hbm>>
      tpu.wait_dma2 semaphore(%run_scoped3A_80 : memref<!tpu.dma_semaphore, #tpu.memory_space<semaphore_mem>>) src(%dma_wait3A_96 : memref<128xi32, #tpu.memory_space<hbm>>) dst(%dma_wait3A_95 : memref<128xi32, #tpu.memory_space<vmem>>)
      tpu.yield
    }) : () -> ()
    %run_scoped3A_7 = arith.constant 0 : i32
    "tpu.region"() ({
      %run_scoped3A_80 = tpu.sem_alloc : memref<!tpu.dma_semaphore, #tpu.memory_space<semaphore_mem>>
      %dma_start3A_81 = arith.constant 0 : i32
      %dma_start3A_82 = tpu.memref_slice %arg8[%run_scoped3A_7, %dma_start3A_81] : memref<1x128xi32, #tpu.memory_space<vmem>> -> memref<1x128xi32, #tpu.memory_space<vmem>>
      %dma_start3A_83 = tpu.memref_squeeze %dma_start3A_82 : memref<1x128xi32, #tpu.memory_space<vmem>> -> memref<128xi32, #tpu.memory_space<vmem>>
      %dma_start3A_84 = tpu.memref_slice %arg3[%mul3A_6] : memref<160000xi32, #tpu.memory_space<hbm>> -> memref<128xi32, #tpu.memory_space<hbm>>
      %dma_start3A_85 = arith.constant 0 : i32
      %dma_start3A_86 = tpu.memref_slice %arg8[%run_scoped3A_7, %dma_start3A_85] : memref<1x128xi32, #tpu.memory_space<vmem>> -> memref<1x128xi32, #tpu.memory_space<vmem>>
      %dma_start3A_87 = tpu.memref_squeeze %dma_start3A_86 : memref<1x128xi32, #tpu.memory_space<vmem>> -> memref<128xi32, #tpu.memory_space<vmem>>
      %dma_start3A_88 = tpu.memref_slice %arg3[%mul3A_6] : memref<160000xi32, #tpu.memory_space<hbm>> -> memref<128xi32, #tpu.memory_space<hbm>>
      tpu.enqueue_dma source(%dma_start3A_88 : memref<128xi32, #tpu.memory_space<hbm>>) target(%dma_start3A_87 : memref<128xi32, #tpu.memory_space<vmem>>) target_semaphore(%run_scoped3A_80 : memref<!tpu.dma_semaphore, #tpu.memory_space<semaphore_mem>>)
      %dma_wait3A_89 = arith.constant 0 : i32
      %dma_wait3A_90 = tpu.memref_slice %arg8[%run_scoped3A_7, %dma_wait3A_89] : memref<1x128xi32, #tpu.memory_space<vmem>> -> memref<1x128xi32, #tpu.memory_space<vmem>>
      %dma_wait3A_91 = tpu.memref_squeeze %dma_wait3A_90 : memref<1x128xi32, #tpu.memory_space<vmem>> -> memref<128xi32, #tpu.memory_space<vmem>>
      %dma_wait3A_92 = tpu.memref_slice %arg3[%mul3A_6] : memref<160000xi32, #tpu.memory_space<hbm>> -> memref<128xi32, #tpu.memory_space<hbm>>
      %dma_wait3A_93 = arith.constant 0 : i32
      %dma_wait3A_94 = tpu.memref_slice %arg8[%run_scoped3A_7, %dma_wait3A_93] : memref<1x128xi32, #tpu.memory_space<vmem>> -> memref<1x128xi32, #tpu.memory_space<vmem>>
      %dma_wait3A_95 = tpu.memref_squeeze %dma_wait3A_94 : memref<1x128xi32, #tpu.memory_space<vmem>> -> memref<128xi32, #tpu.memory_space<vmem>>
      %dma_wait3A_96 = tpu.memref_slice %arg3[%mul3A_6] : memref<160000xi32, #tpu.memory_space<hbm>> -> memref<128xi32, #tpu.memory_space<hbm>>
      tpu.wait_dma2 semaphore(%run_scoped3A_80 : memref<!tpu.dma_semaphore, #tpu.memory_space<semaphore_mem>>) src(%dma_wait3A_96 : memref<128xi32, #tpu.memory_space<hbm>>) dst(%dma_wait3A_95 : memref<128xi32, #tpu.memory_space<vmem>>)
      tpu.yield
    }) : () -> ()
    %dma_start3A = arith.constant 0 : i32
    %dma_start3A_8 = arith.constant 0 : i32
    %dma_start3A_9 = tpu.memref_slice %arg7[%dma_start3A, %dma_start3A_8] : memref<1x128xi32, #tpu.memory_space<vmem>> -> memref<1x128xi32, #tpu.memory_space<vmem>>
    %dma_start3A_10 = tpu.memref_squeeze %dma_start3A_9 : memref<1x128xi32, #tpu.memory_space<vmem>> -> memref<128xi32, #tpu.memory_space<vmem>>
    %dma_start3A_11 = arith.constant 0 : i32
    %dma_start3A_12 = arith.constant 0 : i32
    %dma_start3A_13 = tpu.memref_slice %arg4[%arg0, %dma_start3A_11, %dma_start3A_12] : memref<2x10000x128xf32, #tpu.memory_space<hbm>> -> memref<1x10000x128xf32, #tpu.memory_space<hbm>>
    %dma_start3A_14 = tpu.memref_squeeze %dma_start3A_13 : memref<1x10000x128xf32, #tpu.memory_space<hbm>> -> memref<10000x128xf32, #tpu.memory_space<hbm>>
    %dma_start3A_15 = arith.constant 0 : i32
    %dma_start3A_16 = arith.constant 0 : i32
    %dma_start3A_17 = tpu.memref_slice %dma_start3A_14[%dma_start3A_15, %dma_start3A_16] : memref<10000x128xf32, #tpu.memory_space<hbm>> -> memref<10000x128xf32, #tpu.memory_space<hbm>>
    tpu.enqueue_indirect_dma source(%dma_start3A_17 : memref<10000x128xf32, #tpu.memory_space<hbm>>) target(%arg13 : memref<128x128xf32, #tpu.memory_space<vmem>>) offsets(%dma_start3A_10 : memref<128xi32, #tpu.memory_space<vmem>>) semaphore(%arg16 : memref<!tpu.dma_semaphore, #tpu.memory_space<semaphore_mem>>)
    %add3A = arith.constant 128 : i32
    %add3A_18 = arith.addi %mul3A_6, %add3A : i32
    %run_scoped3A_19 = arith.constant 0 : i32
    "tpu.region"() ({
      %run_scoped3A_80 = tpu.sem_alloc : memref<!tpu.dma_semaphore, #tpu.memory_space<semaphore_mem>>
      %dma_start3A_81 = arith.constant 0 : i32
      %dma_start3A_82 = tpu.memref_slice %arg9[%run_scoped3A_19, %dma_start3A_81] : memref<1x128xi32, #tpu.memory_space<vmem>> -> memref<1x128xi32, #tpu.memory_space<vmem>>
      %dma_start3A_83 = tpu.memref_squeeze %dma_start3A_82 : memref<1x128xi32, #tpu.memory_space<vmem>> -> memref<128xi32, #tpu.memory_space<vmem>>
      %dma_start3A_84 = tpu.memref_slice %arg2[%add3A_18] : memref<160000xi32, #tpu.memory_space<hbm>> -> memref<128xi32, #tpu.memory_space<hbm>>
      %dma_start3A_85 = arith.constant 0 : i32
      %dma_start3A_86 = tpu.memref_slice %arg9[%run_scoped3A_19, %dma_start3A_85] : memref<1x128xi32, #tpu.memory_space<vmem>> -> memref<1x128xi32, #tpu.memory_space<vmem>>
      %dma_start3A_87 = tpu.memref_squeeze %dma_start3A_86 : memref<1x128xi32, #tpu.memory_space<vmem>> -> memref<128xi32, #tpu.memory_space<vmem>>
      %dma_start3A_88 = tpu.memref_slice %arg2[%add3A_18] : memref<160000xi32, #tpu.memory_space<hbm>> -> memref<128xi32, #tpu.memory_space<hbm>>
      tpu.enqueue_dma source(%dma_start3A_88 : memref<128xi32, #tpu.memory_space<hbm>>) target(%dma_start3A_87 : memref<128xi32, #tpu.memory_space<vmem>>) target_semaphore(%run_scoped3A_80 : memref<!tpu.dma_semaphore, #tpu.memory_space<semaphore_mem>>)
      %dma_wait3A_89 = arith.constant 0 : i32
      %dma_wait3A_90 = tpu.memref_slice %arg9[%run_scoped3A_19, %dma_wait3A_89] : memref<1x128xi32, #tpu.memory_space<vmem>> -> memref<1x128xi32, #tpu.memory_space<vmem>>
      %dma_wait3A_91 = tpu.memref_squeeze %dma_wait3A_90 : memref<1x128xi32, #tpu.memory_space<vmem>> -> memref<128xi32, #tpu.memory_space<vmem>>
      %dma_wait3A_92 = tpu.memref_slice %arg2[%add3A_18] : memref<160000xi32, #tpu.memory_space<hbm>> -> memref<128xi32, #tpu.memory_space<hbm>>
      %dma_wait3A_93 = arith.constant 0 : i32
      %dma_wait3A_94 = tpu.memref_slice %arg9[%run_scoped3A_19, %dma_wait3A_93] : memref<1x128xi32, #tpu.memory_space<vmem>> -> memref<1x128xi32, #tpu.memory_space<vmem>>
      %dma_wait3A_95 = tpu.memref_squeeze %dma_wait3A_94 : memref<1x128xi32, #tpu.memory_space<vmem>> -> memref<128xi32, #tpu.memory_space<vmem>>
      %dma_wait3A_96 = tpu.memref_slice %arg2[%add3A_18] : memref<160000xi32, #tpu.memory_space<hbm>> -> memref<128xi32, #tpu.memory_space<hbm>>
      tpu.wait_dma2 semaphore(%run_scoped3A_80 : memref<!tpu.dma_semaphore, #tpu.memory_space<semaphore_mem>>) src(%dma_wait3A_96 : memref<128xi32, #tpu.memory_space<hbm>>) dst(%dma_wait3A_95 : memref<128xi32, #tpu.memory_space<vmem>>)
      tpu.yield
    }) : () -> ()
    %run_scoped3A_20 = arith.constant 0 : i32
    "tpu.region"() ({
      %run_scoped3A_80 = tpu.sem_alloc : memref<!tpu.dma_semaphore, #tpu.memory_space<semaphore_mem>>
      %dma_start3A_81 = arith.constant 0 : i32
      %dma_start3A_82 = tpu.memref_slice %arg10[%run_scoped3A_20, %dma_start3A_81] : memref<1x128xi32, #tpu.memory_space<vmem>> -> memref<1x128xi32, #tpu.memory_space<vmem>>
      %dma_start3A_83 = tpu.memref_squeeze %dma_start3A_82 : memref<1x128xi32, #tpu.memory_space<vmem>> -> memref<128xi32, #tpu.memory_space<vmem>>
      %dma_start3A_84 = tpu.memref_slice %arg3[%add3A_18] : memref<160000xi32, #tpu.memory_space<hbm>> -> memref<128xi32, #tpu.memory_space<hbm>>
      %dma_start3A_85 = arith.constant 0 : i32
      %dma_start3A_86 = tpu.memref_slice %arg10[%run_scoped3A_20, %dma_start3A_85] : memref<1x128xi32, #tpu.memory_space<vmem>> -> memref<1x128xi32, #tpu.memory_space<vmem>>
      %dma_start3A_87 = tpu.memref_squeeze %dma_start3A_86 : memref<1x128xi32, #tpu.memory_space<vmem>> -> memref<128xi32, #tpu.memory_space<vmem>>
      %dma_start3A_88 = tpu.memref_slice %arg3[%add3A_18] : memref<160000xi32, #tpu.memory_space<hbm>> -> memref<128xi32, #tpu.memory_space<hbm>>
      tpu.enqueue_dma source(%dma_start3A_88 : memref<128xi32, #tpu.memory_space<hbm>>) target(%dma_start3A_87 : memref<128xi32, #tpu.memory_space<vmem>>) target_semaphore(%run_scoped3A_80 : memref<!tpu.dma_semaphore, #tpu.memory_space<semaphore_mem>>)
      %dma_wait3A_89 = arith.constant 0 : i32
      %dma_wait3A_90 = tpu.memref_slice %arg10[%run_scoped3A_20, %dma_wait3A_89] : memref<1x128xi32, #tpu.memory_space<vmem>> -> memref<1x128xi32, #tpu.memory_space<vmem>>
      %dma_wait3A_91 = tpu.memref_squeeze %dma_wait3A_90 : memref<1x128xi32, #tpu.memory_space<vmem>> -> memref<128xi32, #tpu.memory_space<vmem>>
      %dma_wait3A_92 = tpu.memref_slice %arg3[%add3A_18] : memref<160000xi32, #tpu.memory_space<hbm>> -> memref<128xi32, #tpu.memory_space<hbm>>
      %dma_wait3A_93 = arith.constant 0 : i32
      %dma_wait3A_94 = tpu.memref_slice %arg10[%run_scoped3A_20, %dma_wait3A_93] : memref<1x128xi32, #tpu.memory_space<vmem>> -> memref<1x128xi32, #tpu.memory_space<vmem>>
      %dma_wait3A_95 = tpu.memref_squeeze %dma_wait3A_94 : memref<1x128xi32, #tpu.memory_space<vmem>> -> memref<128xi32, #tpu.memory_space<vmem>>
      %dma_wait3A_96 = tpu.memref_slice %arg3[%add3A_18] : memref<160000xi32, #tpu.memory_space<hbm>> -> memref<128xi32, #tpu.memory_space<hbm>>
      tpu.wait_dma2 semaphore(%run_scoped3A_80 : memref<!tpu.dma_semaphore, #tpu.memory_space<semaphore_mem>>) src(%dma_wait3A_96 : memref<128xi32, #tpu.memory_space<hbm>>) dst(%dma_wait3A_95 : memref<128xi32, #tpu.memory_space<vmem>>)
      tpu.yield
    }) : () -> ()
    %dma_start3A_21 = arith.constant 0 : i32
    %dma_start3A_22 = arith.constant 0 : i32
    %dma_start3A_23 = tpu.memref_slice %arg9[%dma_start3A_21, %dma_start3A_22] : memref<1x128xi32, #tpu.memory_space<vmem>> -> memref<1x128xi32, #tpu.memory_space<vmem>>
    %dma_start3A_24 = tpu.memref_squeeze %dma_start3A_23 : memref<1x128xi32, #tpu.memory_space<vmem>> -> memref<128xi32, #tpu.memory_space<vmem>>
    %dma_start3A_25 = arith.constant 0 : i32
    %dma_start3A_26 = arith.constant 0 : i32
    %dma_start3A_27 = tpu.memref_slice %arg4[%arg0, %dma_start3A_25, %dma_start3A_26] : memref<2x10000x128xf32, #tpu.memory_space<hbm>> -> memref<1x10000x128xf32, #tpu.memory_space<hbm>>
    %dma_start3A_28 = tpu.memref_squeeze %dma_start3A_27 : memref<1x10000x128xf32, #tpu.memory_space<hbm>> -> memref<10000x128xf32, #tpu.memory_space<hbm>>
    %dma_start3A_29 = arith.constant 0 : i32
    %dma_start3A_30 = arith.constant 0 : i32
    %dma_start3A_31 = tpu.memref_slice %dma_start3A_28[%dma_start3A_29, %dma_start3A_30] : memref<10000x128xf32, #tpu.memory_space<hbm>> -> memref<10000x128xf32, #tpu.memory_space<hbm>>
    tpu.enqueue_indirect_dma source(%dma_start3A_31 : memref<10000x128xf32, #tpu.memory_space<hbm>>) target(%arg14 : memref<128x128xf32, #tpu.memory_space<vmem>>) offsets(%dma_start3A_24 : memref<128xi32, #tpu.memory_space<vmem>>) semaphore(%arg17 : memref<!tpu.dma_semaphore, #tpu.memory_space<semaphore_mem>>)
    %scan3A = arith.constant 0 : i32
    %scan3A_32 = arith.constant 0 : i32
    %scan3A_33 = arith.constant 39 : i32
    %scan3A_34 = arith.addi %scan3A_32, %scan3A_33 : i32
    %scan3A_35 = arith.constant 1 : i32
    scf.for %scan3A_80 = %scan3A_32 to %scan3A_34 step %scan3A_35  : i32 {
      %mul3A_81 = arith.constant 2 : i32
      %mul3A_82 = arith.muli %mul3A_81, %scan3A_80 : i32
      %add3A_83 = arith.constant 0 : i32
      %add3A_84 = arith.addi %mul3A_82, %add3A_83 : i32
      %dma_wait3A_85 = arith.constant 0 : i32
      %dma_wait3A_86 = arith.constant 0 : i32
      %dma_wait3A_87 = tpu.memref_slice %arg7[%dma_wait3A_85, %dma_wait3A_86] : memref<1x128xi32, #tpu.memory_space<vmem>> -> memref<1x128xi32, #tpu.memory_space<vmem>>
      %dma_wait3A_88 = tpu.memref_squeeze %dma_wait3A_87 : memref<1x128xi32, #tpu.memory_space<vmem>> -> memref<128xi32, #tpu.memory_space<vmem>>
      %dma_wait3A_89 = arith.constant 0 : i32
      %dma_wait3A_90 = arith.constant 0 : i32
      %dma_wait3A_91 = tpu.memref_slice %arg4[%arg0, %dma_wait3A_89, %dma_wait3A_90] : memref<2x10000x128xf32, #tpu.memory_space<hbm>> -> memref<1x10000x128xf32, #tpu.memory_space<hbm>>
      %dma_wait3A_92 = tpu.memref_squeeze %dma_wait3A_91 : memref<1x10000x128xf32, #tpu.memory_space<hbm>> -> memref<10000x128xf32, #tpu.memory_space<hbm>>
      %dma_wait3A_93 = arith.constant 0 : i32
      %dma_wait3A_94 = arith.constant 0 : i32
      %dma_wait3A_95 = tpu.memref_slice %dma_wait3A_92[%dma_wait3A_93, %dma_wait3A_94] : memref<10000x128xf32, #tpu.memory_space<hbm>> -> memref<10000x128xf32, #tpu.memory_space<hbm>>
      tpu.wait_indirect_dma semaphore(%arg16 : memref<!tpu.dma_semaphore, #tpu.memory_space<semaphore_mem>>) src(%dma_wait3A_95 : memref<10000x128xf32, #tpu.memory_space<hbm>>) dst(%arg13 : memref<128x128xf32, #tpu.memory_space<vmem>>)
      %run_scoped3A_96 = arith.constant 0 : i32
      "tpu.region"() ({
        %run_scoped3A_127 = tpu.sem_alloc : memref<!tpu.dma_semaphore, #tpu.memory_space<semaphore_mem>>
        %dma_start3A_128 = arith.constant 0 : i32
        %dma_start3A_129 = tpu.memref_slice %arg8[%run_scoped3A_96, %dma_start3A_128] : memref<1x128xi32, #tpu.memory_space<vmem>> -> memref<1x128xi32, #tpu.memory_space<vmem>>
        %dma_start3A_130 = tpu.memref_squeeze %dma_start3A_129 : memref<1x128xi32, #tpu.memory_space<vmem>> -> memref<128xi32, #tpu.memory_space<vmem>>
        %dma_start3A_131 = arith.constant 0 : i32
        %dma_start3A_132 = arith.constant 0 : i32
        %dma_start3A_133 = tpu.memref_slice %arg15[%dma_start3A_131, %dma_start3A_132] : memref<10000x128xf32, #tpu.memory_space<vmem_shared>> -> memref<10000x128xf32, #tpu.memory_space<vmem_shared>>
        tpu.enqueue_indirect_dma source(%arg13 : memref<128x128xf32, #tpu.memory_space<vmem>>) target(%dma_start3A_133 : memref<10000x128xf32, #tpu.memory_space<vmem_shared>>) offsets(%dma_start3A_130 : memref<128xi32, #tpu.memory_space<vmem>>) semaphore(%run_scoped3A_127 : memref<!tpu.dma_semaphore, #tpu.memory_space<semaphore_mem>>) {add = true}
        %dma_wait3A_134 = arith.constant 0 : i32
        %dma_wait3A_135 = tpu.memref_slice %arg8[%run_scoped3A_96, %dma_wait3A_134] : memref<1x128xi32, #tpu.memory_space<vmem>> -> memref<1x128xi32, #tpu.memory_space<vmem>>
        %dma_wait3A_136 = tpu.memref_squeeze %dma_wait3A_135 : memref<1x128xi32, #tpu.memory_space<vmem>> -> memref<128xi32, #tpu.memory_space<vmem>>
        %dma_wait3A_137 = arith.constant 0 : i32
        %dma_wait3A_138 = arith.constant 0 : i32
        %dma_wait3A_139 = tpu.memref_slice %arg15[%dma_wait3A_137, %dma_wait3A_138] : memref<10000x128xf32, #tpu.memory_space<vmem_shared>> -> memref<10000x128xf32, #tpu.memory_space<vmem_shared>>
        tpu.wait_indirect_dma semaphore(%run_scoped3A_127 : memref<!tpu.dma_semaphore, #tpu.memory_space<semaphore_mem>>) src(%arg13 : memref<128x128xf32, #tpu.memory_space<vmem>>) dst(%dma_wait3A_139 : memref<10000x128xf32, #tpu.memory_space<vmem_shared>>)
        tpu.yield
      }) : () -> ()
      %add3A_97 = arith.constant 2 : i32
      %add3A_98 = arith.addi %add3A_84, %add3A_97 : i32
      %lt3A_99 = arith.constant 78 : i32
      %lt3A_100 = arith.cmpi slt, %add3A_98, %lt3A_99 : i32
      %convert_element_type3A_101 = arith.extui %lt3A_100 : i1 to i32
      %cond3A_102 = arith.constant 0 : i32
      %cond3A_103 = arith.cmpi ne, %convert_element_type3A_101, %cond3A_102 : i32
      scf.if %cond3A_103 {
        %add3A_127 = arith.constant 2 : i32
        %add3A_128 = arith.addi %add3A_84, %add3A_127 : i32
        %mul3A_129 = arith.constant 128 : i32
        %mul3A_130 = arith.muli %add3A_128, %mul3A_129 : i32
        %add3A_131 = arith.addi %mul3A_6, %mul3A_130 : i32
        %run_scoped3A_132 = arith.constant 0 : i32
        "tpu.region"() ({
          %run_scoped3A_145 = tpu.sem_alloc : memref<!tpu.dma_semaphore, #tpu.memory_space<semaphore_mem>>
          %dma_start3A_146 = arith.constant 0 : i32
          %dma_start3A_147 = tpu.memref_slice %arg7[%run_scoped3A_132, %dma_start3A_146] : memref<1x128xi32, #tpu.memory_space<vmem>> -> memref<1x128xi32, #tpu.memory_space<vmem>>
          %dma_start3A_148 = tpu.memref_squeeze %dma_start3A_147 : memref<1x128xi32, #tpu.memory_space<vmem>> -> memref<128xi32, #tpu.memory_space<vmem>>
          %dma_start3A_149 = tpu.memref_slice %arg2[%add3A_131] : memref<160000xi32, #tpu.memory_space<hbm>> -> memref<128xi32, #tpu.memory_space<hbm>>
          %dma_start3A_150 = arith.constant 0 : i32
          %dma_start3A_151 = tpu.memref_slice %arg7[%run_scoped3A_132, %dma_start3A_150] : memref<1x128xi32, #tpu.memory_space<vmem>> -> memref<1x128xi32, #tpu.memory_space<vmem>>
          %dma_start3A_152 = tpu.memref_squeeze %dma_start3A_151 : memref<1x128xi32, #tpu.memory_space<vmem>> -> memref<128xi32, #tpu.memory_space<vmem>>
          %dma_start3A_153 = tpu.memref_slice %arg2[%add3A_131] : memref<160000xi32, #tpu.memory_space<hbm>> -> memref<128xi32, #tpu.memory_space<hbm>>
          tpu.enqueue_dma source(%dma_start3A_153 : memref<128xi32, #tpu.memory_space<hbm>>) target(%dma_start3A_152 : memref<128xi32, #tpu.memory_space<vmem>>) target_semaphore(%run_scoped3A_145 : memref<!tpu.dma_semaphore, #tpu.memory_space<semaphore_mem>>)
          %dma_wait3A_154 = arith.constant 0 : i32
          %dma_wait3A_155 = tpu.memref_slice %arg7[%run_scoped3A_132, %dma_wait3A_154] : memref<1x128xi32, #tpu.memory_space<vmem>> -> memref<1x128xi32, #tpu.memory_space<vmem>>
          %dma_wait3A_156 = tpu.memref_squeeze %dma_wait3A_155 : memref<1x128xi32, #tpu.memory_space<vmem>> -> memref<128xi32, #tpu.memory_space<vmem>>
          %dma_wait3A_157 = tpu.memref_slice %arg2[%add3A_131] : memref<160000xi32, #tpu.memory_space<hbm>> -> memref<128xi32, #tpu.memory_space<hbm>>
          %dma_wait3A_158 = arith.constant 0 : i32
          %dma_wait3A_159 = tpu.memref_slice %arg7[%run_scoped3A_132, %dma_wait3A_158] : memref<1x128xi32, #tpu.memory_space<vmem>> -> memref<1x128xi32, #tpu.memory_space<vmem>>
          %dma_wait3A_160 = tpu.memref_squeeze %dma_wait3A_159 : memref<1x128xi32, #tpu.memory_space<vmem>> -> memref<128xi32, #tpu.memory_space<vmem>>
          %dma_wait3A_161 = tpu.memref_slice %arg2[%add3A_131] : memref<160000xi32, #tpu.memory_space<hbm>> -> memref<128xi32, #tpu.memory_space<hbm>>
          tpu.wait_dma2 semaphore(%run_scoped3A_145 : memref<!tpu.dma_semaphore, #tpu.memory_space<semaphore_mem>>) src(%dma_wait3A_161 : memref<128xi32, #tpu.memory_space<hbm>>) dst(%dma_wait3A_160 : memref<128xi32, #tpu.memory_space<vmem>>)
          tpu.yield
        }) : () -> ()
        %run_scoped3A_133 = arith.constant 0 : i32
        "tpu.region"() ({
          %run_scoped3A_145 = tpu.sem_alloc : memref<!tpu.dma_semaphore, #tpu.memory_space<semaphore_mem>>
          %dma_start3A_146 = arith.constant 0 : i32
          %dma_start3A_147 = tpu.memref_slice %arg8[%run_scoped3A_133, %dma_start3A_146] : memref<1x128xi32, #tpu.memory_space<vmem>> -> memref<1x128xi32, #tpu.memory_space<vmem>>
          %dma_start3A_148 = tpu.memref_squeeze %dma_start3A_147 : memref<1x128xi32, #tpu.memory_space<vmem>> -> memref<128xi32, #tpu.memory_space<vmem>>
          %dma_start3A_149 = tpu.memref_slice %arg3[%add3A_131] : memref<160000xi32, #tpu.memory_space<hbm>> -> memref<128xi32, #tpu.memory_space<hbm>>
          %dma_start3A_150 = arith.constant 0 : i32
          %dma_start3A_151 = tpu.memref_slice %arg8[%run_scoped3A_133, %dma_start3A_150] : memref<1x128xi32, #tpu.memory_space<vmem>> -> memref<1x128xi32, #tpu.memory_space<vmem>>
          %dma_start3A_152 = tpu.memref_squeeze %dma_start3A_151 : memref<1x128xi32, #tpu.memory_space<vmem>> -> memref<128xi32, #tpu.memory_space<vmem>>
          %dma_start3A_153 = tpu.memref_slice %arg3[%add3A_131] : memref<160000xi32, #tpu.memory_space<hbm>> -> memref<128xi32, #tpu.memory_space<hbm>>
          tpu.enqueue_dma source(%dma_start3A_153 : memref<128xi32, #tpu.memory_space<hbm>>) target(%dma_start3A_152 : memref<128xi32, #tpu.memory_space<vmem>>) target_semaphore(%run_scoped3A_145 : memref<!tpu.dma_semaphore, #tpu.memory_space<semaphore_mem>>)
          %dma_wait3A_154 = arith.constant 0 : i32
          %dma_wait3A_155 = tpu.memref_slice %arg8[%run_scoped3A_133, %dma_wait3A_154] : memref<1x128xi32, #tpu.memory_space<vmem>> -> memref<1x128xi32, #tpu.memory_space<vmem>>
          %dma_wait3A_156 = tpu.memref_squeeze %dma_wait3A_155 : memref<1x128xi32, #tpu.memory_space<vmem>> -> memref<128xi32, #tpu.memory_space<vmem>>
          %dma_wait3A_157 = tpu.memref_slice %arg3[%add3A_131] : memref<160000xi32, #tpu.memory_space<hbm>> -> memref<128xi32, #tpu.memory_space<hbm>>
          %dma_wait3A_158 = arith.constant 0 : i32
          %dma_wait3A_159 = tpu.memref_slice %arg8[%run_scoped3A_133, %dma_wait3A_158] : memref<1x128xi32, #tpu.memory_space<vmem>> -> memref<1x128xi32, #tpu.memory_space<vmem>>
          %dma_wait3A_160 = tpu.memref_squeeze %dma_wait3A_159 : memref<1x128xi32, #tpu.memory_space<vmem>> -> memref<128xi32, #tpu.memory_space<vmem>>
          %dma_wait3A_161 = tpu.memref_slice %arg3[%add3A_131] : memref<160000xi32, #tpu.memory_space<hbm>> -> memref<128xi32, #tpu.memory_space<hbm>>
          tpu.wait_dma2 semaphore(%run_scoped3A_145 : memref<!tpu.dma_semaphore, #tpu.memory_space<semaphore_mem>>) src(%dma_wait3A_161 : memref<128xi32, #tpu.memory_space<hbm>>) dst(%dma_wait3A_160 : memref<128xi32, #tpu.memory_space<vmem>>)
          tpu.yield
        }) : () -> ()
        %dma_start3A_134 = arith.constant 0 : i32
        %dma_start3A_135 = arith.constant 0 : i32
        %dma_start3A_136 = tpu.memref_slice %arg7[%dma_start3A_134, %dma_start3A_135] : memref<1x128xi32, #tpu.memory_space<vmem>> -> memref<1x128xi32, #tpu.memory_space<vmem>>
        %dma_start3A_137 = tpu.memref_squeeze %dma_start3A_136 : memref<1x128xi32, #tpu.memory_space<vmem>> -> memref<128xi32, #tpu.memory_space<vmem>>
        %dma_start3A_138 = arith.constant 0 : i32
        %dma_start3A_139 = arith.constant 0 : i32
        %dma_start3A_140 = tpu.memref_slice %arg4[%arg0, %dma_start3A_138, %dma_start3A_139] : memref<2x10000x128xf32, #tpu.memory_space<hbm>> -> memref<1x10000x128xf32, #tpu.memory_space<hbm>>
        %dma_start3A_141 = tpu.memref_squeeze %dma_start3A_140 : memref<1x10000x128xf32, #tpu.memory_space<hbm>> -> memref<10000x128xf32, #tpu.memory_space<hbm>>
        %dma_start3A_142 = arith.constant 0 : i32
        %dma_start3A_143 = arith.constant 0 : i32
        %dma_start3A_144 = tpu.memref_slice %dma_start3A_141[%dma_start3A_142, %dma_start3A_143] : memref<10000x128xf32, #tpu.memory_space<hbm>> -> memref<10000x128xf32, #tpu.memory_space<hbm>>
        tpu.enqueue_indirect_dma source(%dma_start3A_144 : memref<10000x128xf32, #tpu.memory_space<hbm>>) target(%arg13 : memref<128x128xf32, #tpu.memory_space<vmem>>) offsets(%dma_start3A_137 : memref<128xi32, #tpu.memory_space<vmem>>) semaphore(%arg16 : memref<!tpu.dma_semaphore, #tpu.memory_space<semaphore_mem>>)
      } else {
      }
      %mul3A_104 = arith.constant 2 : i32
      %mul3A_105 = arith.muli %mul3A_104, %scan3A_80 : i32
      %add3A_106 = arith.constant 1 : i32
      %add3A_107 = arith.addi %mul3A_105, %add3A_106 : i32
      %dma_wait3A_108 = arith.constant 0 : i32
      %dma_wait3A_109 = arith.constant 0 : i32
      %dma_wait3A_110 = tpu.memref_slice %arg9[%dma_wait3A_108, %dma_wait3A_109] : memref<1x128xi32, #tpu.memory_space<vmem>> -> memref<1x128xi32, #tpu.memory_space<vmem>>
      %dma_wait3A_111 = tpu.memref_squeeze %dma_wait3A_110 : memref<1x128xi32, #tpu.memory_space<vmem>> -> memref<128xi32, #tpu.memory_space<vmem>>
      %dma_wait3A_112 = arith.constant 0 : i32
      %dma_wait3A_113 = arith.constant 0 : i32
      %dma_wait3A_114 = tpu.memref_slice %arg4[%arg0, %dma_wait3A_112, %dma_wait3A_113] : memref<2x10000x128xf32, #tpu.memory_space<hbm>> -> memref<1x10000x128xf32, #tpu.memory_space<hbm>>
      %dma_wait3A_115 = tpu.memref_squeeze %dma_wait3A_114 : memref<1x10000x128xf32, #tpu.memory_space<hbm>> -> memref<10000x128xf32, #tpu.memory_space<hbm>>
      %dma_wait3A_116 = arith.constant 0 : i32
      %dma_wait3A_117 = arith.constant 0 : i32
      %dma_wait3A_118 = tpu.memref_slice %dma_wait3A_115[%dma_wait3A_116, %dma_wait3A_117] : memref<10000x128xf32, #tpu.memory_space<hbm>> -> memref<10000x128xf32, #tpu.memory_space<hbm>>
      tpu.wait_indirect_dma semaphore(%arg17 : memref<!tpu.dma_semaphore, #tpu.memory_space<semaphore_mem>>) src(%dma_wait3A_118 : memref<10000x128xf32, #tpu.memory_space<hbm>>) dst(%arg14 : memref<128x128xf32, #tpu.memory_space<vmem>>)
      %run_scoped3A_119 = arith.constant 0 : i32
      "tpu.region"() ({
        %run_scoped3A_127 = tpu.sem_alloc : memref<!tpu.dma_semaphore, #tpu.memory_space<semaphore_mem>>
        %dma_start3A_128 = arith.constant 0 : i32
        %dma_start3A_129 = tpu.memref_slice %arg10[%run_scoped3A_119, %dma_start3A_128] : memref<1x128xi32, #tpu.memory_space<vmem>> -> memref<1x128xi32, #tpu.memory_space<vmem>>
        %dma_start3A_130 = tpu.memref_squeeze %dma_start3A_129 : memref<1x128xi32, #tpu.memory_space<vmem>> -> memref<128xi32, #tpu.memory_space<vmem>>
        %dma_start3A_131 = arith.constant 0 : i32
        %dma_start3A_132 = arith.constant 0 : i32
        %dma_start3A_133 = tpu.memref_slice %arg15[%dma_start3A_131, %dma_start3A_132] : memref<10000x128xf32, #tpu.memory_space<vmem_shared>> -> memref<10000x128xf32, #tpu.memory_space<vmem_shared>>
        tpu.enqueue_indirect_dma source(%arg14 : memref<128x128xf32, #tpu.memory_space<vmem>>) target(%dma_start3A_133 : memref<10000x128xf32, #tpu.memory_space<vmem_shared>>) offsets(%dma_start3A_130 : memref<128xi32, #tpu.memory_space<vmem>>) semaphore(%run_scoped3A_127 : memref<!tpu.dma_semaphore, #tpu.memory_space<semaphore_mem>>) {add = true}
        %dma_wait3A_134 = arith.constant 0 : i32
        %dma_wait3A_135 = tpu.memref_slice %arg10[%run_scoped3A_119, %dma_wait3A_134] : memref<1x128xi32, #tpu.memory_space<vmem>> -> memref<1x128xi32, #tpu.memory_space<vmem>>
        %dma_wait3A_136 = tpu.memref_squeeze %dma_wait3A_135 : memref<1x128xi32, #tpu.memory_space<vmem>> -> memref<128xi32, #tpu.memory_space<vmem>>
        %dma_wait3A_137 = arith.constant 0 : i32
        %dma_wait3A_138 = arith.constant 0 : i32
        %dma_wait3A_139 = tpu.memref_slice %arg15[%dma_wait3A_137, %dma_wait3A_138] : memref<10000x128xf32, #tpu.memory_space<vmem_shared>> -> memref<10000x128xf32, #tpu.memory_space<vmem_shared>>
        tpu.wait_indirect_dma semaphore(%run_scoped3A_127 : memref<!tpu.dma_semaphore, #tpu.memory_space<semaphore_mem>>) src(%arg14 : memref<128x128xf32, #tpu.memory_space<vmem>>) dst(%dma_wait3A_139 : memref<10000x128xf32, #tpu.memory_space<vmem_shared>>)
        tpu.yield
      }) : () -> ()
      %add3A_120 = arith.constant 2 : i32
      %add3A_121 = arith.addi %add3A_107, %add3A_120 : i32
      %lt3A_122 = arith.constant 78 : i32
      %lt3A_123 = arith.cmpi slt, %add3A_121, %lt3A_122 : i32
      %convert_element_type3A_124 = arith.extui %lt3A_123 : i1 to i32
      %cond3A_125 = arith.constant 0 : i32
      %cond3A_126 = arith.cmpi ne, %convert_element_type3A_124, %cond3A_125 : i32
      scf.if %cond3A_126 {
        %add3A_127 = arith.constant 2 : i32
        %add3A_128 = arith.addi %add3A_107, %add3A_127 : i32
        %mul3A_129 = arith.constant 128 : i32
        %mul3A_130 = arith.muli %add3A_128, %mul3A_129 : i32
        %add3A_131 = arith.addi %mul3A_6, %mul3A_130 : i32
        %run_scoped3A_132 = arith.constant 0 : i32
        "tpu.region"() ({
          %run_scoped3A_145 = tpu.sem_alloc : memref<!tpu.dma_semaphore, #tpu.memory_space<semaphore_mem>>
          %dma_start3A_146 = arith.constant 0 : i32
          %dma_start3A_147 = tpu.memref_slice %arg9[%run_scoped3A_132, %dma_start3A_146] : memref<1x128xi32, #tpu.memory_space<vmem>> -> memref<1x128xi32, #tpu.memory_space<vmem>>
          %dma_start3A_148 = tpu.memref_squeeze %dma_start3A_147 : memref<1x128xi32, #tpu.memory_space<vmem>> -> memref<128xi32, #tpu.memory_space<vmem>>
          %dma_start3A_149 = tpu.memref_slice %arg2[%add3A_131] : memref<160000xi32, #tpu.memory_space<hbm>> -> memref<128xi32, #tpu.memory_space<hbm>>
          %dma_start3A_150 = arith.constant 0 : i32
          %dma_start3A_151 = tpu.memref_slice %arg9[%run_scoped3A_132, %dma_start3A_150] : memref<1x128xi32, #tpu.memory_space<vmem>> -> memref<1x128xi32, #tpu.memory_space<vmem>>
          %dma_start3A_152 = tpu.memref_squeeze %dma_start3A_151 : memref<1x128xi32, #tpu.memory_space<vmem>> -> memref<128xi32, #tpu.memory_space<vmem>>
          %dma_start3A_153 = tpu.memref_slice %arg2[%add3A_131] : memref<160000xi32, #tpu.memory_space<hbm>> -> memref<128xi32, #tpu.memory_space<hbm>>
          tpu.enqueue_dma source(%dma_start3A_153 : memref<128xi32, #tpu.memory_space<hbm>>) target(%dma_start3A_152 : memref<128xi32, #tpu.memory_space<vmem>>) target_semaphore(%run_scoped3A_145 : memref<!tpu.dma_semaphore, #tpu.memory_space<semaphore_mem>>)
          %dma_wait3A_154 = arith.constant 0 : i32
          %dma_wait3A_155 = tpu.memref_slice %arg9[%run_scoped3A_132, %dma_wait3A_154] : memref<1x128xi32, #tpu.memory_space<vmem>> -> memref<1x128xi32, #tpu.memory_space<vmem>>
          %dma_wait3A_156 = tpu.memref_squeeze %dma_wait3A_155 : memref<1x128xi32, #tpu.memory_space<vmem>> -> memref<128xi32, #tpu.memory_space<vmem>>
          %dma_wait3A_157 = tpu.memref_slice %arg2[%add3A_131] : memref<160000xi32, #tpu.memory_space<hbm>> -> memref<128xi32, #tpu.memory_space<hbm>>
          %dma_wait3A_158 = arith.constant 0 : i32
          %dma_wait3A_159 = tpu.memref_slice %arg9[%run_scoped3A_132, %dma_wait3A_158] : memref<1x128xi32, #tpu.memory_space<vmem>> -> memref<1x128xi32, #tpu.memory_space<vmem>>
          %dma_wait3A_160 = tpu.memref_squeeze %dma_wait3A_159 : memref<1x128xi32, #tpu.memory_space<vmem>> -> memref<128xi32, #tpu.memory_space<vmem>>
          %dma_wait3A_161 = tpu.memref_slice %arg2[%add3A_131] : memref<160000xi32, #tpu.memory_space<hbm>> -> memref<128xi32, #tpu.memory_space<hbm>>
          tpu.wait_dma2 semaphore(%run_scoped3A_145 : memref<!tpu.dma_semaphore, #tpu.memory_space<semaphore_mem>>) src(%dma_wait3A_161 : memref<128xi32, #tpu.memory_space<hbm>>) dst(%dma_wait3A_160 : memref<128xi32, #tpu.memory_space<vmem>>)
          tpu.yield
        }) : () -> ()
        %run_scoped3A_133 = arith.constant 0 : i32
        "tpu.region"() ({
          %run_scoped3A_145 = tpu.sem_alloc : memref<!tpu.dma_semaphore, #tpu.memory_space<semaphore_mem>>
          %dma_start3A_146 = arith.constant 0 : i32
          %dma_start3A_147 = tpu.memref_slice %arg10[%run_scoped3A_133, %dma_start3A_146] : memref<1x128xi32, #tpu.memory_space<vmem>> -> memref<1x128xi32, #tpu.memory_space<vmem>>
          %dma_start3A_148 = tpu.memref_squeeze %dma_start3A_147 : memref<1x128xi32, #tpu.memory_space<vmem>> -> memref<128xi32, #tpu.memory_space<vmem>>
          %dma_start3A_149 = tpu.memref_slice %arg3[%add3A_131] : memref<160000xi32, #tpu.memory_space<hbm>> -> memref<128xi32, #tpu.memory_space<hbm>>
          %dma_start3A_150 = arith.constant 0 : i32
          %dma_start3A_151 = tpu.memref_slice %arg10[%run_scoped3A_133, %dma_start3A_150] : memref<1x128xi32, #tpu.memory_space<vmem>> -> memref<1x128xi32, #tpu.memory_space<vmem>>
          %dma_start3A_152 = tpu.memref_squeeze %dma_start3A_151 : memref<1x128xi32, #tpu.memory_space<vmem>> -> memref<128xi32, #tpu.memory_space<vmem>>
          %dma_start3A_153 = tpu.memref_slice %arg3[%add3A_131] : memref<160000xi32, #tpu.memory_space<hbm>> -> memref<128xi32, #tpu.memory_space<hbm>>
          tpu.enqueue_dma source(%dma_start3A_153 : memref<128xi32, #tpu.memory_space<hbm>>) target(%dma_start3A_152 : memref<128xi32, #tpu.memory_space<vmem>>) target_semaphore(%run_scoped3A_145 : memref<!tpu.dma_semaphore, #tpu.memory_space<semaphore_mem>>)
          %dma_wait3A_154 = arith.constant 0 : i32
          %dma_wait3A_155 = tpu.memref_slice %arg10[%run_scoped3A_133, %dma_wait3A_154] : memref<1x128xi32, #tpu.memory_space<vmem>> -> memref<1x128xi32, #tpu.memory_space<vmem>>
          %dma_wait3A_156 = tpu.memref_squeeze %dma_wait3A_155 : memref<1x128xi32, #tpu.memory_space<vmem>> -> memref<128xi32, #tpu.memory_space<vmem>>
          %dma_wait3A_157 = tpu.memref_slice %arg3[%add3A_131] : memref<160000xi32, #tpu.memory_space<hbm>> -> memref<128xi32, #tpu.memory_space<hbm>>
          %dma_wait3A_158 = arith.constant 0 : i32
          %dma_wait3A_159 = tpu.memref_slice %arg10[%run_scoped3A_133, %dma_wait3A_158] : memref<1x128xi32, #tpu.memory_space<vmem>> -> memref<1x128xi32, #tpu.memory_space<vmem>>
          %dma_wait3A_160 = tpu.memref_squeeze %dma_wait3A_159 : memref<1x128xi32, #tpu.memory_space<vmem>> -> memref<128xi32, #tpu.memory_space<vmem>>
          %dma_wait3A_161 = tpu.memref_slice %arg3[%add3A_131] : memref<160000xi32, #tpu.memory_space<hbm>> -> memref<128xi32, #tpu.memory_space<hbm>>
          tpu.wait_dma2 semaphore(%run_scoped3A_145 : memref<!tpu.dma_semaphore, #tpu.memory_space<semaphore_mem>>) src(%dma_wait3A_161 : memref<128xi32, #tpu.memory_space<hbm>>) dst(%dma_wait3A_160 : memref<128xi32, #tpu.memory_space<vmem>>)
          tpu.yield
        }) : () -> ()
        %dma_start3A_134 = arith.constant 0 : i32
        %dma_start3A_135 = arith.constant 0 : i32
        %dma_start3A_136 = tpu.memref_slice %arg9[%dma_start3A_134, %dma_start3A_135] : memref<1x128xi32, #tpu.memory_space<vmem>> -> memref<1x128xi32, #tpu.memory_space<vmem>>
        %dma_start3A_137 = tpu.memref_squeeze %dma_start3A_136 : memref<1x128xi32, #tpu.memory_space<vmem>> -> memref<128xi32, #tpu.memory_space<vmem>>
        %dma_start3A_138 = arith.constant 0 : i32
        %dma_start3A_139 = arith.constant 0 : i32
        %dma_start3A_140 = tpu.memref_slice %arg4[%arg0, %dma_start3A_138, %dma_start3A_139] : memref<2x10000x128xf32, #tpu.memory_space<hbm>> -> memref<1x10000x128xf32, #tpu.memory_space<hbm>>
        %dma_start3A_141 = tpu.memref_squeeze %dma_start3A_140 : memref<1x10000x128xf32, #tpu.memory_space<hbm>> -> memref<10000x128xf32, #tpu.memory_space<hbm>>
        %dma_start3A_142 = arith.constant 0 : i32
        %dma_start3A_143 = arith.constant 0 : i32
        %dma_start3A_144 = tpu.memref_slice %dma_start3A_141[%dma_start3A_142, %dma_start3A_143] : memref<10000x128xf32, #tpu.memory_space<hbm>> -> memref<10000x128xf32, #tpu.memory_space<hbm>>
        tpu.enqueue_indirect_dma source(%dma_start3A_144 : memref<10000x128xf32, #tpu.memory_space<hbm>>) target(%arg14 : memref<128x128xf32, #tpu.memory_space<vmem>>) offsets(%dma_start3A_137 : memref<128xi32, #tpu.memory_space<vmem>>) semaphore(%arg17 : memref<!tpu.dma_semaphore, #tpu.memory_space<semaphore_mem>>)
      } else {
      }
    }
    %scan3A_36 = arith.constant 39 : i32
    %add3A_37 = arith.constant 9984 : i32
    %add3A_38 = arith.addi %mul3A_6, %add3A_37 : i32
    %run_scoped3A_39 = arith.constant 0 : i32
    "tpu.region"() ({
      %run_scoped3A_80 = tpu.sem_alloc : memref<!tpu.dma_semaphore, #tpu.memory_space<semaphore_mem>>
      %dma_start3A_81 = arith.constant 0 : i32
      %dma_start3A_82 = tpu.memref_slice %arg11[%run_scoped3A_39, %dma_start3A_81] : memref<1x16xi32, #tpu.memory_space<vmem>> -> memref<1x16xi32, #tpu.memory_space<vmem>>
      %dma_start3A_83 = tpu.memref_squeeze %dma_start3A_82 : memref<1x16xi32, #tpu.memory_space<vmem>> -> memref<16xi32, #tpu.memory_space<vmem>>
      %dma_start3A_84 = tpu.memref_slice %arg2[%add3A_38] : memref<160000xi32, #tpu.memory_space<hbm>> -> memref<16xi32, #tpu.memory_space<hbm>>
      %dma_start3A_85 = arith.constant 0 : i32
      %dma_start3A_86 = tpu.memref_slice %arg11[%run_scoped3A_39, %dma_start3A_85] : memref<1x16xi32, #tpu.memory_space<vmem>> -> memref<1x16xi32, #tpu.memory_space<vmem>>
      %dma_start3A_87 = tpu.memref_squeeze %dma_start3A_86 : memref<1x16xi32, #tpu.memory_space<vmem>> -> memref<16xi32, #tpu.memory_space<vmem>>
      %dma_start3A_88 = tpu.memref_slice %arg2[%add3A_38] : memref<160000xi32, #tpu.memory_space<hbm>> -> memref<16xi32, #tpu.memory_space<hbm>>
      tpu.enqueue_dma source(%dma_start3A_88 : memref<16xi32, #tpu.memory_space<hbm>>) target(%dma_start3A_87 : memref<16xi32, #tpu.memory_space<vmem>>) target_semaphore(%run_scoped3A_80 : memref<!tpu.dma_semaphore, #tpu.memory_space<semaphore_mem>>)
      %dma_wait3A_89 = arith.constant 0 : i32
      %dma_wait3A_90 = tpu.memref_slice %arg11[%run_scoped3A_39, %dma_wait3A_89] : memref<1x16xi32, #tpu.memory_space<vmem>> -> memref<1x16xi32, #tpu.memory_space<vmem>>
      %dma_wait3A_91 = tpu.memref_squeeze %dma_wait3A_90 : memref<1x16xi32, #tpu.memory_space<vmem>> -> memref<16xi32, #tpu.memory_space<vmem>>
      %dma_wait3A_92 = tpu.memref_slice %arg2[%add3A_38] : memref<160000xi32, #tpu.memory_space<hbm>> -> memref<16xi32, #tpu.memory_space<hbm>>
      %dma_wait3A_93 = arith.constant 0 : i32
      %dma_wait3A_94 = tpu.memref_slice %arg11[%run_scoped3A_39, %dma_wait3A_93] : memref<1x16xi32, #tpu.memory_space<vmem>> -> memref<1x16xi32, #tpu.memory_space<vmem>>
      %dma_wait3A_95 = tpu.memref_squeeze %dma_wait3A_94 : memref<1x16xi32, #tpu.memory_space<vmem>> -> memref<16xi32, #tpu.memory_space<vmem>>
      %dma_wait3A_96 = tpu.memref_slice %arg2[%add3A_38] : memref<160000xi32, #tpu.memory_space<hbm>> -> memref<16xi32, #tpu.memory_space<hbm>>
      tpu.wait_dma2 semaphore(%run_scoped3A_80 : memref<!tpu.dma_semaphore, #tpu.memory_space<semaphore_mem>>) src(%dma_wait3A_96 : memref<16xi32, #tpu.memory_space<hbm>>) dst(%dma_wait3A_95 : memref<16xi32, #tpu.memory_space<vmem>>)
      tpu.yield
    }) : () -> ()
    %run_scoped3A_40 = arith.constant 0 : i32
    "tpu.region"() ({
      %run_scoped3A_80 = tpu.sem_alloc : memref<!tpu.dma_semaphore, #tpu.memory_space<semaphore_mem>>
      %dma_start3A_81 = arith.constant 0 : i32
      %dma_start3A_82 = tpu.memref_slice %arg12[%run_scoped3A_40, %dma_start3A_81] : memref<1x16xi32, #tpu.memory_space<vmem>> -> memref<1x16xi32, #tpu.memory_space<vmem>>
      %dma_start3A_83 = tpu.memref_squeeze %dma_start3A_82 : memref<1x16xi32, #tpu.memory_space<vmem>> -> memref<16xi32, #tpu.memory_space<vmem>>
      %dma_start3A_84 = tpu.memref_slice %arg3[%add3A_38] : memref<160000xi32, #tpu.memory_space<hbm>> -> memref<16xi32, #tpu.memory_space<hbm>>
      %dma_start3A_85 = arith.constant 0 : i32
      %dma_start3A_86 = tpu.memref_slice %arg12[%run_scoped3A_40, %dma_start3A_85] : memref<1x16xi32, #tpu.memory_space<vmem>> -> memref<1x16xi32, #tpu.memory_space<vmem>>
      %dma_start3A_87 = tpu.memref_squeeze %dma_start3A_86 : memref<1x16xi32, #tpu.memory_space<vmem>> -> memref<16xi32, #tpu.memory_space<vmem>>
      %dma_start3A_88 = tpu.memref_slice %arg3[%add3A_38] : memref<160000xi32, #tpu.memory_space<hbm>> -> memref<16xi32, #tpu.memory_space<hbm>>
      tpu.enqueue_dma source(%dma_start3A_88 : memref<16xi32, #tpu.memory_space<hbm>>) target(%dma_start3A_87 : memref<16xi32, #tpu.memory_space<vmem>>) target_semaphore(%run_scoped3A_80 : memref<!tpu.dma_semaphore, #tpu.memory_space<semaphore_mem>>)
      %dma_wait3A_89 = arith.constant 0 : i32
      %dma_wait3A_90 = tpu.memref_slice %arg12[%run_scoped3A_40, %dma_wait3A_89] : memref<1x16xi32, #tpu.memory_space<vmem>> -> memref<1x16xi32, #tpu.memory_space<vmem>>
      %dma_wait3A_91 = tpu.memref_squeeze %dma_wait3A_90 : memref<1x16xi32, #tpu.memory_space<vmem>> -> memref<16xi32, #tpu.memory_space<vmem>>
      %dma_wait3A_92 = tpu.memref_slice %arg3[%add3A_38] : memref<160000xi32, #tpu.memory_space<hbm>> -> memref<16xi32, #tpu.memory_space<hbm>>
      %dma_wait3A_93 = arith.constant 0 : i32
      %dma_wait3A_94 = tpu.memref_slice %arg12[%run_scoped3A_40, %dma_wait3A_93] : memref<1x16xi32, #tpu.memory_space<vmem>> -> memref<1x16xi32, #tpu.memory_space<vmem>>
      %dma_wait3A_95 = tpu.memref_squeeze %dma_wait3A_94 : memref<1x16xi32, #tpu.memory_space<vmem>> -> memref<16xi32, #tpu.memory_space<vmem>>
      %dma_wait3A_96 = tpu.memref_slice %arg3[%add3A_38] : memref<160000xi32, #tpu.memory_space<hbm>> -> memref<16xi32, #tpu.memory_space<hbm>>
      tpu.wait_dma2 semaphore(%run_scoped3A_80 : memref<!tpu.dma_semaphore, #tpu.memory_space<semaphore_mem>>) src(%dma_wait3A_96 : memref<16xi32, #tpu.memory_space<hbm>>) dst(%dma_wait3A_95 : memref<16xi32, #tpu.memory_space<vmem>>)
      tpu.yield
    }) : () -> ()
    %dma_start3A_41 = arith.constant 0 : i32
    %dma_start3A_42 = arith.constant 0 : i32
    %dma_start3A_43 = arith.constant 0 : i32
    %dma_start3A_44 = tpu.memref_slice %arg13[%dma_start3A_42, %dma_start3A_43] : memref<128x128xf32, #tpu.memory_space<vmem>> -> memref<16x128xf32, #tpu.memory_space<vmem>>
    %dma_start3A_45 = arith.constant 0 : i32
    %dma_start3A_46 = tpu.memref_slice %arg11[%dma_start3A_41, %dma_start3A_45] : memref<1x16xi32, #tpu.memory_space<vmem>> -> memref<1x16xi32, #tpu.memory_space<vmem>>
    %dma_start3A_47 = tpu.memref_squeeze %dma_start3A_46 : memref<1x16xi32, #tpu.memory_space<vmem>> -> memref<16xi32, #tpu.memory_space<vmem>>
    %dma_start3A_48 = arith.constant 0 : i32
    %dma_start3A_49 = arith.constant 0 : i32
    %dma_start3A_50 = tpu.memref_slice %arg4[%arg0, %dma_start3A_48, %dma_start3A_49] : memref<2x10000x128xf32, #tpu.memory_space<hbm>> -> memref<1x10000x128xf32, #tpu.memory_space<hbm>>
    %dma_start3A_51 = tpu.memref_squeeze %dma_start3A_50 : memref<1x10000x128xf32, #tpu.memory_space<hbm>> -> memref<10000x128xf32, #tpu.memory_space<hbm>>
    %dma_start3A_52 = arith.constant 0 : i32
    %dma_start3A_53 = arith.constant 0 : i32
    %dma_start3A_54 = tpu.memref_slice %dma_start3A_51[%dma_start3A_52, %dma_start3A_53] : memref<10000x128xf32, #tpu.memory_space<hbm>> -> memref<10000x128xf32, #tpu.memory_space<hbm>>
    tpu.enqueue_indirect_dma source(%dma_start3A_54 : memref<10000x128xf32, #tpu.memory_space<hbm>>) target(%dma_start3A_44 : memref<16x128xf32, #tpu.memory_space<vmem>>) offsets(%dma_start3A_47 : memref<16xi32, #tpu.memory_space<vmem>>) semaphore(%arg16 : memref<!tpu.dma_semaphore, #tpu.memory_space<semaphore_mem>>)
    %dma_wait3A = arith.constant 0 : i32
    %dma_wait3A_55 = arith.constant 0 : i32
    %dma_wait3A_56 = arith.constant 0 : i32
    %dma_wait3A_57 = tpu.memref_slice %arg13[%dma_wait3A_55, %dma_wait3A_56] : memref<128x128xf32, #tpu.memory_space<vmem>> -> memref<16x128xf32, #tpu.memory_space<vmem>>
    %dma_wait3A_58 = arith.constant 0 : i32
    %dma_wait3A_59 = tpu.memref_slice %arg11[%dma_wait3A, %dma_wait3A_58] : memref<1x16xi32, #tpu.memory_space<vmem>> -> memref<1x16xi32, #tpu.memory_space<vmem>>
    %dma_wait3A_60 = tpu.memref_squeeze %dma_wait3A_59 : memref<1x16xi32, #tpu.memory_space<vmem>> -> memref<16xi32, #tpu.memory_space<vmem>>
    %dma_wait3A_61 = arith.constant 0 : i32
    %dma_wait3A_62 = arith.constant 0 : i32
    %dma_wait3A_63 = tpu.memref_slice %arg4[%arg0, %dma_wait3A_61, %dma_wait3A_62] : memref<2x10000x128xf32, #tpu.memory_space<hbm>> -> memref<1x10000x128xf32, #tpu.memory_space<hbm>>
    %dma_wait3A_64 = tpu.memref_squeeze %dma_wait3A_63 : memref<1x10000x128xf32, #tpu.memory_space<hbm>> -> memref<10000x128xf32, #tpu.memory_space<hbm>>
    %dma_wait3A_65 = arith.constant 0 : i32
    %dma_wait3A_66 = arith.constant 0 : i32
    %dma_wait3A_67 = tpu.memref_slice %dma_wait3A_64[%dma_wait3A_65, %dma_wait3A_66] : memref<10000x128xf32, #tpu.memory_space<hbm>> -> memref<10000x128xf32, #tpu.memory_space<hbm>>
    tpu.wait_indirect_dma semaphore(%arg16 : memref<!tpu.dma_semaphore, #tpu.memory_space<semaphore_mem>>) src(%dma_wait3A_67 : memref<10000x128xf32, #tpu.memory_space<hbm>>) dst(%dma_wait3A_57 : memref<16x128xf32, #tpu.memory_space<vmem>>)
    %run_scoped3A_68 = arith.constant 0 : i32
    "tpu.region"() ({
      %run_scoped3A_80 = tpu.sem_alloc : memref<!tpu.dma_semaphore, #tpu.memory_space<semaphore_mem>>
      %dma_start3A_81 = arith.constant 0 : i32
      %dma_start3A_82 = arith.constant 0 : i32
      %dma_start3A_83 = tpu.memref_slice %arg13[%dma_start3A_81, %dma_start3A_82] : memref<128x128xf32, #tpu.memory_space<vmem>> -> memref<16x128xf32, #tpu.memory_space<vmem>>
      %dma_start3A_84 = arith.constant 0 : i32
      %dma_start3A_85 = tpu.memref_slice %arg12[%run_scoped3A_68, %dma_start3A_84] : memref<1x16xi32, #tpu.memory_space<vmem>> -> memref<1x16xi32, #tpu.memory_space<vmem>>
      %dma_start3A_86 = tpu.memref_squeeze %dma_start3A_85 : memref<1x16xi32, #tpu.memory_space<vmem>> -> memref<16xi32, #tpu.memory_space<vmem>>
      %dma_start3A_87 = arith.constant 0 : i32
      %dma_start3A_88 = arith.constant 0 : i32
      %dma_start3A_89 = tpu.memref_slice %arg15[%dma_start3A_87, %dma_start3A_88] : memref<10000x128xf32, #tpu.memory_space<vmem_shared>> -> memref<10000x128xf32, #tpu.memory_space<vmem_shared>>
      tpu.enqueue_indirect_dma source(%dma_start3A_83 : memref<16x128xf32, #tpu.memory_space<vmem>>) target(%dma_start3A_89 : memref<10000x128xf32, #tpu.memory_space<vmem_shared>>) offsets(%dma_start3A_86 : memref<16xi32, #tpu.memory_space<vmem>>) semaphore(%run_scoped3A_80 : memref<!tpu.dma_semaphore, #tpu.memory_space<semaphore_mem>>) {add = true}
      %dma_wait3A_90 = arith.constant 0 : i32
      %dma_wait3A_91 = arith.constant 0 : i32
      %dma_wait3A_92 = tpu.memref_slice %arg13[%dma_wait3A_90, %dma_wait3A_91] : memref<128x128xf32, #tpu.memory_space<vmem>> -> memref<16x128xf32, #tpu.memory_space<vmem>>
      %dma_wait3A_93 = arith.constant 0 : i32
      %dma_wait3A_94 = tpu.memref_slice %arg12[%run_scoped3A_68, %dma_wait3A_93] : memref<1x16xi32, #tpu.memory_space<vmem>> -> memref<1x16xi32, #tpu.memory_space<vmem>>
      %dma_wait3A_95 = tpu.memref_squeeze %dma_wait3A_94 : memref<1x16xi32, #tpu.memory_space<vmem>> -> memref<16xi32, #tpu.memory_space<vmem>>
      %dma_wait3A_96 = arith.constant 0 : i32
      %dma_wait3A_97 = arith.constant 0 : i32
      %dma_wait3A_98 = tpu.memref_slice %arg15[%dma_wait3A_96, %dma_wait3A_97] : memref<10000x128xf32, #tpu.memory_space<vmem_shared>> -> memref<10000x128xf32, #tpu.memory_space<vmem_shared>>
      tpu.wait_indirect_dma semaphore(%run_scoped3A_80 : memref<!tpu.dma_semaphore, #tpu.memory_space<semaphore_mem>>) src(%dma_wait3A_92 : memref<16x128xf32, #tpu.memory_space<vmem>>) dst(%dma_wait3A_98 : memref<10000x128xf32, #tpu.memory_space<vmem_shared>>)
      tpu.yield
    }) : () -> ()
    %barrier3A_69 = arith.constant 0 : index
    tpu.barrier barrier_id(%barrier3A_69)
    %lt3A_70 = arith.constant 15 : i32
    %lt3A_71 = arith.cmpi slt, %arg1, %lt3A_70 : i32
    %convert_element_type3A_72 = arith.extui %lt3A_71 : i1 to i32
    %cond3A_73 = arith.constant 0 : i32
    %cond3A_74 = arith.cmpi ne, %convert_element_type3A_72, %cond3A_73 : i32
    scf.if %cond3A_74 {
      %mul3A_80 = arith.constant 624 : i32
      %mul3A_81 = arith.muli %arg1, %mul3A_80 : i32
      "tpu.region"() ({
        %run_scoped3A_82 = tpu.sem_alloc : memref<!tpu.dma_semaphore, #tpu.memory_space<semaphore_mem>>
        %dma_start3A_83 = arith.constant 0 : i32
        %dma_start3A_84 = tpu.memref_slice %arg6[%arg0, %mul3A_81, %dma_start3A_83] : memref<2x10000x128xf32, #tpu.memory_space<hbm>> -> memref<1x624x128xf32, #tpu.memory_space<hbm>>
        %dma_start3A_85 = tpu.memref_squeeze %dma_start3A_84 : memref<1x624x128xf32, #tpu.memory_space<hbm>> -> memref<624x128xf32, #tpu.memory_space<hbm>>
        %dma_start3A_86 = arith.constant 0 : i32
        %dma_start3A_87 = tpu.memref_slice %arg15[%mul3A_81, %dma_start3A_86] : memref<10000x128xf32, #tpu.memory_space<vmem_shared>> -> memref<624x128xf32, #tpu.memory_space<vmem_shared>>
        tpu.enqueue_dma source(%dma_start3A_87 : memref<624x128xf32, #tpu.memory_space<vmem_shared>>) target(%dma_start3A_85 : memref<624x128xf32, #tpu.memory_space<hbm>>) target_semaphore(%run_scoped3A_82 : memref<!tpu.dma_semaphore, #tpu.memory_space<semaphore_mem>>)
        %dma_wait3A_88 = arith.constant 0 : i32
        %dma_wait3A_89 = tpu.memref_slice %arg6[%arg0, %mul3A_81, %dma_wait3A_88] : memref<2x10000x128xf32, #tpu.memory_space<hbm>> -> memref<1x624x128xf32, #tpu.memory_space<hbm>>
        %dma_wait3A_90 = tpu.memref_squeeze %dma_wait3A_89 : memref<1x624x128xf32, #tpu.memory_space<hbm>> -> memref<624x128xf32, #tpu.memory_space<hbm>>
        %dma_wait3A_91 = arith.constant 0 : i32
        %dma_wait3A_92 = tpu.memref_slice %arg15[%mul3A_81, %dma_wait3A_91] : memref<10000x128xf32, #tpu.memory_space<vmem_shared>> -> memref<624x128xf32, #tpu.memory_space<vmem_shared>>
        tpu.wait_dma2 semaphore(%run_scoped3A_82 : memref<!tpu.dma_semaphore, #tpu.memory_space<semaphore_mem>>) src(%dma_wait3A_92 : memref<624x128xf32, #tpu.memory_space<vmem_shared>>) dst(%dma_wait3A_90 : memref<624x128xf32, #tpu.memory_space<hbm>>)
        tpu.yield
      }) : () -> ()
    } else {
    }
    %eq3A_75 = arith.constant 15 : i32
    %eq3A_76 = arith.cmpi eq, %arg1, %eq3A_75 : i32
    %convert_element_type3A_77 = arith.extui %eq3A_76 : i1 to i32
    %cond3A_78 = arith.constant 0 : i32
    %cond3A_79 = arith.cmpi ne, %convert_element_type3A_77, %cond3A_78 : i32
    scf.if %cond3A_79 {
      "tpu.region"() ({
        %run_scoped3A_80 = tpu.sem_alloc : memref<!tpu.dma_semaphore, #tpu.memory_space<semaphore_mem>>
        %dma_start3A_81 = arith.constant 9360 : i32
        %dma_start3A_82 = arith.constant 0 : i32
        %dma_start3A_83 = tpu.memref_slice %arg6[%arg0, %dma_start3A_81, %dma_start3A_82] : memref<2x10000x128xf32, #tpu.memory_space<hbm>> -> memref<1x640x128xf32, #tpu.memory_space<hbm>>
        %dma_start3A_84 = tpu.memref_squeeze %dma_start3A_83 : memref<1x640x128xf32, #tpu.memory_space<hbm>> -> memref<640x128xf32, #tpu.memory_space<hbm>>
        %dma_start3A_85 = arith.constant 9360 : i32
        %dma_start3A_86 = arith.constant 0 : i32
        %dma_start3A_87 = tpu.memref_slice %arg15[%dma_start3A_85, %dma_start3A_86] : memref<10000x128xf32, #tpu.memory_space<vmem_shared>> -> memref<640x128xf32, #tpu.memory_space<vmem_shared>>
        tpu.enqueue_dma source(%dma_start3A_87 : memref<640x128xf32, #tpu.memory_space<vmem_shared>>) target(%dma_start3A_84 : memref<640x128xf32, #tpu.memory_space<hbm>>) target_semaphore(%run_scoped3A_80 : memref<!tpu.dma_semaphore, #tpu.memory_space<semaphore_mem>>)
        %dma_wait3A_88 = arith.constant 9360 : i32
        %dma_wait3A_89 = arith.constant 0 : i32
        %dma_wait3A_90 = tpu.memref_slice %arg6[%arg0, %dma_wait3A_88, %dma_wait3A_89] : memref<2x10000x128xf32, #tpu.memory_space<hbm>> -> memref<1x640x128xf32, #tpu.memory_space<hbm>>
        %dma_wait3A_91 = tpu.memref_squeeze %dma_wait3A_90 : memref<1x640x128xf32, #tpu.memory_space<hbm>> -> memref<640x128xf32, #tpu.memory_space<hbm>>
        %dma_wait3A_92 = arith.constant 9360 : i32
        %dma_wait3A_93 = arith.constant 0 : i32
        %dma_wait3A_94 = tpu.memref_slice %arg15[%dma_wait3A_92, %dma_wait3A_93] : memref<10000x128xf32, #tpu.memory_space<vmem_shared>> -> memref<640x128xf32, #tpu.memory_space<vmem_shared>>
        tpu.wait_dma2 semaphore(%run_scoped3A_80 : memref<!tpu.dma_semaphore, #tpu.memory_space<semaphore_mem>>) src(%dma_wait3A_94 : memref<640x128xf32, #tpu.memory_space<vmem_shared>>) dst(%dma_wait3A_91 : memref<640x128xf32, #tpu.memory_space<hbm>>)
        tpu.yield
      }) : () -> ()
    } else {
    }
    return
  }
}

module attributes {stable_mosaic.version = 14 : i64} {
  func.func @_tc_pre_body(%arg0: i32, %arg1: memref<1000x256xf32, #tpu.memory_space<vmem>>, %arg2: memref<1x256xf32, #tpu.memory_space<vmem>>, %arg3: memref<1x256xf32, #tpu.memory_space<vmem>>, %arg4: memref<256x256xf32, #tpu.memory_space<vmem>>, %arg5: memref<1x256xf32, #tpu.memory_space<vmem>>, %arg6: memref<256x256xf32, #tpu.memory_space<vmem>>, %arg7: memref<1x256xf32, #tpu.memory_space<vmem>>, %arg8: memref<256x256xf32, #tpu.memory_space<vmem>>, %arg9: memref<1x256xf32, #tpu.memory_space<vmem>>, %arg10: memref<256x256xf32, #tpu.memory_space<vmem>>, %arg11: memref<1x256xf32, #tpu.memory_space<vmem>>, %arg12: memref<1000x256xf32, #tpu.memory_space<vmem>>, %arg13: memref<1000x256xf32, #tpu.memory_space<vmem>>, %arg14: memref<1000x256xf32, #tpu.memory_space<vmem>>, %arg15: memref<1000x256xf32, #tpu.memory_space<vmem>>, %arg16: memref<2x1000x128xf32, #tpu.memory_space<vmem>>) attributes {dimension_semantics = [#tpu.dimension_semantics<arbitrary>], iteration_bounds = array<i64: 10>, scalar_prefetch = 0 : i64, scratch_operands = 0 : i64, tpu.core_type = #tpu.core_type<tc>, window_params = [{transform_indices = @transform_0, window_bounds = array<i64: 1000, 256>}, {pipeline_mode = #tpu.pipeline_mode<synchronous>, transform_indices = @transform_1, window_bounds = array<i64: 1, 256>}, {pipeline_mode = #tpu.pipeline_mode<synchronous>, transform_indices = @transform_2, window_bounds = array<i64: 1, 256>}, {pipeline_mode = #tpu.pipeline_mode<synchronous>, transform_indices = @transform_3, window_bounds = array<i64: 256, 256>}, {pipeline_mode = #tpu.pipeline_mode<synchronous>, transform_indices = @transform_4, window_bounds = array<i64: 1, 256>}, {pipeline_mode = #tpu.pipeline_mode<synchronous>, transform_indices = @transform_5, window_bounds = array<i64: 256, 256>}, {pipeline_mode = #tpu.pipeline_mode<synchronous>, transform_indices = @transform_6, window_bounds = array<i64: 1, 256>}, {pipeline_mode = #tpu.pipeline_mode<synchronous>, transform_indices = @transform_7, window_bounds = array<i64: 256, 256>}, {pipeline_mode = #tpu.pipeline_mode<synchronous>, transform_indices = @transform_8, window_bounds = array<i64: 1, 256>}, {pipeline_mode = #tpu.pipeline_mode<synchronous>, transform_indices = @transform_9, window_bounds = array<i64: 256, 256>}, {pipeline_mode = #tpu.pipeline_mode<synchronous>, transform_indices = @transform_10, window_bounds = array<i64: 1, 256>}, {transform_indices = @transform_11, window_bounds = array<i64: 1000, 256>}, {transform_indices = @transform_12, window_bounds = array<i64: 1000, 256>}, {transform_indices = @transform_13, window_bounds = array<i64: 1000, 256>}, {transform_indices = @transform_14, window_bounds = array<i64: 1000, 256>}, {transform_indices = @transform_15, window_bounds = array<i64: 2, 1000, 128>}]} {
    %get3A = arith.constant 0 : index
    %get3A_0 = arith.constant 0 : index
    %get3A_1 = vector.load %arg1[%get3A, %get3A_0] : memref<1000x256xf32, #tpu.memory_space<vmem>>, vector<1000x256xf32>
    %reduce_sum3A = arith.constant dense<0.000000e+00> : vector<1000xf32>
    %reduce_sum3A_2 = vector.multi_reduction <add>, %get3A_1, %reduce_sum3A [1] : vector<1000x256xf32> to vector<1000xf32>
    %broadcast_in_dim3A = vector.shape_cast %reduce_sum3A_2 : vector<1000xf32> to vector<1000x1xf32>
    %div3A = arith.constant 2.560000e+02 : f32
    %div3A_3 = vector.broadcast %div3A : f32 to vector<1000x1xf32>
    %div3A_4 = arith.divf %broadcast_in_dim3A, %div3A_3 : vector<1000x1xf32>
    %sub3A = vector.broadcast %div3A_4 : vector<1000x1xf32> to vector<1000x256xf32>
    %sub3A_5 = arith.subf %get3A_1, %sub3A : vector<1000x256xf32>
    %integer_pow3A = arith.mulf %sub3A_5, %sub3A_5 : vector<1000x256xf32>
    %reduce_sum3A_6 = arith.constant dense<0.000000e+00> : vector<1000xf32>
    %reduce_sum3A_7 = vector.multi_reduction <add>, %integer_pow3A, %reduce_sum3A_6 [1] : vector<1000x256xf32> to vector<1000xf32>
    %broadcast_in_dim3A_8 = vector.shape_cast %reduce_sum3A_7 : vector<1000xf32> to vector<1000x1xf32>
    %div3A_9 = arith.constant 2.560000e+02 : f32
    %div3A_10 = vector.broadcast %div3A_9 : f32 to vector<1000x1xf32>
    %div3A_11 = arith.divf %broadcast_in_dim3A_8, %div3A_10 : vector<1000x1xf32>
    %sub3A_12 = vector.broadcast %div3A_4 : vector<1000x1xf32> to vector<1000x256xf32>
    %sub3A_13 = arith.subf %get3A_1, %sub3A_12 : vector<1000x256xf32>
    %add3A = arith.constant 9.99999974E-6 : f32
    %add3A_14 = vector.broadcast %add3A : f32 to vector<1000x1xf32>
    %add3A_15 = arith.addf %div3A_11, %add3A_14 : vector<1000x1xf32>
    %sqrt3A = math.sqrt %add3A_15 : vector<1000x1xf32>
    %div3A_16 = vector.broadcast %sqrt3A : vector<1000x1xf32> to vector<1000x256xf32>
    %div3A_17 = arith.divf %sub3A_13, %div3A_16 : vector<1000x256xf32>
    %get3A_18 = arith.constant 0 : index
    %get3A_19 = arith.constant 0 : index
    %get3A_20 = vector.load %arg2[%get3A_18, %get3A_19] : memref<1x256xf32, #tpu.memory_space<vmem>>, vector<1x256xf32>
    %mul3A = vector.broadcast %get3A_20 : vector<1x256xf32> to vector<1000x256xf32>
    %mul3A_21 = arith.mulf %div3A_17, %mul3A : vector<1000x256xf32>
    %get3A_22 = arith.constant 0 : index
    %get3A_23 = arith.constant 0 : index
    %get3A_24 = vector.load %arg3[%get3A_22, %get3A_23] : memref<1x256xf32, #tpu.memory_space<vmem>>, vector<1x256xf32>
    %add3A_25 = vector.broadcast %get3A_24 : vector<1x256xf32> to vector<1000x256xf32>
    %add3A_26 = arith.addf %mul3A_21, %add3A_25 : vector<1000x256xf32>
    %get3A_27 = arith.constant 0 : index
    %get3A_28 = arith.constant 0 : index
    %get3A_29 = vector.load %arg4[%get3A_27, %get3A_28] : memref<256x256xf32, #tpu.memory_space<vmem>>, vector<256x256xf32>
    %dot_general3A = arith.constant dense<0.000000e+00> : vector<1000x256xf32>
    %dot_general3A_30 = tpu.matmul %add3A_26, %get3A_29, %dot_general3A {dimension_numbers = #tpu.dot_dimension_numbers<[1], [0], [0], [1], [0, 0, 1, 1], [], []>, transpose_lhs_hint = false} : vector<1000x256xf32>, vector<256x256xf32>, vector<1000x256xf32> -> vector<1000x256xf32>
    %get3A_31 = arith.constant 0 : index
    %get3A_32 = arith.constant 0 : index
    %get3A_33 = vector.load %arg5[%get3A_31, %get3A_32] : memref<1x256xf32, #tpu.memory_space<vmem>>, vector<1x256xf32>
    %add3A_34 = vector.broadcast %get3A_33 : vector<1x256xf32> to vector<1000x256xf32>
    %add3A_35 = arith.addf %dot_general3A_30, %add3A_34 : vector<1000x256xf32>
    %swap3A = arith.constant 0 : index
    %swap3A_36 = arith.constant 0 : index
    %swap3A_37 = vector.load %arg12[%swap3A, %swap3A_36] : memref<1000x256xf32, #tpu.memory_space<vmem>>, vector<1000x256xf32>
    tpu.vector_store %arg12[%swap3A, %swap3A_36], %add3A_35 {strides = array<i32>} : memref<1000x256xf32, #tpu.memory_space<vmem>>, vector<1000x256xf32>,
    %get3A_38 = arith.constant 0 : index
    %get3A_39 = arith.constant 0 : index
    %get3A_40 = vector.load %arg6[%get3A_38, %get3A_39] : memref<256x256xf32, #tpu.memory_space<vmem>>, vector<256x256xf32>
    %dot_general3A_41 = arith.constant dense<0.000000e+00> : vector<1000x256xf32>
    %dot_general3A_42 = tpu.matmul %add3A_26, %get3A_40, %dot_general3A_41 {dimension_numbers = #tpu.dot_dimension_numbers<[1], [0], [0], [1], [0, 0, 1, 1], [], []>, transpose_lhs_hint = false} : vector<1000x256xf32>, vector<256x256xf32>, vector<1000x256xf32> -> vector<1000x256xf32>
    %get3A_43 = arith.constant 0 : index
    %get3A_44 = arith.constant 0 : index
    %get3A_45 = vector.load %arg7[%get3A_43, %get3A_44] : memref<1x256xf32, #tpu.memory_space<vmem>>, vector<1x256xf32>
    %add3A_46 = vector.broadcast %get3A_45 : vector<1x256xf32> to vector<1000x256xf32>
    %add3A_47 = arith.addf %dot_general3A_42, %add3A_46 : vector<1000x256xf32>
    %swap3A_48 = arith.constant 0 : index
    %swap3A_49 = arith.constant 0 : index
    %swap3A_50 = vector.load %arg13[%swap3A_48, %swap3A_49] : memref<1000x256xf32, #tpu.memory_space<vmem>>, vector<1000x256xf32>
    tpu.vector_store %arg13[%swap3A_48, %swap3A_49], %add3A_47 {strides = array<i32>} : memref<1000x256xf32, #tpu.memory_space<vmem>>, vector<1000x256xf32>,
    %get3A_51 = arith.constant 0 : index
    %get3A_52 = arith.constant 0 : index
    %get3A_53 = vector.load %arg8[%get3A_51, %get3A_52] : memref<256x256xf32, #tpu.memory_space<vmem>>, vector<256x256xf32>
    %dot_general3A_54 = arith.constant dense<0.000000e+00> : vector<1000x256xf32>
    %dot_general3A_55 = tpu.matmul %add3A_26, %get3A_53, %dot_general3A_54 {dimension_numbers = #tpu.dot_dimension_numbers<[1], [0], [0], [1], [0, 0, 1, 1], [], []>, transpose_lhs_hint = false} : vector<1000x256xf32>, vector<256x256xf32>, vector<1000x256xf32> -> vector<1000x256xf32>
    %get3A_56 = arith.constant 0 : index
    %get3A_57 = arith.constant 0 : index
    %get3A_58 = vector.load %arg9[%get3A_56, %get3A_57] : memref<1x256xf32, #tpu.memory_space<vmem>>, vector<1x256xf32>
    %add3A_59 = vector.broadcast %get3A_58 : vector<1x256xf32> to vector<1000x256xf32>
    %add3A_60 = arith.addf %dot_general3A_55, %add3A_59 : vector<1000x256xf32>
    %swap3A_61 = arith.constant 0 : index
    %swap3A_62 = arith.constant 0 : index
    %swap3A_63 = vector.load %arg14[%swap3A_61, %swap3A_62] : memref<1000x256xf32, #tpu.memory_space<vmem>>, vector<1000x256xf32>
    tpu.vector_store %arg14[%swap3A_61, %swap3A_62], %add3A_60 {strides = array<i32>} : memref<1000x256xf32, #tpu.memory_space<vmem>>, vector<1000x256xf32>,
    %get3A_64 = arith.constant 0 : index
    %get3A_65 = arith.constant 0 : index
    %get3A_66 = vector.load %arg10[%get3A_64, %get3A_65] : memref<256x256xf32, #tpu.memory_space<vmem>>, vector<256x256xf32>
    %dot_general3A_67 = arith.constant dense<0.000000e+00> : vector<1000x256xf32>
    %dot_general3A_68 = tpu.matmul %add3A_26, %get3A_66, %dot_general3A_67 {dimension_numbers = #tpu.dot_dimension_numbers<[1], [0], [0], [1], [0, 0, 1, 1], [], []>, transpose_lhs_hint = false} : vector<1000x256xf32>, vector<256x256xf32>, vector<1000x256xf32> -> vector<1000x256xf32>
    %get3A_69 = arith.constant 0 : index
    %get3A_70 = arith.constant 0 : index
    %get3A_71 = vector.load %arg11[%get3A_69, %get3A_70] : memref<1x256xf32, #tpu.memory_space<vmem>>, vector<1x256xf32>
    %add3A_72 = vector.broadcast %get3A_71 : vector<1x256xf32> to vector<1000x256xf32>
    %add3A_73 = arith.addf %dot_general3A_68, %add3A_72 : vector<1000x256xf32>
    %swap3A_74 = arith.constant 0 : index
    %swap3A_75 = arith.constant 0 : index
    %swap3A_76 = vector.load %arg15[%swap3A_74, %swap3A_75] : memref<1000x256xf32, #tpu.memory_space<vmem>>, vector<1000x256xf32>
    tpu.vector_store %arg15[%swap3A_74, %swap3A_75], %add3A_73 {strides = array<i32>} : memref<1000x256xf32, #tpu.memory_space<vmem>>, vector<1000x256xf32>,
    %slice3A = vector.extract_strided_slice %get3A_1 {offsets = [0, 0], sizes = [1000, 128], strides = [1, 1]} : vector<1000x256xf32> to vector<1000x128xf32>
    %swap3A_77 = arith.constant 0 : index
    %swap3A_78 = arith.constant 0 : index
    %swap3A_79 = arith.constant 0 : index
    %swap3A_80 = vector.load %arg16[%swap3A_77, %swap3A_78, %swap3A_79] : memref<2x1000x128xf32, #tpu.memory_space<vmem>>, vector<1x1000x128xf32>
    %swap3A_81 = vector.shape_cast %swap3A_80 : vector<1x1000x128xf32> to vector<1000x128xf32>
    %swap3A_82 = vector.shape_cast %slice3A : vector<1000x128xf32> to vector<1x1000x128xf32>
    tpu.vector_store %arg16[%swap3A_77, %swap3A_78, %swap3A_79], %swap3A_82 {strides = array<i32>} : memref<2x1000x128xf32, #tpu.memory_space<vmem>>, vector<1x1000x128xf32>,
    %slice3A_83 = vector.extract_strided_slice %get3A_1 {offsets = [0, 128], sizes = [1000, 128], strides = [1, 1]} : vector<1000x256xf32> to vector<1000x128xf32>
    %swap3A_84 = arith.constant 1 : index
    %swap3A_85 = arith.constant 0 : index
    %swap3A_86 = arith.constant 0 : index
    %swap3A_87 = vector.load %arg16[%swap3A_84, %swap3A_85, %swap3A_86] : memref<2x1000x128xf32, #tpu.memory_space<vmem>>, vector<1x1000x128xf32>
    %swap3A_88 = vector.shape_cast %swap3A_87 : vector<1x1000x128xf32> to vector<1000x128xf32>
    %swap3A_89 = vector.shape_cast %slice3A_83 : vector<1000x128xf32> to vector<1x1000x128xf32>
    tpu.vector_store %arg16[%swap3A_84, %swap3A_85, %swap3A_86], %swap3A_89 {strides = array<i32>} : memref<2x1000x128xf32, #tpu.memory_space<vmem>>, vector<1x1000x128xf32>,
    return
  }
  func.func @transform_0(%arg0: i32) -> (i32, i32) {
    %c0_i32 = arith.constant 0 : i32
    %c0_i32_0 = arith.constant 0 : i32
    return %arg0, %c0_i32 : i32, i32
  }
  func.func @transform_1(%arg0: i32) -> (i32, i32) {
    %c0_i32 = arith.constant 0 : i32
    %c0_i32_0 = arith.constant 0 : i32
    %c0_i32_1 = arith.constant 0 : i32
    return %c0_i32, %c0_i32_0 : i32, i32
  }
  func.func @transform_2(%arg0: i32) -> (i32, i32) {
    %c0_i32 = arith.constant 0 : i32
    %c0_i32_0 = arith.constant 0 : i32
    %c0_i32_1 = arith.constant 0 : i32
    return %c0_i32, %c0_i32_0 : i32, i32
  }
  func.func @transform_3(%arg0: i32) -> (i32, i32) {
    %c0_i32 = arith.constant 0 : i32
    %c0_i32_0 = arith.constant 0 : i32
    %c0_i32_1 = arith.constant 0 : i32
    return %c0_i32, %c0_i32_0 : i32, i32
  }
  func.func @transform_4(%arg0: i32) -> (i32, i32) {
    %c0_i32 = arith.constant 0 : i32
    %c0_i32_0 = arith.constant 0 : i32
    %c0_i32_1 = arith.constant 0 : i32
    return %c0_i32, %c0_i32_0 : i32, i32
  }
  func.func @transform_5(%arg0: i32) -> (i32, i32) {
    %c0_i32 = arith.constant 0 : i32
    %c0_i32_0 = arith.constant 0 : i32
    %c0_i32_1 = arith.constant 0 : i32
    return %c0_i32, %c0_i32_0 : i32, i32
  }
  func.func @transform_6(%arg0: i32) -> (i32, i32) {
    %c0_i32 = arith.constant 0 : i32
    %c0_i32_0 = arith.constant 0 : i32
    %c0_i32_1 = arith.constant 0 : i32
    return %c0_i32, %c0_i32_0 : i32, i32
  }
  func.func @transform_7(%arg0: i32) -> (i32, i32) {
    %c0_i32 = arith.constant 0 : i32
    %c0_i32_0 = arith.constant 0 : i32
    %c0_i32_1 = arith.constant 0 : i32
    return %c0_i32, %c0_i32_0 : i32, i32
  }
  func.func @transform_8(%arg0: i32) -> (i32, i32) {
    %c0_i32 = arith.constant 0 : i32
    %c0_i32_0 = arith.constant 0 : i32
    %c0_i32_1 = arith.constant 0 : i32
    return %c0_i32, %c0_i32_0 : i32, i32
  }
  func.func @transform_9(%arg0: i32) -> (i32, i32) {
    %c0_i32 = arith.constant 0 : i32
    %c0_i32_0 = arith.constant 0 : i32
    %c0_i32_1 = arith.constant 0 : i32
    return %c0_i32, %c0_i32_0 : i32, i32
  }
  func.func @transform_10(%arg0: i32) -> (i32, i32) {
    %c0_i32 = arith.constant 0 : i32
    %c0_i32_0 = arith.constant 0 : i32
    %c0_i32_1 = arith.constant 0 : i32
    return %c0_i32, %c0_i32_0 : i32, i32
  }
  func.func @transform_11(%arg0: i32) -> (i32, i32) {
    %c0_i32 = arith.constant 0 : i32
    %c0_i32_0 = arith.constant 0 : i32
    return %arg0, %c0_i32 : i32, i32
  }
  func.func @transform_12(%arg0: i32) -> (i32, i32) {
    %c0_i32 = arith.constant 0 : i32
    %c0_i32_0 = arith.constant 0 : i32
    return %arg0, %c0_i32 : i32, i32
  }
  func.func @transform_13(%arg0: i32) -> (i32, i32) {
    %c0_i32 = arith.constant 0 : i32
    %c0_i32_0 = arith.constant 0 : i32
    return %arg0, %c0_i32 : i32, i32
  }
  func.func @transform_14(%arg0: i32) -> (i32, i32) {
    %c0_i32 = arith.constant 0 : i32
    %c0_i32_0 = arith.constant 0 : i32
    return %arg0, %c0_i32 : i32, i32
  }
  func.func @transform_15(%arg0: i32) -> (i32, i32, i32) {
    %c0_i32 = arith.constant 0 : i32
    %c0_i32_0 = arith.constant 0 : i32
    %c0_i32_1 = arith.constant 0 : i32
    return %c0_i32, %arg0, %c0_i32_0 : i32, i32, i32
  }
}

module attributes {stable_mosaic.version = 14 : i64} {
  func.func @_tc_logits_body(%arg0: i32, %arg1: memref<2000x256xf32, #tpu.memory_space<vmem>>, %arg2: memref<2000x256xf32, #tpu.memory_space<vmem>>, %arg3: memref<2000x256xf32, #tpu.memory_space<vmem>>, %arg4: memref<2x2000x128xf32, #tpu.memory_space<vmem>>, %arg5: memref<2000x128xf32, #tpu.memory_space<vmem>>) attributes {dimension_semantics = [#tpu.dimension_semantics<arbitrary>], iteration_bounds = array<i64: 80>, scalar_prefetch = 0 : i64, scratch_operands = 0 : i64, tpu.core_type = #tpu.core_type<tc>, window_params = [{transform_indices = @transform_0, window_bounds = array<i64: 2000, 256>}, {transform_indices = @transform_1, window_bounds = array<i64: 2000, 256>}, {transform_indices = @transform_2, window_bounds = array<i64: 2000, 256>}, {transform_indices = @transform_3, window_bounds = array<i64: 2, 2000, 128>}, {transform_indices = @transform_4, window_bounds = array<i64: 2000, 128>}]} {
    %get3A = arith.constant 0 : index
    %get3A_0 = arith.constant 0 : index
    %get3A_1 = vector.load %arg1[%get3A, %get3A_0] : memref<2000x256xf32, #tpu.memory_space<vmem>>, vector<2000x256xf32>
    %get3A_2 = arith.constant 0 : index
    %get3A_3 = arith.constant 0 : index
    %get3A_4 = vector.load %arg2[%get3A_2, %get3A_3] : memref<2000x256xf32, #tpu.memory_space<vmem>>, vector<2000x256xf32>
    %mul3A = arith.mulf %get3A_1, %get3A_4 : vector<2000x256xf32>
    %iota3A = tpu.iota {dimensions = array<i32: 0>} : vector<4x256xi32>
    %iota3A_5 = tpu.iota {dimensions = array<i32: 1>} : vector<4x256xi32>
    %jit3A = arith.constant 64 : i32
    %div3A = vector.broadcast %jit3A : i32 to vector<4x256xi32>
    %div3A_6 = arith.divsi %iota3A_5, %div3A : vector<4x256xi32>
    %sign3A = arith.constant 0 : i32
    %sign3A_7 = vector.broadcast %sign3A : i32 to vector<4x256xi32>
    %sign3A_8 = arith.cmpi sgt, %iota3A_5, %sign3A_7 : vector<4x256xi32>
    %sign3A_9 = arith.extui %sign3A_8 : vector<4x256xi1> to vector<4x256xi32>
    %sign3A_10 = arith.constant 0 : i32
    %sign3A_11 = vector.broadcast %sign3A_10 : i32 to vector<4x256xi32>
    %sign3A_12 = arith.cmpi slt, %iota3A_5, %sign3A_11 : vector<4x256xi32>
    %sign3A_13 = arith.extui %sign3A_12 : vector<4x256xi1> to vector<4x256xi32>
    %sign3A_14 = arith.subi %sign3A_9, %sign3A_13 : vector<4x256xi32>
    %sign3A_15 = arith.constant 0 : i32
    %sign3A_16 = arith.cmpi sgt, %jit3A, %sign3A_15 : i32
    %sign3A_17 = arith.extui %sign3A_16 : i1 to i32
    %sign3A_18 = arith.constant 0 : i32
    %sign3A_19 = arith.cmpi slt, %jit3A, %sign3A_18 : i32
    %sign3A_20 = arith.extui %sign3A_19 : i1 to i32
    %sign3A_21 = arith.subi %sign3A_17, %sign3A_20 : i32
    %ne3A = vector.broadcast %sign3A_21 : i32 to vector<4x256xi32>
    %ne3A_22 = arith.cmpi ne, %sign3A_14, %ne3A : vector<4x256xi32>
    %rem3A = vector.broadcast %jit3A : i32 to vector<4x256xi32>
    %rem3A_23 = arith.remsi %iota3A_5, %rem3A : vector<4x256xi32>
    %ne3A_24 = arith.constant 0 : i32
    %ne3A_25 = vector.broadcast %ne3A_24 : i32 to vector<4x256xi32>
    %ne3A_26 = arith.cmpi ne, %rem3A_23, %ne3A_25 : vector<4x256xi32>
    %and3A = arith.andi %ne3A_22, %ne3A_26 : vector<4x256xi1>
    %sub3A = arith.constant 1 : i32
    %sub3A_27 = vector.broadcast %sub3A : i32 to vector<4x256xi32>
    %sub3A_28 = arith.subi %div3A_6, %sub3A_27 : vector<4x256xi32>
    %select_n3A = arith.select %and3A, %sub3A_28, %div3A_6 : vector<4x256xi1>, vector<4x256xi32>
    %eq3A = arith.cmpi eq, %select_n3A, %iota3A : vector<4x256xi32>
    %jit3A_29 = arith.constant 1.000000e+00 : f32
    %jit3A_30 = arith.constant 0.000000e+00 : f32
    %broadcast_in_dim3A = vector.broadcast %jit3A_29 : f32 to vector<4x256xf32>
    %broadcast_in_dim3A_31 = vector.broadcast %jit3A_30 : f32 to vector<4x256xf32>
    %select_n3A_32 = arith.select %eq3A, %broadcast_in_dim3A, %broadcast_in_dim3A_31 : vector<4x256xi1>, vector<4x256xf32>
    %transpose3A = tpu.transpose %select_n3A_32, [1, 0] : vector<4x256xf32> -> vector<256x4xf32>
    %dot_general3A = arith.constant dense<0.000000e+00> : vector<2000x4xf32>
    %dot_general3A_33 = tpu.matmul %mul3A, %transpose3A, %dot_general3A {dimension_numbers = #tpu.dot_dimension_numbers<[1], [0], [0], [1], [0, 0, 1, 1], [], []>, transpose_lhs_hint = false} : vector<2000x256xf32>, vector<256x4xf32>, vector<2000x4xf32> -> vector<2000x4xf32>
    %mul3A_34 = arith.constant 1.250000e-01 : f32
    %mul3A_35 = vector.broadcast %mul3A_34 : f32 to vector<2000x4xf32>
    %mul3A_36 = arith.mulf %dot_general3A_33, %mul3A_35 : vector<2000x4xf32>
    %exp3A = math.exp %mul3A_36 : vector<2000x4xf32>
    %dot_general3A_37 = arith.constant dense<0.000000e+00> : vector<2000x256xf32>
    %dot_general3A_38 = tpu.matmul %exp3A, %select_n3A_32, %dot_general3A_37 {dimension_numbers = #tpu.dot_dimension_numbers<[1], [0], [0], [1], [0, 0, 1, 1], [], []>, transpose_lhs_hint = false} : vector<2000x4xf32>, vector<4x256xf32>, vector<2000x256xf32> -> vector<2000x256xf32>
    %get3A_39 = arith.constant 0 : index
    %get3A_40 = arith.constant 0 : index
    %get3A_41 = vector.load %arg3[%get3A_39, %get3A_40] : memref<2000x256xf32, #tpu.memory_space<vmem>>, vector<2000x256xf32>
    %mul3A_42 = arith.mulf %get3A_41, %dot_general3A_38 : vector<2000x256xf32>
    %slice3A = vector.extract_strided_slice %mul3A_42 {offsets = [0, 0], sizes = [2000, 128], strides = [1, 1]} : vector<2000x256xf32> to vector<2000x128xf32>
    %swap3A = arith.constant 0 : index
    %swap3A_43 = arith.constant 0 : index
    %swap3A_44 = arith.constant 0 : index
    %swap3A_45 = vector.load %arg4[%swap3A, %swap3A_43, %swap3A_44] : memref<2x2000x128xf32, #tpu.memory_space<vmem>>, vector<1x2000x128xf32>
    %swap3A_46 = vector.shape_cast %swap3A_45 : vector<1x2000x128xf32> to vector<2000x128xf32>
    %swap3A_47 = vector.shape_cast %slice3A : vector<2000x128xf32> to vector<1x2000x128xf32>
    tpu.vector_store %arg4[%swap3A, %swap3A_43, %swap3A_44], %swap3A_47 {strides = array<i32>} : memref<2x2000x128xf32, #tpu.memory_space<vmem>>, vector<1x2000x128xf32>,
    %slice3A_48 = vector.extract_strided_slice %mul3A_42 {offsets = [0, 128], sizes = [2000, 128], strides = [1, 1]} : vector<2000x256xf32> to vector<2000x128xf32>
    %swap3A_49 = arith.constant 1 : index
    %swap3A_50 = arith.constant 0 : index
    %swap3A_51 = arith.constant 0 : index
    %swap3A_52 = vector.load %arg4[%swap3A_49, %swap3A_50, %swap3A_51] : memref<2x2000x128xf32, #tpu.memory_space<vmem>>, vector<1x2000x128xf32>
    %swap3A_53 = vector.shape_cast %swap3A_52 : vector<1x2000x128xf32> to vector<2000x128xf32>
    %swap3A_54 = vector.shape_cast %slice3A_48 : vector<2000x128xf32> to vector<1x2000x128xf32>
    tpu.vector_store %arg4[%swap3A_49, %swap3A_50, %swap3A_51], %swap3A_54 {strides = array<i32>} : memref<2x2000x128xf32, #tpu.memory_space<vmem>>, vector<1x2000x128xf32>,
    %iota3A_55 = tpu.iota {dimensions = array<i32: 0>} : vector<4x128xi32>
    %iota3A_56 = tpu.iota {dimensions = array<i32: 1>} : vector<4x128xi32>
    %jit3A_57 = arith.constant 32 : i32
    %div3A_58 = vector.broadcast %jit3A_57 : i32 to vector<4x128xi32>
    %div3A_59 = arith.divsi %iota3A_56, %div3A_58 : vector<4x128xi32>
    %sign3A_60 = arith.constant 0 : i32
    %sign3A_61 = vector.broadcast %sign3A_60 : i32 to vector<4x128xi32>
    %sign3A_62 = arith.cmpi sgt, %iota3A_56, %sign3A_61 : vector<4x128xi32>
    %sign3A_63 = arith.extui %sign3A_62 : vector<4x128xi1> to vector<4x128xi32>
    %sign3A_64 = arith.constant 0 : i32
    %sign3A_65 = vector.broadcast %sign3A_64 : i32 to vector<4x128xi32>
    %sign3A_66 = arith.cmpi slt, %iota3A_56, %sign3A_65 : vector<4x128xi32>
    %sign3A_67 = arith.extui %sign3A_66 : vector<4x128xi1> to vector<4x128xi32>
    %sign3A_68 = arith.subi %sign3A_63, %sign3A_67 : vector<4x128xi32>
    %sign3A_69 = arith.constant 0 : i32
    %sign3A_70 = arith.cmpi sgt, %jit3A_57, %sign3A_69 : i32
    %sign3A_71 = arith.extui %sign3A_70 : i1 to i32
    %sign3A_72 = arith.constant 0 : i32
    %sign3A_73 = arith.cmpi slt, %jit3A_57, %sign3A_72 : i32
    %sign3A_74 = arith.extui %sign3A_73 : i1 to i32
    %sign3A_75 = arith.subi %sign3A_71, %sign3A_74 : i32
    %ne3A_76 = vector.broadcast %sign3A_75 : i32 to vector<4x128xi32>
    %ne3A_77 = arith.cmpi ne, %sign3A_68, %ne3A_76 : vector<4x128xi32>
    %rem3A_78 = vector.broadcast %jit3A_57 : i32 to vector<4x128xi32>
    %rem3A_79 = arith.remsi %iota3A_56, %rem3A_78 : vector<4x128xi32>
    %ne3A_80 = arith.constant 0 : i32
    %ne3A_81 = vector.broadcast %ne3A_80 : i32 to vector<4x128xi32>
    %ne3A_82 = arith.cmpi ne, %rem3A_79, %ne3A_81 : vector<4x128xi32>
    %and3A_83 = arith.andi %ne3A_77, %ne3A_82 : vector<4x128xi1>
    %sub3A_84 = arith.constant 1 : i32
    %sub3A_85 = vector.broadcast %sub3A_84 : i32 to vector<4x128xi32>
    %sub3A_86 = arith.subi %div3A_59, %sub3A_85 : vector<4x128xi32>
    %select_n3A_87 = arith.select %and3A_83, %sub3A_86, %div3A_59 : vector<4x128xi1>, vector<4x128xi32>
    %eq3A_88 = arith.cmpi eq, %select_n3A_87, %iota3A_55 : vector<4x128xi32>
    %jit3A_89 = arith.constant 1.000000e+00 : f32
    %jit3A_90 = arith.constant 0.000000e+00 : f32
    %broadcast_in_dim3A_91 = vector.broadcast %jit3A_89 : f32 to vector<4x128xf32>
    %broadcast_in_dim3A_92 = vector.broadcast %jit3A_90 : f32 to vector<4x128xf32>
    %select_n3A_93 = arith.select %eq3A_88, %broadcast_in_dim3A_91, %broadcast_in_dim3A_92 : vector<4x128xi1>, vector<4x128xf32>
    %dot_general3A_94 = arith.constant dense<0.000000e+00> : vector<2000x128xf32>
    %dot_general3A_95 = tpu.matmul %exp3A, %select_n3A_93, %dot_general3A_94 {dimension_numbers = #tpu.dot_dimension_numbers<[1], [0], [0], [1], [0, 0, 1, 1], [], []>, transpose_lhs_hint = false} : vector<2000x4xf32>, vector<4x128xf32>, vector<2000x128xf32> -> vector<2000x128xf32>
    %swap3A_96 = arith.constant 0 : index
    %swap3A_97 = arith.constant 0 : index
    %swap3A_98 = vector.load %arg5[%swap3A_96, %swap3A_97] : memref<2000x128xf32, #tpu.memory_space<vmem>>, vector<2000x128xf32>
    tpu.vector_store %arg5[%swap3A_96, %swap3A_97], %dot_general3A_95 {strides = array<i32>} : memref<2000x128xf32, #tpu.memory_space<vmem>>, vector<2000x128xf32>,
    return
  }
  func.func @transform_0(%arg0: i32) -> (i32, i32) {
    %c0_i32 = arith.constant 0 : i32
    %c0_i32_0 = arith.constant 0 : i32
    return %arg0, %c0_i32 : i32, i32
  }
  func.func @transform_1(%arg0: i32) -> (i32, i32) {
    %c0_i32 = arith.constant 0 : i32
    %c0_i32_0 = arith.constant 0 : i32
    return %arg0, %c0_i32 : i32, i32
  }
  func.func @transform_2(%arg0: i32) -> (i32, i32) {
    %c0_i32 = arith.constant 0 : i32
    %c0_i32_0 = arith.constant 0 : i32
    return %arg0, %c0_i32 : i32, i32
  }
  func.func @transform_3(%arg0: i32) -> (i32, i32, i32) {
    %c0_i32 = arith.constant 0 : i32
    %c0_i32_0 = arith.constant 0 : i32
    %c0_i32_1 = arith.constant 0 : i32
    return %c0_i32, %arg0, %c0_i32_0 : i32, i32, i32
  }
  func.func @transform_4(%arg0: i32) -> (i32, i32) {
    %c0_i32 = arith.constant 0 : i32
    %c0_i32_0 = arith.constant 0 : i32
    return %arg0, %c0_i32 : i32, i32
  }
}

module attributes {stable_mosaic.version = 14 : i64} {
  func.func @_tc_mid_body(%arg0: i32, %arg1: memref<2x1000x128xf32, #tpu.memory_space<vmem>>, %arg2: memref<2x1000x128xf32, #tpu.memory_space<vmem>>, %arg3: memref<1000x256xf32, #tpu.memory_space<vmem>>, %arg4: memref<1000x256xf32, #tpu.memory_space<vmem>>, %arg5: memref<2x1000x128xf32, #tpu.memory_space<vmem>>, %arg6: memref<256x256xf32, #tpu.memory_space<vmem>>, %arg7: memref<1x256xf32, #tpu.memory_space<vmem>>, %arg8: memref<1x1xf32, #tpu.memory_space<smem>>, %arg9: memref<1000x256xf32, #tpu.memory_space<vmem>>, %arg10: memref<1000x256xf32, #tpu.memory_space<vmem>>, %arg11: memref<2x256xf32, #tpu.memory_space<vmem>>, %arg12: memref<2x256xf32, #tpu.memory_space<vmem>>) attributes {dimension_semantics = [#tpu.dimension_semantics<arbitrary>], iteration_bounds = array<i64: 10>, scalar_prefetch = 0 : i64, scratch_operands = 1 : i64, tpu.core_type = #tpu.core_type<tc>, window_params = [{transform_indices = @transform_0, window_bounds = array<i64: 2, 1000, 128>}, {transform_indices = @transform_1, window_bounds = array<i64: 2, 1000, 128>}, {transform_indices = @transform_2, window_bounds = array<i64: 1000, 256>}, {transform_indices = @transform_3, window_bounds = array<i64: 1000, 256>}, {transform_indices = @transform_4, window_bounds = array<i64: 2, 1000, 128>}, {pipeline_mode = #tpu.pipeline_mode<synchronous>, transform_indices = @transform_5, window_bounds = array<i64: 256, 256>}, {pipeline_mode = #tpu.pipeline_mode<synchronous>, transform_indices = @transform_6, window_bounds = array<i64: 1, 256>}, {transform_indices = @transform_7, window_bounds = array<i64: 1, 1>}, {transform_indices = @transform_8, window_bounds = array<i64: 1000, 256>}, {transform_indices = @transform_9, window_bounds = array<i64: 1000, 256>}, {pipeline_mode = #tpu.pipeline_mode<synchronous>, transform_indices = @transform_10, window_bounds = array<i64: 2, 256>}]} {
    %get3A = arith.constant 0 : index
    %get3A_0 = arith.constant 0 : index
    %get3A_1 = arith.constant 0 : index
    %get3A_2 = vector.load %arg1[%get3A, %get3A_0, %get3A_1] : memref<2x1000x128xf32, #tpu.memory_space<vmem>>, vector<1x1000x128xf32>
    %get3A_3 = vector.shape_cast %get3A_2 : vector<1x1000x128xf32> to vector<1000x128xf32>
    %get3A_4 = arith.constant 1 : index
    %get3A_5 = arith.constant 0 : index
    %get3A_6 = arith.constant 0 : index
    %get3A_7 = vector.load %arg1[%get3A_4, %get3A_5, %get3A_6] : memref<2x1000x128xf32, #tpu.memory_space<vmem>>, vector<1x1000x128xf32>
    %get3A_8 = vector.shape_cast %get3A_7 : vector<1x1000x128xf32> to vector<1000x128xf32>
    %concatenate3A = tpu.concatenate %get3A_3, %get3A_8 in 1 : vector<1000x128xf32>, vector<1000x128xf32> -> vector<1000x256xf32>
    %iota3A = tpu.iota {dimensions = array<i32: 0>} : vector<128x256xi32>
    %iota3A_9 = tpu.iota {dimensions = array<i32: 1>} : vector<128x256xi32>
    %jit3A = arith.constant 64 : i32
    %div3A = vector.broadcast %jit3A : i32 to vector<128x256xi32>
    %div3A_10 = arith.divsi %iota3A_9, %div3A : vector<128x256xi32>
    %sign3A = arith.constant 0 : i32
    %sign3A_11 = vector.broadcast %sign3A : i32 to vector<128x256xi32>
    %sign3A_12 = arith.cmpi sgt, %iota3A_9, %sign3A_11 : vector<128x256xi32>
    %sign3A_13 = arith.extui %sign3A_12 : vector<128x256xi1> to vector<128x256xi32>
    %sign3A_14 = arith.constant 0 : i32
    %sign3A_15 = vector.broadcast %sign3A_14 : i32 to vector<128x256xi32>
    %sign3A_16 = arith.cmpi slt, %iota3A_9, %sign3A_15 : vector<128x256xi32>
    %sign3A_17 = arith.extui %sign3A_16 : vector<128x256xi1> to vector<128x256xi32>
    %sign3A_18 = arith.subi %sign3A_13, %sign3A_17 : vector<128x256xi32>
    %sign3A_19 = arith.constant 0 : i32
    %sign3A_20 = arith.cmpi sgt, %jit3A, %sign3A_19 : i32
    %sign3A_21 = arith.extui %sign3A_20 : i1 to i32
    %sign3A_22 = arith.constant 0 : i32
    %sign3A_23 = arith.cmpi slt, %jit3A, %sign3A_22 : i32
    %sign3A_24 = arith.extui %sign3A_23 : i1 to i32
    %sign3A_25 = arith.subi %sign3A_21, %sign3A_24 : i32
    %ne3A = vector.broadcast %sign3A_25 : i32 to vector<128x256xi32>
    %ne3A_26 = arith.cmpi ne, %sign3A_18, %ne3A : vector<128x256xi32>
    %rem3A = vector.broadcast %jit3A : i32 to vector<128x256xi32>
    %rem3A_27 = arith.remsi %iota3A_9, %rem3A : vector<128x256xi32>
    %ne3A_28 = arith.constant 0 : i32
    %ne3A_29 = vector.broadcast %ne3A_28 : i32 to vector<128x256xi32>
    %ne3A_30 = arith.cmpi ne, %rem3A_27, %ne3A_29 : vector<128x256xi32>
    %and3A = arith.andi %ne3A_26, %ne3A_30 : vector<128x256xi1>
    %sub3A = arith.constant 1 : i32
    %sub3A_31 = vector.broadcast %sub3A : i32 to vector<128x256xi32>
    %sub3A_32 = arith.subi %div3A_10, %sub3A_31 : vector<128x256xi32>
    %select_n3A = arith.select %and3A, %sub3A_32, %div3A_10 : vector<128x256xi1>, vector<128x256xi32>
    %mul3A = arith.constant 32 : i32
    %mul3A_33 = vector.broadcast %mul3A : i32 to vector<128x256xi32>
    %mul3A_34 = arith.muli %mul3A_33, %select_n3A : vector<128x256xi32>
    %eq3A = arith.cmpi eq, %iota3A, %mul3A_34 : vector<128x256xi32>
    %jit3A_35 = arith.constant 1.000000e+00 : f32
    %jit3A_36 = arith.constant 0.000000e+00 : f32
    %broadcast_in_dim3A = vector.broadcast %jit3A_35 : f32 to vector<128x256xf32>
    %broadcast_in_dim3A_37 = vector.broadcast %jit3A_36 : f32 to vector<128x256xf32>
    %select_n3A_38 = arith.select %eq3A, %broadcast_in_dim3A, %broadcast_in_dim3A_37 : vector<128x256xi1>, vector<128x256xf32>
    %get3A_39 = arith.constant 0 : index
    %get3A_40 = arith.constant 0 : index
    %get3A_41 = arith.constant 0 : index
    %get3A_42 = vector.load %arg2[%get3A_39, %get3A_40, %get3A_41] : memref<2x1000x128xf32, #tpu.memory_space<vmem>>, vector<1x1000x128xf32>
    %get3A_43 = vector.shape_cast %get3A_42 : vector<1x1000x128xf32> to vector<1000x128xf32>
    %get3A_44 = arith.constant 1 : index
    %get3A_45 = arith.constant 0 : index
    %get3A_46 = arith.constant 0 : index
    %get3A_47 = vector.load %arg2[%get3A_44, %get3A_45, %get3A_46] : memref<2x1000x128xf32, #tpu.memory_space<vmem>>, vector<1x1000x128xf32>
    %get3A_48 = vector.shape_cast %get3A_47 : vector<1x1000x128xf32> to vector<1000x128xf32>
    %add3A = arith.addf %get3A_43, %get3A_48 : vector<1000x128xf32>
    %dot_general3A = arith.constant dense<0.000000e+00> : vector<1000x256xf32>
    %dot_general3A_49 = tpu.matmul %add3A, %select_n3A_38, %dot_general3A {dimension_numbers = #tpu.dot_dimension_numbers<[1], [0], [0], [1], [0, 0, 1, 1], [], []>, transpose_lhs_hint = false} : vector<1000x128xf32>, vector<128x256xf32>, vector<1000x256xf32> -> vector<1000x256xf32>
    %add3A_50 = arith.constant 1.000000e-16 : f32
    %add3A_51 = vector.broadcast %add3A_50 : f32 to vector<1000x256xf32>
    %add3A_52 = arith.addf %dot_general3A_49, %add3A_51 : vector<1000x256xf32>
    %div3A_53 = arith.divf %concatenate3A, %add3A_52 : vector<1000x256xf32>
    %get3A_54 = arith.constant 0 : index
    %get3A_55 = arith.constant 0 : index
    %get3A_56 = vector.load %arg3[%get3A_54, %get3A_55] : memref<1000x256xf32, #tpu.memory_space<vmem>>, vector<1000x256xf32>
    %add3A_57 = arith.addf %div3A_53, %get3A_56 : vector<1000x256xf32>
    %get3A_58 = arith.constant 0 : index
    %get3A_59 = arith.constant 0 : index
    %get3A_60 = vector.load %arg4[%get3A_58, %get3A_59] : memref<1000x256xf32, #tpu.memory_space<vmem>>, vector<1000x256xf32>
    %get3A_61 = arith.constant 0 : index
    %get3A_62 = arith.constant 0 : index
    %get3A_63 = memref.load %arg8[%get3A_61, %get3A_62] : memref<1x1xf32, #tpu.memory_space<smem>>
    %mul3A_64 = vector.broadcast %get3A_63 : f32 to vector<1000x256xf32>
    %mul3A_65 = arith.mulf %mul3A_64, %add3A_57 : vector<1000x256xf32>
    %add3A_66 = arith.addf %get3A_60, %mul3A_65 : vector<1000x256xf32>
    %swap3A = arith.constant 0 : index
    %swap3A_67 = arith.constant 0 : index
    %swap3A_68 = vector.load %arg9[%swap3A, %swap3A_67] : memref<1000x256xf32, #tpu.memory_space<vmem>>, vector<1000x256xf32>
    tpu.vector_store %arg9[%swap3A, %swap3A_67], %add3A_66 {strides = array<i32>} : memref<1000x256xf32, #tpu.memory_space<vmem>>, vector<1000x256xf32>,
    %get3A_69 = arith.constant 0 : index
    %get3A_70 = arith.constant 0 : index
    %get3A_71 = arith.constant 0 : index
    %get3A_72 = vector.load %arg5[%get3A_69, %get3A_70, %get3A_71] : memref<2x1000x128xf32, #tpu.memory_space<vmem>>, vector<1x1000x128xf32>
    %get3A_73 = vector.shape_cast %get3A_72 : vector<1x1000x128xf32> to vector<1000x128xf32>
    %get3A_74 = arith.constant 1 : index
    %get3A_75 = arith.constant 0 : index
    %get3A_76 = arith.constant 0 : index
    %get3A_77 = vector.load %arg5[%get3A_74, %get3A_75, %get3A_76] : memref<2x1000x128xf32, #tpu.memory_space<vmem>>, vector<1x1000x128xf32>
    %get3A_78 = vector.shape_cast %get3A_77 : vector<1x1000x128xf32> to vector<1000x128xf32>
    %concatenate3A_79 = tpu.concatenate %get3A_73, %get3A_78 in 1 : vector<1000x128xf32>, vector<1000x128xf32> -> vector<1000x256xf32>
    %add3A_80 = arith.addf %get3A_60, %concatenate3A_79 : vector<1000x256xf32>
    %get3A_81 = arith.constant 0 : index
    %get3A_82 = arith.constant 0 : index
    %get3A_83 = vector.load %arg6[%get3A_81, %get3A_82] : memref<256x256xf32, #tpu.memory_space<vmem>>, vector<256x256xf32>
    %dot_general3A_84 = arith.constant dense<0.000000e+00> : vector<1000x256xf32>
    %dot_general3A_85 = tpu.matmul %add3A_80, %get3A_83, %dot_general3A_84 {dimension_numbers = #tpu.dot_dimension_numbers<[1], [0], [0], [1], [0, 0, 1, 1], [], []>, transpose_lhs_hint = false} : vector<1000x256xf32>, vector<256x256xf32>, vector<1000x256xf32> -> vector<1000x256xf32>
    %get3A_86 = arith.constant 0 : index
    %get3A_87 = arith.constant 0 : index
    %get3A_88 = vector.load %arg7[%get3A_86, %get3A_87] : memref<1x256xf32, #tpu.memory_space<vmem>>, vector<1x256xf32>
    %add3A_89 = vector.broadcast %get3A_88 : vector<1x256xf32> to vector<1000x256xf32>
    %add3A_90 = arith.addf %dot_general3A_85, %add3A_89 : vector<1000x256xf32>
    %swap3A_91 = arith.constant 0 : index
    %swap3A_92 = arith.constant 0 : index
    %swap3A_93 = vector.load %arg10[%swap3A_91, %swap3A_92] : memref<1000x256xf32, #tpu.memory_space<vmem>>, vector<1000x256xf32>
    tpu.vector_store %arg10[%swap3A_91, %swap3A_92], %add3A_90 {strides = array<i32>} : memref<1000x256xf32, #tpu.memory_space<vmem>>, vector<1000x256xf32>,
    %eq3A_94 = arith.constant 0 : i32
    %eq3A_95 = arith.cmpi eq, %arg0, %eq3A_94 : i32
    %convert_element_type3A = arith.extui %eq3A_95 : i1 to i32
    %cond3A = arith.constant 0 : i32
    %cond3A_96 = arith.cmpi ne, %convert_element_type3A, %cond3A : i32
    scf.if %cond3A_96 {
      %broadcast_in_dim3A_123 = arith.constant 0.000000e+00 : f32
      %broadcast_in_dim3A_124 = vector.broadcast %broadcast_in_dim3A_123 : f32 to vector<2x256xf32>
      %swap3A_125 = arith.constant 0 : index
      %swap3A_126 = arith.constant 0 : index
      %swap3A_127 = vector.load %arg12[%swap3A_125, %swap3A_126] : memref<2x256xf32, #tpu.memory_space<vmem>>, vector<2x256xf32>
      tpu.vector_store %arg12[%swap3A_125, %swap3A_126], %broadcast_in_dim3A_124 {strides = array<i32>} : memref<2x256xf32, #tpu.memory_space<vmem>>, vector<2x256xf32>,
    } else {
    }
    %get3A_97 = arith.constant 0 : index
    %get3A_98 = arith.constant 0 : index
    %get3A_99 = vector.load %arg12[%get3A_97, %get3A_98] : memref<2x256xf32, #tpu.memory_space<vmem>>, vector<1x256xf32>
    %reduce_sum3A = arith.constant dense<0.000000e+00> : vector<256xf32>
    %reduce_sum3A_100 = vector.multi_reduction <add>, %add3A_90, %reduce_sum3A [0] : vector<1000x256xf32> to vector<256xf32>
    %broadcast_in_dim3A_101 = vector.shape_cast %reduce_sum3A_100 : vector<256xf32> to vector<1x256xf32>
    %add3A_102 = arith.addf %get3A_99, %broadcast_in_dim3A_101 : vector<1x256xf32>
    %swap3A_103 = arith.constant 0 : index
    %swap3A_104 = arith.constant 0 : index
    %swap3A_105 = vector.load %arg12[%swap3A_103, %swap3A_104] : memref<2x256xf32, #tpu.memory_space<vmem>>, vector<1x256xf32>
    tpu.vector_store %arg12[%swap3A_103, %swap3A_104], %add3A_102 {strides = array<i32>} : memref<2x256xf32, #tpu.memory_space<vmem>>, vector<1x256xf32>,
    %get3A_106 = arith.constant 1 : index
    %get3A_107 = arith.constant 0 : index
    %get3A_108 = vector.load %arg12[%get3A_106, %get3A_107] : memref<2x256xf32, #tpu.memory_space<vmem>>, vector<1x256xf32>
    %mul3A_109 = arith.mulf %add3A_90, %add3A_90 : vector<1000x256xf32>
    %reduce_sum3A_110 = arith.constant dense<0.000000e+00> : vector<256xf32>
    %reduce_sum3A_111 = vector.multi_reduction <add>, %mul3A_109, %reduce_sum3A_110 [0] : vector<1000x256xf32> to vector<256xf32>
    %broadcast_in_dim3A_112 = vector.shape_cast %reduce_sum3A_111 : vector<256xf32> to vector<1x256xf32>
    %add3A_113 = arith.addf %get3A_108, %broadcast_in_dim3A_112 : vector<1x256xf32>
    %swap3A_114 = arith.constant 1 : index
    %swap3A_115 = arith.constant 0 : index
    %swap3A_116 = vector.load %arg12[%swap3A_114, %swap3A_115] : memref<2x256xf32, #tpu.memory_space<vmem>>, vector<1x256xf32>
    tpu.vector_store %arg12[%swap3A_114, %swap3A_115], %add3A_113 {strides = array<i32>} : memref<2x256xf32, #tpu.memory_space<vmem>>, vector<1x256xf32>,
    %get3A_117 = arith.constant 0 : index
    %get3A_118 = arith.constant 0 : index
    %get3A_119 = vector.load %arg12[%get3A_117, %get3A_118] : memref<2x256xf32, #tpu.memory_space<vmem>>, vector<2x256xf32>
    %swap3A_120 = arith.constant 0 : index
    %swap3A_121 = arith.constant 0 : index
    %swap3A_122 = vector.load %arg11[%swap3A_120, %swap3A_121] : memref<2x256xf32, #tpu.memory_space<vmem>>, vector<2x256xf32>
    tpu.vector_store %arg11[%swap3A_120, %swap3A_121], %get3A_119 {strides = array<i32>} : memref<2x256xf32, #tpu.memory_space<vmem>>, vector<2x256xf32>,
    return
  }
  func.func @transform_0(%arg0: i32) -> (i32, i32, i32) {
    %c0_i32 = arith.constant 0 : i32
    %c0_i32_0 = arith.constant 0 : i32
    %c0_i32_1 = arith.constant 0 : i32
    return %c0_i32, %arg0, %c0_i32_0 : i32, i32, i32
  }
  func.func @transform_1(%arg0: i32) -> (i32, i32, i32) {
    %c0_i32 = arith.constant 0 : i32
    %c0_i32_0 = arith.constant 0 : i32
    %c0_i32_1 = arith.constant 0 : i32
    return %c0_i32, %arg0, %c0_i32_0 : i32, i32, i32
  }
  func.func @transform_2(%arg0: i32) -> (i32, i32) {
    %c0_i32 = arith.constant 0 : i32
    %c0_i32_0 = arith.constant 0 : i32
    return %arg0, %c0_i32 : i32, i32
  }
  func.func @transform_3(%arg0: i32) -> (i32, i32) {
    %c0_i32 = arith.constant 0 : i32
    %c0_i32_0 = arith.constant 0 : i32
    return %arg0, %c0_i32 : i32, i32
  }
  func.func @transform_4(%arg0: i32) -> (i32, i32, i32) {
    %c0_i32 = arith.constant 0 : i32
    %c0_i32_0 = arith.constant 0 : i32
    %c0_i32_1 = arith.constant 0 : i32
    return %c0_i32, %arg0, %c0_i32_0 : i32, i32, i32
  }
  func.func @transform_5(%arg0: i32) -> (i32, i32) {
    %c0_i32 = arith.constant 0 : i32
    %c0_i32_0 = arith.constant 0 : i32
    %c0_i32_1 = arith.constant 0 : i32
    return %c0_i32, %c0_i32_0 : i32, i32
  }
  func.func @transform_6(%arg0: i32) -> (i32, i32) {
    %c0_i32 = arith.constant 0 : i32
    %c0_i32_0 = arith.constant 0 : i32
    %c0_i32_1 = arith.constant 0 : i32
    return %c0_i32, %c0_i32_0 : i32, i32
  }
  func.func @transform_7(%arg0: i32) -> (i32, i32) {
    %c0_i32 = arith.constant 0 : i32
    %c0_i32_0 = arith.constant 0 : i32
    %c0_i32_1 = arith.constant 0 : i32
    return %c0_i32, %c0_i32_0 : i32, i32
  }
  func.func @transform_8(%arg0: i32) -> (i32, i32) {
    %c0_i32 = arith.constant 0 : i32
    %c0_i32_0 = arith.constant 0 : i32
    return %arg0, %c0_i32 : i32, i32
  }
  func.func @transform_9(%arg0: i32) -> (i32, i32) {
    %c0_i32 = arith.constant 0 : i32
    %c0_i32_0 = arith.constant 0 : i32
    return %arg0, %c0_i32 : i32, i32
  }
  func.func @transform_10(%arg0: i32) -> (i32, i32) {
    %c0_i32 = arith.constant 0 : i32
    %c0_i32_0 = arith.constant 0 : i32
    %c0_i32_1 = arith.constant 0 : i32
    return %c0_i32, %c0_i32_0 : i32, i32
  }
}

module attributes {stable_mosaic.version = 14 : i64} {
  func.func @_tc_post_body(%arg0: i32, %arg1: memref<1000x256xf32, #tpu.memory_space<vmem>>, %arg2: memref<1000x256xf32, #tpu.memory_space<vmem>>, %arg3: memref<2x256xf32, #tpu.memory_space<vmem>>, %arg4: memref<1x256xf32, #tpu.memory_space<vmem>>, %arg5: memref<1x256xf32, #tpu.memory_space<vmem>>, %arg6: memref<256x256xf32, #tpu.memory_space<vmem>>, %arg7: memref<1x256xf32, #tpu.memory_space<vmem>>, %arg8: memref<1x256xf32, #tpu.memory_space<vmem>>, %arg9: memref<1x256xf32, #tpu.memory_space<vmem>>, %arg10: memref<256x256xf32, #tpu.memory_space<vmem>>, %arg11: memref<1x256xf32, #tpu.memory_space<vmem>>, %arg12: memref<256x256xf32, #tpu.memory_space<vmem>>, %arg13: memref<1x256xf32, #tpu.memory_space<vmem>>, %arg14: memref<1x2xf32, #tpu.memory_space<smem>>, %arg15: memref<1000x256xf32, #tpu.memory_space<vmem>>) attributes {dimension_semantics = [#tpu.dimension_semantics<arbitrary>], iteration_bounds = array<i64: 10>, scalar_prefetch = 0 : i64, scratch_operands = 0 : i64, tpu.core_type = #tpu.core_type<tc>, window_params = [{transform_indices = @transform_0, window_bounds = array<i64: 1000, 256>}, {transform_indices = @transform_1, window_bounds = array<i64: 1000, 256>}, {pipeline_mode = #tpu.pipeline_mode<synchronous>, transform_indices = @transform_2, window_bounds = array<i64: 2, 256>}, {pipeline_mode = #tpu.pipeline_mode<synchronous>, transform_indices = @transform_3, window_bounds = array<i64: 1, 256>}, {pipeline_mode = #tpu.pipeline_mode<synchronous>, transform_indices = @transform_4, window_bounds = array<i64: 1, 256>}, {pipeline_mode = #tpu.pipeline_mode<synchronous>, transform_indices = @transform_5, window_bounds = array<i64: 256, 256>}, {pipeline_mode = #tpu.pipeline_mode<synchronous>, transform_indices = @transform_6, window_bounds = array<i64: 1, 256>}, {pipeline_mode = #tpu.pipeline_mode<synchronous>, transform_indices = @transform_7, window_bounds = array<i64: 1, 256>}, {pipeline_mode = #tpu.pipeline_mode<synchronous>, transform_indices = @transform_8, window_bounds = array<i64: 1, 256>}, {pipeline_mode = #tpu.pipeline_mode<synchronous>, transform_indices = @transform_9, window_bounds = array<i64: 256, 256>}, {pipeline_mode = #tpu.pipeline_mode<synchronous>, transform_indices = @transform_10, window_bounds = array<i64: 1, 256>}, {pipeline_mode = #tpu.pipeline_mode<synchronous>, transform_indices = @transform_11, window_bounds = array<i64: 256, 256>}, {pipeline_mode = #tpu.pipeline_mode<synchronous>, transform_indices = @transform_12, window_bounds = array<i64: 1, 256>}, {transform_indices = @transform_13, window_bounds = array<i64: 1, 2>}, {transform_indices = @transform_14, window_bounds = array<i64: 1000, 256>}]} {
    %get3A = arith.constant 0 : index
    %get3A_0 = arith.constant 0 : index
    %get3A_1 = vector.load %arg3[%get3A, %get3A_0] : memref<2x256xf32, #tpu.memory_space<vmem>>, vector<1x256xf32>
    %mul3A = arith.constant 9.99999974E-5 : f32
    %mul3A_2 = vector.broadcast %mul3A : f32 to vector<1x256xf32>
    %mul3A_3 = arith.mulf %get3A_1, %mul3A_2 : vector<1x256xf32>
    %get3A_4 = arith.constant 1 : index
    %get3A_5 = arith.constant 0 : index
    %get3A_6 = vector.load %arg3[%get3A_4, %get3A_5] : memref<2x256xf32, #tpu.memory_space<vmem>>, vector<1x256xf32>
    %mul3A_7 = arith.constant 9.99999974E-5 : f32
    %mul3A_8 = vector.broadcast %mul3A_7 : f32 to vector<1x256xf32>
    %mul3A_9 = arith.mulf %get3A_6, %mul3A_8 : vector<1x256xf32>
    %mul3A_10 = arith.mulf %mul3A_3, %mul3A_3 : vector<1x256xf32>
    %sub3A = arith.subf %mul3A_9, %mul3A_10 : vector<1x256xf32>
    %get3A_11 = arith.constant 0 : index
    %get3A_12 = arith.constant 0 : index
    %get3A_13 = vector.load %arg2[%get3A_11, %get3A_12] : memref<1000x256xf32, #tpu.memory_space<vmem>>, vector<1000x256xf32>
    %sub3A_14 = vector.broadcast %mul3A_3 : vector<1x256xf32> to vector<1000x256xf32>
    %sub3A_15 = arith.subf %get3A_13, %sub3A_14 : vector<1000x256xf32>
    %add3A = arith.constant 9.99999974E-6 : f32
    %add3A_16 = vector.broadcast %add3A : f32 to vector<1x256xf32>
    %add3A_17 = arith.addf %sub3A, %add3A_16 : vector<1x256xf32>
    %sqrt3A = math.sqrt %add3A_17 : vector<1x256xf32>
    %div3A = vector.broadcast %sqrt3A : vector<1x256xf32> to vector<1000x256xf32>
    %div3A_18 = arith.divf %sub3A_15, %div3A : vector<1000x256xf32>
    %get3A_19 = arith.constant 0 : index
    %get3A_20 = arith.constant 0 : index
    %get3A_21 = vector.load %arg4[%get3A_19, %get3A_20] : memref<1x256xf32, #tpu.memory_space<vmem>>, vector<1x256xf32>
    %mul3A_22 = vector.broadcast %get3A_21 : vector<1x256xf32> to vector<1000x256xf32>
    %mul3A_23 = arith.mulf %div3A_18, %mul3A_22 : vector<1000x256xf32>
    %get3A_24 = arith.constant 0 : index
    %get3A_25 = arith.constant 0 : index
    %get3A_26 = vector.load %arg5[%get3A_24, %get3A_25] : memref<1x256xf32, #tpu.memory_space<vmem>>, vector<1x256xf32>
    %add3A_27 = vector.broadcast %get3A_26 : vector<1x256xf32> to vector<1000x256xf32>
    %add3A_28 = arith.addf %mul3A_23, %add3A_27 : vector<1000x256xf32>
    %max3A = arith.constant 0.000000e+00 : f32
    %max3A_29 = vector.broadcast %max3A : f32 to vector<1000x256xf32>
    %max3A_30 = arith.maximumf %add3A_28, %max3A_29 : vector<1000x256xf32>
    %get3A_31 = arith.constant 0 : index
    %get3A_32 = arith.constant 0 : index
    %get3A_33 = vector.load %arg6[%get3A_31, %get3A_32] : memref<256x256xf32, #tpu.memory_space<vmem>>, vector<256x256xf32>
    %dot_general3A = arith.constant dense<0.000000e+00> : vector<1000x256xf32>
    %dot_general3A_34 = tpu.matmul %max3A_30, %get3A_33, %dot_general3A {dimension_numbers = #tpu.dot_dimension_numbers<[1], [0], [0], [1], [0, 0, 1, 1], [], []>, transpose_lhs_hint = false} : vector<1000x256xf32>, vector<256x256xf32>, vector<1000x256xf32> -> vector<1000x256xf32>
    %get3A_35 = arith.constant 0 : index
    %get3A_36 = arith.constant 0 : index
    %get3A_37 = vector.load %arg7[%get3A_35, %get3A_36] : memref<1x256xf32, #tpu.memory_space<vmem>>, vector<1x256xf32>
    %add3A_38 = vector.broadcast %get3A_37 : vector<1x256xf32> to vector<1000x256xf32>
    %add3A_39 = arith.addf %dot_general3A_34, %add3A_38 : vector<1000x256xf32>
    %get3A_40 = arith.constant 0 : index
    %get3A_41 = arith.constant 0 : index
    %get3A_42 = vector.load %arg1[%get3A_40, %get3A_41] : memref<1000x256xf32, #tpu.memory_space<vmem>>, vector<1000x256xf32>
    %mul3A_43 = arith.constant 5.000000e-01 : f32
    %mul3A_44 = vector.broadcast %mul3A_43 : f32 to vector<1000x256xf32>
    %mul3A_45 = arith.mulf %mul3A_44, %get3A_42 : vector<1000x256xf32>
    %sqrt3A_46 = arith.constant 2.000000e+00 : f32
    %sqrt3A_47 = math.sqrt %sqrt3A_46 : f32
    %div3A_48 = arith.constant 1.000000e+00 : f32
    %div3A_49 = arith.divf %div3A_48, %sqrt3A_47 : f32
    %mul3A_50 = vector.broadcast %div3A_49 : f32 to vector<1000x256xf32>
    %mul3A_51 = arith.mulf %get3A_42, %mul3A_50 : vector<1000x256xf32>
    %erf3A = math.erf %mul3A_51 : vector<1000x256xf32>
    %add3A_52 = arith.constant 1.000000e+00 : f32
    %add3A_53 = vector.broadcast %add3A_52 : f32 to vector<1000x256xf32>
    %add3A_54 = arith.addf %add3A_53, %erf3A : vector<1000x256xf32>
    %mul3A_55 = arith.mulf %mul3A_45, %add3A_54 : vector<1000x256xf32>
    %reduce_sum3A = arith.constant dense<0.000000e+00> : vector<1000xf32>
    %reduce_sum3A_56 = vector.multi_reduction <add>, %mul3A_55, %reduce_sum3A [1] : vector<1000x256xf32> to vector<1000xf32>
    %broadcast_in_dim3A = vector.shape_cast %reduce_sum3A_56 : vector<1000xf32> to vector<1000x1xf32>
    %div3A_57 = arith.constant 2.560000e+02 : f32
    %div3A_58 = vector.broadcast %div3A_57 : f32 to vector<1000x1xf32>
    %div3A_59 = arith.divf %broadcast_in_dim3A, %div3A_58 : vector<1000x1xf32>
    %sub3A_60 = vector.broadcast %div3A_59 : vector<1000x1xf32> to vector<1000x256xf32>
    %sub3A_61 = arith.subf %mul3A_55, %sub3A_60 : vector<1000x256xf32>
    %integer_pow3A = arith.mulf %sub3A_61, %sub3A_61 : vector<1000x256xf32>
    %reduce_sum3A_62 = arith.constant dense<0.000000e+00> : vector<1000xf32>
    %reduce_sum3A_63 = vector.multi_reduction <add>, %integer_pow3A, %reduce_sum3A_62 [1] : vector<1000x256xf32> to vector<1000xf32>
    %broadcast_in_dim3A_64 = vector.shape_cast %reduce_sum3A_63 : vector<1000xf32> to vector<1000x1xf32>
    %div3A_65 = arith.constant 2.560000e+02 : f32
    %div3A_66 = vector.broadcast %div3A_65 : f32 to vector<1000x1xf32>
    %div3A_67 = arith.divf %broadcast_in_dim3A_64, %div3A_66 : vector<1000x1xf32>
    %sub3A_68 = vector.broadcast %div3A_59 : vector<1000x1xf32> to vector<1000x256xf32>
    %sub3A_69 = arith.subf %mul3A_55, %sub3A_68 : vector<1000x256xf32>
    %add3A_70 = arith.constant 9.99999974E-6 : f32
    %add3A_71 = vector.broadcast %add3A_70 : f32 to vector<1000x1xf32>
    %add3A_72 = arith.addf %div3A_67, %add3A_71 : vector<1000x1xf32>
    %sqrt3A_73 = math.sqrt %add3A_72 : vector<1000x1xf32>
    %div3A_74 = vector.broadcast %sqrt3A_73 : vector<1000x1xf32> to vector<1000x256xf32>
    %div3A_75 = arith.divf %sub3A_69, %div3A_74 : vector<1000x256xf32>
    %get3A_76 = arith.constant 0 : index
    %get3A_77 = arith.constant 0 : index
    %get3A_78 = vector.load %arg8[%get3A_76, %get3A_77] : memref<1x256xf32, #tpu.memory_space<vmem>>, vector<1x256xf32>
    %mul3A_79 = vector.broadcast %get3A_78 : vector<1x256xf32> to vector<1000x256xf32>
    %mul3A_80 = arith.mulf %div3A_75, %mul3A_79 : vector<1000x256xf32>
    %get3A_81 = arith.constant 0 : index
    %get3A_82 = arith.constant 0 : index
    %get3A_83 = vector.load %arg9[%get3A_81, %get3A_82] : memref<1x256xf32, #tpu.memory_space<vmem>>, vector<1x256xf32>
    %add3A_84 = vector.broadcast %get3A_83 : vector<1x256xf32> to vector<1000x256xf32>
    %add3A_85 = arith.addf %mul3A_80, %add3A_84 : vector<1000x256xf32>
    %get3A_86 = arith.constant 0 : index
    %get3A_87 = arith.constant 0 : index
    %get3A_88 = memref.load %arg14[%get3A_86, %get3A_87] : memref<1x2xf32, #tpu.memory_space<smem>>
    %get3A_89 = arith.constant 0 : index
    %get3A_90 = arith.constant 1 : index
    %get3A_91 = memref.load %arg14[%get3A_89, %get3A_90] : memref<1x2xf32, #tpu.memory_space<smem>>
    %mul3A_92 = vector.broadcast %get3A_88 : f32 to vector<1000x256xf32>
    %mul3A_93 = arith.mulf %mul3A_92, %add3A_85 : vector<1000x256xf32>
    %mul3A_94 = vector.broadcast %get3A_91 : f32 to vector<1000x256xf32>
    %mul3A_95 = arith.mulf %mul3A_94, %add3A_39 : vector<1000x256xf32>
    %add3A_96 = arith.addf %mul3A_93, %mul3A_95 : vector<1000x256xf32>
    %sub3A_97 = arith.constant 1.000000e+00 : f32
    %sub3A_98 = arith.subf %sub3A_97, %get3A_88 : f32
    %sub3A_99 = arith.subf %sub3A_98, %get3A_91 : f32
    %mul3A_100 = vector.broadcast %sub3A_99 : f32 to vector<1000x256xf32>
    %mul3A_101 = arith.mulf %mul3A_100, %get3A_42 : vector<1000x256xf32>
    %add3A_102 = arith.addf %add3A_96, %mul3A_101 : vector<1000x256xf32>
    %get3A_103 = arith.constant 0 : index
    %get3A_104 = arith.constant 0 : index
    %get3A_105 = vector.load %arg10[%get3A_103, %get3A_104] : memref<256x256xf32, #tpu.memory_space<vmem>>, vector<256x256xf32>
    %dot_general3A_106 = arith.constant dense<0.000000e+00> : vector<1000x256xf32>
    %dot_general3A_107 = tpu.matmul %add3A_102, %get3A_105, %dot_general3A_106 {dimension_numbers = #tpu.dot_dimension_numbers<[1], [0], [0], [1], [0, 0, 1, 1], [], []>, transpose_lhs_hint = false} : vector<1000x256xf32>, vector<256x256xf32>, vector<1000x256xf32> -> vector<1000x256xf32>
    %get3A_108 = arith.constant 0 : index
    %get3A_109 = arith.constant 0 : index
    %get3A_110 = vector.load %arg11[%get3A_108, %get3A_109] : memref<1x256xf32, #tpu.memory_space<vmem>>, vector<1x256xf32>
    %add3A_111 = vector.broadcast %get3A_110 : vector<1x256xf32> to vector<1000x256xf32>
    %add3A_112 = arith.addf %dot_general3A_107, %add3A_111 : vector<1000x256xf32>
    %mul3A_113 = arith.constant 5.000000e-01 : f32
    %mul3A_114 = vector.broadcast %mul3A_113 : f32 to vector<1000x256xf32>
    %mul3A_115 = arith.mulf %mul3A_114, %add3A_112 : vector<1000x256xf32>
    %sqrt3A_116 = arith.constant 2.000000e+00 : f32
    %sqrt3A_117 = math.sqrt %sqrt3A_116 : f32
    %div3A_118 = arith.constant 1.000000e+00 : f32
    %div3A_119 = arith.divf %div3A_118, %sqrt3A_117 : f32
    %mul3A_120 = vector.broadcast %div3A_119 : f32 to vector<1000x256xf32>
    %mul3A_121 = arith.mulf %add3A_112, %mul3A_120 : vector<1000x256xf32>
    %erf3A_122 = math.erf %mul3A_121 : vector<1000x256xf32>
    %add3A_123 = arith.constant 1.000000e+00 : f32
    %add3A_124 = vector.broadcast %add3A_123 : f32 to vector<1000x256xf32>
    %add3A_125 = arith.addf %add3A_124, %erf3A_122 : vector<1000x256xf32>
    %mul3A_126 = arith.mulf %mul3A_115, %add3A_125 : vector<1000x256xf32>
    %get3A_127 = arith.constant 0 : index
    %get3A_128 = arith.constant 0 : index
    %get3A_129 = vector.load %arg12[%get3A_127, %get3A_128] : memref<256x256xf32, #tpu.memory_space<vmem>>, vector<256x256xf32>
    %dot_general3A_130 = arith.constant dense<0.000000e+00> : vector<1000x256xf32>
    %dot_general3A_131 = tpu.matmul %mul3A_126, %get3A_129, %dot_general3A_130 {dimension_numbers = #tpu.dot_dimension_numbers<[1], [0], [0], [1], [0, 0, 1, 1], [], []>, transpose_lhs_hint = false} : vector<1000x256xf32>, vector<256x256xf32>, vector<1000x256xf32> -> vector<1000x256xf32>
    %get3A_132 = arith.constant 0 : index
    %get3A_133 = arith.constant 0 : index
    %get3A_134 = vector.load %arg13[%get3A_132, %get3A_133] : memref<1x256xf32, #tpu.memory_space<vmem>>, vector<1x256xf32>
    %add3A_135 = vector.broadcast %get3A_134 : vector<1x256xf32> to vector<1000x256xf32>
    %add3A_136 = arith.addf %dot_general3A_131, %add3A_135 : vector<1000x256xf32>
    %swap3A = arith.constant 0 : index
    %swap3A_137 = arith.constant 0 : index
    %swap3A_138 = vector.load %arg15[%swap3A, %swap3A_137] : memref<1000x256xf32, #tpu.memory_space<vmem>>, vector<1000x256xf32>
    tpu.vector_store %arg15[%swap3A, %swap3A_137], %add3A_136 {strides = array<i32>} : memref<1000x256xf32, #tpu.memory_space<vmem>>, vector<1000x256xf32>,
    return
  }
  func.func @transform_0(%arg0: i32) -> (i32, i32) {
    %c0_i32 = arith.constant 0 : i32
    %c0_i32_0 = arith.constant 0 : i32
    return %arg0, %c0_i32 : i32, i32
  }
  func.func @transform_1(%arg0: i32) -> (i32, i32) {
    %c0_i32 = arith.constant 0 : i32
    %c0_i32_0 = arith.constant 0 : i32
    return %arg0, %c0_i32 : i32, i32
  }
  func.func @transform_2(%arg0: i32) -> (i32, i32) {
    %c0_i32 = arith.constant 0 : i32
    %c0_i32_0 = arith.constant 0 : i32
    %c0_i32_1 = arith.constant 0 : i32
    return %c0_i32, %c0_i32_0 : i32, i32
  }
  func.func @transform_3(%arg0: i32) -> (i32, i32) {
    %c0_i32 = arith.constant 0 : i32
    %c0_i32_0 = arith.constant 0 : i32
    %c0_i32_1 = arith.constant 0 : i32
    return %c0_i32, %c0_i32_0 : i32, i32
  }
  func.func @transform_4(%arg0: i32) -> (i32, i32) {
    %c0_i32 = arith.constant 0 : i32
    %c0_i32_0 = arith.constant 0 : i32
    %c0_i32_1 = arith.constant 0 : i32
    return %c0_i32, %c0_i32_0 : i32, i32
  }
  func.func @transform_5(%arg0: i32) -> (i32, i32) {
    %c0_i32 = arith.constant 0 : i32
    %c0_i32_0 = arith.constant 0 : i32
    %c0_i32_1 = arith.constant 0 : i32
    return %c0_i32, %c0_i32_0 : i32, i32
  }
  func.func @transform_6(%arg0: i32) -> (i32, i32) {
    %c0_i32 = arith.constant 0 : i32
    %c0_i32_0 = arith.constant 0 : i32
    %c0_i32_1 = arith.constant 0 : i32
    return %c0_i32, %c0_i32_0 : i32, i32
  }
  func.func @transform_7(%arg0: i32) -> (i32, i32) {
    %c0_i32 = arith.constant 0 : i32
    %c0_i32_0 = arith.constant 0 : i32
    %c0_i32_1 = arith.constant 0 : i32
    return %c0_i32, %c0_i32_0 : i32, i32
  }
  func.func @transform_8(%arg0: i32) -> (i32, i32) {
    %c0_i32 = arith.constant 0 : i32
    %c0_i32_0 = arith.constant 0 : i32
    %c0_i32_1 = arith.constant 0 : i32
    return %c0_i32, %c0_i32_0 : i32, i32
  }
  func.func @transform_9(%arg0: i32) -> (i32, i32) {
    %c0_i32 = arith.constant 0 : i32
    %c0_i32_0 = arith.constant 0 : i32
    %c0_i32_1 = arith.constant 0 : i32
    return %c0_i32, %c0_i32_0 : i32, i32
  }
  func.func @transform_10(%arg0: i32) -> (i32, i32) {
    %c0_i32 = arith.constant 0 : i32
    %c0_i32_0 = arith.constant 0 : i32
    %c0_i32_1 = arith.constant 0 : i32
    return %c0_i32, %c0_i32_0 : i32, i32
  }
  func.func @transform_11(%arg0: i32) -> (i32, i32) {
    %c0_i32 = arith.constant 0 : i32
    %c0_i32_0 = arith.constant 0 : i32
    %c0_i32_1 = arith.constant 0 : i32
    return %c0_i32, %c0_i32_0 : i32, i32
  }
  func.func @transform_12(%arg0: i32) -> (i32, i32) {
    %c0_i32 = arith.constant 0 : i32
    %c0_i32_0 = arith.constant 0 : i32
    %c0_i32_1 = arith.constant 0 : i32
    return %c0_i32, %c0_i32_0 : i32, i32
  }
  func.func @transform_13(%arg0: i32) -> (i32, i32) {
    %c0_i32 = arith.constant 0 : i32
    %c0_i32_0 = arith.constant 0 : i32
    %c0_i32_1 = arith.constant 0 : i32
    return %c0_i32, %c0_i32_0 : i32, i32
  }
  func.func @transform_14(%arg0: i32) -> (i32, i32) {
    %c0_i32 = arith.constant 0 : i32
    %c0_i32_0 = arith.constant 0 : i32
    return %arg0, %c0_i32 : i32, i32
  }
}

</mosaic_0001>

<sc_bundles>
// kernel: kernel.10.cloned.1.call-start
scs
__scs_entry_jumppad:
0x0: {  	(pc) =	sbr.rel $0x88, $3  }
0x1: {  	(tag) =	ssettag $0x0;
	lr =	simm.s32 $0x1  }
0x2: {  	[smem:$0x3F86] =	sst lr;
	_ =	strace $0xD0000000  }
0x3: {  	_ = 	snop  }
0x4: {  	_ = 	snop  }
0x5: {  	_ = 	snop  }
0x6: {  	_ = 	snop  }
0x7: {  	_ = 	snop  }
__scs_overlays_trampoline_lowered:
0x8: {  	[smem:$0x3F95] =	sst s0  }
0x9: {  	[smem:$0x3F96] =	sst s1  }
0xa: {  	[smem:$0x3F97] =	sst s2  }
0xb: {  	[smem:$0x3F98] =	sst s3  }
0xc: {  	[smem:$0x3F99] =	sst s4  }
0xd: {  	[smem:$0x3F9A] =	sst s5  }
0xe: {  	[smem:$0x3F9B] =	sst s6  }
0xf: {  	[smem:$0x3F9C] =	sst s7  }
0x10: {  	[smem:$0x3F9D] =	sst s8  }
0x11: {  	[smem:$0x3F9E] =	sst s9;
	s0 =	simm.s32 @!p0 $0x0  }
0x12: {  	s1 =	sld [smem:$0x3F84];
	s0 =	simm.s32 @p0 $0x1  }
0x13: {  	[smem:$0x3F9F] =	sst s0;
	s0 =	simm.s32 @!p1 $0x0  }
0x14: {  	s2 =	sld [smem:$0x3F83];
	s0 =	simm.s32 @p1 $0x1  }
0x15: {  	[smem:$0x3FA0] =	sst s0;
	s0 =	simm.s32 @!p2 $0x0  }
0x16: {  	s3 =	sld [smem:$0x3FDB];
	s0 =	simm.s32 @p2 $0x1  }
0x17: {  	s4 =	simm.s32 $0x1BF5;
	[smem:$0x3FA2] =	sst s0  }
0x18: {  	s0 =	sld [smem:$0x3F85];
	_ =	swait.ge [sflag:s4], $0x0  }
0x19: {  	s7 =	sld [smem:$0x3F86]  }
0x1a: {  	s8 =	sadd.s32 $0xFFFFE003, lr  }
0x1b: {  	s9 =	sadd.s32 $0xFFFFFEF7, lr;
	s5 =	simm.s32 $0xFFFFFFFF;
	p2 =	slt.u32 s8, $0xFFFFF086  }
0x1c: {  	p1 =	slt.u32 s9, $0xF7A;
	s5 =	simm.s32 @!p2 $0x0  }
0x1d: {  	s5 =	simm.s32 @p1 $0x1;
	p0 =	seq.s32 s7, s2  }
0x1e: {  	s7 =	smul.u32 @!p0 $0xF7A, s2;
	p2 =	seq.s32 @!p0 s5, $0x0  }
0x1f: {  	s9 =	smul.u32 $0xF7A, s1;
	s8 =	simm.s32 @!p0 $0x1BF5;
	p2 =	por !p2, p0  }
0x20: {  	[sflag:s8] =	ssyncset.s32 @!p0 $0xFFFFF086;
	s6 =	sadd.s32 @!p0 s3, s7;
	s7 =	simm.s32 @!p0 $0x108  }
0x21: {  	s3 =	sadd.s32 s3, s9;
	s6 =	sadd.s32 @!p0 $0x88, s6;
	s7 =	simm.s32 @p2 $0x1082  }
0x22: {  	[simem:s7], [sflag:s8] =	dma.local @!p0 [hbm:s6], $0xF7A  }
0x23: {  	s9 =	sor.u32 $0xD0000000, s2;
	s6 =	simm.s32 $0x108;
	_ =	swait.ge @!p0 [sflag:s8], $0x0  }
0x24: {  	s3 =	sadd.s32 $0x88, s3;
	s6 =	simm.s32 @!p1 $0x1082;
	[sflag:s4] =	ssyncset.s32 $0xFFFFF086  }
0x25: {  	[simem:s6], [sflag:s4] =	dma.local [hbm:s3], $0xF7A  }
0x26: {  	[smem:$0x3F86] =	sst s1;
	(tag) =	ssettag s2;
	_ =	strace s9  }
0x27: {  	s1 =	sld [smem:$0x3F96]  }
0x28: {  	s2 =	sld [smem:$0x3F97]  }
0x29: {  	s4 =	sld [smem:$0x3F99]  }
0x2a: {  	p0 =	seq.s32 s5, $0x0;
	s5 =	sld [smem:$0x3F9A]  }
0x2b: {  	s6 =	sld [smem:$0x3F9B]  }
0x2c: {  	s7 =	sld [smem:$0x3F9C]  }
0x2d: {  	s3 =	simm.s32 $0x108;
	s8 =	sld [smem:$0x3F9D]  }
0x2e: {  	s3 =	simm.s32 @!p0 $0x1082;
	s9 =	sld [smem:$0x3F9E]  }
0x2f: {  	lr =	sadd.s32 s0, s3;
	s0 =	sld [smem:$0x3F95]  }
0x30: {  	s3 =	sld [smem:$0x3F98]  }
0x31: {  	[smem:$0x3FA1] =	sst s10  }
0x32: {  	s10 =	sld [smem:$0x3F9F];
	_ =	sdelay $0x3  }
0x33: {  	p0 =	seq.s32 s10, $0x1;
	s10 =	sld [smem:$0x3FA1];
	_ =	sdelay $0x3  }
0x34: {  	[smem:$0x3FA1] =	sst s10  }
0x35: {  	s10 =	sld [smem:$0x3FA0];
	_ =	sdelay $0x3  }
0x36: {  	p1 =	seq.s32 s10, $0x1;
	s10 =	sld [smem:$0x3FA1];
	_ =	sdelay $0x3  }
0x37: {  	[smem:$0x3FA1] =	sst s10  }
0x38: {  	s10 =	sld [smem:$0x3FA2]  }
0x39: {  	_ = 	snop;
	(pc) =	sbr.ind lr, $3  }
0x3a: {  	_ = 	snop  }
0x3b: {  	_ = 	snop  }
0x3c: {  	p2 =	seq.s32 s10, $0x1;
	s10 =	sld [smem:$0x3FA1]  }
0x3d: {  	_ =	shalt  }
0x3e: {  	_ =	shalt  }
0x3f: {  	_ =	shalt  }
0x40: {  	_ =	shalt  }
0x41: {  	_ =	shalt  }
0x42: {  	_ =	shalt  }
0x43: {  	_ =	shalt  }
0x44: {  	_ =	shalt  }
0x45: {  	_ =	shalt  }
0x46: {  	_ =	shalt  }
0x47: {  	_ =	shalt  }
0x48: {  	_ =	shalt  }
0x49: {  	_ =	shalt  }
0x4a: {  	_ =	shalt  }
0x4b: {  	_ =	shalt  }
0x4c: {  	_ =	shalt  }
0x4d: {  	_ =	shalt  }
0x4e: {  	_ =	shalt  }
0x4f: {  	_ =	shalt  }
0x50: {  	_ =	shalt  }
0x51: {  	_ =	shalt  }
0x52: {  	_ =	shalt  }
0x53: {  	_ =	shalt  }
0x54: {  	_ =	shalt  }
0x55: {  	_ =	shalt  }
0x56: {  	_ =	shalt  }
0x57: {  	_ =	shalt  }
0x58: {  	_ =	shalt  }
0x59: {  	_ =	shalt  }
0x5a: {  	_ =	shalt  }
0x5b: {  	_ =	shalt  }
0x5c: {  	_ =	shalt  }
0x5d: {  	_ =	shalt  }
0x5e: {  	_ =	shalt  }
0x5f: {  	_ =	shalt  }
0x60: {  	_ =	shalt  }
0x61: {  	_ =	shalt  }
0x62: {  	_ =	shalt  }
0x63: {  	_ =	shalt  }
0x64: {  	_ =	shalt  }
0x65: {  	_ =	shalt  }
0x66: {  	_ =	shalt  }
0x67: {  	_ =	shalt  }
0x68: {  	_ =	shalt  }
0x69: {  	_ =	shalt  }
0x6a: {  	_ =	shalt  }
0x6b: {  	_ =	shalt  }
0x6c: {  	_ =	shalt  }
0x6d: {  	_ =	shalt  }
0x6e: {  	_ =	shalt  }
0x6f: {  	_ =	shalt  }
0x70: {  	_ =	shalt  }
0x71: {  	_ =	shalt  }
0x72: {  	_ =	shalt  }
0x73: {  	_ =	shalt  }
0x74: {  	_ =	shalt  }
0x75: {  	_ =	shalt  }
0x76: {  	_ =	shalt  }
0x77: {  	_ =	shalt  }
0x78: {  	_ =	shalt  }
0x79: {  	_ =	shalt  }
0x7a: {  	_ =	shalt  }
0x7b: {  	_ =	shalt  }
0x7c: {  	_ =	shalt  }
0x7d: {  	_ =	shalt  }
0x7e: {  	_ =	shalt  }
0x7f: {  	_ =	shalt  }
0x80: {  	_ =	shalt  }
0x81: {  	_ =	shalt  }
0x82: {  	_ =	shalt  }
0x83: {  	_ =	shalt  }
0x84: {  	_ =	shalt  }
0x85: {  	_ =	shalt  }
0x86: {  	_ =	shalt  }
0x87: {  	_ =	shalt  }
.Lfunc_end0:
.L_simem_size_0:
called_computation_lowered:
.L_overlay_start_0:
0x88: {  	s2 =	sld [smem:$0x3FD9]  }
0x89: {  	s3 =	sld [smem:$0x3FFE];
	_ =	sdelay $0x1  }
0x8a: {  	s1 =	srdreg.scid  }
0x8b: {  	s0 =	sand.u32 $0x1, s1  }
0x8c: {  	s17 =	sshll.u32 s0, $0xA;
	s2 =	sadd.s32 s3, s2  }
0x8d: {  	s2 =	sadd.s32 s2, s17  }
0x8e: {  	[smem:$0x3FAD] =	sst s2  }
0x8f: {  	_ = 	snop  }
0x90: {  	s2 =	sld [smem:$0x3FD0];
	(tm) =	ssettm $0x1  }
0x91: {  	s18 =	sld [smem:$0x3FFB];
	_ =	sdelay $0x3  }
0x92: {  	_ =	strace s18  }
0x93: {  	s3 =	sld [smem:$0x3FFC];
	_ =	sdelay $0x3  }
0x94: {  	_ =	strace s3  }
0x95: {  	s3 =	sld [smem:$0x3FFD];
	_ =	sdelay $0x3  }
0x96: {  	_ =	strace s3  }
0x97: {  	_ =	strace $0x8FFFFFFF  }
0x98: {  	s19 =	sld [smem:$0x3FDB];
	_ =	sdelay $0x1  }
0x99: {  	s4 =	simm.s32 $_scs_section_size  }
0x9a: {  	s5 =	simm.s32 $_size__tile_overlayer_lowered;
	s6 =	simm.s32 $_tile_overlayer_lowered  }
0x9b: {  	s22 =	simm.s32 $0x1BFF;
	s21 =	sshll.u32 s6, $0x1;
	s3 =	sadd.s32 s4, s19  }
0x9c: {  	s7 =	simm.s32 $0x0;
	s20 =	sshll.u32 s5, $0x1;
	s5 =	sadd.s32 s21, s3  }
0x9d: {  	[timem:s7], [sflag:s22] =	dma.local [hbm:s5], s20  }
0x9e: {  	_ =	swait.ge [sflag:s22], s20  }
0x9f: {  	s4 =	ssub.s32 $0x0, s20;
	[sflag:s22] =	ssyncset.done $0x0  }
0xa0: {  	[sflag:s22] =	ssyncadd.s32 s4;
	_ =	sdelay $0x1  }
0xa1: {  	s23 =	simm.s32 $0x1B8B  }
0xa2: {  	_ =	swait.ge [sflag:s23], $0x1  }
0xa3: {  	[sflag:s23] =	ssyncset.done $0x0  }
0xa4: {  	s25 =	simm.s32 $0x1B8E;
	s24 =	sld [smem:$0x3FFE];
	[sflag:s23] =	ssyncadd.s32 $0xFFFFFFFF  }
0xa5: {  	s26 =	simm.s32 $execute0_lowered;
	[smem:$0x3FD2] =	sst s25  }
0xa6: {  	s5 =	sshll.u32 s26, $0x1;
	_ =	strace $0x80000046;
	[dreg:$0x1] =	wrdreg $0xFFFFFFFF  }
0xa7: {  	s28 =	simm.s32 $_size_execute0_lowered;
	s3 =	sadd.s32 s3, s5;
	[dreg:$0x0] =	wrdreg $0x0  }
0xa8: {  	s5 =	sshll.u32 s28, $0x1;
	[dreg:$0x2] =	wrdreg s3  }
0xa9: {  	[dreg:$0x3] =	wrdreg s5  }
0xaa: {  	[dreg:$0x4] =	wrdreg $0xC0  }
0xab: {  	_ =	task [dreg:s7], $0x5FFFF  }
0xac: {  	[dreg:$0x1] =	wrdreg $0xFFFFFFFF  }
0xad: {  	[dreg:$0x0] =	wrdreg $0x60  }
0xae: {  	[dreg:$0x2] =	wrdreg s24  }
0xaf: {  	[dreg:$0x3] =	wrdreg s2  }
0xb0: {  	[dreg:$0x4] =	wrdreg $0xA  }
0xb1: {  	_ =	task.clear_ibuf [dreg:s7], $0x5FFFF;
	_ =	strace $0x90000046  }
0xb2: {  	s29 =	simm.s32 $0xA;
	_ =	strace $0x80000048  }
0xb3: {  	_ =	swait.ge [sflag:s29], $0x1  }
0xb4: {  	[sflag:s29] =	ssyncadd.s32 $0xFFFFFFFF  }
0xb5: {  	_ =	strace $0x90000048  }
0xb6: {  	_ =	sfence  }
0xb7: {  	s30 =	sld [smem:$0x0];
	_ =	sdelay $0x2  }
0xb8: {  	s31 =	sshll.u32 s1, $0xD;
	s1 =	sshrl.u32 s1, $0x2  }
0xb9: {  	s3 =	sand.u32 $0x4000, s31;
	s1 =	sadd.s32 s1, s30  }
0xba: {  	s0 =	sor.u32 s3, s0;
	s1 =	sshll.u32 s1, $0x11  }
0xbb: {  	s0 =	sor.u32 s1, s0  }
0xbc: {  	s0 =	sadd.s32 $0x8F2B, s0  }
0xbd: {  	[sflag:s0] =	ssyncadd.remote.s32 $0x1  }
0xbe: {  	_ =	sfence.sel $0xFFFF  }
0xbf: {  	[dreg:$0x0] =	wrdreg $0xFFFFFFFF;
	(pc) =	sbr.abs _section_cstart, $3  }
0xc0: {  	[dreg:$0x1] =	wrdreg $0xFFFFFFFF  }
0xc1: {  	_ =	task.clear_ibuf [dreg:s7], $0x2FFFF;
	_ =	strace $0x9FFFFFFF  }
0xc2: {  	(tm) =	ssettm $0x7FFFFFFF  }
0xc3: {  	_ =	shalt  }
tec
execute0_lowered:
.L_overlay_start_1:
0x0: {  	(tag) =	ssettag $0x1  }
0x1: {  	s0 =	rddreg [dreg:$0x0]  }
0x2: {  	s1 =	rddreg [dreg:$0x1];
	s3 =	simm.s32 $0x0;
	s2 =	srdreg.scid  }
0x3: {  	s13 =	stileid.u32;
	s28 =	simm.s32 $0xB00;
	s29 =	simm.s32 $0x1B300  }
0x4: {  	s30 =	simm.s32 $0x1BB00;
	s31 =	simm.s32 $0x1C300;
	[smem:$0x7FF] =	sst s3  }
0x5: {  	s14 =	sadd.s32 $0x9200, s0;
	s15 =	sadd.s32 $0x4200, s0;
	s6 =	sadd.s32 $0xAF600, s0  }
0x6: {  	s2 =	sand.u32 $0x1, s2;
	s8 =	sadd.s32 $0x14BA00, s0;
	s9 =	sadd.s32 $0x62DA00, s0  }
0x7: {  	s7 =	sadd.s32 $0xFD800, s0;
	s0 =	sadd.s32 $0xB0FA00, s0;
	s25 =	smul.u32 $0x2710, s13  }
0x8: {  	s4 =	sshll.u32 s13, $0x1;
	_ =	strace $0x80000047;
	s12 =	smul.u32 $0x1388, s2  }
0x9: {  	s4 =	sor.u32 s2, s4;
	s5 =	ssub.s32 $0x2, s2;
	s2 =	smul.u32 $0x27100, s2  }
0xa: {  	[dreg:$0x4] =	wrdreg s15;
	s4 =	smul.u32 $0x1388, s4;
	s10 =	sshrl.u32 s5, $0x1  }
0xb: {  	[dreg:$0x3] =	wrdreg s14;
	s5 =	ssub.s32 s5, s10;
	s19 =	sadd.s32 s12, s25  }
0xc: {  	s12 =	simm.s32 $0x1CB00;
	s22 =	sshrl.u32 s4, $0x3;
	s5 =	smax.u32 s5, $0x1  }
0xd: {  	s4 =	sadd.s32 $0x1360, s4;
	s11 =	sadd.s32 s14, s22;
	[dreg:$0xe] =	wrdreg s5  }
0xe: {  	s23 =	sadd.s32 s15, s22;
	s10 =	sadd.s32 $0xA, s22;
	[dreg:$0x5] =	wrdreg s11  }
0xf: {  	s21 =	sadd.s32 $0xF0, s19;
	[dreg:$0x6] =	wrdreg s23;
	s24 =	sadd.s32 s14, s10  }
0x10: {  	s26 =	sshrl.u32 s4, $0x3;
	s10 =	sadd.s32 s15, s10;
	[dreg:$0x7] =	wrdreg s24  }
0x11: {  	s4 =	sshll.u32 s4, $0x5;
	s16 =	sadd.s32 s14, s26;
	[dreg:$0x8] =	wrdreg s10  }
0x12: {  	s22 =	smul.u32 $0x4E200, s13;
	s17 =	sadd.s32 s8, s4;
	[dreg:$0x9] =	wrdreg s16  }
0x13: {  	s13 =	simm.s32 $0x1D300;
	s18 =	sadd.s32 s9, s4;
	[dreg:$0xb] =	wrdreg s17  }
0x14: {  	s5 =	simm.s32 $0x0;
	s4 =	sadd.s32 s0, s4;
	[dreg:$0xc] =	wrdreg s18  }
0x15: {  	s11 =	simm.s32 $0x5300;
	s10 =	sadd.s32 s15, s26;
	[dreg:$0xd] =	wrdreg s4  }
0x16: {  	s4 =	sshrl.u32 s21, $0x3;
	s24 =	sadd.s32 s22, s8;
	s25 =	sadd.s32 s22, s9  }
0x17: {  	s0 =	sadd.s32 s22, s0;
	s26 =	sadd.s32 $0xA0, s19;
	s8 =	simm.s32 $0x1300  }
0x18: {  	s9 =	simm.s32 $0x1B00;
	s18 =	simm.s32 $0x5B00;
	s19 =	simm.s32 $0x6300  }
0x19: {  	s16 =	simm.s32 $0xF300;
	s17 =	simm.s32 $0x19300;
	[dreg:$0xa] =	wrdreg s10  }
0x1a: {  	s23 =	sadd.s32 s4, s15;
	s4 =	sadd.s32 s4, s14;
	s20 =	sadd.s32 s2, s24  }
.Ltmp0:
0x1b: {  	s21 =	sadd.s32 s2, s25;
	s22 =	sadd.s32 s2, s0;
	(pc) =	sbr.rel .LBB2_1-.Ltmp0, $4  }
0x1c: {  	[dreg:$0x11] =	wrdreg s26;
	s24 =	simm.s32 $0x3;
	s26 =	simm.s32 $0x300  }
0x1d: {  	v2 =	vlaneseq.u32;
	s10 =	simm.s32 $0x2300;
	s25 =	simm.s32 $0xA300;
	s14 =	simm.s32 $0x14300  }
0x1e: {  	vm0 =	vmmov $0xffff;
	v1 =	vshrl.u32 v2, $0x3;
	s15 =	simm.s32 $0x1DB00;
	s0 =	simm.s32 $0x1;
	[dreg:$0xf] =	wrdreg s23  }
0x1f: {  	v0 =	vand.u32 $0x7, v2;
	v2 =	vor.u32 $0x8, v2;
	v1 =	vmul.u32 $0x8, v1;
	s2 =	simm.s32 $0x2;
	[dreg:$0x10] =	wrdreg s4;
	s23 =	simm.s32 $0x6B00  }
.LBB2_6:
0x20: {  	s4 =	rddreg [dreg:$0x9];
	s5 =	simm.s32 $0x200  }
0x21: {  	[tilespmem:s5], [sflag:$0x3] =	stream.linear.gather [hbm4b:s4+s3], $0x28, $0x38;
	[tilespmem:$0x1E300] =	vst v63  }
0x22: {  	_ =	swait.ge [sflag:s24], $0x28  }
0x23: {  	[sflag:s24] =	ssyncset.done $0x0  }
0x24: {  	s23 =	simm.s32 $0x280;
	s19 =	rddreg [dreg:$0xa];
	[sflag:s24] =	ssyncadd.s32 $0xFFFFFFD8  }
0x25: {  	[tilespmem:s23], [sflag:$0x3] =	stream.linear.gather [hbm4b:s19+s3], $0x28, $0x38;
	[tilespmem:$0x1E300] =	vst v63  }
0x26: {  	_ =	swait.ge [sflag:s24], $0x28  }
0x27: {  	[sflag:s24] =	ssyncset.done $0x0  }
0x28: {  	[sflag:s24] =	ssyncadd.s32 $0xFFFFFFD8  }
0x29: {  	v3 =	vld [tilespmem:$0x280];
	_ =	sdelay $0x4  }
0x2a: {  	v4 =	vshll.u32 v3, $0x1  }
0x2b: {  	v3 =	vand.u32 $0x7, v3;
	v4 =	vand.u32 $0xFFFFFFF0, v4  }
0x2c: {  	v3 =	vor.u32 v3, v4  }
0x2d: {  	v4 =	vperm.xlane v3, v0;
	_ =	sdelay $0x1  }
0x2e: {  	v3 =	vperm.xlane v3, v2;
	v4 =	vadd.s32 v1, v4;
	_ =	sdelay $0x1  }
0x2f: {  	v3 =	vadd.s32 v1, v3;
	_ =	sdelay $0x2  }
0x30: {  	[tilespmem:s26], [sflag:$0x1] =	stream.indirect_vreg.gather [hbm4b:s6+s3], $0x80, v4, vm0, $0xb8;
	[tilespmem:$0x1E300] =	vst v63  }
0x31: {  	_ = 	snop  }
0x32: {  	[tilespmem:s28], [sflag:$0x1] =	stream.indirect_vreg.gather [hbm4b:s6+s3], $0x80, v3, vm0, $0xb8;
	[tilespmem:$0x1E300] =	vst v63  }
0x33: {  	v3 =	vld [tilespmem:$0x290];
	_ =	sdelay $0x4  }
0x34: {  	v56 =	vshll.u32 v3, $0x1  }
0x35: {  	v3 =	vand.u32 $0x7, v3;
	v4 =	vand.u32 $0xFFFFFFF0, v56  }
0x36: {  	v3 =	vor.u32 v3, v4  }
0x37: {  	v4 =	vperm.xlane v3, v0;
	_ =	sdelay $0x1  }
0x38: {  	v3 =	vperm.xlane v3, v2;
	v4 =	vadd.s32 v1, v4;
	_ =	sdelay $0x1  }
0x39: {  	v3 =	vadd.s32 v1, v3;
	_ =	sdelay $0x1  }
0x3a: {  	s8 =	simm.s32 $0x1300  }
0x3b: {  	[tilespmem:s8], [sflag:$0x1] =	stream.indirect_vreg.gather [hbm4b:s6+s3], $0x80, v4, vm0, $0xb8;
	[tilespmem:$0x1E300] =	vst v63  }
0x3c: {  	s9 =	simm.s32 $0x1B00  }
0x3d: {  	[tilespmem:s9], [sflag:$0x1] =	stream.indirect_vreg.gather [hbm4b:s6+s3], $0x80, v3, vm0, $0xb8;
	[tilespmem:$0x1E300] =	vst v63  }
0x3e: {  	v3 =	vld.msk [tilespmem:$0x2A0], $0xff;
	_ =	sdelay $0x4  }
0x3f: {  	v57 =	vshll.u32 v3, $0x1  }
0x40: {  	v3 =	vand.u32 $0x7, v3;
	v4 =	vand.u32 $0xFFFFFFF0, v57  }
0x41: {  	v3 =	vor.u32 v3, v4  }
0x42: {  	v3 =	vperm.xlane v3, v0;
	_ =	sdelay $0x1  }
0x43: {  	v3 =	vadd.s32 v1, v3;
	_ =	sdelay $0x3  }
0x44: {  	s10 =	simm.s32 $0x2300  }
0x45: {  	[tilespmem:s10], [sflag:$0x1] =	stream.indirect_vreg.gather [hbm4b:s6+s3], $0x80, v3, vm0, $0xb8;
	[tilespmem:$0x1E300] =	vst v63  }
0x46: {  	v3 =	vld [tilespmem:$0x200];
	_ =	sdelay $0x4  }
0x47: {  	v58 =	vshll.u32 v3, $0x1  }
0x48: {  	v3 =	vand.u32 $0x7, v3;
	v4 =	vand.u32 $0xFFFFFFF0, v58  }
0x49: {  	v3 =	vor.u32 v3, v4  }
0x4a: {  	v4 =	vperm.xlane v3, v0;
	_ =	sdelay $0x1  }
0x4b: {  	v3 =	vperm.xlane v3, v2;
	v4 =	vadd.s32 v1, v4;
	_ =	sdelay $0x1  }
0x4c: {  	v3 =	vadd.s32 v1, v3;
	_ =	sdelay $0x2  }
0x4d: {  	[tilespmem:s11], [sflag:$0x1] =	stream.indirect_vreg.gather [hbm4b:s7+s3], $0x80, v4, vm0, $0xb8;
	[tilespmem:$0x1E300] =	vst v63  }
0x4e: {  	s18 =	simm.s32 $0x5B00  }
0x4f: {  	[tilespmem:s18], [sflag:$0x1] =	stream.indirect_vreg.gather [hbm4b:s7+s3], $0x80, v3, vm0, $0xb8;
	[tilespmem:$0x1E300] =	vst v63  }
0x50: {  	v3 =	vld [tilespmem:$0x210];
	_ =	sdelay $0x4  }
0x51: {  	v59 =	vshll.u32 v3, $0x1  }
0x52: {  	v3 =	vand.u32 $0x7, v3;
	v4 =	vand.u32 $0xFFFFFFF0, v59  }
0x53: {  	v3 =	vor.u32 v3, v4  }
0x54: {  	v4 =	vperm.xlane v3, v0;
	_ =	sdelay $0x1  }
0x55: {  	v3 =	vperm.xlane v3, v2;
	v4 =	vadd.s32 v1, v4;
	_ =	sdelay $0x1  }
0x56: {  	v3 =	vadd.s32 v1, v3;
	_ =	sdelay $0x1  }
0x57: {  	s19 =	simm.s32 $0x6300  }
0x58: {  	[tilespmem:s19], [sflag:$0x1] =	stream.indirect_vreg.gather [hbm4b:s7+s3], $0x80, v4, vm0, $0xb8;
	[tilespmem:$0x1E300] =	vst v63  }
0x59: {  	s23 =	simm.s32 $0x6B00  }
0x5a: {  	[tilespmem:s23], [sflag:$0x1] =	stream.indirect_vreg.gather [hbm4b:s7+s3], $0x80, v3, vm0, $0xb8;
	[tilespmem:$0x1E300] =	vst v63  }
0x5b: {  	v3 =	vld.msk [tilespmem:$0x220], $0xff;
	_ =	sdelay $0x4  }
0x5c: {  	v60 =	vshll.u32 v3, $0x1  }
0x5d: {  	v3 =	vand.u32 $0x7, v3;
	v4 =	vand.u32 $0xFFFFFFF0, v60  }
0x5e: {  	v3 =	vor.u32 v3, v4  }
0x5f: {  	v3 =	vperm.xlane v3, v0;
	_ =	sdelay $0x1  }
0x60: {  	v3 =	vadd.s32 v1, v3;
	_ =	sdelay $0x3  }
0x61: {  	s5 =	simm.s32 $0x7300  }
0x62: {  	[tilespmem:s5], [sflag:$0x1] =	stream.indirect_vreg.gather [hbm4b:s7+s3], $0x80, v3, vm0, $0xb8;
	[tilespmem:$0x1E300] =	vst v63  }
0x63: {  	v3 =	vld [tilespmem:$0x200];
	_ =	sdelay $0x4  }
0x64: {  	v61 =	vshll.u32 v3, $0x1  }
0x65: {  	v3 =	vand.u32 $0x7, v3;
	v4 =	vand.u32 $0xFFFFFFF0, v61  }
0x66: {  	v3 =	vor.u32 v3, v4  }
0x67: {  	v4 =	vperm.xlane v3, v0;
	_ =	sdelay $0x1  }
0x68: {  	v3 =	vperm.xlane v3, v2;
	v4 =	vadd.s32 v1, v4;
	_ =	sdelay $0x1  }
0x69: {  	v3 =	vadd.s32 v1, v3;
	_ =	sdelay $0x2  }
0x6a: {  	[tilespmem:s25], [sflag:$0x1] =	stream.indirect_vreg.gather [hbm4b:s1+s3], $0x80, v4, vm0, $0xb8;
	[tilespmem:$0x1E300] =	vst v63  }
0x6b: {  	s5 =	simm.s32 $0xAB00  }
0x6c: {  	[tilespmem:s5], [sflag:$0x1] =	stream.indirect_vreg.gather [hbm4b:s1+s3], $0x80, v3, vm0, $0xb8;
	[tilespmem:$0x1E300] =	vst v63  }
0x6d: {  	v3 =	vld [tilespmem:$0x210];
	_ =	sdelay $0x4  }
0x6e: {  	v62 =	vshll.u32 v3, $0x1  }
0x6f: {  	v3 =	vand.u32 $0x7, v3;
	v4 =	vand.u32 $0xFFFFFFF0, v62  }
0x70: {  	v3 =	vor.u32 v3, v4  }
0x71: {  	v4 =	vperm.xlane v3, v0;
	_ =	sdelay $0x1  }
0x72: {  	v3 =	vperm.xlane v3, v2;
	v4 =	vadd.s32 v1, v4;
	_ =	sdelay $0x1  }
0x73: {  	v3 =	vadd.s32 v1, v3;
	_ =	sdelay $0x1  }
0x74: {  	s5 =	simm.s32 $0xB300  }
0x75: {  	[tilespmem:s5], [sflag:$0x1] =	stream.indirect_vreg.gather [hbm4b:s1+s3], $0x80, v4, vm0, $0xb8;
	[tilespmem:$0x1E300] =	vst v63  }
0x76: {  	s5 =	simm.s32 $0xBB00  }
0x77: {  	[tilespmem:s5], [sflag:$0x1] =	stream.indirect_vreg.gather [hbm4b:s1+s3], $0x80, v3, vm0, $0xb8;
	[tilespmem:$0x1E300] =	vst v63  }
0x78: {  	v3 =	vld.msk [tilespmem:$0x220], $0xff;
	_ =	sdelay $0x4  }
0x79: {  	v63 =	vshll.u32 v3, $0x1  }
0x7a: {  	v3 =	vand.u32 $0x7, v3;
	v4 =	vand.u32 $0xFFFFFFF0, v63  }
0x7b: {  	v3 =	vor.u32 v3, v4  }
0x7c: {  	v3 =	vperm.xlane v3, v0;
	_ =	sdelay $0x1  }
0x7d: {  	v3 =	vadd.s32 v1, v3;
	_ =	sdelay $0x3  }
0x7e: {  	s5 =	simm.s32 $0xC300  }
0x7f: {  	[tilespmem:s5], [sflag:$0x1] =	stream.indirect_vreg.gather [hbm4b:s1+s3], $0x80, v3, vm0, $0xb8;
	[tilespmem:$0x1E300] =	vst v63  }
0x80: {  	_ =	swait.ge [sflag:s0], $0x2800  }
0x81: {  	[sflag:s0] =	ssyncset.done $0x0  }
0x82: {  	[sflag:s0] =	ssyncadd.s32 $0xFFFFD800  }
0x83: {  	_ =	swait.ge [sflag:s0], $0x2800  }
0x84: {  	[sflag:s0] =	ssyncset.done $0x0  }
0x85: {  	[sflag:s0] =	ssyncadd.s32 $0xFFFFD800  }
0x86: {  	_ =	swait.ge [sflag:s0], $0x2800  }
0x87: {  	[sflag:s0] =	ssyncset.done $0x0  }
0x88: {  	s5 =	rddreg [dreg:$0xb];
	[sflag:s0] =	ssyncadd.s32 $0xFFFFD800  }
0x89: {  	[hbm4b:s5+s3] =	stream.linear.scatter [tilespmem:s26], [sflag:$0x3], $0x2800, $0x38;
	[tilespmem:$0x1E300] =	vst v63  }
0x8a: {  	_ =	swait.ge [sflag:s24], $0x2800  }
0x8b: {  	[sflag:s24] =	ssyncset.done $0x0  }
0x8c: {  	s5 =	rddreg [dreg:$0xc];
	[sflag:s24] =	ssyncadd.s32 $0xFFFFD800  }
0x8d: {  	[hbm4b:s5+s3] =	stream.linear.scatter [tilespmem:s11], [sflag:$0x3], $0x2800, $0x38;
	[tilespmem:$0x1E300] =	vst v63  }
0x8e: {  	_ =	swait.ge [sflag:s24], $0x2800  }
0x8f: {  	[sflag:s24] =	ssyncset.done $0x0  }
0x90: {  	s5 =	rddreg [dreg:$0xd];
	[sflag:s24] =	ssyncadd.s32 $0xFFFFD800  }
0x91: {  	[hbm4b:s5+s3] =	stream.linear.scatter [tilespmem:s25], [sflag:$0x3], $0x2800, $0x38;
	[tilespmem:$0x1E300] =	vst v63  }
0x92: {  	_ =	swait.ge [sflag:s24], $0x2800  }
0x93: {  	s4 =	rddreg [dreg:$0x12]  }
0x94: {  	s5 =	sadd.s32 $0x1, s4;
	s4 =	rddreg [dreg:$0xe]  }
0x95: {  	p0 =	sne.s32 s5, s4  }
.Ltmp1:
0x96: {  	_ = 	snop;
	(pc) =	sbr.rel @!p0 .LBB2_7-.Ltmp1, $3  }
0x97: {  	_ =	sdelay $0x1  }
0x98: {  	[sflag:s24] =	ssyncset.done $0x0  }
0x99: {  	[sflag:s24] =	ssyncadd.s32 $0xFFFFD800  }
.LBB2_1:
0x9a: {  	[dreg:$0x12] =	wrdreg s5  }
0x9b: {  	s4 =	rddreg [dreg:$0x5]  }
0x9c: {  	[tilespmem:s3], [sflag:$0x3] =	stream.linear.gather [hbm4b:s4+s3], $0x50, $0x38;
	[tilespmem:$0x1E300] =	vst v63  }
0x9d: {  	_ =	swait.ge [sflag:s24], $0x50  }
0x9e: {  	[sflag:s24] =	ssyncset.done $0x0  }
0x9f: {  	s5 =	simm.s32 $0x80;
	s4 =	rddreg [dreg:$0x6];
	[sflag:s24] =	ssyncadd.s32 $0xFFFFFFB0  }
0xa0: {  	[tilespmem:s5], [sflag:$0x3] =	stream.linear.gather [hbm4b:s4+s3], $0x50, $0x38;
	[tilespmem:$0x1E300] =	vst v63  }
0xa1: {  	_ =	swait.ge [sflag:s24], $0x50  }
0xa2: {  	[sflag:s24] =	ssyncset.done $0x0  }
0xa3: {  	[sflag:s24] =	ssyncadd.s32 $0xFFFFFFB0  }
0xa4: {  	v3 =	vld [tilespmem:$0x80];
	_ =	sdelay $0x4  }
0xa5: {  	v4 =	vshll.u32 v3, $0x1  }
0xa6: {  	v3 =	vand.u32 $0x7, v3;
	v4 =	vand.u32 $0xFFFFFFF0, v4  }
0xa7: {  	v3 =	vor.u32 v3, v4  }
0xa8: {  	v4 =	vperm.xlane v3, v0;
	_ =	sdelay $0x1  }
0xa9: {  	v3 =	vperm.xlane v3, v2;
	v4 =	vadd.s32 v1, v4;
	_ =	sdelay $0x1  }
0xaa: {  	v3 =	vadd.s32 v1, v3;
	_ =	sdelay $0x2  }
0xab: {  	[tilespmem:s26], [sflag:$0x1] =	stream.indirect_vreg.gather [hbm4b:s6+s3], $0x80, v4, vm0, $0xb8;
	[tilespmem:$0x1E300] =	vst v63  }
0xac: {  	_ = 	snop  }
0xad: {  	[tilespmem:s28], [sflag:$0x1] =	stream.indirect_vreg.gather [hbm4b:s6+s3], $0x80, v3, vm0, $0xb8;
	[tilespmem:$0x1E300] =	vst v63  }
0xae: {  	v3 =	vld [tilespmem:$0x90];
	_ =	sdelay $0x4  }
0xaf: {  	v35 =	vshll.u32 v3, $0x1  }
0xb0: {  	v3 =	vand.u32 $0x7, v3;
	v4 =	vand.u32 $0xFFFFFFF0, v35  }
0xb1: {  	v3 =	vor.u32 v3, v4  }
0xb2: {  	v4 =	vperm.xlane v3, v0;
	_ =	sdelay $0x1  }
0xb3: {  	v3 =	vperm.xlane v3, v2;
	v4 =	vadd.s32 v1, v4;
	_ =	sdelay $0x1  }
0xb4: {  	v3 =	vadd.s32 v1, v3;
	_ =	sdelay $0x2  }
0xb5: {  	[tilespmem:s8], [sflag:$0x1] =	stream.indirect_vreg.gather [hbm4b:s6+s3], $0x80, v4, vm0, $0xb8;
	[tilespmem:$0x1E300] =	vst v63  }
0xb6: {  	_ = 	snop  }
0xb7: {  	[tilespmem:s9], [sflag:$0x1] =	stream.indirect_vreg.gather [hbm4b:s6+s3], $0x80, v3, vm0, $0xb8;
	[tilespmem:$0x1E300] =	vst v63  }
0xb8: {  	v3 =	vld [tilespmem:$0xA0];
	_ =	sdelay $0x4  }
0xb9: {  	v36 =	vshll.u32 v3, $0x1  }
0xba: {  	v3 =	vand.u32 $0x7, v3;
	v4 =	vand.u32 $0xFFFFFFF0, v36  }
0xbb: {  	v3 =	vor.u32 v3, v4  }
0xbc: {  	v4 =	vperm.xlane v3, v0;
	_ =	sdelay $0x1  }
0xbd: {  	v3 =	vperm.xlane v3, v2;
	v4 =	vadd.s32 v1, v4;
	_ =	sdelay $0x1  }
0xbe: {  	v3 =	vadd.s32 v1, v3;
	_ =	sdelay $0x2  }
0xbf: {  	[tilespmem:s10], [sflag:$0x1] =	stream.indirect_vreg.gather [hbm4b:s6+s3], $0x80, v4, vm0, $0xb8;
	[tilespmem:$0x1E300] =	vst v63  }
0xc0: {  	s8 =	simm.s32 $0x2B00  }
0xc1: {  	[tilespmem:s8], [sflag:$0x1] =	stream.indirect_vreg.gather [hbm4b:s6+s3], $0x80, v3, vm0, $0xb8;
	[tilespmem:$0x1E300] =	vst v63  }
0xc2: {  	v3 =	vld [tilespmem:$0xB0];
	_ =	sdelay $0x4  }
0xc3: {  	v37 =	vshll.u32 v3, $0x1  }
0xc4: {  	v3 =	vand.u32 $0x7, v3;
	v4 =	vand.u32 $0xFFFFFFF0, v37  }
0xc5: {  	v3 =	vor.u32 v3, v4  }
0xc6: {  	v4 =	vperm.xlane v3, v0;
	_ =	sdelay $0x1  }
0xc7: {  	v3 =	vperm.xlane v3, v2;
	v4 =	vadd.s32 v1, v4;
	_ =	sdelay $0x1  }
0xc8: {  	v3 =	vadd.s32 v1, v3;
	_ =	sdelay $0x1  }
0xc9: {  	s9 =	simm.s32 $0x3300  }
0xca: {  	[tilespmem:s9], [sflag:$0x1] =	stream.indirect_vreg.gather [hbm4b:s6+s3], $0x80, v4, vm0, $0xb8;
	[tilespmem:$0x1E300] =	vst v63  }
0xcb: {  	s10 =	simm.s32 $0x3B00  }
0xcc: {  	[tilespmem:s10], [sflag:$0x1] =	stream.indirect_vreg.gather [hbm4b:s6+s3], $0x80, v3, vm0, $0xb8;
	[tilespmem:$0x1E300] =	vst v63  }
0xcd: {  	v3 =	vld [tilespmem:$0xC0];
	_ =	sdelay $0x4  }
0xce: {  	v38 =	vshll.u32 v3, $0x1  }
0xcf: {  	v3 =	vand.u32 $0x7, v3;
	v4 =	vand.u32 $0xFFFFFFF0, v38  }
0xd0: {  	v3 =	vor.u32 v3, v4  }
0xd1: {  	v4 =	vperm.xlane v3, v0;
	_ =	sdelay $0x1  }
0xd2: {  	v3 =	vperm.xlane v3, v2;
	v4 =	vadd.s32 v1, v4;
	_ =	sdelay $0x1  }
0xd3: {  	v3 =	vadd.s32 v1, v3;
	_ =	sdelay $0x1  }
0xd4: {  	s5 =	simm.s32 $0x4300  }
0xd5: {  	[tilespmem:s5], [sflag:$0x1] =	stream.indirect_vreg.gather [hbm4b:s6+s3], $0x80, v4, vm0, $0xb8;
	[tilespmem:$0x1E300] =	vst v63  }
0xd6: {  	s8 =	simm.s32 $0x4B00  }
0xd7: {  	[tilespmem:s8], [sflag:$0x1] =	stream.indirect_vreg.gather [hbm4b:s6+s3], $0x80, v3, vm0, $0xb8;
	[tilespmem:$0x1E300] =	vst v63  }
0xd8: {  	v3 =	vld [tilespmem:$0x0];
	_ =	sdelay $0x4  }
0xd9: {  	v39 =	vshll.u32 v3, $0x1  }
0xda: {  	v3 =	vand.u32 $0x7, v3;
	v4 =	vand.u32 $0xFFFFFFF0, v39  }
0xdb: {  	v3 =	vor.u32 v3, v4  }
0xdc: {  	v4 =	vperm.xlane v3, v0;
	_ =	sdelay $0x1  }
0xdd: {  	v3 =	vperm.xlane v3, v2;
	v4 =	vadd.s32 v1, v4;
	_ =	sdelay $0x1  }
0xde: {  	v3 =	vadd.s32 v1, v3;
	_ =	sdelay $0x2  }
0xdf: {  	[tilespmem:s11], [sflag:$0x1] =	stream.indirect_vreg.gather [hbm4b:s7+s3], $0x80, v4, vm0, $0xb8;
	[tilespmem:$0x1E300] =	vst v63  }
0xe0: {  	_ = 	snop  }
0xe1: {  	[tilespmem:s18], [sflag:$0x1] =	stream.indirect_vreg.gather [hbm4b:s7+s3], $0x80, v3, vm0, $0xb8;
	[tilespmem:$0x1E300] =	vst v63  }
0xe2: {  	v3 =	vld [tilespmem:$0x10];
	_ =	sdelay $0x4  }
0xe3: {  	v40 =	vshll.u32 v3, $0x1  }
0xe4: {  	v3 =	vand.u32 $0x7, v3;
	v4 =	vand.u32 $0xFFFFFFF0, v40  }
0xe5: {  	v3 =	vor.u32 v3, v4  }
0xe6: {  	v4 =	vperm.xlane v3, v0;
	_ =	sdelay $0x1  }
0xe7: {  	v3 =	vperm.xlane v3, v2;
	v4 =	vadd.s32 v1, v4;
	_ =	sdelay $0x1  }
0xe8: {  	v3 =	vadd.s32 v1, v3;
	_ =	sdelay $0x2  }
0xe9: {  	[tilespmem:s19], [sflag:$0x1] =	stream.indirect_vreg.gather [hbm4b:s7+s3], $0x80, v4, vm0, $0xb8;
	[tilespmem:$0x1E300] =	vst v63  }
0xea: {  	_ = 	snop  }
0xeb: {  	[tilespmem:s23], [sflag:$0x1] =	stream.indirect_vreg.gather [hbm4b:s7+s3], $0x80, v3, vm0, $0xb8;
	[tilespmem:$0x1E300] =	vst v63  }
0xec: {  	v3 =	vld [tilespmem:$0x20];
	_ =	sdelay $0x4  }
0xed: {  	v41 =	vshll.u32 v3, $0x1  }
0xee: {  	v3 =	vand.u32 $0x7, v3;
	v4 =	vand.u32 $0xFFFFFFF0, v41  }
0xef: {  	v3 =	vor.u32 v3, v4  }
0xf0: {  	v4 =	vperm.xlane v3, v0;
	_ =	sdelay $0x1  }
0xf1: {  	v3 =	vperm.xlane v3, v2;
	v4 =	vadd.s32 v1, v4;
	_ =	sdelay $0x1  }
0xf2: {  	v3 =	vadd.s32 v1, v3;
	_ =	sdelay $0x1  }
0xf3: {  	s9 =	simm.s32 $0x7300  }
0xf4: {  	[tilespmem:s9], [sflag:$0x1] =	stream.indirect_vreg.gather [hbm4b:s7+s3], $0x80, v4, vm0, $0xb8;
	[tilespmem:$0x1E300] =	vst v63  }
0xf5: {  	s10 =	simm.s32 $0x7B00  }
0xf6: {  	[tilespmem:s10], [sflag:$0x1] =	stream.indirect_vreg.gather [hbm4b:s7+s3], $0x80, v3, vm0, $0xb8;
	[tilespmem:$0x1E300] =	vst v63  }
0xf7: {  	v3 =	vld [tilespmem:$0x30];
	_ =	sdelay $0x4  }
0xf8: {  	v42 =	vshll.u32 v3, $0x1  }
0xf9: {  	v3 =	vand.u32 $0x7, v3;
	v4 =	vand.u32 $0xFFFFFFF0, v42  }
0xfa: {  	v3 =	vor.u32 v3, v4  }
0xfb: {  	v4 =	vperm.xlane v3, v0;
	_ =	sdelay $0x1  }
0xfc: {  	v3 =	vperm.xlane v3, v2;
	v4 =	vadd.s32 v1, v4;
	_ =	sdelay $0x1  }
0xfd: {  	v3 =	vadd.s32 v1, v3;
	_ =	sdelay $0x1  }
0xfe: {  	s18 =	simm.s32 $0x8300  }
0xff: {  	[tilespmem:s18], [sflag:$0x1] =	stream.indirect_vreg.gather [hbm4b:s7+s3], $0x80, v4, vm0, $0xb8;
	[tilespmem:$0x1E300] =	vst v63  }
0x100: {  	s19 =	simm.s32 $0x8B00  }
0x101: {  	[tilespmem:s19], [sflag:$0x1] =	stream.indirect_vreg.gather [hbm4b:s7+s3], $0x80, v3, vm0, $0xb8;
	[tilespmem:$0x1E300] =	vst v63  }
0x102: {  	v3 =	vld [tilespmem:$0x40];
	_ =	sdelay $0x4  }
0x103: {  	v43 =	vshll.u32 v3, $0x1  }
0x104: {  	v3 =	vand.u32 $0x7, v3;
	v4 =	vand.u32 $0xFFFFFFF0, v43  }
0x105: {  	v3 =	vor.u32 v3, v4  }
0x106: {  	v4 =	vperm.xlane v3, v0;
	_ =	sdelay $0x1  }
0x107: {  	v3 =	vperm.xlane v3, v2;
	v4 =	vadd.s32 v1, v4;
	_ =	sdelay $0x1  }
0x108: {  	v3 =	vadd.s32 v1, v3;
	_ =	sdelay $0x1  }
0x109: {  	s23 =	simm.s32 $0x9300  }
0x10a: {  	[tilespmem:s23], [sflag:$0x1] =	stream.indirect_vreg.gather [hbm4b:s7+s3], $0x80, v4, vm0, $0xb8;
	[tilespmem:$0x1E300] =	vst v63  }
0x10b: {  	s5 =	simm.s32 $0x9B00  }
0x10c: {  	[tilespmem:s5], [sflag:$0x1] =	stream.indirect_vreg.gather [hbm4b:s7+s3], $0x80, v3, vm0, $0xb8;
	[tilespmem:$0x1E300] =	vst v63  }
0x10d: {  	v3 =	vld [tilespmem:$0x0];
	_ =	sdelay $0x4  }
0x10e: {  	v44 =	vshll.u32 v3, $0x1  }
0x10f: {  	v3 =	vand.u32 $0x7, v3;
	v4 =	vand.u32 $0xFFFFFFF0, v44  }
0x110: {  	v3 =	vor.u32 v3, v4  }
0x111: {  	v4 =	vperm.xlane v3, v0;
	_ =	sdelay $0x1  }
0x112: {  	v3 =	vperm.xlane v3, v2;
	v4 =	vadd.s32 v1, v4;
	_ =	sdelay $0x1  }
0x113: {  	v3 =	vadd.s32 v1, v3;
	_ =	sdelay $0x2  }
0x114: {  	[tilespmem:s25], [sflag:$0x1] =	stream.indirect_vreg.gather [hbm4b:s1+s3], $0x80, v4, vm0, $0xb8;
	[tilespmem:$0x1E300] =	vst v63  }
0x115: {  	s8 =	simm.s32 $0xAB00  }
0x116: {  	[tilespmem:s8], [sflag:$0x1] =	stream.indirect_vreg.gather [hbm4b:s1+s3], $0x80, v3, vm0, $0xb8;
	[tilespmem:$0x1E300] =	vst v63  }
0x117: {  	v3 =	vld [tilespmem:$0x10];
	_ =	sdelay $0x4  }
0x118: {  	v45 =	vshll.u32 v3, $0x1  }
0x119: {  	v3 =	vand.u32 $0x7, v3;
	v4 =	vand.u32 $0xFFFFFFF0, v45  }
0x11a: {  	v3 =	vor.u32 v3, v4  }
0x11b: {  	v4 =	vperm.xlane v3, v0;
	_ =	sdelay $0x1  }
0x11c: {  	v3 =	vperm.xlane v3, v2;
	v4 =	vadd.s32 v1, v4;
	_ =	sdelay $0x1  }
0x11d: {  	v3 =	vadd.s32 v1, v3;
	_ =	sdelay $0x1  }
0x11e: {  	s9 =	simm.s32 $0xB300  }
0x11f: {  	[tilespmem:s9], [sflag:$0x1] =	stream.indirect_vreg.gather [hbm4b:s1+s3], $0x80, v4, vm0, $0xb8;
	[tilespmem:$0x1E300] =	vst v63  }
0x120: {  	s10 =	simm.s32 $0xBB00  }
0x121: {  	[tilespmem:s10], [sflag:$0x1] =	stream.indirect_vreg.gather [hbm4b:s1+s3], $0x80, v3, vm0, $0xb8;
	[tilespmem:$0x1E300] =	vst v63  }
0x122: {  	v3 =	vld [tilespmem:$0x20];
	_ =	sdelay $0x4  }
0x123: {  	v46 =	vshll.u32 v3, $0x1  }
0x124: {  	v3 =	vand.u32 $0x7, v3;
	v4 =	vand.u32 $0xFFFFFFF0, v46  }
0x125: {  	v3 =	vor.u32 v3, v4  }
0x126: {  	v4 =	vperm.xlane v3, v0;
	_ =	sdelay $0x1  }
0x127: {  	v3 =	vperm.xlane v3, v2;
	v4 =	vadd.s32 v1, v4;
	_ =	sdelay $0x1  }
0x128: {  	v3 =	vadd.s32 v1, v3;
	_ =	sdelay $0x1  }
0x129: {  	s18 =	simm.s32 $0xC300  }
0x12a: {  	[tilespmem:s18], [sflag:$0x1] =	stream.indirect_vreg.gather [hbm4b:s1+s3], $0x80, v4, vm0, $0xb8;
	[tilespmem:$0x1E300] =	vst v63  }
0x12b: {  	s19 =	simm.s32 $0xCB00  }
0x12c: {  	[tilespmem:s19], [sflag:$0x1] =	stream.indirect_vreg.gather [hbm4b:s1+s3], $0x80, v3, vm0, $0xb8;
	[tilespmem:$0x1E300] =	vst v63  }
0x12d: {  	v3 =	vld [tilespmem:$0x30];
	_ =	sdelay $0x4  }
0x12e: {  	v47 =	vshll.u32 v3, $0x1  }
0x12f: {  	v3 =	vand.u32 $0x7, v3;
	v4 =	vand.u32 $0xFFFFFFF0, v47  }
0x130: {  	v3 =	vor.u32 v3, v4  }
0x131: {  	v4 =	vperm.xlane v3, v0;
	_ =	sdelay $0x1  }
0x132: {  	v3 =	vperm.xlane v3, v2;
	v4 =	vadd.s32 v1, v4;
	_ =	sdelay $0x1  }
0x133: {  	v3 =	vadd.s32 v1, v3;
	_ =	sdelay $0x1  }
0x134: {  	s23 =	simm.s32 $0xD300  }
0x135: {  	[tilespmem:s23], [sflag:$0x1] =	stream.indirect_vreg.gather [hbm4b:s1+s3], $0x80, v4, vm0, $0xb8;
	[tilespmem:$0x1E300] =	vst v63  }
0x136: {  	s5 =	simm.s32 $0xDB00  }
0x137: {  	[tilespmem:s5], [sflag:$0x1] =	stream.indirect_vreg.gather [hbm4b:s1+s3], $0x80, v3, vm0, $0xb8;
	[tilespmem:$0x1E300] =	vst v63  }
0x138: {  	v3 =	vld [tilespmem:$0x40];
	_ =	sdelay $0x4  }
0x139: {  	v48 =	vshll.u32 v3, $0x1  }
0x13a: {  	v3 =	vand.u32 $0x7, v3;
	v4 =	vand.u32 $0xFFFFFFF0, v48  }
0x13b: {  	v3 =	vor.u32 v3, v4  }
0x13c: {  	v4 =	vperm.xlane v3, v0;
	_ =	sdelay $0x1  }
0x13d: {  	v3 =	vperm.xlane v3, v2;
	v4 =	vadd.s32 v1, v4;
	_ =	sdelay $0x1  }
0x13e: {  	v3 =	vadd.s32 v1, v3;
	_ =	sdelay $0x1  }
0x13f: {  	s8 =	simm.s32 $0xE300  }
0x140: {  	[tilespmem:s8], [sflag:$0x1] =	stream.indirect_vreg.gather [hbm4b:s1+s3], $0x80, v4, vm0, $0xb8;
	[tilespmem:$0x1E300] =	vst v63  }
0x141: {  	s9 =	simm.s32 $0xEB00  }
0x142: {  	[tilespmem:s9], [sflag:$0x1] =	stream.indirect_vreg.gather [hbm4b:s1+s3], $0x80, v3, vm0, $0xb8;
	[tilespmem:$0x1E300] =	vst v63  }
0x143: {  	s10 =	rddreg [dreg:$0x7];
	s18 =	simm.s32 $0x100  }
0x144: {  	[tilespmem:s18], [sflag:$0x3] =	stream.linear.gather [hbm4b:s10+s3], $0x50, $0x38;
	[tilespmem:$0x1E300] =	vst v63  }
0x145: {  	_ =	swait.ge [sflag:s24], $0x50  }
0x146: {  	[sflag:s24] =	ssyncset.done $0x0  }
0x147: {  	s23 =	simm.s32 $0x180;
	s19 =	rddreg [dreg:$0x8];
	[sflag:s24] =	ssyncadd.s32 $0xFFFFFFB0  }
0x148: {  	[tilespmem:s23], [sflag:$0x3] =	stream.linear.gather [hbm4b:s19+s3], $0x50, $0x38;
	[tilespmem:$0x1E300] =	vst v63  }
0x149: {  	_ =	swait.ge [sflag:s24], $0x50  }
0x14a: {  	[sflag:s24] =	ssyncset.done $0x0  }
0x14b: {  	[sflag:s24] =	ssyncadd.s32 $0xFFFFFFB0  }
0x14c: {  	v3 =	vld [tilespmem:$0x180];
	_ =	sdelay $0x4  }
0x14d: {  	v49 =	vshll.u32 v3, $0x1  }
0x14e: {  	v3 =	vand.u32 $0x7, v3;
	v4 =	vand.u32 $0xFFFFFFF0, v49  }
0x14f: {  	v3 =	vor.u32 v3, v4  }
0x150: {  	v4 =	vperm.xlane v3, v0;
	_ =	sdelay $0x1  }
0x151: {  	v3 =	vperm.xlane v3, v2;
	v4 =	vadd.s32 v1, v4;
	_ =	sdelay $0x1  }
0x152: {  	v3 =	vadd.s32 v1, v3;
	_ =	sdelay $0x2  }
0x153: {  	[tilespmem:s16], [sflag:$0x2] =	stream.indirect_vreg.gather [hbm4b:s6+s3], $0x80, v4, vm0, $0xb8;
	[tilespmem:$0x1E300] =	vst v63  }
0x154: {  	s5 =	simm.s32 $0xFB00  }
0x155: {  	[tilespmem:s5], [sflag:$0x2] =	stream.indirect_vreg.gather [hbm4b:s6+s3], $0x80, v3, vm0, $0xb8;
	[tilespmem:$0x1E300] =	vst v63  }
0x156: {  	v3 =	vld [tilespmem:$0x190];
	_ =	sdelay $0x4  }
0x157: {  	v50 =	vshll.u32 v3, $0x1  }
0x158: {  	v3 =	vand.u32 $0x7, v3;
	v4 =	vand.u32 $0xFFFFFFF0, v50  }
0x159: {  	v3 =	vor.u32 v3, v4  }
0x15a: {  	v4 =	vperm.xlane v3, v0;
	_ =	sdelay $0x1  }
0x15b: {  	v3 =	vperm.xlane v3, v2;
	v4 =	vadd.s32 v1, v4;
	_ =	sdelay $0x1  }
0x15c: {  	v3 =	vadd.s32 v1, v3;
	_ =	sdelay $0x1  }
0x15d: {  	s8 =	simm.s32 $0x10300  }
0x15e: {  	[tilespmem:s8], [sflag:$0x2] =	stream.indirect_vreg.gather [hbm4b:s6+s3], $0x80, v4, vm0, $0xb8;
	[tilespmem:$0x1E300] =	vst v63  }
0x15f: {  	s9 =	simm.s32 $0x10B00  }
0x160: {  	[tilespmem:s9], [sflag:$0x2] =	stream.indirect_vreg.gather [hbm4b:s6+s3], $0x80, v3, vm0, $0xb8;
	[tilespmem:$0x1E300] =	vst v63  }
0x161: {  	v3 =	vld [tilespmem:$0x1A0];
	_ =	sdelay $0x4  }
0x162: {  	v51 =	vshll.u32 v3, $0x1  }
0x163: {  	v3 =	vand.u32 $0x7, v3;
	v4 =	vand.u32 $0xFFFFFFF0, v51  }
0x164: {  	v3 =	vor.u32 v3, v4  }
0x165: {  	v4 =	vperm.xlane v3, v0;
	_ =	sdelay $0x1  }
0x166: {  	v3 =	vperm.xlane v3, v2;
	v4 =	vadd.s32 v1, v4;
	_ =	sdelay $0x1  }
0x167: {  	v3 =	vadd.s32 v1, v3;
	_ =	sdelay $0x1  }
0x168: {  	s10 =	simm.s32 $0x11300  }
0x169: {  	[tilespmem:s10], [sflag:$0x2] =	stream.indirect_vreg.gather [hbm4b:s6+s3], $0x80, v4, vm0, $0xb8;
	[tilespmem:$0x1E300] =	vst v63  }
0x16a: {  	s18 =	simm.s32 $0x11B00  }
0x16b: {  	[tilespmem:s18], [sflag:$0x2] =	stream.indirect_vreg.gather [hbm4b:s6+s3], $0x80, v3, vm0, $0xb8;
	[tilespmem:$0x1E300] =	vst v63  }
0x16c: {  	v3 =	vld [tilespmem:$0x1B0];
	_ =	sdelay $0x4  }
0x16d: {  	v52 =	vshll.u32 v3, $0x1  }
0x16e: {  	v3 =	vand.u32 $0x7, v3;
	v4 =	vand.u32 $0xFFFFFFF0, v52  }
0x16f: {  	v3 =	vor.u32 v3, v4  }
0x170: {  	v4 =	vperm.xlane v3, v0;
	_ =	sdelay $0x1  }
0x171: {  	v3 =	vperm.xlane v3, v2;
	v4 =	vadd.s32 v1, v4;
	_ =	sdelay $0x1  }
0x172: {  	v3 =	vadd.s32 v1, v3;
	_ =	sdelay $0x1  }
0x173: {  	s19 =	simm.s32 $0x12300  }
0x174: {  	[tilespmem:s19], [sflag:$0x2] =	stream.indirect_vreg.gather [hbm4b:s6+s3], $0x80, v4, vm0, $0xb8;
	[tilespmem:$0x1E300] =	vst v63  }
0x175: {  	s23 =	simm.s32 $0x12B00  }
0x176: {  	[tilespmem:s23], [sflag:$0x2] =	stream.indirect_vreg.gather [hbm4b:s6+s3], $0x80, v3, vm0, $0xb8;
	[tilespmem:$0x1E300] =	vst v63  }
0x177: {  	v3 =	vld [tilespmem:$0x1C0];
	_ =	sdelay $0x4  }
0x178: {  	v53 =	vshll.u32 v3, $0x1  }
0x179: {  	v3 =	vand.u32 $0x7, v3;
	v4 =	vand.u32 $0xFFFFFFF0, v53  }
0x17a: {  	v3 =	vor.u32 v3, v4  }
0x17b: {  	v4 =	vperm.xlane v3, v0;
	_ =	sdelay $0x1  }
0x17c: {  	v3 =	vperm.xlane v3, v2;
	v4 =	vadd.s32 v1, v4;
	_ =	sdelay $0x1  }
0x17d: {  	v3 =	vadd.s32 v1, v3;
	_ =	sdelay $0x1  }
0x17e: {  	s5 =	simm.s32 $0x13300  }
0x17f: {  	[tilespmem:s5], [sflag:$0x2] =	stream.indirect_vreg.gather [hbm4b:s6+s3], $0x80, v4, vm0, $0xb8;
	[tilespmem:$0x1E300] =	vst v63  }
0x180: {  	s8 =	simm.s32 $0x13B00  }
0x181: {  	[tilespmem:s8], [sflag:$0x2] =	stream.indirect_vreg.gather [hbm4b:s6+s3], $0x80, v3, vm0, $0xb8;
	[tilespmem:$0x1E300] =	vst v63  }
0x182: {  	v3 =	vld [tilespmem:$0x100];
	_ =	sdelay $0x4  }
0x183: {  	v54 =	vshll.u32 v3, $0x1  }
0x184: {  	v3 =	vand.u32 $0x7, v3;
	v4 =	vand.u32 $0xFFFFFFF0, v54  }
0x185: {  	v3 =	vor.u32 v3, v4  }
0x186: {  	v4 =	vperm.xlane v3, v0;
	_ =	sdelay $0x1  }
0x187: {  	v3 =	vperm.xlane v3, v2;
	v4 =	vadd.s32 v1, v4;
	_ =	sdelay $0x1  }
0x188: {  	v3 =	vadd.s32 v1, v3;
	_ =	sdelay $0x2  }
0x189: {  	[tilespmem:s14], [sflag:$0x2] =	stream.indirect_vreg.gather [hbm4b:s7+s3], $0x80, v4, vm0, $0xb8;
	[tilespmem:$0x1E300] =	vst v63  }
0x18a: {  	s9 =	simm.s32 $0x14B00  }
0x18b: {  	[tilespmem:s9], [sflag:$0x2] =	stream.indirect_vreg.gather [hbm4b:s7+s3], $0x80, v3, vm0, $0xb8;
	[tilespmem:$0x1E300] =	vst v63  }
0x18c: {  	v3 =	vld [tilespmem:$0x110];
	_ =	sdelay $0x4  }
0x18d: {  	v55 =	vshll.u32 v3, $0x1  }
0x18e: {  	v3 =	vand.u32 $0x7, v3;
	v4 =	vand.u32 $0xFFFFFFF0, v55  }
0x18f: {  	v3 =	vor.u32 v3, v4  }
0x190: {  	v4 =	vperm.xlane v3, v0;
	_ =	sdelay $0x1  }
0x191: {  	v3 =	vperm.xlane v3, v2;
	v4 =	vadd.s32 v1, v4;
	_ =	sdelay $0x1  }
0x192: {  	v3 =	vadd.s32 v1, v3;
	_ =	sdelay $0x1  }
0x193: {  	s10 =	simm.s32 $0x15300  }
0x194: {  	[tilespmem:s10], [sflag:$0x2] =	stream.indirect_vreg.gather [hbm4b:s7+s3], $0x80, v4, vm0, $0xb8;
	[tilespmem:$0x1E300] =	vst v63  }
0x195: {  	s18 =	simm.s32 $0x15B00  }
0x196: {  	[tilespmem:s18], [sflag:$0x2] =	stream.indirect_vreg.gather [hbm4b:s7+s3], $0x80, v3, vm0, $0xb8;
	[tilespmem:$0x1E300] =	vst v63  }
0x197: {  	v3 =	vld [tilespmem:$0x120];
	_ =	sdelay $0x4  }
0x198: {  	v56 =	vshll.u32 v3, $0x1  }
0x199: {  	v3 =	vand.u32 $0x7, v3;
	v4 =	vand.u32 $0xFFFFFFF0, v56  }
0x19a: {  	v3 =	vor.u32 v3, v4  }
0x19b: {  	v4 =	vperm.xlane v3, v0;
	_ =	sdelay $0x1  }
0x19c: {  	v3 =	vperm.xlane v3, v2;
	v4 =	vadd.s32 v1, v4;
	_ =	sdelay $0x1  }
0x19d: {  	v3 =	vadd.s32 v1, v3;
	_ =	sdelay $0x1  }
0x19e: {  	s19 =	simm.s32 $0x16300  }
0x19f: {  	[tilespmem:s19], [sflag:$0x2] =	stream.indirect_vreg.gather [hbm4b:s7+s3], $0x80, v4, vm0, $0xb8;
	[tilespmem:$0x1E300] =	vst v63  }
0x1a0: {  	s23 =	simm.s32 $0x16B00  }
0x1a1: {  	[tilespmem:s23], [sflag:$0x2] =	stream.indirect_vreg.gather [hbm4b:s7+s3], $0x80, v3, vm0, $0xb8;
	[tilespmem:$0x1E300] =	vst v63  }
0x1a2: {  	v3 =	vld [tilespmem:$0x130];
	_ =	sdelay $0x4  }
0x1a3: {  	v57 =	vshll.u32 v3, $0x1  }
0x1a4: {  	v3 =	vand.u32 $0x7, v3;
	v4 =	vand.u32 $0xFFFFFFF0, v57  }
0x1a5: {  	v3 =	vor.u32 v3, v4  }
0x1a6: {  	v4 =	vperm.xlane v3, v0;
	_ =	sdelay $0x1  }
0x1a7: {  	v3 =	vperm.xlane v3, v2;
	v4 =	vadd.s32 v1, v4;
	_ =	sdelay $0x1  }
0x1a8: {  	v3 =	vadd.s32 v1, v3;
	_ =	sdelay $0x1  }
0x1a9: {  	s5 =	simm.s32 $0x17300  }
0x1aa: {  	[tilespmem:s5], [sflag:$0x2] =	stream.indirect_vreg.gather [hbm4b:s7+s3], $0x80, v4, vm0, $0xb8;
	[tilespmem:$0x1E300] =	vst v63  }
0x1ab: {  	s8 =	simm.s32 $0x17B00  }
0x1ac: {  	[tilespmem:s8], [sflag:$0x2] =	stream.indirect_vreg.gather [hbm4b:s7+s3], $0x80, v3, vm0, $0xb8;
	[tilespmem:$0x1E300] =	vst v63  }
0x1ad: {  	v3 =	vld [tilespmem:$0x140];
	_ =	sdelay $0x4  }
0x1ae: {  	v58 =	vshll.u32 v3, $0x1  }
0x1af: {  	v3 =	vand.u32 $0x7, v3;
	v4 =	vand.u32 $0xFFFFFFF0, v58  }
0x1b0: {  	v3 =	vor.u32 v3, v4  }
0x1b1: {  	v4 =	vperm.xlane v3, v0;
	_ =	sdelay $0x1  }
0x1b2: {  	v3 =	vperm.xlane v3, v2;
	v4 =	vadd.s32 v1, v4;
	_ =	sdelay $0x1  }
0x1b3: {  	v3 =	vadd.s32 v1, v3;
	_ =	sdelay $0x1  }
0x1b4: {  	s9 =	simm.s32 $0x18300  }
0x1b5: {  	[tilespmem:s9], [sflag:$0x2] =	stream.indirect_vreg.gather [hbm4b:s7+s3], $0x80, v4, vm0, $0xb8;
	[tilespmem:$0x1E300] =	vst v63  }
0x1b6: {  	s10 =	simm.s32 $0x18B00  }
0x1b7: {  	[tilespmem:s10], [sflag:$0x2] =	stream.indirect_vreg.gather [hbm4b:s7+s3], $0x80, v3, vm0, $0xb8;
	[tilespmem:$0x1E300] =	vst v63  }
0x1b8: {  	v3 =	vld [tilespmem:$0x100];
	_ =	sdelay $0x4  }
0x1b9: {  	v59 =	vshll.u32 v3, $0x1  }
0x1ba: {  	v3 =	vand.u32 $0x7, v3;
	v4 =	vand.u32 $0xFFFFFFF0, v59  }
0x1bb: {  	v3 =	vor.u32 v3, v4  }
0x1bc: {  	v4 =	vperm.xlane v3, v0;
	_ =	sdelay $0x1  }
0x1bd: {  	v3 =	vperm.xlane v3, v2;
	v4 =	vadd.s32 v1, v4;
	_ =	sdelay $0x1  }
0x1be: {  	v3 =	vadd.s32 v1, v3;
	_ =	sdelay $0x2  }
0x1bf: {  	[tilespmem:s17], [sflag:$0x2] =	stream.indirect_vreg.gather [hbm4b:s1+s3], $0x80, v4, vm0, $0xb8;
	[tilespmem:$0x1E300] =	vst v63  }
0x1c0: {  	s18 =	simm.s32 $0x19B00  }
0x1c1: {  	[tilespmem:s18], [sflag:$0x2] =	stream.indirect_vreg.gather [hbm4b:s1+s3], $0x80, v3, vm0, $0xb8;
	[tilespmem:$0x1E300] =	vst v63  }
0x1c2: {  	v3 =	vld [tilespmem:$0x110];
	_ =	sdelay $0x4  }
0x1c3: {  	v60 =	vshll.u32 v3, $0x1  }
0x1c4: {  	v3 =	vand.u32 $0x7, v3;
	v4 =	vand.u32 $0xFFFFFFF0, v60  }
0x1c5: {  	v3 =	vor.u32 v3, v4  }
0x1c6: {  	v4 =	vperm.xlane v3, v0;
	_ =	sdelay $0x1  }
0x1c7: {  	v3 =	vperm.xlane v3, v2;
	v4 =	vadd.s32 v1, v4;
	_ =	sdelay $0x1  }
0x1c8: {  	v3 =	vadd.s32 v1, v3;
	_ =	sdelay $0x1  }
0x1c9: {  	s19 =	simm.s32 $0x1A300  }
0x1ca: {  	[tilespmem:s19], [sflag:$0x2] =	stream.indirect_vreg.gather [hbm4b:s1+s3], $0x80, v4, vm0, $0xb8;
	[tilespmem:$0x1E300] =	vst v63  }
0x1cb: {  	s23 =	simm.s32 $0x1AB00  }
0x1cc: {  	[tilespmem:s23], [sflag:$0x2] =	stream.indirect_vreg.gather [hbm4b:s1+s3], $0x80, v3, vm0, $0xb8;
	[tilespmem:$0x1E300] =	vst v63  }
0x1cd: {  	v3 =	vld [tilespmem:$0x120];
	_ =	sdelay $0x4  }
0x1ce: {  	v61 =	vshll.u32 v3, $0x1  }
0x1cf: {  	v3 =	vand.u32 $0x7, v3;
	v4 =	vand.u32 $0xFFFFFFF0, v61  }
0x1d0: {  	v3 =	vor.u32 v3, v4  }
0x1d1: {  	v4 =	vperm.xlane v3, v0;
	_ =	sdelay $0x1  }
0x1d2: {  	v3 =	vperm.xlane v3, v2;
	v4 =	vadd.s32 v1, v4;
	_ =	sdelay $0x1  }
0x1d3: {  	v3 =	vadd.s32 v1, v3;
	_ =	sdelay $0x2  }
0x1d4: {  	[tilespmem:s29], [sflag:$0x2] =	stream.indirect_vreg.gather [hbm4b:s1+s3], $0x80, v4, vm0, $0xb8;
	[tilespmem:$0x1E300] =	vst v63  }
0x1d5: {  	_ = 	snop  }
0x1d6: {  	[tilespmem:s30], [sflag:$0x2] =	stream.indirect_vreg.gather [hbm4b:s1+s3], $0x80, v3, vm0, $0xb8;
	[tilespmem:$0x1E300] =	vst v63  }
0x1d7: {  	v3 =	vld [tilespmem:$0x130];
	_ =	sdelay $0x4  }
0x1d8: {  	v62 =	vshll.u32 v3, $0x1  }
0x1d9: {  	v3 =	vand.u32 $0x7, v3;
	v4 =	vand.u32 $0xFFFFFFF0, v62  }
0x1da: {  	v3 =	vor.u32 v3, v4  }
0x1db: {  	v4 =	vperm.xlane v3, v0;
	_ =	sdelay $0x1  }
0x1dc: {  	v3 =	vperm.xlane v3, v2;
	v4 =	vadd.s32 v1, v4;
	_ =	sdelay $0x1  }
0x1dd: {  	v3 =	vadd.s32 v1, v3;
	_ =	sdelay $0x2  }
0x1de: {  	[tilespmem:s31], [sflag:$0x2] =	stream.indirect_vreg.gather [hbm4b:s1+s3], $0x80, v4, vm0, $0xb8;
	[tilespmem:$0x1E300] =	vst v63  }
0x1df: {  	_ = 	snop  }
0x1e0: {  	[tilespmem:s12], [sflag:$0x2] =	stream.indirect_vreg.gather [hbm4b:s1+s3], $0x80, v3, vm0, $0xb8;
	[tilespmem:$0x1E300] =	vst v63  }
0x1e1: {  	v3 =	vld [tilespmem:$0x140];
	_ =	sdelay $0x4  }
0x1e2: {  	v63 =	vshll.u32 v3, $0x1  }
0x1e3: {  	v3 =	vand.u32 $0x7, v3;
	v4 =	vand.u32 $0xFFFFFFF0, v63  }
0x1e4: {  	v3 =	vor.u32 v3, v4  }
0x1e5: {  	v4 =	vperm.xlane v3, v0;
	_ =	sdelay $0x1  }
0x1e6: {  	v3 =	vperm.xlane v3, v2;
	v4 =	vadd.s32 v1, v4;
	_ =	sdelay $0x1  }
0x1e7: {  	v3 =	vadd.s32 v1, v3  }
0x1e8: {  	s4 =	rddreg [dreg:$0x10]  }
0x1e9: {  	s5 =	rddreg [dreg:$0xf]  }
0x1ea: {  	[tilespmem:s13], [sflag:$0x2] =	stream.indirect_vreg.gather [hbm4b:s1+s3], $0x80, v4, vm0, $0xb8;
	[tilespmem:$0x1E300] =	vst v63  }
0x1eb: {  	s8 =	rddreg [dreg:$0x11];
	s9 =	simm.s32 $0x0  }
0x1ec: {  	[tilespmem:s15], [sflag:$0x2] =	stream.indirect_vreg.gather [hbm4b:s1+s3], $0x80, v3, vm0, $0xb8;
	[tilespmem:$0x1E300] =	vst v63  }
.LBB2_2:
0x1ed: {  	_ =	swait.ge [sflag:s0], $0x5000  }
0x1ee: {  	[sflag:s0] =	ssyncset.done $0x0  }
0x1ef: {  	[sflag:s0] =	ssyncadd.s32 $0xFFFFB000  }
0x1f0: {  	_ =	swait.ge [sflag:s0], $0x5000  }
0x1f1: {  	[sflag:s0] =	ssyncset.done $0x0  }
0x1f2: {  	[sflag:s0] =	ssyncadd.s32 $0xFFFFB000  }
0x1f3: {  	_ =	swait.ge [sflag:s0], $0x5000  }
0x1f4: {  	[sflag:s0] =	ssyncset.done $0x0  }
0x1f5: {  	s23 =	sadd.s32 s9, s20;
	[sflag:s0] =	ssyncadd.s32 $0xFFFFB000  }
0x1f6: {  	[hbm4b:s23+s3] =	stream.linear.scatter [tilespmem:s26], [sflag:$0x3], $0x5000, $0x38;
	[tilespmem:$0x1E300] =	vst v63  }
0x1f7: {  	_ =	swait.ge [sflag:s24], $0x5000  }
0x1f8: {  	[sflag:s24] =	ssyncset.done $0x0  }
0x1f9: {  	s10 =	sadd.s32 s9, s21;
	[sflag:s24] =	ssyncadd.s32 $0xFFFFB000  }
0x1fa: {  	[hbm4b:s10+s3] =	stream.linear.scatter [tilespmem:s11], [sflag:$0x3], $0x5000, $0x38;
	[tilespmem:$0x1E300] =	vst v63  }
0x1fb: {  	_ =	swait.ge [sflag:s24], $0x5000  }
0x1fc: {  	p0 =	seq.s32 s9, $0x25800;
	[sflag:s24] =	ssyncset.done $0x0  }
.Ltmp2:
0x1fd: {  	s18 =	sadd.s32 s9, s22;
	[sflag:s24] =	ssyncadd.s32 $0xFFFFB000;
	(pc) =	sbr.rel @p0 .LBB2_4-.Ltmp2, $4  }
0x1fe: {  	[hbm4b:s18+s3] =	stream.linear.scatter [tilespmem:s25], [sflag:$0x3], $0x5000, $0x38;
	[tilespmem:$0x1E300] =	vst v63  }
0x1ff: {  	_ =	swait.ge [sflag:s24], $0x5000  }
0x200: {  	[sflag:s24] =	ssyncset.done $0x0  }
0x201: {  	[sflag:s24] =	ssyncadd.s32 $0xFFFFB000  }
0x202: {  	s19 =	sshrl.u32 s8, $0x3;
	s28 =	rddreg [dreg:$0x3]  }
0x203: {  	s28 =	sadd.s32 s28, s19  }
0x204: {  	[tilespmem:s3], [sflag:$0x3] =	stream.linear.gather [hbm4b:s28+s3], $0x50, $0x38;
	[tilespmem:$0x1E300] =	vst v63  }
0x205: {  	_ =	swait.ge [sflag:s24], $0x50  }
0x206: {  	[sflag:s24] =	ssyncset.done $0x0;
	s28 =	rddreg [dreg:$0x4]  }
0x207: {  	[sflag:s24] =	ssyncadd.s32 $0xFFFFFFB0;
	s19 =	sadd.s32 s28, s19;
	s28 =	simm.s32 $0x80  }
0x208: {  	[tilespmem:s28], [sflag:$0x3] =	stream.linear.gather [hbm4b:s19+s3], $0x50, $0x38;
	[tilespmem:$0x1E300] =	vst v63  }
0x209: {  	_ =	swait.ge [sflag:s24], $0x50  }
0x20a: {  	[sflag:s24] =	ssyncset.done $0x0  }
0x20b: {  	[sflag:s24] =	ssyncadd.s32 $0xFFFFFFB0  }
0x20c: {  	v3 =	vld [tilespmem:$0x80];
	_ =	sdelay $0x4  }
0x20d: {  	v4 =	vshll.u32 v3, $0x1  }
0x20e: {  	v3 =	vand.u32 $0x7, v3;
	v4 =	vand.u32 $0xFFFFFFF0, v4  }
0x20f: {  	v3 =	vor.u32 v3, v4  }
0x210: {  	v4 =	vperm.xlane v3, v0;
	_ =	sdelay $0x1  }
0x211: {  	v3 =	vperm.xlane v3, v2;
	v4 =	vadd.s32 v1, v4;
	_ =	sdelay $0x1  }
0x212: {  	v3 =	vadd.s32 v1, v3;
	_ =	sdelay $0x2  }
0x213: {  	[tilespmem:s26], [sflag:$0x1] =	stream.indirect_vreg.gather [hbm4b:s6+s3], $0x80, v4, vm0, $0xb8;
	[tilespmem:$0x1E300] =	vst v63  }
0x214: {  	s28 =	simm.s32 $0xB00  }
0x215: {  	[tilespmem:s28], [sflag:$0x1] =	stream.indirect_vreg.gather [hbm4b:s6+s3], $0x80, v3, vm0, $0xb8;
	[tilespmem:$0x1E300] =	vst v63  }
0x216: {  	v3 =	vld [tilespmem:$0x90];
	_ =	sdelay $0x4  }
0x217: {  	v50 =	vshll.u32 v3, $0x1  }
0x218: {  	v3 =	vand.u32 $0x7, v3;
	v4 =	vand.u32 $0xFFFFFFF0, v50  }
0x219: {  	v3 =	vor.u32 v3, v4  }
0x21a: {  	v4 =	vperm.xlane v3, v0;
	_ =	sdelay $0x1  }
0x21b: {  	v3 =	vperm.xlane v3, v2;
	v4 =	vadd.s32 v1, v4;
	_ =	sdelay $0x1  }
0x21c: {  	v3 =	vadd.s32 v1, v3;
	_ =	sdelay $0x1  }
0x21d: {  	s19 =	simm.s32 $0x1300  }
0x21e: {  	[tilespmem:s19], [sflag:$0x1] =	stream.indirect_vreg.gather [hbm4b:s6+s3], $0x80, v4, vm0, $0xb8;
	[tilespmem:$0x1E300] =	vst v63  }
0x21f: {  	s19 =	simm.s32 $0x1B00  }
0x220: {  	[tilespmem:s19], [sflag:$0x1] =	stream.indirect_vreg.gather [hbm4b:s6+s3], $0x80, v3, vm0, $0xb8;
	[tilespmem:$0x1E300] =	vst v63  }
0x221: {  	v3 =	vld [tilespmem:$0xA0];
	_ =	sdelay $0x4  }
0x222: {  	v51 =	vshll.u32 v3, $0x1  }
0x223: {  	v3 =	vand.u32 $0x7, v3;
	v4 =	vand.u32 $0xFFFFFFF0, v51  }
0x224: {  	v3 =	vor.u32 v3, v4  }
0x225: {  	v4 =	vperm.xlane v3, v0;
	_ =	sdelay $0x1  }
0x226: {  	v3 =	vperm.xlane v3, v2;
	v4 =	vadd.s32 v1, v4;
	_ =	sdelay $0x1  }
0x227: {  	v3 =	vadd.s32 v1, v3;
	_ =	sdelay $0x1  }
0x228: {  	s19 =	simm.s32 $0x2300  }
0x229: {  	[tilespmem:s19], [sflag:$0x1] =	stream.indirect_vreg.gather [hbm4b:s6+s3], $0x80, v4, vm0, $0xb8;
	[tilespmem:$0x1E300] =	vst v63  }
0x22a: {  	s19 =	simm.s32 $0x2B00  }
0x22b: {  	[tilespmem:s19], [sflag:$0x1] =	stream.indirect_vreg.gather [hbm4b:s6+s3], $0x80, v3, vm0, $0xb8;
	[tilespmem:$0x1E300] =	vst v63  }
0x22c: {  	v3 =	vld [tilespmem:$0xB0];
	_ =	sdelay $0x4  }
0x22d: {  	v52 =	vshll.u32 v3, $0x1  }
0x22e: {  	v3 =	vand.u32 $0x7, v3;
	v4 =	vand.u32 $0xFFFFFFF0, v52  }
0x22f: {  	v3 =	vor.u32 v3, v4  }
0x230: {  	v4 =	vperm.xlane v3, v0;
	_ =	sdelay $0x1  }
0x231: {  	v3 =	vperm.xlane v3, v2;
	v4 =	vadd.s32 v1, v4;
	_ =	sdelay $0x1  }
0x232: {  	v3 =	vadd.s32 v1, v3;
	_ =	sdelay $0x1  }
0x233: {  	s19 =	simm.s32 $0x3300  }
0x234: {  	[tilespmem:s19], [sflag:$0x1] =	stream.indirect_vreg.gather [hbm4b:s6+s3], $0x80, v4, vm0, $0xb8;
	[tilespmem:$0x1E300] =	vst v63  }
0x235: {  	s19 =	simm.s32 $0x3B00  }
0x236: {  	[tilespmem:s19], [sflag:$0x1] =	stream.indirect_vreg.gather [hbm4b:s6+s3], $0x80, v3, vm0, $0xb8;
	[tilespmem:$0x1E300] =	vst v63  }
0x237: {  	v3 =	vld [tilespmem:$0xC0];
	_ =	sdelay $0x4  }
0x238: {  	v53 =	vshll.u32 v3, $0x1  }
0x239: {  	v3 =	vand.u32 $0x7, v3;
	v4 =	vand.u32 $0xFFFFFFF0, v53  }
0x23a: {  	v3 =	vor.u32 v3, v4  }
0x23b: {  	v4 =	vperm.xlane v3, v0;
	_ =	sdelay $0x1  }
0x23c: {  	v3 =	vperm.xlane v3, v2;
	v4 =	vadd.s32 v1, v4;
	_ =	sdelay $0x1  }
0x23d: {  	v3 =	vadd.s32 v1, v3;
	_ =	sdelay $0x1  }
0x23e: {  	s19 =	simm.s32 $0x4300  }
0x23f: {  	[tilespmem:s19], [sflag:$0x1] =	stream.indirect_vreg.gather [hbm4b:s6+s3], $0x80, v4, vm0, $0xb8;
	[tilespmem:$0x1E300] =	vst v63  }
0x240: {  	s19 =	simm.s32 $0x4B00  }
0x241: {  	[tilespmem:s19], [sflag:$0x1] =	stream.indirect_vreg.gather [hbm4b:s6+s3], $0x80, v3, vm0, $0xb8;
	[tilespmem:$0x1E300] =	vst v63  }
0x242: {  	v3 =	vld [tilespmem:$0x0];
	_ =	sdelay $0x4  }
0x243: {  	v54 =	vshll.u32 v3, $0x1  }
0x244: {  	v3 =	vand.u32 $0x7, v3;
	v4 =	vand.u32 $0xFFFFFFF0, v54  }
0x245: {  	v3 =	vor.u32 v3, v4  }
0x246: {  	v4 =	vperm.xlane v3, v0;
	_ =	sdelay $0x1  }
0x247: {  	v3 =	vperm.xlane v3, v2;
	v4 =	vadd.s32 v1, v4;
	_ =	sdelay $0x1  }
0x248: {  	v3 =	vadd.s32 v1, v3;
	_ =	sdelay $0x2  }
0x249: {  	[tilespmem:s11], [sflag:$0x1] =	stream.indirect_vreg.gather [hbm4b:s7+s3], $0x80, v4, vm0, $0xb8;
	[tilespmem:$0x1E300] =	vst v63  }
0x24a: {  	s19 =	simm.s32 $0x5B00  }
0x24b: {  	[tilespmem:s19], [sflag:$0x1] =	stream.indirect_vreg.gather [hbm4b:s7+s3], $0x80, v3, vm0, $0xb8;
	[tilespmem:$0x1E300] =	vst v63  }
0x24c: {  	v3 =	vld [tilespmem:$0x10];
	_ =	sdelay $0x4  }
0x24d: {  	v55 =	vshll.u32 v3, $0x1  }
0x24e: {  	v3 =	vand.u32 $0x7, v3;
	v4 =	vand.u32 $0xFFFFFFF0, v55  }
0x24f: {  	v3 =	vor.u32 v3, v4  }
0x250: {  	v4 =	vperm.xlane v3, v0;
	_ =	sdelay $0x1  }
0x251: {  	v3 =	vperm.xlane v3, v2;
	v4 =	vadd.s32 v1, v4;
	_ =	sdelay $0x1  }
0x252: {  	v3 =	vadd.s32 v1, v3;
	_ =	sdelay $0x1  }
0x253: {  	s19 =	simm.s32 $0x6300  }
0x254: {  	[tilespmem:s19], [sflag:$0x1] =	stream.indirect_vreg.gather [hbm4b:s7+s3], $0x80, v4, vm0, $0xb8;
	[tilespmem:$0x1E300] =	vst v63  }
0x255: {  	s19 =	simm.s32 $0x6B00  }
0x256: {  	[tilespmem:s19], [sflag:$0x1] =	stream.indirect_vreg.gather [hbm4b:s7+s3], $0x80, v3, vm0, $0xb8;
	[tilespmem:$0x1E300] =	vst v63  }
0x257: {  	v3 =	vld [tilespmem:$0x20];
	_ =	sdelay $0x4  }
0x258: {  	v56 =	vshll.u32 v3, $0x1  }
0x259: {  	v3 =	vand.u32 $0x7, v3;
	v4 =	vand.u32 $0xFFFFFFF0, v56  }
0x25a: {  	v3 =	vor.u32 v3, v4  }
0x25b: {  	v4 =	vperm.xlane v3, v0;
	_ =	sdelay $0x1  }
0x25c: {  	v3 =	vperm.xlane v3, v2;
	v4 =	vadd.s32 v1, v4;
	_ =	sdelay $0x1  }
0x25d: {  	v3 =	vadd.s32 v1, v3;
	_ =	sdelay $0x1  }
0x25e: {  	s19 =	simm.s32 $0x7300  }
0x25f: {  	[tilespmem:s19], [sflag:$0x1] =	stream.indirect_vreg.gather [hbm4b:s7+s3], $0x80, v4, vm0, $0xb8;
	[tilespmem:$0x1E300] =	vst v63  }
0x260: {  	s19 =	simm.s32 $0x7B00  }
0x261: {  	[tilespmem:s19], [sflag:$0x1] =	stream.indirect_vreg.gather [hbm4b:s7+s3], $0x80, v3, vm0, $0xb8;
	[tilespmem:$0x1E300] =	vst v63  }
0x262: {  	v3 =	vld [tilespmem:$0x30];
	_ =	sdelay $0x4  }
0x263: {  	v57 =	vshll.u32 v3, $0x1  }
0x264: {  	v3 =	vand.u32 $0x7, v3;
	v4 =	vand.u32 $0xFFFFFFF0, v57  }
0x265: {  	v3 =	vor.u32 v3, v4  }
0x266: {  	v4 =	vperm.xlane v3, v0;
	_ =	sdelay $0x1  }
0x267: {  	v3 =	vperm.xlane v3, v2;
	v4 =	vadd.s32 v1, v4;
	_ =	sdelay $0x1  }
0x268: {  	v3 =	vadd.s32 v1, v3;
	_ =	sdelay $0x1  }
0x269: {  	s19 =	simm.s32 $0x8300  }
0x26a: {  	[tilespmem:s19], [sflag:$0x1] =	stream.indirect_vreg.gather [hbm4b:s7+s3], $0x80, v4, vm0, $0xb8;
	[tilespmem:$0x1E300] =	vst v63  }
0x26b: {  	s19 =	simm.s32 $0x8B00  }
0x26c: {  	[tilespmem:s19], [sflag:$0x1] =	stream.indirect_vreg.gather [hbm4b:s7+s3], $0x80, v3, vm0, $0xb8;
	[tilespmem:$0x1E300] =	vst v63  }
0x26d: {  	v3 =	vld [tilespmem:$0x40];
	_ =	sdelay $0x4  }
0x26e: {  	v58 =	vshll.u32 v3, $0x1  }
0x26f: {  	v3 =	vand.u32 $0x7, v3;
	v4 =	vand.u32 $0xFFFFFFF0, v58  }
0x270: {  	v3 =	vor.u32 v3, v4  }
0x271: {  	v4 =	vperm.xlane v3, v0;
	_ =	sdelay $0x1  }
0x272: {  	v3 =	vperm.xlane v3, v2;
	v4 =	vadd.s32 v1, v4;
	_ =	sdelay $0x1  }
0x273: {  	v3 =	vadd.s32 v1, v3;
	_ =	sdelay $0x1  }
0x274: {  	s19 =	simm.s32 $0x9300  }
0x275: {  	[tilespmem:s19], [sflag:$0x1] =	stream.indirect_vreg.gather [hbm4b:s7+s3], $0x80, v4, vm0, $0xb8;
	[tilespmem:$0x1E300] =	vst v63  }
0x276: {  	s19 =	simm.s32 $0x9B00  }
0x277: {  	[tilespmem:s19], [sflag:$0x1] =	stream.indirect_vreg.gather [hbm4b:s7+s3], $0x80, v3, vm0, $0xb8;
	[tilespmem:$0x1E300] =	vst v63  }
0x278: {  	v3 =	vld [tilespmem:$0x0];
	_ =	sdelay $0x4  }
0x279: {  	v59 =	vshll.u32 v3, $0x1  }
0x27a: {  	v3 =	vand.u32 $0x7, v3;
	v4 =	vand.u32 $0xFFFFFFF0, v59  }
0x27b: {  	v3 =	vor.u32 v3, v4  }
0x27c: {  	v4 =	vperm.xlane v3, v0;
	_ =	sdelay $0x1  }
0x27d: {  	v3 =	vperm.xlane v3, v2;
	v4 =	vadd.s32 v1, v4;
	_ =	sdelay $0x1  }
0x27e: {  	v3 =	vadd.s32 v1, v3;
	_ =	sdelay $0x2  }
0x27f: {  	[tilespmem:s25], [sflag:$0x1] =	stream.indirect_vreg.gather [hbm4b:s1+s3], $0x80, v4, vm0, $0xb8;
	[tilespmem:$0x1E300] =	vst v63  }
0x280: {  	s19 =	simm.s32 $0xAB00  }
0x281: {  	[tilespmem:s19], [sflag:$0x1] =	stream.indirect_vreg.gather [hbm4b:s1+s3], $0x80, v3, vm0, $0xb8;
	[tilespmem:$0x1E300] =	vst v63  }
0x282: {  	v3 =	vld [tilespmem:$0x10];
	_ =	sdelay $0x4  }
0x283: {  	v60 =	vshll.u32 v3, $0x1  }
0x284: {  	v3 =	vand.u32 $0x7, v3;
	v4 =	vand.u32 $0xFFFFFFF0, v60  }
0x285: {  	v3 =	vor.u32 v3, v4  }
0x286: {  	v4 =	vperm.xlane v3, v0;
	_ =	sdelay $0x1  }
0x287: {  	v3 =	vperm.xlane v3, v2;
	v4 =	vadd.s32 v1, v4;
	_ =	sdelay $0x1  }
0x288: {  	v3 =	vadd.s32 v1, v3;
	_ =	sdelay $0x1  }
0x289: {  	s19 =	simm.s32 $0xB300  }
0x28a: {  	[tilespmem:s19], [sflag:$0x1] =	stream.indirect_vreg.gather [hbm4b:s1+s3], $0x80, v4, vm0, $0xb8;
	[tilespmem:$0x1E300] =	vst v63  }
0x28b: {  	s19 =	simm.s32 $0xBB00  }
0x28c: {  	[tilespmem:s19], [sflag:$0x1] =	stream.indirect_vreg.gather [hbm4b:s1+s3], $0x80, v3, vm0, $0xb8;
	[tilespmem:$0x1E300] =	vst v63  }
0x28d: {  	v3 =	vld [tilespmem:$0x20];
	_ =	sdelay $0x4  }
0x28e: {  	v61 =	vshll.u32 v3, $0x1  }
0x28f: {  	v3 =	vand.u32 $0x7, v3;
	v4 =	vand.u32 $0xFFFFFFF0, v61  }
0x290: {  	v3 =	vor.u32 v3, v4  }
0x291: {  	v4 =	vperm.xlane v3, v0;
	_ =	sdelay $0x1  }
0x292: {  	v3 =	vperm.xlane v3, v2;
	v4 =	vadd.s32 v1, v4;
	_ =	sdelay $0x1  }
0x293: {  	v3 =	vadd.s32 v1, v3;
	_ =	sdelay $0x1  }
0x294: {  	s19 =	simm.s32 $0xC300  }
0x295: {  	[tilespmem:s19], [sflag:$0x1] =	stream.indirect_vreg.gather [hbm4b:s1+s3], $0x80, v4, vm0, $0xb8;
	[tilespmem:$0x1E300] =	vst v63  }
0x296: {  	s19 =	simm.s32 $0xCB00  }
0x297: {  	[tilespmem:s19], [sflag:$0x1] =	stream.indirect_vreg.gather [hbm4b:s1+s3], $0x80, v3, vm0, $0xb8;
	[tilespmem:$0x1E300] =	vst v63  }
0x298: {  	v3 =	vld [tilespmem:$0x30];
	_ =	sdelay $0x4  }
0x299: {  	v62 =	vshll.u32 v3, $0x1  }
0x29a: {  	v3 =	vand.u32 $0x7, v3;
	v4 =	vand.u32 $0xFFFFFFF0, v62  }
0x29b: {  	v3 =	vor.u32 v3, v4  }
0x29c: {  	v4 =	vperm.xlane v3, v0;
	_ =	sdelay $0x1  }
0x29d: {  	v3 =	vperm.xlane v3, v2;
	v4 =	vadd.s32 v1, v4;
	_ =	sdelay $0x1  }
0x29e: {  	v3 =	vadd.s32 v1, v3;
	_ =	sdelay $0x1  }
0x29f: {  	s19 =	simm.s32 $0xD300  }
0x2a0: {  	[tilespmem:s19], [sflag:$0x1] =	stream.indirect_vreg.gather [hbm4b:s1+s3], $0x80, v4, vm0, $0xb8;
	[tilespmem:$0x1E300] =	vst v63  }
0x2a1: {  	s19 =	simm.s32 $0xDB00  }
0x2a2: {  	[tilespmem:s19], [sflag:$0x1] =	stream.indirect_vreg.gather [hbm4b:s1+s3], $0x80, v3, vm0, $0xb8;
	[tilespmem:$0x1E300] =	vst v63  }
0x2a3: {  	v3 =	vld [tilespmem:$0x40];
	_ =	sdelay $0x4  }
0x2a4: {  	v63 =	vshll.u32 v3, $0x1  }
0x2a5: {  	v3 =	vand.u32 $0x7, v3;
	v4 =	vand.u32 $0xFFFFFFF0, v63  }
0x2a6: {  	v3 =	vor.u32 v3, v4  }
0x2a7: {  	v4 =	vperm.xlane v3, v0;
	_ =	sdelay $0x1  }
0x2a8: {  	v3 =	vperm.xlane v3, v2;
	v4 =	vadd.s32 v1, v4;
	_ =	sdelay $0x1  }
0x2a9: {  	v3 =	vadd.s32 v1, v3;
	_ =	sdelay $0x1  }
0x2aa: {  	s19 =	simm.s32 $0xE300  }
0x2ab: {  	[tilespmem:s19], [sflag:$0x1] =	stream.indirect_vreg.gather [hbm4b:s1+s3], $0x80, v4, vm0, $0xb8;
	[tilespmem:$0x1E300] =	vst v63  }
0x2ac: {  	s19 =	simm.s32 $0xEB00  }
0x2ad: {  	[tilespmem:s19], [sflag:$0x1] =	stream.indirect_vreg.gather [hbm4b:s1+s3], $0x80, v3, vm0, $0xb8;
	[tilespmem:$0x1E300] =	vst v63  }
.LBB2_4:
0x2ae: {  	_ =	swait.ge [sflag:s2], $0x5000  }
0x2af: {  	[sflag:s2] =	ssyncset.done $0x0  }
0x2b0: {  	[sflag:s2] =	ssyncadd.s32 $0xFFFFB000  }
0x2b1: {  	_ =	swait.ge [sflag:s2], $0x5000  }
0x2b2: {  	[sflag:s2] =	ssyncset.done $0x0  }
0x2b3: {  	[sflag:s2] =	ssyncadd.s32 $0xFFFFB000  }
0x2b4: {  	_ =	swait.ge [sflag:s2], $0x5000  }
0x2b5: {  	[sflag:s2] =	ssyncset.done $0x0  }
0x2b6: {  	s19 =	sadd.s32 $0xA00, s23;
	[sflag:s2] =	ssyncadd.s32 $0xFFFFB000  }
0x2b7: {  	[hbm4b:s19+s3] =	stream.linear.scatter [tilespmem:s16], [sflag:$0x3], $0x5000, $0x38;
	[tilespmem:$0x1E300] =	vst v63  }
0x2b8: {  	_ =	swait.ge [sflag:s24], $0x5000  }
0x2b9: {  	[sflag:s24] =	ssyncset.done $0x0  }
0x2ba: {  	s10 =	sadd.s32 $0xA00, s10;
	[sflag:s24] =	ssyncadd.s32 $0xFFFFB000  }
0x2bb: {  	[hbm4b:s10+s3] =	stream.linear.scatter [tilespmem:s14], [sflag:$0x3], $0x5000, $0x38;
	[tilespmem:$0x1E300] =	vst v63  }
0x2bc: {  	_ =	swait.ge [sflag:s24], $0x5000  }
0x2bd: {  	[sflag:s24] =	ssyncset.done $0x0  }
.Ltmp3:
0x2be: {  	s23 =	sadd.s32 $0xA00, s18;
	[sflag:s24] =	ssyncadd.s32 $0xFFFFB000;
	(pc) =	sbr.rel @p0 .LBB2_6-.Ltmp3, $4  }
0x2bf: {  	[hbm4b:s23+s3] =	stream.linear.scatter [tilespmem:s17], [sflag:$0x3], $0x5000, $0x38;
	[tilespmem:$0x1E300] =	vst v63  }
0x2c0: {  	_ =	swait.ge [sflag:s24], $0x5000  }
0x2c1: {  	[sflag:s24] =	ssyncset.done $0x0  }
0x2c2: {  	[sflag:s24] =	ssyncadd.s32 $0xFFFFB000  }
0x2c3: {  	s10 =	simm.s32 $0x100  }
0x2c4: {  	[tilespmem:s10], [sflag:$0x3] =	stream.linear.gather [hbm4b:s4+s3], $0x50, $0x38;
	[tilespmem:$0x1E300] =	vst v63  }
0x2c5: {  	_ =	swait.ge [sflag:s24], $0x50  }
0x2c6: {  	[sflag:s24] =	ssyncset.done $0x0  }
0x2c7: {  	s23 =	simm.s32 $0x180;
	[sflag:s24] =	ssyncadd.s32 $0xFFFFFFB0  }
0x2c8: {  	[tilespmem:s23], [sflag:$0x3] =	stream.linear.gather [hbm4b:s5+s3], $0x50, $0x38;
	[tilespmem:$0x1E300] =	vst v63  }
0x2c9: {  	_ =	swait.ge [sflag:s24], $0x50  }
0x2ca: {  	[sflag:s24] =	ssyncset.done $0x0  }
0x2cb: {  	[sflag:s24] =	ssyncadd.s32 $0xFFFFFFB0  }
0x2cc: {  	v3 =	vld [tilespmem:$0x180];
	_ =	sdelay $0x4  }
0x2cd: {  	v4 =	vshll.u32 v3, $0x1  }
0x2ce: {  	v3 =	vand.u32 $0x7, v3;
	v4 =	vand.u32 $0xFFFFFFF0, v4  }
0x2cf: {  	v3 =	vor.u32 v3, v4  }
0x2d0: {  	v4 =	vperm.xlane v3, v0;
	_ =	sdelay $0x1  }
0x2d1: {  	v3 =	vperm.xlane v3, v2;
	v4 =	vadd.s32 v1, v4;
	_ =	sdelay $0x1  }
0x2d2: {  	v3 =	vadd.s32 v1, v3;
	_ =	sdelay $0x2  }
0x2d3: {  	[tilespmem:s16], [sflag:$0x2] =	stream.indirect_vreg.gather [hbm4b:s6+s3], $0x80, v4, vm0, $0xb8;
	[tilespmem:$0x1E300] =	vst v63  }
0x2d4: {  	s18 =	simm.s32 $0xFB00  }
0x2d5: {  	[tilespmem:s18], [sflag:$0x2] =	stream.indirect_vreg.gather [hbm4b:s6+s3], $0x80, v3, vm0, $0xb8;
	[tilespmem:$0x1E300] =	vst v63  }
0x2d6: {  	v3 =	vld [tilespmem:$0x190];
	_ =	sdelay $0x4  }
0x2d7: {  	v50 =	vshll.u32 v3, $0x1  }
0x2d8: {  	v3 =	vand.u32 $0x7, v3;
	v4 =	vand.u32 $0xFFFFFFF0, v50  }
0x2d9: {  	v3 =	vor.u32 v3, v4  }
0x2da: {  	v4 =	vperm.xlane v3, v0;
	_ =	sdelay $0x1  }
0x2db: {  	v3 =	vperm.xlane v3, v2;
	v4 =	vadd.s32 v1, v4;
	_ =	sdelay $0x1  }
0x2dc: {  	v3 =	vadd.s32 v1, v3;
	_ =	sdelay $0x1  }
0x2dd: {  	s19 =	simm.s32 $0x10300  }
0x2de: {  	[tilespmem:s19], [sflag:$0x2] =	stream.indirect_vreg.gather [hbm4b:s6+s3], $0x80, v4, vm0, $0xb8;
	[tilespmem:$0x1E300] =	vst v63  }
0x2df: {  	s23 =	simm.s32 $0x10B00  }
0x2e0: {  	[tilespmem:s23], [sflag:$0x2] =	stream.indirect_vreg.gather [hbm4b:s6+s3], $0x80, v3, vm0, $0xb8;
	[tilespmem:$0x1E300] =	vst v63  }
0x2e1: {  	v3 =	vld [tilespmem:$0x1A0];
	_ =	sdelay $0x4  }
0x2e2: {  	v51 =	vshll.u32 v3, $0x1  }
0x2e3: {  	v3 =	vand.u32 $0x7, v3;
	v4 =	vand.u32 $0xFFFFFFF0, v51  }
0x2e4: {  	v3 =	vor.u32 v3, v4  }
0x2e5: {  	v4 =	vperm.xlane v3, v0;
	_ =	sdelay $0x1  }
0x2e6: {  	v3 =	vperm.xlane v3, v2;
	v4 =	vadd.s32 v1, v4;
	_ =	sdelay $0x1  }
0x2e7: {  	v3 =	vadd.s32 v1, v3;
	_ =	sdelay $0x1  }
0x2e8: {  	s18 =	simm.s32 $0x11300  }
0x2e9: {  	[tilespmem:s18], [sflag:$0x2] =	stream.indirect_vreg.gather [hbm4b:s6+s3], $0x80, v4, vm0, $0xb8;
	[tilespmem:$0x1E300] =	vst v63  }
0x2ea: {  	s19 =	simm.s32 $0x11B00  }
0x2eb: {  	[tilespmem:s19], [sflag:$0x2] =	stream.indirect_vreg.gather [hbm4b:s6+s3], $0x80, v3, vm0, $0xb8;
	[tilespmem:$0x1E300] =	vst v63  }
0x2ec: {  	v3 =	vld [tilespmem:$0x1B0];
	_ =	sdelay $0x4  }
0x2ed: {  	v52 =	vshll.u32 v3, $0x1  }
0x2ee: {  	v3 =	vand.u32 $0x7, v3;
	v4 =	vand.u32 $0xFFFFFFF0, v52  }
0x2ef: {  	v3 =	vor.u32 v3, v4  }
0x2f0: {  	v4 =	vperm.xlane v3, v0;
	_ =	sdelay $0x1  }
0x2f1: {  	v3 =	vperm.xlane v3, v2;
	v4 =	vadd.s32 v1, v4;
	_ =	sdelay $0x1  }
0x2f2: {  	v3 =	vadd.s32 v1, v3;
	_ =	sdelay $0x1  }
0x2f3: {  	s23 =	simm.s32 $0x12300  }
0x2f4: {  	[tilespmem:s23], [sflag:$0x2] =	stream.indirect_vreg.gather [hbm4b:s6+s3], $0x80, v4, vm0, $0xb8;
	[tilespmem:$0x1E300] =	vst v63  }
0x2f5: {  	s18 =	simm.s32 $0x12B00  }
0x2f6: {  	[tilespmem:s18], [sflag:$0x2] =	stream.indirect_vreg.gather [hbm4b:s6+s3], $0x80, v3, vm0, $0xb8;
	[tilespmem:$0x1E300] =	vst v63  }
0x2f7: {  	v3 =	vld [tilespmem:$0x1C0];
	_ =	sdelay $0x4  }
0x2f8: {  	v53 =	vshll.u32 v3, $0x1  }
0x2f9: {  	v3 =	vand.u32 $0x7, v3;
	v4 =	vand.u32 $0xFFFFFFF0, v53  }
0x2fa: {  	v3 =	vor.u32 v3, v4  }
0x2fb: {  	v4 =	vperm.xlane v3, v0;
	_ =	sdelay $0x1  }
0x2fc: {  	v3 =	vperm.xlane v3, v2;
	v4 =	vadd.s32 v1, v4;
	_ =	sdelay $0x1  }
0x2fd: {  	v3 =	vadd.s32 v1, v3;
	_ =	sdelay $0x1  }
0x2fe: {  	s19 =	simm.s32 $0x13300  }
0x2ff: {  	[tilespmem:s19], [sflag:$0x2] =	stream.indirect_vreg.gather [hbm4b:s6+s3], $0x80, v4, vm0, $0xb8;
	[tilespmem:$0x1E300] =	vst v63  }
0x300: {  	s23 =	simm.s32 $0x13B00  }
0x301: {  	[tilespmem:s23], [sflag:$0x2] =	stream.indirect_vreg.gather [hbm4b:s6+s3], $0x80, v3, vm0, $0xb8;
	[tilespmem:$0x1E300] =	vst v63  }
0x302: {  	v3 =	vld [tilespmem:$0x100];
	_ =	sdelay $0x4  }
0x303: {  	v54 =	vshll.u32 v3, $0x1  }
0x304: {  	v3 =	vand.u32 $0x7, v3;
	v4 =	vand.u32 $0xFFFFFFF0, v54  }
0x305: {  	v3 =	vor.u32 v3, v4  }
0x306: {  	v4 =	vperm.xlane v3, v0;
	_ =	sdelay $0x1  }
0x307: {  	v3 =	vperm.xlane v3, v2;
	v4 =	vadd.s32 v1, v4;
	_ =	sdelay $0x1  }
0x308: {  	v3 =	vadd.s32 v1, v3;
	_ =	sdelay $0x2  }
0x309: {  	[tilespmem:s14], [sflag:$0x2] =	stream.indirect_vreg.gather [hbm4b:s7+s3], $0x80, v4, vm0, $0xb8;
	[tilespmem:$0x1E300] =	vst v63  }
0x30a: {  	s18 =	simm.s32 $0x14B00  }
0x30b: {  	[tilespmem:s18], [sflag:$0x2] =	stream.indirect_vreg.gather [hbm4b:s7+s3], $0x80, v3, vm0, $0xb8;
	[tilespmem:$0x1E300] =	vst v63  }
0x30c: {  	v3 =	vld [tilespmem:$0x110];
	_ =	sdelay $0x4  }
0x30d: {  	v55 =	vshll.u32 v3, $0x1  }
0x30e: {  	v3 =	vand.u32 $0x7, v3;
	v4 =	vand.u32 $0xFFFFFFF0, v55  }
0x30f: {  	v3 =	vor.u32 v3, v4  }
0x310: {  	v4 =	vperm.xlane v3, v0;
	_ =	sdelay $0x1  }
0x311: {  	v3 =	vperm.xlane v3, v2;
	v4 =	vadd.s32 v1, v4;
	_ =	sdelay $0x1  }
0x312: {  	v3 =	vadd.s32 v1, v3;
	_ =	sdelay $0x1  }
0x313: {  	s19 =	simm.s32 $0x15300  }
0x314: {  	[tilespmem:s19], [sflag:$0x2] =	stream.indirect_vreg.gather [hbm4b:s7+s3], $0x80, v4, vm0, $0xb8;
	[tilespmem:$0x1E300] =	vst v63  }
0x315: {  	s23 =	simm.s32 $0x15B00  }
0x316: {  	[tilespmem:s23], [sflag:$0x2] =	stream.indirect_vreg.gather [hbm4b:s7+s3], $0x80, v3, vm0, $0xb8;
	[tilespmem:$0x1E300] =	vst v63  }
0x317: {  	v3 =	vld [tilespmem:$0x120];
	_ =	sdelay $0x4  }
0x318: {  	v56 =	vshll.u32 v3, $0x1  }
0x319: {  	v3 =	vand.u32 $0x7, v3;
	v4 =	vand.u32 $0xFFFFFFF0, v56  }
0x31a: {  	v3 =	vor.u32 v3, v4  }
0x31b: {  	v4 =	vperm.xlane v3, v0;
	_ =	sdelay $0x1  }
0x31c: {  	v3 =	vperm.xlane v3, v2;
	v4 =	vadd.s32 v1, v4;
	_ =	sdelay $0x1  }
0x31d: {  	v3 =	vadd.s32 v1, v3;
	_ =	sdelay $0x1  }
0x31e: {  	s18 =	simm.s32 $0x16300  }
0x31f: {  	[tilespmem:s18], [sflag:$0x2] =	stream.indirect_vreg.gather [hbm4b:s7+s3], $0x80, v4, vm0, $0xb8;
	[tilespmem:$0x1E300] =	vst v63  }
0x320: {  	s19 =	simm.s32 $0x16B00  }
0x321: {  	[tilespmem:s19], [sflag:$0x2] =	stream.indirect_vreg.gather [hbm4b:s7+s3], $0x80, v3, vm0, $0xb8;
	[tilespmem:$0x1E300] =	vst v63  }
0x322: {  	v3 =	vld [tilespmem:$0x130];
	_ =	sdelay $0x4  }
0x323: {  	v57 =	vshll.u32 v3, $0x1  }
0x324: {  	v3 =	vand.u32 $0x7, v3;
	v4 =	vand.u32 $0xFFFFFFF0, v57  }
0x325: {  	v3 =	vor.u32 v3, v4  }
0x326: {  	v4 =	vperm.xlane v3, v0;
	_ =	sdelay $0x1  }
0x327: {  	v3 =	vperm.xlane v3, v2;
	v4 =	vadd.s32 v1, v4;
	_ =	sdelay $0x1  }
0x328: {  	v3 =	vadd.s32 v1, v3;
	_ =	sdelay $0x1  }
0x329: {  	s23 =	simm.s32 $0x17300  }
0x32a: {  	[tilespmem:s23], [sflag:$0x2] =	stream.indirect_vreg.gather [hbm4b:s7+s3], $0x80, v4, vm0, $0xb8;
	[tilespmem:$0x1E300] =	vst v63  }
0x32b: {  	s18 =	simm.s32 $0x17B00  }
0x32c: {  	[tilespmem:s18], [sflag:$0x2] =	stream.indirect_vreg.gather [hbm4b:s7+s3], $0x80, v3, vm0, $0xb8;
	[tilespmem:$0x1E300] =	vst v63  }
0x32d: {  	v3 =	vld [tilespmem:$0x140];
	_ =	sdelay $0x4  }
0x32e: {  	v58 =	vshll.u32 v3, $0x1  }
0x32f: {  	v3 =	vand.u32 $0x7, v3;
	v4 =	vand.u32 $0xFFFFFFF0, v58  }
0x330: {  	v3 =	vor.u32 v3, v4  }
0x331: {  	v4 =	vperm.xlane v3, v0;
	_ =	sdelay $0x1  }
0x332: {  	v3 =	vperm.xlane v3, v2;
	v4 =	vadd.s32 v1, v4;
	_ =	sdelay $0x1  }
0x333: {  	v3 =	vadd.s32 v1, v3;
	_ =	sdelay $0x1  }
0x334: {  	s19 =	simm.s32 $0x18300  }
0x335: {  	[tilespmem:s19], [sflag:$0x2] =	stream.indirect_vreg.gather [hbm4b:s7+s3], $0x80, v4, vm0, $0xb8;
	[tilespmem:$0x1E300] =	vst v63  }
0x336: {  	s23 =	simm.s32 $0x18B00  }
0x337: {  	[tilespmem:s23], [sflag:$0x2] =	stream.indirect_vreg.gather [hbm4b:s7+s3], $0x80, v3, vm0, $0xb8;
	[tilespmem:$0x1E300] =	vst v63  }
0x338: {  	v3 =	vld [tilespmem:$0x100];
	_ =	sdelay $0x4  }
0x339: {  	v59 =	vshll.u32 v3, $0x1  }
0x33a: {  	v3 =	vand.u32 $0x7, v3;
	v4 =	vand.u32 $0xFFFFFFF0, v59  }
0x33b: {  	v3 =	vor.u32 v3, v4  }
0x33c: {  	v4 =	vperm.xlane v3, v0;
	_ =	sdelay $0x1  }
0x33d: {  	v3 =	vperm.xlane v3, v2;
	v4 =	vadd.s32 v1, v4;
	_ =	sdelay $0x1  }
0x33e: {  	v3 =	vadd.s32 v1, v3;
	_ =	sdelay $0x2  }
0x33f: {  	[tilespmem:s17], [sflag:$0x2] =	stream.indirect_vreg.gather [hbm4b:s1+s3], $0x80, v4, vm0, $0xb8;
	[tilespmem:$0x1E300] =	vst v63  }
0x340: {  	s18 =	simm.s32 $0x19B00  }
0x341: {  	[tilespmem:s18], [sflag:$0x2] =	stream.indirect_vreg.gather [hbm4b:s1+s3], $0x80, v3, vm0, $0xb8;
	[tilespmem:$0x1E300] =	vst v63  }
0x342: {  	v3 =	vld [tilespmem:$0x110];
	_ =	sdelay $0x4  }
0x343: {  	v60 =	vshll.u32 v3, $0x1  }
0x344: {  	v3 =	vand.u32 $0x7, v3;
	v4 =	vand.u32 $0xFFFFFFF0, v60  }
0x345: {  	v3 =	vor.u32 v3, v4  }
0x346: {  	v4 =	vperm.xlane v3, v0;
	_ =	sdelay $0x1  }
0x347: {  	v3 =	vperm.xlane v3, v2;
	v4 =	vadd.s32 v1, v4;
	_ =	sdelay $0x1  }
0x348: {  	v3 =	vadd.s32 v1, v3;
	_ =	sdelay $0x1  }
0x349: {  	s19 =	simm.s32 $0x1A300  }
0x34a: {  	[tilespmem:s19], [sflag:$0x2] =	stream.indirect_vreg.gather [hbm4b:s1+s3], $0x80, v4, vm0, $0xb8;
	[tilespmem:$0x1E300] =	vst v63  }
0x34b: {  	s23 =	simm.s32 $0x1AB00  }
0x34c: {  	[tilespmem:s23], [sflag:$0x2] =	stream.indirect_vreg.gather [hbm4b:s1+s3], $0x80, v3, vm0, $0xb8;
	[tilespmem:$0x1E300] =	vst v63  }
0x34d: {  	v3 =	vld [tilespmem:$0x120];
	_ =	sdelay $0x4  }
0x34e: {  	v61 =	vshll.u32 v3, $0x1  }
0x34f: {  	v3 =	vand.u32 $0x7, v3;
	v4 =	vand.u32 $0xFFFFFFF0, v61  }
0x350: {  	v3 =	vor.u32 v3, v4  }
0x351: {  	v4 =	vperm.xlane v3, v0;
	_ =	sdelay $0x1  }
0x352: {  	v3 =	vperm.xlane v3, v2;
	v4 =	vadd.s32 v1, v4;
	_ =	sdelay $0x1  }
0x353: {  	v3 =	vadd.s32 v1, v3;
	_ =	sdelay $0x2  }
0x354: {  	[tilespmem:s29], [sflag:$0x2] =	stream.indirect_vreg.gather [hbm4b:s1+s3], $0x80, v4, vm0, $0xb8;
	[tilespmem:$0x1E300] =	vst v63  }
0x355: {  	_ = 	snop  }
0x356: {  	[tilespmem:s30], [sflag:$0x2] =	stream.indirect_vreg.gather [hbm4b:s1+s3], $0x80, v3, vm0, $0xb8;
	[tilespmem:$0x1E300] =	vst v63  }
0x357: {  	v3 =	vld [tilespmem:$0x130];
	_ =	sdelay $0x4  }
0x358: {  	v62 =	vshll.u32 v3, $0x1  }
0x359: {  	v3 =	vand.u32 $0x7, v3;
	v4 =	vand.u32 $0xFFFFFFF0, v62  }
0x35a: {  	v3 =	vor.u32 v3, v4  }
0x35b: {  	v4 =	vperm.xlane v3, v0;
	_ =	sdelay $0x1  }
0x35c: {  	v3 =	vperm.xlane v3, v2;
	v4 =	vadd.s32 v1, v4;
	_ =	sdelay $0x1  }
0x35d: {  	v3 =	vadd.s32 v1, v3;
	_ =	sdelay $0x2  }
0x35e: {  	[tilespmem:s31], [sflag:$0x2] =	stream.indirect_vreg.gather [hbm4b:s1+s3], $0x80, v4, vm0, $0xb8;
	[tilespmem:$0x1E300] =	vst v63  }
0x35f: {  	_ = 	snop  }
0x360: {  	[tilespmem:s12], [sflag:$0x2] =	stream.indirect_vreg.gather [hbm4b:s1+s3], $0x80, v3, vm0, $0xb8;
	[tilespmem:$0x1E300] =	vst v63  }
0x361: {  	v3 =	vld [tilespmem:$0x140];
	_ =	sdelay $0x4  }
0x362: {  	v63 =	vshll.u32 v3, $0x1  }
0x363: {  	v3 =	vand.u32 $0x7, v3;
	v4 =	vand.u32 $0xFFFFFFF0, v63  }
0x364: {  	v3 =	vor.u32 v3, v4  }
0x365: {  	v4 =	vperm.xlane v3, v0;
	_ =	sdelay $0x1  }
0x366: {  	v3 =	vperm.xlane v3, v2;
	v4 =	vadd.s32 v1, v4;
	_ =	sdelay $0x1  }
0x367: {  	v3 =	vadd.s32 v1, v3  }
.Ltmp4:
0x368: {  	_ = 	snop;
	(pc) =	sbr.rel .LBB2_2-.Ltmp4, $4  }
0x369: {  	s9 =	sadd.s32 $0x1400, s9  }
0x36a: {  	[tilespmem:s13], [sflag:$0x2] =	stream.indirect_vreg.gather [hbm4b:s1+s3], $0x80, v4, vm0, $0xb8;
	[tilespmem:$0x1E300] =	vst v63  }
0x36b: {  	s8 =	sadd.s32 $0xA0, s8;
	s4 =	sadd.s32 $0x14, s4;
	s5 =	sadd.s32 $0x14, s5  }
0x36c: {  	[tilespmem:s15], [sflag:$0x2] =	stream.indirect_vreg.gather [hbm4b:s1+s3], $0x80, v3, vm0, $0xb8;
	[tilespmem:$0x1E300] =	vst v63  }
.LBB2_7:
0x36d: {  	_ =	sfence.sel $0x180000  }
0x36e: {  	[bflag:$0x0] =	sbarrier.arrive $0xFFFF  }
0x36f: {  	_ =	strace $0x90000047  }
0x370: {  	s0 =	stileid.u32;
	[bflag:$0x2] =	sbarrier.arrive $0xFFFF  }
0x371: {  	p0 =	sne.s32 s0, $0x0;
	s0 =	rddreg [dreg:$0x2]  }
0x372: {  	s0 =	sadd.s32 @!p0 $0x100000, s0  }
0x373: {  	[sflag:s0] =	ssyncadd.tile.s32 @!p0 $0x1;
	_ =	shalt  }
.Lfunc_end2:
_tile_overlayer_lowered:
.L_overlay_start_2:
0x374: {  	(tag) =	ssettag $0x2  }
0x375: {  	s0 =	rddreg [dreg:$0x0];
	s2 =	stileid.u32  }
0x376: {  	s1 =	rddreg [dreg:$0x1];
	p0 =	sne.s32 s2, $0x0  }
0x377: {  	s3 =	rddreg [dreg:$0x2];
	[bflag:$0x3] =	sbarrier.arrive $0xFFFF;
	s2 =	simm.s32 @!p0 $0x1C03  }
0x378: {  	[timem:s3], [sflag:s2] =	dma.local @!p0 [hbm:s0], s1  }
0x379: {  	s0 =	simm.s32 @!p0 $0x3  }
0x37a: {  	_ =	swait.ge @!p0 [sflag:s0], s1  }
0x37b: {  	s1 =	ssub.s32 @!p0 $0x0, s1;
	[sflag:s0] =	ssyncset.done @!p0 $0x0  }
0x37c: {  	[sflag:s0] =	ssyncadd.s32 @!p0 s1  }
0x37d: {  	[bflag:$0x3] =	sbarrier.arrive $0xFFFF  }
0x37e: {  	_ =	shalt  }

// kernel: kernel.13.cloned.1.call-start
scs
__scs_entry_jumppad:
0x0: {  	(pc) =	sbr.rel $0x88, $3  }
0x1: {  	(tag) =	ssettag $0x0;
	lr =	simm.s32 $0x1  }
0x2: {  	[smem:$0x3F86] =	sst lr;
	_ =	strace $0xD0000000  }
0x3: {  	_ = 	snop  }
0x4: {  	_ = 	snop  }
0x5: {  	_ = 	snop  }
0x6: {  	_ = 	snop  }
0x7: {  	_ = 	snop  }
__scs_overlays_trampoline_lowered:
0x8: {  	[smem:$0x3F95] =	sst s0  }
0x9: {  	[smem:$0x3F96] =	sst s1  }
0xa: {  	[smem:$0x3F97] =	sst s2  }
0xb: {  	[smem:$0x3F98] =	sst s3  }
0xc: {  	[smem:$0x3F99] =	sst s4  }
0xd: {  	[smem:$0x3F9A] =	sst s5  }
0xe: {  	[smem:$0x3F9B] =	sst s6  }
0xf: {  	[smem:$0x3F9C] =	sst s7  }
0x10: {  	[smem:$0x3F9D] =	sst s8  }
0x11: {  	[smem:$0x3F9E] =	sst s9;
	s0 =	simm.s32 @!p0 $0x0  }
0x12: {  	s1 =	sld [smem:$0x3F84];
	s0 =	simm.s32 @p0 $0x1  }
0x13: {  	[smem:$0x3F9F] =	sst s0;
	s0 =	simm.s32 @!p1 $0x0  }
0x14: {  	s2 =	sld [smem:$0x3F83];
	s0 =	simm.s32 @p1 $0x1  }
0x15: {  	[smem:$0x3FA0] =	sst s0;
	s0 =	simm.s32 @!p2 $0x0  }
0x16: {  	s3 =	sld [smem:$0x3FDB];
	s0 =	simm.s32 @p2 $0x1  }
0x17: {  	s4 =	simm.s32 $0x1BF5;
	[smem:$0x3FA2] =	sst s0  }
0x18: {  	s0 =	sld [smem:$0x3F85];
	_ =	swait.ge [sflag:s4], $0x0  }
0x19: {  	s7 =	sld [smem:$0x3F86]  }
0x1a: {  	s8 =	sadd.s32 $0xFFFFE003, lr  }
0x1b: {  	s9 =	sadd.s32 $0xFFFFFEF7, lr;
	s5 =	simm.s32 $0xFFFFFFFF;
	p2 =	slt.u32 s8, $0xFFFFF086  }
0x1c: {  	p1 =	slt.u32 s9, $0xF7A;
	s5 =	simm.s32 @!p2 $0x0  }
0x1d: {  	s5 =	simm.s32 @p1 $0x1;
	p0 =	seq.s32 s7, s2  }
0x1e: {  	s7 =	smul.u32 @!p0 $0xF7A, s2;
	p2 =	seq.s32 @!p0 s5, $0x0  }
0x1f: {  	s9 =	smul.u32 $0xF7A, s1;
	s8 =	simm.s32 @!p0 $0x1BF5;
	p2 =	por !p2, p0  }
0x20: {  	[sflag:s8] =	ssyncset.s32 @!p0 $0xFFFFF086;
	s6 =	sadd.s32 @!p0 s3, s7;
	s7 =	simm.s32 @!p0 $0x108  }
0x21: {  	s3 =	sadd.s32 s3, s9;
	s6 =	sadd.s32 @!p0 $0x88, s6;
	s7 =	simm.s32 @p2 $0x1082  }
0x22: {  	[simem:s7], [sflag:s8] =	dma.local @!p0 [hbm:s6], $0xF7A  }
0x23: {  	s9 =	sor.u32 $0xD0000000, s2;
	s6 =	simm.s32 $0x108;
	_ =	swait.ge @!p0 [sflag:s8], $0x0  }
0x24: {  	s3 =	sadd.s32 $0x88, s3;
	s6 =	simm.s32 @!p1 $0x1082;
	[sflag:s4] =	ssyncset.s32 $0xFFFFF086  }
0x25: {  	[simem:s6], [sflag:s4] =	dma.local [hbm:s3], $0xF7A  }
0x26: {  	[smem:$0x3F86] =	sst s1;
	(tag) =	ssettag s2;
	_ =	strace s9  }
0x27: {  	s1 =	sld [smem:$0x3F96]  }
0x28: {  	s2 =	sld [smem:$0x3F97]  }
0x29: {  	s4 =	sld [smem:$0x3F99]  }
0x2a: {  	p0 =	seq.s32 s5, $0x0;
	s5 =	sld [smem:$0x3F9A]  }
0x2b: {  	s6 =	sld [smem:$0x3F9B]  }
0x2c: {  	s7 =	sld [smem:$0x3F9C]  }
0x2d: {  	s3 =	simm.s32 $0x108;
	s8 =	sld [smem:$0x3F9D]  }
0x2e: {  	s3 =	simm.s32 @!p0 $0x1082;
	s9 =	sld [smem:$0x3F9E]  }
0x2f: {  	lr =	sadd.s32 s0, s3;
	s0 =	sld [smem:$0x3F95]  }
0x30: {  	s3 =	sld [smem:$0x3F98]  }
0x31: {  	[smem:$0x3FA1] =	sst s10  }
0x32: {  	s10 =	sld [smem:$0x3F9F];
	_ =	sdelay $0x3  }
0x33: {  	p0 =	seq.s32 s10, $0x1;
	s10 =	sld [smem:$0x3FA1];
	_ =	sdelay $0x3  }
0x34: {  	[smem:$0x3FA1] =	sst s10  }
0x35: {  	s10 =	sld [smem:$0x3FA0];
	_ =	sdelay $0x3  }
0x36: {  	p1 =	seq.s32 s10, $0x1;
	s10 =	sld [smem:$0x3FA1];
	_ =	sdelay $0x3  }
0x37: {  	[smem:$0x3FA1] =	sst s10  }
0x38: {  	s10 =	sld [smem:$0x3FA2]  }
0x39: {  	_ = 	snop;
	(pc) =	sbr.ind lr, $3  }
0x3a: {  	_ = 	snop  }
0x3b: {  	_ = 	snop  }
0x3c: {  	p2 =	seq.s32 s10, $0x1;
	s10 =	sld [smem:$0x3FA1]  }
0x3d: {  	_ =	shalt  }
0x3e: {  	_ =	shalt  }
0x3f: {  	_ =	shalt  }
0x40: {  	_ =	shalt  }
0x41: {  	_ =	shalt  }
0x42: {  	_ =	shalt  }
0x43: {  	_ =	shalt  }
0x44: {  	_ =	shalt  }
0x45: {  	_ =	shalt  }
0x46: {  	_ =	shalt  }
0x47: {  	_ =	shalt  }
0x48: {  	_ =	shalt  }
0x49: {  	_ =	shalt  }
0x4a: {  	_ =	shalt  }
0x4b: {  	_ =	shalt  }
0x4c: {  	_ =	shalt  }
0x4d: {  	_ =	shalt  }
0x4e: {  	_ =	shalt  }
0x4f: {  	_ =	shalt  }
0x50: {  	_ =	shalt  }
0x51: {  	_ =	shalt  }
0x52: {  	_ =	shalt  }
0x53: {  	_ =	shalt  }
0x54: {  	_ =	shalt  }
0x55: {  	_ =	shalt  }
0x56: {  	_ =	shalt  }
0x57: {  	_ =	shalt  }
0x58: {  	_ =	shalt  }
0x59: {  	_ =	shalt  }
0x5a: {  	_ =	shalt  }
0x5b: {  	_ =	shalt  }
0x5c: {  	_ =	shalt  }
0x5d: {  	_ =	shalt  }
0x5e: {  	_ =	shalt  }
0x5f: {  	_ =	shalt  }
0x60: {  	_ =	shalt  }
0x61: {  	_ =	shalt  }
0x62: {  	_ =	shalt  }
0x63: {  	_ =	shalt  }
0x64: {  	_ =	shalt  }
0x65: {  	_ =	shalt  }
0x66: {  	_ =	shalt  }
0x67: {  	_ =	shalt  }
0x68: {  	_ =	shalt  }
0x69: {  	_ =	shalt  }
0x6a: {  	_ =	shalt  }
0x6b: {  	_ =	shalt  }
0x6c: {  	_ =	shalt  }
0x6d: {  	_ =	shalt  }
0x6e: {  	_ =	shalt  }
0x6f: {  	_ =	shalt  }
0x70: {  	_ =	shalt  }
0x71: {  	_ =	shalt  }
0x72: {  	_ =	shalt  }
0x73: {  	_ =	shalt  }
0x74: {  	_ =	shalt  }
0x75: {  	_ =	shalt  }
0x76: {  	_ =	shalt  }
0x77: {  	_ =	shalt  }
0x78: {  	_ =	shalt  }
0x79: {  	_ =	shalt  }
0x7a: {  	_ =	shalt  }
0x7b: {  	_ =	shalt  }
0x7c: {  	_ =	shalt  }
0x7d: {  	_ =	shalt  }
0x7e: {  	_ =	shalt  }
0x7f: {  	_ =	shalt  }
0x80: {  	_ =	shalt  }
0x81: {  	_ =	shalt  }
0x82: {  	_ =	shalt  }
0x83: {  	_ =	shalt  }
0x84: {  	_ =	shalt  }
0x85: {  	_ =	shalt  }
0x86: {  	_ =	shalt  }
0x87: {  	_ =	shalt  }
.Lfunc_end0:
.L_simem_size_0:
called_computation.1_lowered:
.L_overlay_start_0:
0x88: {  	s2 =	sld [smem:$0x3FD9]  }
0x89: {  	s3 =	sld [smem:$0x3FFE];
	_ =	sdelay $0x1  }
0x8a: {  	s1 =	srdreg.scid  }
0x8b: {  	s0 =	sand.u32 $0x1, s1  }
0x8c: {  	s17 =	sshll.u32 s0, $0xA;
	s2 =	sadd.s32 s3, s2  }
0x8d: {  	s2 =	sadd.s32 s2, s17  }
0x8e: {  	[smem:$0x3FAD] =	sst s2  }
0x8f: {  	_ = 	snop  }
0x90: {  	(tm) =	ssettm $0x1  }
0x91: {  	s18 =	sld [smem:$0x3FFB];
	_ =	sdelay $0x3  }
0x92: {  	_ =	strace s18  }
0x93: {  	s2 =	sld [smem:$0x3FFC];
	_ =	sdelay $0x3  }
0x94: {  	_ =	strace s2  }
0x95: {  	s2 =	sld [smem:$0x3FFD];
	_ =	sdelay $0x3  }
0x96: {  	_ =	strace s2  }
0x97: {  	_ =	strace $0x8FFFFFFF  }
0x98: {  	s19 =	sld [smem:$0x3FDB];
	_ =	sdelay $0x1  }
0x99: {  	s20 =	simm.s32 $_scs_section_size  }
0x9a: {  	s4 =	simm.s32 $_size__tile_overlayer_lowered;
	s5 =	simm.s32 $_tile_overlayer_lowered  }
0x9b: {  	s6 =	simm.s32 $0x1BFF;
	s21 =	sshll.u32 s5, $0x1;
	s3 =	sadd.s32 s20, s19  }
0x9c: {  	s22 =	simm.s32 $0x0;
	s4 =	sshll.u32 s4, $0x1;
	s5 =	sadd.s32 s21, s3  }
0x9d: {  	[timem:s22], [sflag:s6] =	dma.local [hbm:s5], s4  }
0x9e: {  	_ =	swait.ge [sflag:s6], s4  }
0x9f: {  	s4 =	ssub.s32 $0x0, s4;
	[sflag:s6] =	ssyncset.done $0x0  }
0xa0: {  	[sflag:s6] =	ssyncadd.s32 s4;
	_ =	sdelay $0x1  }
0xa1: {  	s23 =	simm.s32 $0x1B8B  }
0xa2: {  	_ =	swait.ge [sflag:s23], $0x1  }
0xa3: {  	[sflag:s23] =	ssyncset.done $0x0  }
0xa4: {  	[sflag:s23] =	ssyncadd.s32 $0xFFFFFFFF  }
0xa5: {  	s4 =	sld [smem:$0x0]  }
0xa6: {  	s5 =	sand.u32 $0xFFFFFFFE, s1  }
0xa7: {  	p0 =	sne.s32 s1, s5  }
0xa8: {  	s5 =	sshll.u32 @p0 s5, $0xE  }
0xa9: {  	s5 =	sadd.s32 @p0 $0x11B8D, s5;
	s6 =	sshll.u32 @p0 s4, $0x11  }
0xaa: {  	s5 =	sor.u32 @p0 s6, s5  }
0xab: {  	[sflag:s5] =	ssyncadd.remote.s32 @p0 $0x1;
	_ =	sdelay $0x1  }
0xac: {  	s5 =	simm.s32 @p0 $0x1B8D  }
0xad: {  	_ =	swait.eq @p0 [sflag:s5], $0x1  }
0xae: {  	[sflag:s5] =	ssyncadd.s32 @p0 $0xFFFFFFFF  }
0xaf: {  	s6 =	sshll.u32 @!p0 s1, $0xE  }
0xb0: {  	s6 =	sor.u32 @!p0 $0x4000, s6;
	s5 =	simm.s32 @!p0 $0x1B8D  }
0xb1: {  	s4 =	sshll.u32 @!p0 s4, $0x11;
	s6 =	sadd.s32 @!p0 $0x11B8D, s6;
	_ =	swait.eq @!p0 [sflag:s5], $0x1  }
0xb2: {  	s4 =	sor.u32 @!p0 s4, s6;
	[sflag:s5] =	ssyncadd.s32 @!p0 $0xFFFFFFFF  }
0xb3: {  	s25 =	simm.s32 $0x1B8E;
	s24 =	sld [smem:$0x3FFE];
	[sflag:s4] =	ssyncadd.remote.s32 @!p0 $0x1  }
0xb4: {  	s26 =	simm.s32 $execute0_lowered;
	[smem:$0x3FD2] =	sst s25  }
0xb5: {  	s5 =	sshll.u32 s26, $0x1;
	_ =	strace $0x8000004C;
	[dreg:$0x1] =	wrdreg $0xFFFFFFFF  }
0xb6: {  	s28 =	simm.s32 $_size_execute0_lowered;
	s3 =	sadd.s32 s3, s5;
	[dreg:$0x0] =	wrdreg $0x0  }
0xb7: {  	s5 =	sshll.u32 s28, $0x1;
	[dreg:$0x2] =	wrdreg s3  }
0xb8: {  	[dreg:$0x3] =	wrdreg s5  }
0xb9: {  	[dreg:$0x4] =	wrdreg $0xC0  }
0xba: {  	_ =	task [dreg:s22], $0x5FFFF  }
0xbb: {  	[dreg:$0x1] =	wrdreg $0xFFFFFFFF  }
0xbc: {  	[dreg:$0x0] =	wrdreg $0x60  }
0xbd: {  	[dreg:$0x2] =	wrdreg s24  }
0xbe: {  	[dreg:$0x3] =	wrdreg $0xA8000  }
0xbf: {  	[dreg:$0x4] =	wrdreg $0xA  }
0xc0: {  	_ =	task.clear_ibuf [dreg:s22], $0x5FFFF;
	_ =	strace $0x9000004C  }
0xc1: {  	s29 =	simm.s32 $0xA;
	_ =	strace $0x8000004E  }
0xc2: {  	_ =	swait.ge [sflag:s29], $0x1  }
0xc3: {  	[sflag:s29] =	ssyncadd.s32 $0xFFFFFFFF  }
0xc4: {  	_ =	strace $0x9000004E  }
0xc5: {  	_ =	sfence  }
0xc6: {  	s30 =	sld [smem:$0x0];
	_ =	sdelay $0x2  }
0xc7: {  	s31 =	sshll.u32 s1, $0xD;
	s1 =	sshrl.u32 s1, $0x2  }
0xc8: {  	s4 =	sand.u32 $0x4000, s31;
	s1 =	sadd.s32 s1, s30  }
0xc9: {  	s0 =	sor.u32 s4, s0;
	s1 =	sshll.u32 s1, $0x11  }
0xca: {  	s0 =	sor.u32 s1, s0  }
0xcb: {  	s0 =	sadd.s32 $0x8F2B, s0  }
0xcc: {  	[sflag:s0] =	ssyncadd.remote.s32 $0x1  }
0xcd: {  	_ =	sfence.sel $0xFFFF  }
0xce: {  	[dreg:$0x0] =	wrdreg $0xFFFFFFFF;
	(pc) =	sbr.abs _section_cstart, $3  }
0xcf: {  	[dreg:$0x1] =	wrdreg $0xFFFFFFFF  }
0xd0: {  	_ =	task.clear_ibuf [dreg:s22], $0x2FFFF;
	_ =	strace $0x9FFFFFFF  }
0xd1: {  	(tm) =	ssettm $0x7FFFFFFF  }
tec
execute0_lowered:
.L_overlay_start_1:
0x0: {  	(tag) =	ssettag $0x1  }
0x1: {  	s0 =	rddreg [dreg:$0x0];
	s21 =	stileid.u32  }
0x2: {  	s2 =	rddreg [dreg:$0x1];
	s1 =	smul.u32 $0x500, s21  }
0x3: {  	s3 =	simm.s32 $0x0;
	s4 =	srdreg.scid;
	s5 =	smul.u32 $0x2700, s21  }
0x4: {  	s28 =	simm.s32 $0x2;
	[smem:$0x7FF] =	sst s3;
	s7 =	smul.u32 $0x4E000, s21  }
0x5: {  	s6 =	sand.u32 $0x1, s4;
	s4 =	sadd.s32 $0x1066E00, s0;
	s8 =	smul.u32 $0x140000, s21  }
0x6: {  	s15 =	sadd.s32 $0xAF600, s0;
	s12 =	smul.u32 $0x13800, s21;
	s13 =	sadd.s32 $0x12D00, s0  }
0x7: {  	p0 =	sne.s32 s21, $0xF;
	s21 =	simm.s32 $0x1FC3;
	s11 =	smul.u32 $0x1388000, s6  }
0x8: {  	s29 =	simm.s32 $0x0;
	_ =	strace $0x8000004D;
	s16 =	smul.u32 $0x138800, s6  }
0x9: {  	s9 =	ssub.s32 $0x2, s6;
	s6 =	smul.u32 $0x271000, s6;
	s1 =	sadd.s32 s1, s0  }
0xa: {  	s5 =	sadd.s32 s5, s0;
	s10 =	sshrl.u32 s9, $0x1;
	s7 =	sshrl.u32 s7, $0x2  }
0xb: {  	s17 =	ssub.s32 s9, s10;
	s7 =	sadd.s32 s7, s2;
	s19 =	sadd.s32 s8, s11  }
0xc: {  	s5 =	sadd.s32 $0xFF1A00, s5;
	s22 =	sadd.s32 s12, s16;
	s1 =	sadd.s32 $0xE200, s1  }
0xd: {  	s24 =	sshrl.u32 s11, $0x3;
	s11 =	sadd.s32 $0x124800, s2;
	[dreg:$0x3] =	wrdreg s7  }
0xe: {  	s12 =	sadd.s32 $0x1016300, s0;
	s25 =	sshrl.u32 s16, $0x3;
	[dreg:$0x4] =	wrdreg s5  }
0xf: {  	s31 =	sadd.s32 s6, s4;
	s20 =	sshrl.u32 s19, $0x3;
	[dreg:$0x5] =	wrdreg s1  }
0x10: {  	s23 =	sshrl.u32 s22, $0x3;
	s1 =	sadd.s32 s4, s24;
	s0 =	sadd.s32 s15, s25  }
0x11: {  	s26 =	sadd.s32 $0xC000, s19;
	s17 =	smax.u32 s17, $0x1;
	s19 =	sadd.s32 $0x8000, s19  }
.Ltmp0:
0x12: {  	s22 =	simm.s32 $0x3;
	s24 =	simm.s32 $0x6800;
	(pc) =	sbr.rel .LBB2_1-.Ltmp0, $4  }
0x13: {  	s25 =	simm.s32 $0x1;
	s8 =	sadd.s32 s4, s20;
	s10 =	sadd.s32 s15, s23  }
0x14: {  	s14 =	sadd.s32 $0x258000, s1;
	s15 =	sadd.s32 $0x258800, s1;
	s16 =	sadd.s32 $0x24900, s0  }
0x15: {  	s30 =	sshrl.u32 s26, $0x3;
	s20 =	sadd.s32 $0x259800, s31;
	s23 =	simm.s32 $0x2800  }
0x16: {  	s26 =	simm.s32 $0x80;
	s9 =	sadd.s32 $0x800, s8;
	s18 =	sadd.s32 s30, s4  }
.LBB2_7:
0x17: {  	[tilespmem:s24], [sflag:$0x2] =	stream.linear.gather [hbm4b:s6+s3], $0x4000, $0x38;
	[tilespmem:$0x1E080] =	vst v63  }
0x18: {  	_ =	swait.ge [sflag:s25], $0x4000  }
0x19: {  	[sflag:s25] =	ssyncset.done $0x0  }
0x1a: {  	s0 =	simm.s32 $0x2700;
	[sflag:s25] =	ssyncadd.s32 $0xFFFFC000  }
0x1b: {  	[spmem:s2] =	stream.indirect.scatter.add.f32 [tilespmem:s23], [sflag:$0x3], $0x80, s0, s26, $0xb8;
	[tilespmem:$0x1E080] =	vst v63  }
0x1c: {  	_ =	swait.ge [sflag:s22], $0x4000  }
0x1d: {  	[sflag:s22] =	ssyncset.done $0x0  }
0x1e: {  	[sflag:s22] =	ssyncadd.s32 $0xFFFFC000  }
0x1f: {  	_ =	swait.ge [sflag:s28], $0x4000  }
0x20: {  	[sflag:s28] =	ssyncset.done $0x0  }
0x21: {  	s7 =	simm.s32 $0x2780;
	[sflag:s28] =	ssyncadd.s32 $0xFFFFC000  }
0x22: {  	[spmem:s2] =	stream.indirect.scatter.add.f32 [tilespmem:s24], [sflag:$0x3], $0x80, s7, s26, $0xb8;
	[tilespmem:$0x1E080] =	vst v63  }
0x23: {  	_ =	swait.ge [sflag:s22], $0x4000  }
0x24: {  	[sflag:s22] =	ssyncset.done $0x0  }
0x25: {  	[sflag:s22] =	ssyncadd.s32 $0xFFFFC000  }
0x26: {  	[bflag:$0x0] =	sbarrier.arrive $0xFFFF  }
0x27: {  	[hbm:s10], [sflag:s30] =	dma.local [spmem:s31], $0x2700  }
0x28: {  	_ =	swait.ge [sflag:s22], $0x2700  }
0x29: {  	[sflag:s22] =	ssyncset.done $0x0  }
0x2a: {  	[sflag:s22] =	ssyncadd.s32 $0xFFFFD900  }
.LBB2_8:
0x2b: {  	s29 =	sadd.s32 $0x1, s29  }
0x2c: {  	p1 =	sne.s32 s29, s17  }
.Ltmp1:
0x2d: {  	_ = 	snop;
	(pc) =	sbr.rel @!p1 .LBB2_9-.Ltmp1, $1  }
0x2e: {  	_ =	sdelay $0x3  }
.LBB2_1:
.Ltmp2:
0x2f: {  	(pc) =	sbr.rel @p0 .LBB2_5-.Ltmp2, $1  }
0x30: {  	_ =	sdelay $0x3  }
0x31: {  	s30 =	sshrl.u32 s11, $0x3  }
0x32: {  	[spmem:s30], [sflag:s21] =	dma.local [hbm:s12], $0x2800  }
0x33: {  	_ =	swait.ge [sflag:s22], $0x2800  }
0x34: {  	[sflag:s22] =	ssyncset.done $0x0  }
0x35: {  	[sflag:s22] =	ssyncadd.s32 $0xFFFFD800  }
0x36: {  	s0 =	simm.s32 $0x0;
	[bflag:$0x0] =	sbarrier.arrive $0xFFFF  }
0x37: {  	[tilespmem:s0], [sflag:$0x3] =	stream.linear.gather [hbm4b:s13+s0], $0x1900, $0x38;
	[tilespmem:$0x1E080] =	vst v63  }
0x38: {  	_ =	swait.ge [sflag:s22], $0x1900  }
0x39: {  	[sflag:s22] =	ssyncset.done $0x0  }
0x3a: {  	[sflag:s22] =	ssyncadd.s32 $0xFFFFE700  }
0x3b: {  	[tilespmem:s23], [sflag:$0x1] =	stream.linear.gather [hbm4b:s14+s0], $0x4000, $0x38;
	[tilespmem:$0x1E080] =	vst v63  }
0x3c: {  	_ = 	snop  }
0x3d: {  	[tilespmem:s24], [sflag:$0x2] =	stream.linear.gather [hbm4b:s15+s0], $0x4000, $0x38;
	[tilespmem:$0x1E080] =	vst v63  }
0x3e: {  	_ =	swait.ge [sflag:s25], $0x4000  }
0x3f: {  	[sflag:s25] =	ssyncset.done $0x0  }
0x40: {  	s6 =	simm.s32 $0x0;
	[sflag:s25] =	ssyncadd.s32 $0xFFFFC000  }
0x41: {  	[spmem:s2] =	stream.indirect.scatter.add.f32 [tilespmem:s23], [sflag:$0x3], $0x80, s6, s26, $0xb8;
	[tilespmem:$0x1E080] =	vst v63  }
0x42: {  	_ =	swait.ge [sflag:s22], $0x4000  }
0x43: {  	[sflag:s22] =	ssyncset.done $0x0  }
0x44: {  	s7 =	sadd.s32 $0xFFFFF800, s20;
	[sflag:s22] =	ssyncadd.s32 $0xFFFFC000  }
0x45: {  	[tilespmem:s23], [sflag:$0x1] =	stream.linear.gather [hbm4b:s7+s3], $0x4000, $0x38;
	[tilespmem:$0x1E080] =	vst v63  }
0x46: {  	_ =	swait.ge [sflag:s28], $0x4000  }
0x47: {  	[sflag:s28] =	ssyncset.done $0x0  }
0x48: {  	s31 =	simm.s32 $0x80;
	[sflag:s28] =	ssyncadd.s32 $0xFFFFC000  }
0x49: {  	[spmem:s2] =	stream.indirect.scatter.add.f32 [tilespmem:s24], [sflag:$0x3], $0x80, s31, s26, $0xb8;
	[tilespmem:$0x1E080] =	vst v63  }
0x4a: {  	_ =	swait.ge [sflag:s22], $0x4000  }
0x4b: {  	s1 =	sadd.s32 $0x1000, s20;
	[sflag:s22] =	ssyncset.done $0x0  }
0x4c: {  	s5 =	smov.u32 s20;
	s0 =	simm.s32 $0x400;
	[sflag:s22] =	ssyncadd.s32 $0xFFFFC000  }
.LBB2_3:
0x4d: {  	[tilespmem:s24], [sflag:$0x2] =	stream.linear.gather [hbm4b:s5+s3], $0x4000, $0x38;
	[tilespmem:$0x1E080] =	vst v63  }
0x4e: {  	s6 =	smov.u32 s0;
	s5 =	smov.u32 s1  }
0x4f: {  	p1 =	sne.s32 s0, $0x5C00;
	s0 =	sadd.s32 $0x400, s0;
	_ =	swait.ge [sflag:s25], $0x4000  }
0x50: {  	[sflag:s25] =	ssyncset.done $0x0  }
0x51: {  	s6 =	sshra.s32 s6, $0x2;
	[sflag:s25] =	ssyncadd.s32 $0xFFFFC000  }
0x52: {  	[spmem:s2] =	stream.indirect.scatter.add.f32 [tilespmem:s23], [sflag:$0x3], $0x80, s6, s26, $0xb8;
	[tilespmem:$0x1E080] =	vst v63  }
0x53: {  	_ =	swait.ge [sflag:s22], $0x4000  }
0x54: {  	[sflag:s22] =	ssyncset.done $0x0  }
0x55: {  	s7 =	sadd.s32 $0xFFFFF800, s1;
	[sflag:s22] =	ssyncadd.s32 $0xFFFFC000  }
0x56: {  	[tilespmem:s23], [sflag:$0x1] =	stream.linear.gather [hbm4b:s7+s3], $0x4000, $0x38;
	[tilespmem:$0x1E080] =	vst v63  }
0x57: {  	_ =	swait.ge [sflag:s28], $0x4000  }
0x58: {  	[sflag:s28] =	ssyncset.done $0x0  }
.Ltmp3:
0x59: {  	s6 =	sadd.s32 $0x80, s6;
	[sflag:s28] =	ssyncadd.s32 $0xFFFFC000;
	(pc) =	sbr.rel @p1 .LBB2_3-.Ltmp3, $4  }
0x5a: {  	[spmem:s2] =	stream.indirect.scatter.add.f32 [tilespmem:s24], [sflag:$0x3], $0x80, s6, s26, $0xb8;
	[tilespmem:$0x1E080] =	vst v63  }
0x5b: {  	_ =	swait.ge [sflag:s22], $0x4000  }
0x5c: {  	[sflag:s22] =	ssyncset.done $0x0  }
0x5d: {  	s1 =	sadd.s32 $0x1000, s1;
	[sflag:s22] =	ssyncadd.s32 $0xFFFFC000  }
0x5e: {  	[tilespmem:s24], [sflag:$0x2] =	stream.linear.gather [hbm4b:s5+s3], $0x4000, $0x38;
	[tilespmem:$0x1E080] =	vst v63  }
0x5f: {  	_ =	swait.ge [sflag:s25], $0x4000  }
0x60: {  	[sflag:s25] =	ssyncset.done $0x0  }
0x61: {  	s0 =	simm.s32 $0x1800;
	[sflag:s25] =	ssyncadd.s32 $0xFFFFC000  }
0x62: {  	[spmem:s2] =	stream.indirect.scatter.add.f32 [tilespmem:s23], [sflag:$0x3], $0x80, s0, s26, $0xb8;
	[tilespmem:$0x1E080] =	vst v63  }
0x63: {  	_ =	swait.ge [sflag:s22], $0x4000  }
0x64: {  	[sflag:s22] =	ssyncset.done $0x0  }
0x65: {  	[sflag:s22] =	ssyncadd.s32 $0xFFFFC000  }
0x66: {  	_ =	swait.ge [sflag:s28], $0x4000  }
0x67: {  	[sflag:s28] =	ssyncset.done $0x0  }
0x68: {  	s31 =	simm.s32 $0x1880;
	[sflag:s28] =	ssyncadd.s32 $0xFFFFC000  }
0x69: {  	[spmem:s2] =	stream.indirect.scatter.add.f32 [tilespmem:s24], [sflag:$0x3], $0x80, s31, s26, $0xb8;
	[tilespmem:$0x1E080] =	vst v63  }
0x6a: {  	_ =	swait.ge [sflag:s22], $0x4000  }
0x6b: {  	[sflag:s22] =	ssyncset.done $0x0  }
0x6c: {  	[sflag:s22] =	ssyncadd.s32 $0xFFFFC000  }
.Ltmp4:
0x6d: {  	[bflag:$0x0] =	sbarrier.arrive $0xFFFF;
	(pc) =	sbr.rel .LBB2_8-.Ltmp4, $4  }
0x6e: {  	[hbm:s16], [sflag:s21] =	dma.local [spmem:s30], $0x2800  }
0x6f: {  	_ =	swait.ge [sflag:s22], $0x2800  }
0x70: {  	[sflag:s22] =	ssyncset.done $0x0  }
0x71: {  	[sflag:s22] =	ssyncadd.s32 $0xFFFFD800  }
.LBB2_5:
0x72: {  	s0 =	stileid.u32  }
0x73: {  	s5 =	rddreg [dreg:$0x3];
	s0 =	sshll.u32 s0, $0x6  }
0x74: {  	s6 =	rddreg [dreg:$0x4];
	s31 =	sshrl.u32 s5, $0x3;
	s30 =	sor.u32 $0x1C03, s0  }
0x75: {  	[spmem:s31], [sflag:s30] =	dma.local [hbm:s6], $0x2700  }
0x76: {  	_ =	swait.ge [sflag:s22], $0x2700  }
0x77: {  	[sflag:s22] =	ssyncset.done $0x0  }
0x78: {  	[sflag:s22] =	ssyncadd.s32 $0xFFFFD900  }
0x79: {  	[bflag:$0x0] =	sbarrier.arrive $0xFFFF  }
0x7a: {  	s7 =	simm.s32 $0x0;
	s1 =	rddreg [dreg:$0x5]  }
0x7b: {  	[tilespmem:s7], [sflag:$0x3] =	stream.linear.gather [hbm4b:s1+s7], $0x2800, $0x38;
	[tilespmem:$0x1E080] =	vst v63  }
0x7c: {  	_ =	swait.ge [sflag:s22], $0x2800  }
0x7d: {  	[sflag:s22] =	ssyncset.done $0x0  }
0x7e: {  	[sflag:s22] =	ssyncadd.s32 $0xFFFFD800  }
0x7f: {  	[tilespmem:s23], [sflag:$0x1] =	stream.linear.gather [hbm4b:s8+s7], $0x4000, $0x38;
	[tilespmem:$0x1E080] =	vst v63  }
0x80: {  	_ = 	snop  }
0x81: {  	[tilespmem:s24], [sflag:$0x2] =	stream.linear.gather [hbm4b:s9+s7], $0x4000, $0x38;
	[tilespmem:$0x1E080] =	vst v63  }
0x82: {  	_ =	swait.ge [sflag:s25], $0x4000  }
0x83: {  	[sflag:s25] =	ssyncset.done $0x0  }
0x84: {  	s5 =	simm.s32 $0x0;
	[sflag:s25] =	ssyncadd.s32 $0xFFFFC000  }
0x85: {  	[spmem:s2] =	stream.indirect.scatter.add.f32 [tilespmem:s23], [sflag:$0x3], $0x80, s5, s26, $0xb8;
	[tilespmem:$0x1E080] =	vst v63  }
0x86: {  	_ =	swait.ge [sflag:s22], $0x4000  }
0x87: {  	s6 =	sshrl.u32 s19, $0x3;
	[sflag:s22] =	ssyncset.done $0x0  }
0x88: {  	s0 =	sadd.s32 s4, s6;
	[sflag:s22] =	ssyncadd.s32 $0xFFFFC000  }
0x89: {  	[tilespmem:s23], [sflag:$0x1] =	stream.linear.gather [hbm4b:s0+s3], $0x4000, $0x38;
	[tilespmem:$0x1E080] =	vst v63  }
0x8a: {  	_ =	swait.ge [sflag:s28], $0x4000  }
0x8b: {  	[sflag:s28] =	ssyncset.done $0x0  }
0x8c: {  	s7 =	simm.s32 $0x80;
	[sflag:s28] =	ssyncadd.s32 $0xFFFFC000  }
0x8d: {  	[spmem:s2] =	stream.indirect.scatter.add.f32 [tilespmem:s24], [sflag:$0x3], $0x80, s7, s26, $0xb8;
	[tilespmem:$0x1E080] =	vst v63  }
0x8e: {  	_ =	swait.ge [sflag:s22], $0x4000  }
0x8f: {  	s6 =	sadd.s32 $0x0, s18;
	s1 =	sadd.s32 $0x8000, s19;
	[sflag:s22] =	ssyncset.done $0x0  }
0x90: {  	s5 =	simm.s32 $0x180;
	s0 =	simm.s32 $0x1000;
	[sflag:s22] =	ssyncadd.s32 $0xFFFFC000  }
.LBB2_6:
0x91: {  	[tilespmem:s24], [sflag:$0x2] =	stream.linear.gather [hbm4b:s6+s3], $0x4000, $0x38;
	[tilespmem:$0x1E080] =	vst v63  }
0x92: {  	s6 =	smov.u32 s0  }
0x93: {  	p1 =	sne.s32 s0, $0x26000;
	s0 =	sadd.s32 $0x1000, s0;
	_ =	swait.ge [sflag:s25], $0x4000  }
0x94: {  	[sflag:s25] =	ssyncset.done $0x0  }
0x95: {  	s7 =	sadd.s32 $0xFFFFFF80, s5;
	[sflag:s25] =	ssyncadd.s32 $0xFFFFC000  }
0x96: {  	[spmem:s2] =	stream.indirect.scatter.add.f32 [tilespmem:s23], [sflag:$0x3], $0x80, s7, s26, $0xb8;
	[tilespmem:$0x1E080] =	vst v63  }
0x97: {  	_ =	swait.ge [sflag:s22], $0x4000  }
0x98: {  	s7 =	sshrl.u32 s1, $0x3;
	[sflag:s22] =	ssyncset.done $0x0  }
0x99: {  	s7 =	sadd.s32 s4, s7;
	[sflag:s22] =	ssyncadd.s32 $0xFFFFC000  }
0x9a: {  	[tilespmem:s23], [sflag:$0x1] =	stream.linear.gather [hbm4b:s7+s3], $0x4000, $0x38;
	[tilespmem:$0x1E080] =	vst v63  }
0x9b: {  	_ =	swait.ge [sflag:s28], $0x4000  }
0x9c: {  	[sflag:s28] =	ssyncset.done $0x0  }
.Ltmp5:
0x9d: {  	[sflag:s28] =	ssyncadd.s32 $0xFFFFC000;
	(pc) =	sbr.rel @p1 .LBB2_6-.Ltmp5, $4  }
0x9e: {  	[spmem:s2] =	stream.indirect.scatter.add.f32 [tilespmem:s24], [sflag:$0x3], $0x80, s5, s26, $0xb8;
	[tilespmem:$0x1E080] =	vst v63  }
0x9f: {  	_ =	swait.ge [sflag:s22], $0x4000  }
0xa0: {  	s1 =	sadd.s32 $0x8000, s1;
	[sflag:s22] =	ssyncset.done $0x0  }
0xa1: {  	s6 =	sadd.s32 s6, s18;
	s5 =	sadd.s32 $0x100, s5;
	[sflag:s22] =	ssyncadd.s32 $0xFFFFC000  }
.Ltmp6:
0xa2: {  	_ = 	snop;
	(pc) =	sbr.rel .LBB2_7-.Ltmp6, $1  }
0xa3: {  	_ =	sdelay $0x3  }
.LBB2_9:
0xa4: {  	_ =	sfence.sel $0x180000  }
0xa5: {  	[bflag:$0x0] =	sbarrier.arrive $0xFFFF  }
0xa6: {  	_ =	strace $0x9000004D  }
0xa7: {  	s0 =	stileid.u32;
	[bflag:$0x2] =	sbarrier.arrive $0xFFFF  }
0xa8: {  	p0 =	sne.s32 s0, $0x0;
	s0 =	rddreg [dreg:$0x2]  }
0xa9: {  	s0 =	sadd.s32 @!p0 $0x100000, s0  }
0xaa: {  	[sflag:s0] =	ssyncadd.tile.s32 @!p0 $0x1;
	_ =	shalt  }
.Lfunc_end2:
_tile_overlayer_lowered:
.L_overlay_start_2:
0xab: {  	(tag) =	ssettag $0x2  }
0xac: {  	s0 =	rddreg [dreg:$0x0];
	s2 =	stileid.u32  }
0xad: {  	s1 =	rddreg [dreg:$0x1];
	p0 =	sne.s32 s2, $0x0  }
0xae: {  	s3 =	rddreg [dreg:$0x2];
	[bflag:$0x3] =	sbarrier.arrive $0xFFFF;
	s2 =	simm.s32 @!p0 $0x1C03  }
0xaf: {  	[timem:s3], [sflag:s2] =	dma.local @!p0 [hbm:s0], s1  }
0xb0: {  	s0 =	simm.s32 @!p0 $0x3  }
0xb1: {  	_ =	swait.ge @!p0 [sflag:s0], s1  }
0xb2: {  	s1 =	ssub.s32 @!p0 $0x0, s1;
	[sflag:s0] =	ssyncset.done @!p0 $0x0  }
0xb3: {  	[sflag:s0] =	ssyncadd.s32 @!p0 s1  }
0xb4: {  	[bflag:$0x3] =	sbarrier.arrive $0xFFFF  }
0xb5: {  	_ =	shalt  }

// kernel: kernel.16.cloned.1.call-start
scs
__scs_entry_jumppad:
0x0: {  	(pc) =	sbr.rel $0x88, $3  }
0x1: {  	(tag) =	ssettag $0x0;
	lr =	simm.s32 $0x1  }
0x2: {  	[smem:$0x3F86] =	sst lr;
	_ =	strace $0xD0000000  }
0x3: {  	_ = 	snop  }
0x4: {  	_ = 	snop  }
0x5: {  	_ = 	snop  }
0x6: {  	_ = 	snop  }
0x7: {  	_ = 	snop  }
__scs_overlays_trampoline_lowered:
0x8: {  	[smem:$0x3F95] =	sst s0  }
0x9: {  	[smem:$0x3F96] =	sst s1  }
0xa: {  	[smem:$0x3F97] =	sst s2  }
0xb: {  	[smem:$0x3F98] =	sst s3  }
0xc: {  	[smem:$0x3F99] =	sst s4  }
0xd: {  	[smem:$0x3F9A] =	sst s5  }
0xe: {  	[smem:$0x3F9B] =	sst s6  }
0xf: {  	[smem:$0x3F9C] =	sst s7  }
0x10: {  	[smem:$0x3F9D] =	sst s8  }
0x11: {  	[smem:$0x3F9E] =	sst s9;
	s0 =	simm.s32 @!p0 $0x0  }
0x12: {  	s1 =	sld [smem:$0x3F84];
	s0 =	simm.s32 @p0 $0x1  }
0x13: {  	[smem:$0x3F9F] =	sst s0;
	s0 =	simm.s32 @!p1 $0x0  }
0x14: {  	s2 =	sld [smem:$0x3F83];
	s0 =	simm.s32 @p1 $0x1  }
0x15: {  	[smem:$0x3FA0] =	sst s0;
	s0 =	simm.s32 @!p2 $0x0  }
0x16: {  	s3 =	sld [smem:$0x3FDB];
	s0 =	simm.s32 @p2 $0x1  }
0x17: {  	s4 =	simm.s32 $0x1BF5;
	[smem:$0x3FA2] =	sst s0  }
0x18: {  	s0 =	sld [smem:$0x3F85];
	_ =	swait.ge [sflag:s4], $0x0  }
0x19: {  	s7 =	sld [smem:$0x3F86]  }
0x1a: {  	s8 =	sadd.s32 $0xFFFFE003, lr  }
0x1b: {  	s9 =	sadd.s32 $0xFFFFFEF7, lr;
	s5 =	simm.s32 $0xFFFFFFFF;
	p2 =	slt.u32 s8, $0xFFFFF086  }
0x1c: {  	p1 =	slt.u32 s9, $0xF7A;
	s5 =	simm.s32 @!p2 $0x0  }
0x1d: {  	s5 =	simm.s32 @p1 $0x1;
	p0 =	seq.s32 s7, s2  }
0x1e: {  	s7 =	smul.u32 @!p0 $0xF7A, s2;
	p2 =	seq.s32 @!p0 s5, $0x0  }
0x1f: {  	s9 =	smul.u32 $0xF7A, s1;
	s8 =	simm.s32 @!p0 $0x1BF5;
	p2 =	por !p2, p0  }
0x20: {  	[sflag:s8] =	ssyncset.s32 @!p0 $0xFFFFF086;
	s6 =	sadd.s32 @!p0 s3, s7;
	s7 =	simm.s32 @!p0 $0x108  }
0x21: {  	s3 =	sadd.s32 s3, s9;
	s6 =	sadd.s32 @!p0 $0x88, s6;
	s7 =	simm.s32 @p2 $0x1082  }
0x22: {  	[simem:s7], [sflag:s8] =	dma.local @!p0 [hbm:s6], $0xF7A  }
0x23: {  	s9 =	sor.u32 $0xD0000000, s2;
	s6 =	simm.s32 $0x108;
	_ =	swait.ge @!p0 [sflag:s8], $0x0  }
0x24: {  	s3 =	sadd.s32 $0x88, s3;
	s6 =	simm.s32 @!p1 $0x1082;
	[sflag:s4] =	ssyncset.s32 $0xFFFFF086  }
0x25: {  	[simem:s6], [sflag:s4] =	dma.local [hbm:s3], $0xF7A  }
0x26: {  	[smem:$0x3F86] =	sst s1;
	(tag) =	ssettag s2;
	_ =	strace s9  }
0x27: {  	s1 =	sld [smem:$0x3F96]  }
0x28: {  	s2 =	sld [smem:$0x3F97]  }
0x29: {  	s4 =	sld [smem:$0x3F99]  }
0x2a: {  	p0 =	seq.s32 s5, $0x0;
	s5 =	sld [smem:$0x3F9A]  }
0x2b: {  	s6 =	sld [smem:$0x3F9B]  }
0x2c: {  	s7 =	sld [smem:$0x3F9C]  }
0x2d: {  	s3 =	simm.s32 $0x108;
	s8 =	sld [smem:$0x3F9D]  }
0x2e: {  	s3 =	simm.s32 @!p0 $0x1082;
	s9 =	sld [smem:$0x3F9E]  }
0x2f: {  	lr =	sadd.s32 s0, s3;
	s0 =	sld [smem:$0x3F95]  }
0x30: {  	s3 =	sld [smem:$0x3F98]  }
0x31: {  	[smem:$0x3FA1] =	sst s10  }
0x32: {  	s10 =	sld [smem:$0x3F9F];
	_ =	sdelay $0x3  }
0x33: {  	p0 =	seq.s32 s10, $0x1;
	s10 =	sld [smem:$0x3FA1];
	_ =	sdelay $0x3  }
0x34: {  	[smem:$0x3FA1] =	sst s10  }
0x35: {  	s10 =	sld [smem:$0x3FA0];
	_ =	sdelay $0x3  }
0x36: {  	p1 =	seq.s32 s10, $0x1;
	s10 =	sld [smem:$0x3FA1];
	_ =	sdelay $0x3  }
0x37: {  	[smem:$0x3FA1] =	sst s10  }
0x38: {  	s10 =	sld [smem:$0x3FA2]  }
0x39: {  	_ = 	snop;
	(pc) =	sbr.ind lr, $3  }
0x3a: {  	_ = 	snop  }
0x3b: {  	_ = 	snop  }
0x3c: {  	p2 =	seq.s32 s10, $0x1;
	s10 =	sld [smem:$0x3FA1]  }
0x3d: {  	_ =	shalt  }
0x3e: {  	_ =	shalt  }
0x3f: {  	_ =	shalt  }
0x40: {  	_ =	shalt  }
0x41: {  	_ =	shalt  }
0x42: {  	_ =	shalt  }
0x43: {  	_ =	shalt  }
0x44: {  	_ =	shalt  }
0x45: {  	_ =	shalt  }
0x46: {  	_ =	shalt  }
0x47: {  	_ =	shalt  }
0x48: {  	_ =	shalt  }
0x49: {  	_ =	shalt  }
0x4a: {  	_ =	shalt  }
0x4b: {  	_ =	shalt  }
0x4c: {  	_ =	shalt  }
0x4d: {  	_ =	shalt  }
0x4e: {  	_ =	shalt  }
0x4f: {  	_ =	shalt  }
0x50: {  	_ =	shalt  }
0x51: {  	_ =	shalt  }
0x52: {  	_ =	shalt  }
0x53: {  	_ =	shalt  }
0x54: {  	_ =	shalt  }
0x55: {  	_ =	shalt  }
0x56: {  	_ =	shalt  }
0x57: {  	_ =	shalt  }
0x58: {  	_ =	shalt  }
0x59: {  	_ =	shalt  }
0x5a: {  	_ =	shalt  }
0x5b: {  	_ =	shalt  }
0x5c: {  	_ =	shalt  }
0x5d: {  	_ =	shalt  }
0x5e: {  	_ =	shalt  }
0x5f: {  	_ =	shalt  }
0x60: {  	_ =	shalt  }
0x61: {  	_ =	shalt  }
0x62: {  	_ =	shalt  }
0x63: {  	_ =	shalt  }
0x64: {  	_ =	shalt  }
0x65: {  	_ =	shalt  }
0x66: {  	_ =	shalt  }
0x67: {  	_ =	shalt  }
0x68: {  	_ =	shalt  }
0x69: {  	_ =	shalt  }
0x6a: {  	_ =	shalt  }
0x6b: {  	_ =	shalt  }
0x6c: {  	_ =	shalt  }
0x6d: {  	_ =	shalt  }
0x6e: {  	_ =	shalt  }
0x6f: {  	_ =	shalt  }
0x70: {  	_ =	shalt  }
0x71: {  	_ =	shalt  }
0x72: {  	_ =	shalt  }
0x73: {  	_ =	shalt  }
0x74: {  	_ =	shalt  }
0x75: {  	_ =	shalt  }
0x76: {  	_ =	shalt  }
0x77: {  	_ =	shalt  }
0x78: {  	_ =	shalt  }
0x79: {  	_ =	shalt  }
0x7a: {  	_ =	shalt  }
0x7b: {  	_ =	shalt  }
0x7c: {  	_ =	shalt  }
0x7d: {  	_ =	shalt  }
0x7e: {  	_ =	shalt  }
0x7f: {  	_ =	shalt  }
0x80: {  	_ =	shalt  }
0x81: {  	_ =	shalt  }
0x82: {  	_ =	shalt  }
0x83: {  	_ =	shalt  }
0x84: {  	_ =	shalt  }
0x85: {  	_ =	shalt  }
0x86: {  	_ =	shalt  }
0x87: {  	_ =	shalt  }
.Lfunc_end0:
.L_simem_size_0:
called_computation.2_lowered:
.L_overlay_start_0:
0x88: {  	s2 =	sld [smem:$0x3FD9]  }
0x89: {  	s3 =	sld [smem:$0x3FFE];
	_ =	sdelay $0x1  }
0x8a: {  	s1 =	srdreg.scid  }
0x8b: {  	s0 =	sand.u32 $0x1, s1  }
0x8c: {  	s17 =	sshll.u32 s0, $0xA;
	s2 =	sadd.s32 s3, s2  }
0x8d: {  	s2 =	sadd.s32 s2, s17  }
0x8e: {  	[smem:$0x3FAD] =	sst s2  }
0x8f: {  	_ = 	snop  }
0x90: {  	s18 =	sld [smem:$0x3FD0];
	(tm) =	ssettm $0x1  }
0x91: {  	s19 =	sld [smem:$0x3FFB];
	_ =	sdelay $0x3  }
0x92: {  	_ =	strace s19  }
0x93: {  	s2 =	sld [smem:$0x3FFC];
	_ =	sdelay $0x3  }
0x94: {  	_ =	strace s2  }
0x95: {  	s2 =	sld [smem:$0x3FFD];
	_ =	sdelay $0x3  }
0x96: {  	_ =	strace s2  }
0x97: {  	_ =	strace $0x8FFFFFFF  }
0x98: {  	s20 =	sld [smem:$0x3FDB];
	_ =	sdelay $0x1  }
0x99: {  	s4 =	simm.s32 $_scs_section_size  }
0x9a: {  	s5 =	simm.s32 $_size__tile_overlayer_lowered;
	s6 =	simm.s32 $_tile_overlayer_lowered  }
0x9b: {  	s7 =	simm.s32 $0x1BFF;
	s21 =	sshll.u32 s6, $0x1;
	s4 =	sadd.s32 s4, s20  }
0x9c: {  	s22 =	simm.s32 $0x0;
	s5 =	sshll.u32 s5, $0x1;
	s6 =	sadd.s32 s21, s4  }
0x9d: {  	[timem:s22], [sflag:s7] =	dma.local [hbm:s6], s5  }
0x9e: {  	_ =	swait.ge [sflag:s7], s5  }
0x9f: {  	s5 =	ssub.s32 $0x0, s5;
	[sflag:s7] =	ssyncset.done $0x0  }
0xa0: {  	[sflag:s7] =	ssyncadd.s32 s5;
	_ =	sdelay $0x1  }
0xa1: {  	s23 =	simm.s32 $0x1B8B  }
0xa2: {  	_ =	swait.ge [sflag:s23], $0x1  }
0xa3: {  	[sflag:s23] =	ssyncset.done $0x0  }
0xa4: {  	[sflag:s23] =	ssyncadd.s32 $0xFFFFFFFF  }
0xa5: {  	s5 =	sld [smem:$0x0]  }
0xa6: {  	s6 =	sand.u32 $0xFFFFFFFE, s1  }
0xa7: {  	p0 =	sne.s32 s1, s6  }
0xa8: {  	s6 =	sshll.u32 @p0 s6, $0xE  }
0xa9: {  	s6 =	sadd.s32 @p0 $0x11B8D, s6;
	s7 =	sshll.u32 @p0 s5, $0x11  }
0xaa: {  	s6 =	sor.u32 @p0 s7, s6  }
0xab: {  	[sflag:s6] =	ssyncadd.remote.s32 @p0 $0x1;
	_ =	sdelay $0x1  }
0xac: {  	s6 =	simm.s32 @p0 $0x1B8D  }
0xad: {  	_ =	swait.eq @p0 [sflag:s6], $0x1  }
0xae: {  	[sflag:s6] =	ssyncadd.s32 @p0 $0xFFFFFFFF  }
0xaf: {  	s7 =	sshll.u32 @!p0 s1, $0xE  }
0xb0: {  	s7 =	sor.u32 @!p0 $0x4000, s7;
	s6 =	simm.s32 @!p0 $0x1B8D  }
0xb1: {  	s5 =	sshll.u32 @!p0 s5, $0x11;
	s7 =	sadd.s32 @!p0 $0x11B8D, s7;
	_ =	swait.eq @!p0 [sflag:s6], $0x1  }
0xb2: {  	s5 =	sor.u32 @!p0 s5, s7;
	[sflag:s6] =	ssyncadd.s32 @!p0 $0xFFFFFFFF  }
0xb3: {  	s25 =	simm.s32 $0x1B8E;
	s24 =	sld [smem:$0x3FFE];
	[sflag:s5] =	ssyncadd.remote.s32 @!p0 $0x1  }
0xb4: {  	s26 =	simm.s32 $execute0_lowered;
	[smem:$0x3FD2] =	sst s25  }
0xb5: {  	s6 =	sshll.u32 s26, $0x1;
	_ =	strace $0x8000004F;
	[dreg:$0x1] =	wrdreg $0xFFFFFFFF  }
0xb6: {  	s28 =	simm.s32 $_size_execute0_lowered;
	s4 =	sadd.s32 s4, s6;
	[dreg:$0x0] =	wrdreg $0x0  }
0xb7: {  	s6 =	sshll.u32 s28, $0x1;
	[dreg:$0x2] =	wrdreg s4  }
0xb8: {  	[dreg:$0x3] =	wrdreg s6  }
0xb9: {  	[dreg:$0x4] =	wrdreg $0xC0  }
0xba: {  	_ =	task [dreg:s22], $0x5FFFF  }
0xbb: {  	[dreg:$0x1] =	wrdreg $0xFFFFFFFF  }
0xbc: {  	[dreg:$0x0] =	wrdreg $0x60  }
0xbd: {  	[dreg:$0x2] =	wrdreg s24  }
0xbe: {  	[dreg:$0x3] =	wrdreg s18  }
0xbf: {  	[dreg:$0x4] =	wrdreg $0x94000  }
0xc0: {  	[dreg:$0x5] =	wrdreg $0xB  }
0xc1: {  	_ =	task.clear_ibuf [dreg:s22], $0x6FFFF;
	_ =	strace $0x9000004F  }
0xc2: {  	s29 =	simm.s32 $0xB;
	_ =	strace $0x80000051  }
0xc3: {  	_ =	swait.ge [sflag:s29], $0x1  }
0xc4: {  	[sflag:s29] =	ssyncadd.s32 $0xFFFFFFFF  }
0xc5: {  	_ =	strace $0x90000051  }
0xc6: {  	_ =	sfence  }
0xc7: {  	s30 =	sld [smem:$0x0];
	_ =	sdelay $0x2  }
0xc8: {  	s31 =	sshll.u32 s1, $0xD;
	s1 =	sshrl.u32 s1, $0x2  }
0xc9: {  	s4 =	sand.u32 $0x4000, s31;
	s1 =	sadd.s32 s1, s30  }
0xca: {  	s0 =	sor.u32 s4, s0;
	s1 =	sshll.u32 s1, $0x11  }
0xcb: {  	s0 =	sor.u32 s1, s0  }
0xcc: {  	s0 =	sadd.s32 $0x8F2B, s0  }
0xcd: {  	[sflag:s0] =	ssyncadd.remote.s32 $0x1  }
0xce: {  	_ =	sfence.sel $0xFFFF  }
0xcf: {  	[dreg:$0x0] =	wrdreg $0xFFFFFFFF;
	(pc) =	sbr.abs _section_cstart, $3  }
0xd0: {  	[dreg:$0x1] =	wrdreg $0xFFFFFFFF  }
0xd1: {  	_ =	task.clear_ibuf [dreg:s22], $0x2FFFF;
	_ =	strace $0x9FFFFFFF  }
0xd2: {  	(tm) =	ssettm $0x7FFFFFFF  }
0xd3: {  	_ =	shalt  }
tec
execute0_lowered:
.L_overlay_start_1:
0x0: {  	(tag) =	ssettag $0x1  }
0x1: {  	s0 =	rddreg [dreg:$0x0]  }
0x2: {  	s8 =	rddreg [dreg:$0x1]  }
0x3: {  	s1 =	srdreg.scid;
	s2 =	rddreg [dreg:$0x2]  }
0x4: {  	s18 =	stileid.u32;
	s3 =	simm.s32 $0x0;
	s28 =	simm.s32 $0x3  }
0x5: {  	s29 =	simm.s32 $0x1400;
	s30 =	simm.s32 $0x5400;
	s31 =	simm.s32 $0x1  }
0x6: {  	s9 =	sand.u32 $0x1, s1;
	[smem:$0x7FF] =	sst s3;
	s5 =	smul.u32 $0x2700, s18  }
0x7: {  	s12 =	sadd.s32 $0x1548E00, s0;
	s7 =	smul.u32 $0x4E000, s18;
	s16 =	sadd.s32 $0x12F80, s0  }
0x8: {  	s17 =	sadd.s32 $0x17B4E00, s0;
	_ =	strace $0x80000050;
	[dreg:$0x5] =	wrdreg s16  }
0x9: {  	s19 =	sadd.s32 $0x17B5600, s0;
	s20 =	sadd.s32 $0x17B5E00, s0;
	[dreg:$0x6] =	wrdreg s17  }
0xa: {  	s23 =	sadd.s32 $0x17B6600, s0;
	s24 =	sadd.s32 $0x17B6E00, s0;
	[dreg:$0x7] =	wrdreg s19  }
0xb: {  	s25 =	sadd.s32 $0x17B7600, s0;
	p1 =	seq.s32 s18, $0xF;
	[dreg:$0x8] =	wrdreg s20  }
0xc: {  	s4 =	sshll.u32 s9, $0x4;
	s16 =	smul.u32 $0x13800, s18;
	[dreg:$0x9] =	wrdreg s23  }
0xd: {  	s14 =	ssub.s32 $0x2, s9;
	s17 =	smul.u32 $0xA0000, s18;
	[dreg:$0xa] =	wrdreg s24  }
0xe: {  	s20 =	sadd.s32 $0x17B7E00, s0;
	s24 =	sadd.s32 $0x17B8E00, s0;
	s10 =	sor.u32 s18, s4  }
0xf: {  	[dreg:$0xb] =	wrdreg s25;
	s25 =	sadd.s32 $0x17B9600, s0;
	s4 =	smul.u32 $0x280, s10  }
0x10: {  	s5 =	sadd.s32 s5, s0;
	s6 =	sshrl.u32 s14, $0x1;
	s7 =	sshrl.u32 s7, $0x2  }
0x11: {  	s13 =	ssub.s32 s14, s6;
	s6 =	sadd.s32 $0x1016300, s0;
	s11 =	sadd.s32 s4, s0  }
0x12: {  	s14 =	smul.u32 $0x14000, s10;
	s7 =	sadd.s32 s7, s2;
	s15 =	sadd.s32 $0xE200, s11  }
0x13: {  	p0 =	seq.s32 s10, $0x1F;
	[dreg:$0x4] =	wrdreg s15;
	s15 =	smul.u32 $0x138800, s9  }
0x14: {  	s19 =	smax.u32 s13, $0x1;
	s4 =	sadd.s32 $0xFF1A00, s5;
	s9 =	smul.u32 $0xA00000, s9  }
0x15: {  	s5 =	sadd.s32 $0x124800, s2;
	s11 =	sadd.s32 s12, s14;
	s21 =	sadd.s32 s16, s15  }
0x16: {  	s15 =	sshrl.u32 s15, $0x3;
	s26 =	sadd.s32 s17, s9;
	s14 =	sshrl.u32 s21, $0x3  }
.Ltmp0:
0x17: {  	s22 =	sadd.s32 s8, s15;
	s9 =	sor.u32 $0xC000, s26;
	(pc) =	sbr.rel .LBB2_1-.Ltmp0, $4  }
0x18: {  	s21 =	sadd.s32 $0x17B8600, s0;
	s0 =	simm.s32 $0x80;
	s15 =	sadd.s32 s8, s14  }
0x19: {  	s16 =	sadd.s32 $0x24900, s22;
	s9 =	sshrl.u32 s9, $0x3;
	s8 =	sor.u32 $0x8000, s26  }
0x1a: {  	s26 =	sadd.s32 $0x800, s11;
	s22 =	sadd.s32 s9, s12;
	s8 =	sshrl.u32 s8, $0x3  }
0x1b: {  	s9 =	simm.s32 $0x0;
	s23 =	sadd.s32 s8, s12;
	s8 =	simm.s32 $0x2  }
.LBB2_5:
0x1c: {  	s1 =	rddreg [dreg:$0x5]  }
0x1d: {  	[tilespmem:s3], [sflag:$0x3] =	stream.linear.gather [hbm4b:s1+s3], $0x500, $0x38;
	[tilespmem:$0x1CC80] =	vst v63  }
0x1e: {  	_ =	swait.ge [sflag:s28], $0x500  }
0x1f: {  	[sflag:s28] =	ssyncset.done $0x0  }
0x20: {  	s14 =	rddreg [dreg:$0x6];
	[sflag:s28] =	ssyncadd.s32 $0xFFFFFB00  }
0x21: {  	[tilespmem:s29], [sflag:$0x1] =	stream.linear.gather [hbm4b:s14+s3], $0x4000, $0x38;
	[tilespmem:$0x1CC80] =	vst v63  }
0x22: {  	s17 =	rddreg [dreg:$0x7]  }
0x23: {  	[tilespmem:s30], [sflag:$0x2] =	stream.linear.gather [hbm4b:s17+s3], $0x4000, $0x38;
	[tilespmem:$0x1CC80] =	vst v63  }
0x24: {  	_ =	swait.ge [sflag:s31], $0x4000  }
0x25: {  	[sflag:s31] =	ssyncset.done $0x0  }
0x26: {  	[sflag:s31] =	ssyncadd.s32 $0xFFFFC000  }
0x27: {  	[spmem:s2] =	stream.indirect.scatter.add.f32 [tilespmem:s29], [sflag:$0x3], $0x80, s3, s0, $0xb8;
	[tilespmem:$0x1CC80] =	vst v63  }
0x28: {  	_ =	swait.ge [sflag:s28], $0x4000  }
0x29: {  	[sflag:s28] =	ssyncset.done $0x0  }
0x2a: {  	s14 =	rddreg [dreg:$0x8];
	[sflag:s28] =	ssyncadd.s32 $0xFFFFC000  }
0x2b: {  	[tilespmem:s29], [sflag:$0x1] =	stream.linear.gather [hbm4b:s14+s3], $0x4000, $0x38;
	[tilespmem:$0x1CC80] =	vst v63  }
0x2c: {  	_ =	swait.ge [sflag:s8], $0x4000  }
0x2d: {  	[sflag:s8] =	ssyncset.done $0x0  }
0x2e: {  	[sflag:s8] =	ssyncadd.s32 $0xFFFFC000  }
0x2f: {  	[spmem:s2] =	stream.indirect.scatter.add.f32 [tilespmem:s30], [sflag:$0x3], $0x80, s0, s0, $0xb8;
	[tilespmem:$0x1CC80] =	vst v63  }
0x30: {  	_ =	swait.ge [sflag:s28], $0x4000  }
0x31: {  	[sflag:s28] =	ssyncset.done $0x0  }
0x32: {  	s17 =	rddreg [dreg:$0x9];
	[sflag:s28] =	ssyncadd.s32 $0xFFFFC000  }
0x33: {  	[tilespmem:s30], [sflag:$0x2] =	stream.linear.gather [hbm4b:s17+s3], $0x4000, $0x38;
	[tilespmem:$0x1CC80] =	vst v63  }
0x34: {  	_ =	swait.ge [sflag:s31], $0x4000  }
0x35: {  	[sflag:s31] =	ssyncset.done $0x0  }
0x36: {  	s14 =	simm.s32 $0x100;
	[sflag:s31] =	ssyncadd.s32 $0xFFFFC000  }
0x37: {  	[spmem:s2] =	stream.indirect.scatter.add.f32 [tilespmem:s29], [sflag:$0x3], $0x80, s14, s0, $0xb8;
	[tilespmem:$0x1CC80] =	vst v63  }
0x38: {  	_ =	swait.ge [sflag:s28], $0x4000  }
0x39: {  	[sflag:s28] =	ssyncset.done $0x0  }
0x3a: {  	s17 =	rddreg [dreg:$0xa];
	[sflag:s28] =	ssyncadd.s32 $0xFFFFC000  }
0x3b: {  	[tilespmem:s29], [sflag:$0x1] =	stream.linear.gather [hbm4b:s17+s3], $0x4000, $0x38;
	[tilespmem:$0x1CC80] =	vst v63  }
0x3c: {  	_ =	swait.ge [sflag:s8], $0x4000  }
0x3d: {  	[sflag:s8] =	ssyncset.done $0x0  }
0x3e: {  	s14 =	simm.s32 $0x180;
	[sflag:s8] =	ssyncadd.s32 $0xFFFFC000  }
0x3f: {  	[spmem:s2] =	stream.indirect.scatter.add.f32 [tilespmem:s30], [sflag:$0x3], $0x80, s14, s0, $0xb8;
	[tilespmem:$0x1CC80] =	vst v63  }
0x40: {  	_ =	swait.ge [sflag:s28], $0x4000  }
0x41: {  	[sflag:s28] =	ssyncset.done $0x0  }
0x42: {  	s17 =	rddreg [dreg:$0xb];
	[sflag:s28] =	ssyncadd.s32 $0xFFFFC000  }
0x43: {  	[tilespmem:s30], [sflag:$0x2] =	stream.linear.gather [hbm4b:s17+s3], $0x4000, $0x38;
	[tilespmem:$0x1CC80] =	vst v63  }
0x44: {  	_ =	swait.ge [sflag:s31], $0x4000  }
0x45: {  	[sflag:s31] =	ssyncset.done $0x0  }
0x46: {  	s14 =	simm.s32 $0x200;
	[sflag:s31] =	ssyncadd.s32 $0xFFFFC000  }
0x47: {  	[spmem:s2] =	stream.indirect.scatter.add.f32 [tilespmem:s29], [sflag:$0x3], $0x80, s14, s0, $0xb8;
	[tilespmem:$0x1CC80] =	vst v63  }
0x48: {  	_ =	swait.ge [sflag:s28], $0x4000  }
0x49: {  	[sflag:s28] =	ssyncset.done $0x0  }
0x4a: {  	[sflag:s28] =	ssyncadd.s32 $0xFFFFC000  }
0x4b: {  	[tilespmem:s29], [sflag:$0x1] =	stream.linear.gather [hbm4b:s20+s3], $0x4000, $0x38;
	[tilespmem:$0x1CC80] =	vst v63  }
0x4c: {  	_ =	swait.ge [sflag:s8], $0x4000  }
0x4d: {  	[sflag:s8] =	ssyncset.done $0x0  }
0x4e: {  	s17 =	simm.s32 $0x280;
	[sflag:s8] =	ssyncadd.s32 $0xFFFFC000  }
0x4f: {  	[spmem:s2] =	stream.indirect.scatter.add.f32 [tilespmem:s30], [sflag:$0x3], $0x80, s17, s0, $0xb8;
	[tilespmem:$0x1CC80] =	vst v63  }
0x50: {  	_ =	swait.ge [sflag:s28], $0x4000  }
0x51: {  	[sflag:s28] =	ssyncset.done $0x0  }
0x52: {  	[sflag:s28] =	ssyncadd.s32 $0xFFFFC000  }
0x53: {  	[tilespmem:s30], [sflag:$0x2] =	stream.linear.gather [hbm4b:s21+s3], $0x4000, $0x38;
	[tilespmem:$0x1CC80] =	vst v63  }
0x54: {  	_ =	swait.ge [sflag:s31], $0x4000  }
0x55: {  	[sflag:s31] =	ssyncset.done $0x0  }
0x56: {  	s14 =	simm.s32 $0x300;
	[sflag:s31] =	ssyncadd.s32 $0xFFFFC000  }
0x57: {  	[spmem:s2] =	stream.indirect.scatter.add.f32 [tilespmem:s29], [sflag:$0x3], $0x80, s14, s0, $0xb8;
	[tilespmem:$0x1CC80] =	vst v63  }
0x58: {  	_ =	swait.ge [sflag:s28], $0x4000  }
0x59: {  	[sflag:s28] =	ssyncset.done $0x0  }
0x5a: {  	[sflag:s28] =	ssyncadd.s32 $0xFFFFC000  }
0x5b: {  	[tilespmem:s29], [sflag:$0x1] =	stream.linear.gather [hbm4b:s24+s3], $0x4000, $0x38;
	[tilespmem:$0x1CC80] =	vst v63  }
0x5c: {  	_ =	swait.ge [sflag:s8], $0x4000  }
0x5d: {  	[sflag:s8] =	ssyncset.done $0x0  }
0x5e: {  	s17 =	simm.s32 $0x380;
	[sflag:s8] =	ssyncadd.s32 $0xFFFFC000  }
0x5f: {  	[spmem:s2] =	stream.indirect.scatter.add.f32 [tilespmem:s30], [sflag:$0x3], $0x80, s17, s0, $0xb8;
	[tilespmem:$0x1CC80] =	vst v63  }
0x60: {  	_ =	swait.ge [sflag:s28], $0x4000  }
0x61: {  	[sflag:s28] =	ssyncset.done $0x0  }
0x62: {  	s14 =	simm.s32 $0x480;
	s17 =	simm.s32 $0x400;
	[sflag:s28] =	ssyncadd.s32 $0xFFFFC000  }
0x63: {  	[tilespmem:s30], [sflag:$0x2] =	stream.linear.gather [hbm4b:s25+s3], $0x4000, $0x38;
	[tilespmem:$0x1CC80] =	vst v63  }
.LBB2_6:
0x64: {  	_ =	swait.ge [sflag:s31], $0x4000  }
0x65: {  	[sflag:s31] =	ssyncset.done $0x0  }
0x66: {  	[sflag:s31] =	ssyncadd.s32 $0xFFFFC000  }
0x67: {  	[spmem:s2] =	stream.indirect.scatter.add.f32 [tilespmem:s29], [sflag:$0x3], $0x80, s17, s0, $0xb8;
	[tilespmem:$0x1CC80] =	vst v63  }
0x68: {  	_ =	swait.ge [sflag:s28], $0x4000  }
0x69: {  	[sflag:s28] =	ssyncset.done $0x0  }
0x6a: {  	[sflag:s28] =	ssyncadd.s32 $0xFFFFC000  }
0x6b: {  	_ =	swait.ge [sflag:s8], $0x4000  }
0x6c: {  	[sflag:s8] =	ssyncset.done $0x0  }
0x6d: {  	[sflag:s8] =	ssyncadd.s32 $0xFFFFC000  }
0x6e: {  	[spmem:s2] =	stream.indirect.scatter.add.f32 [tilespmem:s30], [sflag:$0x3], $0x80, s14, s0, $0xb8;
	[tilespmem:$0x1CC80] =	vst v63  }
0x6f: {  	_ =	swait.ge [sflag:s28], $0x4000  }
0x70: {  	[sflag:s28] =	ssyncset.done $0x0  }
0x71: {  	[sflag:s28] =	ssyncadd.s32 $0xFFFFC000  }
0x72: {  	s1 =	simm.s32 @p1 $0x1FC3;
	[bflag:$0x0] =	sbarrier.arrive $0xFFFF  }
0x73: {  	[hbm:s16], [sflag:s1] =	dma.local @p1 [spmem:s10], $0x2800  }
0x74: {  	s1 =	simm.s32 @p1 $0x3  }
0x75: {  	s9 =	sadd.s32 $0x1, s9;
	_ =	swait.ge @p1 [sflag:s1], $0x2800  }
0x76: {  	p2 =	sne.s32 s9, s19;
	[sflag:s1] =	ssyncset.done @p1 $0x0  }
.Ltmp1:
0x77: {  	[sflag:s1] =	ssyncadd.s32 @p1 $0xFFFFD800;
	s1 =	simm.s32 @!p1 $0x3;
	(pc) =	sbr.rel @!p2 .LBB2_7-.Ltmp1, $4  }
0x78: {  	[hbm:s15], [sflag:s12] =	dma.local @!p1 [spmem:s13], $0x2700  }
0x79: {  	_ =	swait.ge @!p1 [sflag:s1], $0x2700  }
0x7a: {  	[sflag:s1] =	ssyncset.done @!p1 $0x0  }
0x7b: {  	[sflag:s1] =	ssyncadd.s32 @!p1 $0xFFFFD900  }
.LBB2_1:
0x7c: {  	s10 =	sshrl.u32 @p1 s5, $0x3;
	s12 =	simm.s32 @p1 $0x1FC3  }
0x7d: {  	[spmem:s10], [sflag:s12] =	dma.local @p1 [hbm:s6], $0x2800  }
0x7e: {  	s12 =	simm.s32 @p1 $0x3  }
0x7f: {  	_ =	swait.ge @p1 [sflag:s12], $0x2800  }
0x80: {  	s13 =	sshll.u32 @!p1 s18, $0x6;
	s14 =	simm.s32 @!p1 $0x3;
	[sflag:s12] =	ssyncset.done @p1 $0x0  }
0x81: {  	[sflag:s12] =	ssyncadd.s32 @p1 $0xFFFFD800;
	s12 =	sor.u32 @!p1 $0x1C03, s13;
	s13 =	sshrl.u32 @!p1 s7, $0x3  }
0x82: {  	[spmem:s13], [sflag:s12] =	dma.local @!p1 [hbm:s4], $0x2700  }
.Ltmp2:
0x83: {  	_ =	swait.ge @!p1 [sflag:s14], $0x2700;
	(pc) =	sbr.rel @p0 .LBB2_5-.Ltmp2, $3  }
0x84: {  	[sflag:s14] =	ssyncset.done @!p1 $0x0  }
0x85: {  	[sflag:s14] =	ssyncadd.s32 @!p1 $0xFFFFD900  }
0x86: {  	[bflag:$0x0] =	sbarrier.arrive $0xFFFF;
	_ =	sdelay $0x1  }
0x87: {  	s14 =	simm.s32 $0x0;
	s1 =	rddreg [dreg:$0x4]  }
0x88: {  	[tilespmem:s14], [sflag:$0x3] =	stream.linear.gather [hbm4b:s1+s14], $0x1400, $0x38;
	[tilespmem:$0x1CC80] =	vst v63  }
0x89: {  	_ =	swait.ge [sflag:s28], $0x1400  }
0x8a: {  	[sflag:s28] =	ssyncset.done $0x0  }
0x8b: {  	[sflag:s28] =	ssyncadd.s32 $0xFFFFEC00  }
0x8c: {  	[tilespmem:s29], [sflag:$0x1] =	stream.linear.gather [hbm4b:s11+s14], $0x4000, $0x38;
	[tilespmem:$0x1CC80] =	vst v63  }
0x8d: {  	_ = 	snop  }
0x8e: {  	[tilespmem:s30], [sflag:$0x2] =	stream.linear.gather [hbm4b:s26+s14], $0x4000, $0x38;
	[tilespmem:$0x1CC80] =	vst v63  }
0x8f: {  	_ =	swait.ge [sflag:s31], $0x4000  }
0x90: {  	[sflag:s31] =	ssyncset.done $0x0  }
0x91: {  	s1 =	simm.s32 $0x0;
	[sflag:s31] =	ssyncadd.s32 $0xFFFFC000  }
0x92: {  	[spmem:s2] =	stream.indirect.scatter.add.f32 [tilespmem:s29], [sflag:$0x3], $0x80, s1, s0, $0xb8;
	[tilespmem:$0x1CC80] =	vst v63  }
0x93: {  	_ =	swait.ge [sflag:s28], $0x4000  }
0x94: {  	[sflag:s28] =	ssyncset.done $0x0  }
0x95: {  	s17 =	sadd.s32 $0x0, s23;
	[sflag:s28] =	ssyncadd.s32 $0xFFFFC000  }
0x96: {  	[tilespmem:s29], [sflag:$0x1] =	stream.linear.gather [hbm4b:s17+s3], $0x4000, $0x38;
	[tilespmem:$0x1CC80] =	vst v63  }
0x97: {  	_ =	swait.ge [sflag:s8], $0x4000  }
0x98: {  	p2 =	por $0x0, $0x0;
	[sflag:s8] =	ssyncset.done $0x0  }
.Ltmp3:
0x99: {  	s18 =	simm.s32 $0x80;
	[sflag:s8] =	ssyncadd.s32 $0xFFFFC000;
	(pc) =	sbr.rel @p2 .LBB2_4-.Ltmp3, $4  }
0x9a: {  	[spmem:s2] =	stream.indirect.scatter.add.f32 [tilespmem:s30], [sflag:$0x3], $0x80, s18, s0, $0xb8;
	[tilespmem:$0x1CC80] =	vst v63  }
0x9b: {  	_ =	swait.ge [sflag:s28], $0x4000  }
0x9c: {  	s14 =	simm.s32 $0x1000;
	[sflag:s28] =	ssyncset.done $0x0  }
0x9d: {  	s17 =	simm.s32 $0x180;
	s18 =	sadd.s32 $0x0, s22;
	[sflag:s28] =	ssyncadd.s32 $0xFFFFC000  }
.LBB2_3:
0x9e: {  	[tilespmem:s30], [sflag:$0x2] =	stream.linear.gather [hbm4b:s18+s3], $0x4000, $0x38;
	[tilespmem:$0x1CC80] =	vst v63  }
0x9f: {  	s18 =	smov.u32 s14  }
0xa0: {  	p2 =	seq.s32 s14, $0x12000;
	s14 =	sadd.s32 $0x1000, s14;
	_ =	swait.ge [sflag:s31], $0x4000  }
0xa1: {  	[sflag:s31] =	ssyncset.done $0x0  }
0xa2: {  	s1 =	sadd.s32 $0xFFFFFF80, s17;
	[sflag:s31] =	ssyncadd.s32 $0xFFFFC000  }
0xa3: {  	[spmem:s2] =	stream.indirect.scatter.add.f32 [tilespmem:s29], [sflag:$0x3], $0x80, s1, s0, $0xb8;
	[tilespmem:$0x1CC80] =	vst v63  }
0xa4: {  	_ =	swait.ge [sflag:s28], $0x4000  }
0xa5: {  	[sflag:s28] =	ssyncset.done $0x0  }
0xa6: {  	s1 =	sadd.s32 s18, s23;
	[sflag:s28] =	ssyncadd.s32 $0xFFFFC000  }
0xa7: {  	[tilespmem:s29], [sflag:$0x1] =	stream.linear.gather [hbm4b:s1+s3], $0x4000, $0x38;
	[tilespmem:$0x1CC80] =	vst v63  }
0xa8: {  	_ =	swait.ge [sflag:s8], $0x4000  }
0xa9: {  	[sflag:s8] =	ssyncset.done $0x0  }
.Ltmp4:
0xaa: {  	[sflag:s8] =	ssyncadd.s32 $0xFFFFC000;
	(pc) =	sbr.rel @!p2 .LBB2_3-.Ltmp4, $4  }
0xab: {  	[spmem:s2] =	stream.indirect.scatter.add.f32 [tilespmem:s30], [sflag:$0x3], $0x80, s17, s0, $0xb8;
	[tilespmem:$0x1CC80] =	vst v63  }
0xac: {  	_ =	swait.ge [sflag:s28], $0x4000  }
0xad: {  	[sflag:s28] =	ssyncset.done $0x0  }
0xae: {  	s18 =	sadd.s32 s18, s22;
	s17 =	sadd.s32 $0x100, s17;
	[sflag:s28] =	ssyncadd.s32 $0xFFFFC000  }
.LBB2_4:
.Ltmp5:
0xaf: {  	(pc) =	sbr.rel .LBB2_6-.Ltmp5, $3  }
0xb0: {  	_ =	sdelay $0x1  }
0xb1: {  	[tilespmem:s30], [sflag:$0x2] =	stream.linear.gather [hbm4b:s18+s3], $0x4000, $0x38;
	[tilespmem:$0x1CC80] =	vst v63  }
0xb2: {  	s14 =	simm.s32 $0x1380;
	s17 =	simm.s32 $0x1300;
	s18 =	stileid.u32  }
.LBB2_7:
0xb3: {  	_ =	sfence.sel $0x180000  }
0xb4: {  	[bflag:$0x0] =	sbarrier.arrive $0xFFFF  }
0xb5: {  	_ =	strace $0x90000050  }
0xb6: {  	[bflag:$0x2] =	sbarrier.arrive $0xFFFF  }
0xb7: {  	p0 =	sne.s32 s18, $0x0;
	s0 =	rddreg [dreg:$0x3]  }
0xb8: {  	s0 =	sadd.s32 @!p0 $0x100000, s0  }
0xb9: {  	[sflag:s0] =	ssyncadd.tile.s32 @!p0 $0x1;
	_ =	shalt  }
.Lfunc_end2:
_tile_overlayer_lowered:
.L_overlay_start_2:
0xba: {  	(tag) =	ssettag $0x2  }
0xbb: {  	s0 =	rddreg [dreg:$0x0];
	s2 =	stileid.u32  }
0xbc: {  	s1 =	rddreg [dreg:$0x1];
	p0 =	sne.s32 s2, $0x0  }
0xbd: {  	s3 =	rddreg [dreg:$0x2];
	[bflag:$0x3] =	sbarrier.arrive $0xFFFF;
	s2 =	simm.s32 @!p0 $0x1C03  }
0xbe: {  	[timem:s3], [sflag:s2] =	dma.local @!p0 [hbm:s0], s1  }
0xbf: {  	s0 =	simm.s32 @!p0 $0x3  }
0xc0: {  	_ =	swait.ge @!p0 [sflag:s0], s1  }
0xc1: {  	s1 =	ssub.s32 @!p0 $0x0, s1;
	[sflag:s0] =	ssyncset.done @!p0 $0x0  }
0xc2: {  	[sflag:s0] =	ssyncadd.s32 @!p0 s1  }
0xc3: {  	[bflag:$0x3] =	sbarrier.arrive $0xFFFF  }
0xc4: {  	_ =	shalt  }

// kernel: kernel.19.cloned.1.call-start
scs
__scs_entry_jumppad:
0x0: {  	(pc) =	sbr.rel $0x88, $3  }
0x1: {  	(tag) =	ssettag $0x0;
	lr =	simm.s32 $0x1  }
0x2: {  	[smem:$0x3F86] =	sst lr;
	_ =	strace $0xD0000000  }
0x3: {  	_ = 	snop  }
0x4: {  	_ = 	snop  }
0x5: {  	_ = 	snop  }
0x6: {  	_ = 	snop  }
0x7: {  	_ = 	snop  }
__scs_overlays_trampoline_lowered:
0x8: {  	[smem:$0x3F95] =	sst s0  }
0x9: {  	[smem:$0x3F96] =	sst s1  }
0xa: {  	[smem:$0x3F97] =	sst s2  }
0xb: {  	[smem:$0x3F98] =	sst s3  }
0xc: {  	[smem:$0x3F99] =	sst s4  }
0xd: {  	[smem:$0x3F9A] =	sst s5  }
0xe: {  	[smem:$0x3F9B] =	sst s6  }
0xf: {  	[smem:$0x3F9C] =	sst s7  }
0x10: {  	[smem:$0x3F9D] =	sst s8  }
0x11: {  	[smem:$0x3F9E] =	sst s9;
	s0 =	simm.s32 @!p0 $0x0  }
0x12: {  	s1 =	sld [smem:$0x3F84];
	s0 =	simm.s32 @p0 $0x1  }
0x13: {  	[smem:$0x3F9F] =	sst s0;
	s0 =	simm.s32 @!p1 $0x0  }
0x14: {  	s2 =	sld [smem:$0x3F83];
	s0 =	simm.s32 @p1 $0x1  }
0x15: {  	[smem:$0x3FA0] =	sst s0;
	s0 =	simm.s32 @!p2 $0x0  }
0x16: {  	s3 =	sld [smem:$0x3FDB];
	s0 =	simm.s32 @p2 $0x1  }
0x17: {  	s4 =	simm.s32 $0x1BF5;
	[smem:$0x3FA2] =	sst s0  }
0x18: {  	s0 =	sld [smem:$0x3F85];
	_ =	swait.ge [sflag:s4], $0x0  }
0x19: {  	s7 =	sld [smem:$0x3F86]  }
0x1a: {  	s8 =	sadd.s32 $0xFFFFE003, lr  }
0x1b: {  	s9 =	sadd.s32 $0xFFFFFEF7, lr;
	s5 =	simm.s32 $0xFFFFFFFF;
	p2 =	slt.u32 s8, $0xFFFFF086  }
0x1c: {  	p1 =	slt.u32 s9, $0xF7A;
	s5 =	simm.s32 @!p2 $0x0  }
0x1d: {  	s5 =	simm.s32 @p1 $0x1;
	p0 =	seq.s32 s7, s2  }
0x1e: {  	s7 =	smul.u32 @!p0 $0xF7A, s2;
	p2 =	seq.s32 @!p0 s5, $0x0  }
0x1f: {  	s9 =	smul.u32 $0xF7A, s1;
	s8 =	simm.s32 @!p0 $0x1BF5;
	p2 =	por !p2, p0  }
0x20: {  	[sflag:s8] =	ssyncset.s32 @!p0 $0xFFFFF086;
	s6 =	sadd.s32 @!p0 s3, s7;
	s7 =	simm.s32 @!p0 $0x108  }
0x21: {  	s3 =	sadd.s32 s3, s9;
	s6 =	sadd.s32 @!p0 $0x88, s6;
	s7 =	simm.s32 @p2 $0x1082  }
0x22: {  	[simem:s7], [sflag:s8] =	dma.local @!p0 [hbm:s6], $0xF7A  }
0x23: {  	s9 =	sor.u32 $0xD0000000, s2;
	s6 =	simm.s32 $0x108;
	_ =	swait.ge @!p0 [sflag:s8], $0x0  }
0x24: {  	s3 =	sadd.s32 $0x88, s3;
	s6 =	simm.s32 @!p1 $0x1082;
	[sflag:s4] =	ssyncset.s32 $0xFFFFF086  }
0x25: {  	[simem:s6], [sflag:s4] =	dma.local [hbm:s3], $0xF7A  }
0x26: {  	[smem:$0x3F86] =	sst s1;
	(tag) =	ssettag s2;
	_ =	strace s9  }
0x27: {  	s1 =	sld [smem:$0x3F96]  }
0x28: {  	s2 =	sld [smem:$0x3F97]  }
0x29: {  	s4 =	sld [smem:$0x3F99]  }
0x2a: {  	p0 =	seq.s32 s5, $0x0;
	s5 =	sld [smem:$0x3F9A]  }
0x2b: {  	s6 =	sld [smem:$0x3F9B]  }
0x2c: {  	s7 =	sld [smem:$0x3F9C]  }
0x2d: {  	s3 =	simm.s32 $0x108;
	s8 =	sld [smem:$0x3F9D]  }
0x2e: {  	s3 =	simm.s32 @!p0 $0x1082;
	s9 =	sld [smem:$0x3F9E]  }
0x2f: {  	lr =	sadd.s32 s0, s3;
	s0 =	sld [smem:$0x3F95]  }
0x30: {  	s3 =	sld [smem:$0x3F98]  }
0x31: {  	[smem:$0x3FA1] =	sst s10  }
0x32: {  	s10 =	sld [smem:$0x3F9F];
	_ =	sdelay $0x3  }
0x33: {  	p0 =	seq.s32 s10, $0x1;
	s10 =	sld [smem:$0x3FA1];
	_ =	sdelay $0x3  }
0x34: {  	[smem:$0x3FA1] =	sst s10  }
0x35: {  	s10 =	sld [smem:$0x3FA0];
	_ =	sdelay $0x3  }
0x36: {  	p1 =	seq.s32 s10, $0x1;
	s10 =	sld [smem:$0x3FA1];
	_ =	sdelay $0x3  }
0x37: {  	[smem:$0x3FA1] =	sst s10  }
0x38: {  	s10 =	sld [smem:$0x3FA2]  }
0x39: {  	_ = 	snop;
	(pc) =	sbr.ind lr, $3  }
0x3a: {  	_ = 	snop  }
0x3b: {  	_ = 	snop  }
0x3c: {  	p2 =	seq.s32 s10, $0x1;
	s10 =	sld [smem:$0x3FA1]  }
0x3d: {  	_ =	shalt  }
0x3e: {  	_ =	shalt  }
0x3f: {  	_ =	shalt  }
0x40: {  	_ =	shalt  }
0x41: {  	_ =	shalt  }
0x42: {  	_ =	shalt  }
0x43: {  	_ =	shalt  }
0x44: {  	_ =	shalt  }
0x45: {  	_ =	shalt  }
0x46: {  	_ =	shalt  }
0x47: {  	_ =	shalt  }
0x48: {  	_ =	shalt  }
0x49: {  	_ =	shalt  }
0x4a: {  	_ =	shalt  }
0x4b: {  	_ =	shalt  }
0x4c: {  	_ =	shalt  }
0x4d: {  	_ =	shalt  }
0x4e: {  	_ =	shalt  }
0x4f: {  	_ =	shalt  }
0x50: {  	_ =	shalt  }
0x51: {  	_ =	shalt  }
0x52: {  	_ =	shalt  }
0x53: {  	_ =	shalt  }
0x54: {  	_ =	shalt  }
0x55: {  	_ =	shalt  }
0x56: {  	_ =	shalt  }
0x57: {  	_ =	shalt  }
0x58: {  	_ =	shalt  }
0x59: {  	_ =	shalt  }
0x5a: {  	_ =	shalt  }
0x5b: {  	_ =	shalt  }
0x5c: {  	_ =	shalt  }
0x5d: {  	_ =	shalt  }
0x5e: {  	_ =	shalt  }
0x5f: {  	_ =	shalt  }
0x60: {  	_ =	shalt  }
0x61: {  	_ =	shalt  }
0x62: {  	_ =	shalt  }
0x63: {  	_ =	shalt  }
0x64: {  	_ =	shalt  }
0x65: {  	_ =	shalt  }
0x66: {  	_ =	shalt  }
0x67: {  	_ =	shalt  }
0x68: {  	_ =	shalt  }
0x69: {  	_ =	shalt  }
0x6a: {  	_ =	shalt  }
0x6b: {  	_ =	shalt  }
0x6c: {  	_ =	shalt  }
0x6d: {  	_ =	shalt  }
0x6e: {  	_ =	shalt  }
0x6f: {  	_ =	shalt  }
0x70: {  	_ =	shalt  }
0x71: {  	_ =	shalt  }
0x72: {  	_ =	shalt  }
0x73: {  	_ =	shalt  }
0x74: {  	_ =	shalt  }
0x75: {  	_ =	shalt  }
0x76: {  	_ =	shalt  }
0x77: {  	_ =	shalt  }
0x78: {  	_ =	shalt  }
0x79: {  	_ =	shalt  }
0x7a: {  	_ =	shalt  }
0x7b: {  	_ =	shalt  }
0x7c: {  	_ =	shalt  }
0x7d: {  	_ =	shalt  }
0x7e: {  	_ =	shalt  }
0x7f: {  	_ =	shalt  }
0x80: {  	_ =	shalt  }
0x81: {  	_ =	shalt  }
0x82: {  	_ =	shalt  }
0x83: {  	_ =	shalt  }
0x84: {  	_ =	shalt  }
0x85: {  	_ =	shalt  }
0x86: {  	_ =	shalt  }
0x87: {  	_ =	shalt  }
.Lfunc_end0:
.L_simem_size_0:
called_computation.3_lowered:
.L_overlay_start_0:
0x88: {  	s2 =	sld [smem:$0x3FD9]  }
0x89: {  	s3 =	sld [smem:$0x3FFE];
	_ =	sdelay $0x1  }
0x8a: {  	s1 =	srdreg.scid  }
0x8b: {  	s0 =	sand.u32 $0x1, s1  }
0x8c: {  	s17 =	sshll.u32 s0, $0xA;
	s2 =	sadd.s32 s3, s2  }
0x8d: {  	s2 =	sadd.s32 s2, s17  }
0x8e: {  	[smem:$0x3FAD] =	sst s2  }
0x8f: {  	_ = 	snop  }
0x90: {  	(tm) =	ssettm $0x1  }
0x91: {  	s18 =	sld [smem:$0x3FFB];
	_ =	sdelay $0x3  }
0x92: {  	_ =	strace s18  }
0x93: {  	s2 =	sld [smem:$0x3FFC];
	_ =	sdelay $0x3  }
0x94: {  	_ =	strace s2  }
0x95: {  	s2 =	sld [smem:$0x3FFD];
	_ =	sdelay $0x3  }
0x96: {  	_ =	strace s2  }
0x97: {  	_ =	strace $0x8FFFFFFF  }
0x98: {  	s19 =	sld [smem:$0x3FDB];
	_ =	sdelay $0x1  }
0x99: {  	s20 =	simm.s32 $_scs_section_size  }
0x9a: {  	s4 =	simm.s32 $_size__tile_overlayer_lowered;
	s5 =	simm.s32 $_tile_overlayer_lowered  }
0x9b: {  	s6 =	simm.s32 $0x1BFF;
	s21 =	sshll.u32 s5, $0x1;
	s3 =	sadd.s32 s20, s19  }
0x9c: {  	s22 =	simm.s32 $0x0;
	s4 =	sshll.u32 s4, $0x1;
	s5 =	sadd.s32 s21, s3  }
0x9d: {  	[timem:s22], [sflag:s6] =	dma.local [hbm:s5], s4  }
0x9e: {  	_ =	swait.ge [sflag:s6], s4  }
0x9f: {  	s4 =	ssub.s32 $0x0, s4;
	[sflag:s6] =	ssyncset.done $0x0  }
0xa0: {  	[sflag:s6] =	ssyncadd.s32 s4;
	_ =	sdelay $0x1  }
0xa1: {  	s23 =	simm.s32 $0x1B8B  }
0xa2: {  	_ =	swait.ge [sflag:s23], $0x1  }
0xa3: {  	[sflag:s23] =	ssyncset.done $0x0  }
0xa4: {  	[sflag:s23] =	ssyncadd.s32 $0xFFFFFFFF  }
0xa5: {  	s4 =	sld [smem:$0x0]  }
0xa6: {  	s5 =	sand.u32 $0xFFFFFFFE, s1  }
0xa7: {  	p0 =	sne.s32 s1, s5  }
0xa8: {  	s5 =	sshll.u32 @p0 s5, $0xE  }
0xa9: {  	s5 =	sadd.s32 @p0 $0x11B8D, s5;
	s6 =	sshll.u32 @p0 s4, $0x11  }
0xaa: {  	s5 =	sor.u32 @p0 s6, s5  }
0xab: {  	[sflag:s5] =	ssyncadd.remote.s32 @p0 $0x1;
	_ =	sdelay $0x1  }
0xac: {  	s5 =	simm.s32 @p0 $0x1B8D  }
0xad: {  	_ =	swait.eq @p0 [sflag:s5], $0x1  }
0xae: {  	[sflag:s5] =	ssyncadd.s32 @p0 $0xFFFFFFFF  }
0xaf: {  	s6 =	sshll.u32 @!p0 s1, $0xE  }
0xb0: {  	s6 =	sor.u32 @!p0 $0x4000, s6;
	s5 =	simm.s32 @!p0 $0x1B8D  }
0xb1: {  	s4 =	sshll.u32 @!p0 s4, $0x11;
	s6 =	sadd.s32 @!p0 $0x11B8D, s6;
	_ =	swait.eq @!p0 [sflag:s5], $0x1  }
0xb2: {  	s4 =	sor.u32 @!p0 s4, s6;
	[sflag:s5] =	ssyncadd.s32 @!p0 $0xFFFFFFFF  }
0xb3: {  	s25 =	simm.s32 $0x1B8E;
	s24 =	sld [smem:$0x3FFE];
	[sflag:s4] =	ssyncadd.remote.s32 @!p0 $0x1  }
0xb4: {  	s26 =	simm.s32 $execute0_lowered;
	[smem:$0x3FD2] =	sst s25  }
0xb5: {  	s5 =	sshll.u32 s26, $0x1;
	_ =	strace $0x80000049;
	[dreg:$0x1] =	wrdreg $0xFFFFFFFF  }
0xb6: {  	s28 =	simm.s32 $_size_execute0_lowered;
	s3 =	sadd.s32 s3, s5;
	[dreg:$0x0] =	wrdreg $0x0  }
0xb7: {  	s5 =	sshll.u32 s28, $0x1;
	[dreg:$0x2] =	wrdreg s3  }
0xb8: {  	[dreg:$0x3] =	wrdreg s5  }
0xb9: {  	[dreg:$0x4] =	wrdreg $0xC0  }
0xba: {  	_ =	task [dreg:s22], $0x5FFFF  }
0xbb: {  	[dreg:$0x1] =	wrdreg $0xFFFFFFFF  }
0xbc: {  	[dreg:$0x0] =	wrdreg $0x60  }
0xbd: {  	[dreg:$0x2] =	wrdreg s24  }
0xbe: {  	[dreg:$0x3] =	wrdreg $0x83000  }
0xbf: {  	[dreg:$0x4] =	wrdreg $0x9  }
0xc0: {  	_ =	task.clear_ibuf [dreg:s22], $0x5FFFF;
	_ =	strace $0x90000049  }
0xc1: {  	s29 =	simm.s32 $0x9;
	_ =	strace $0x8000004B  }
0xc2: {  	_ =	swait.ge [sflag:s29], $0x1  }
0xc3: {  	[sflag:s29] =	ssyncadd.s32 $0xFFFFFFFF  }
0xc4: {  	_ =	strace $0x9000004B  }
0xc5: {  	_ =	sfence  }
0xc6: {  	s30 =	sld [smem:$0x0];
	_ =	sdelay $0x2  }
0xc7: {  	s31 =	sshll.u32 s1, $0xD;
	s1 =	sshrl.u32 s1, $0x2  }
0xc8: {  	s4 =	sand.u32 $0x4000, s31;
	s1 =	sadd.s32 s1, s30  }
0xc9: {  	s0 =	sor.u32 s4, s0;
	s1 =	sshll.u32 s1, $0x11  }
0xca: {  	s0 =	sor.u32 s1, s0  }
0xcb: {  	s0 =	sadd.s32 $0x8F2B, s0  }
0xcc: {  	[sflag:s0] =	ssyncadd.remote.s32 $0x1  }
0xcd: {  	_ =	sfence.sel $0xFFFF  }
0xce: {  	[dreg:$0x0] =	wrdreg $0xFFFFFFFF;
	(pc) =	sbr.abs _section_cstart, $3  }
0xcf: {  	[dreg:$0x1] =	wrdreg $0xFFFFFFFF  }
0xd0: {  	_ =	task.clear_ibuf [dreg:s22], $0x2FFFF;
	_ =	strace $0x9FFFFFFF  }
0xd1: {  	(tm) =	ssettm $0x7FFFFFFF  }
tec
execute0_lowered:
.L_overlay_start_1:
0x0: {  	(tag) =	ssettag $0x1  }
0x1: {  	s0 =	rddreg [dreg:$0x0]  }
0x2: {  	s1 =	rddreg [dreg:$0x1]  }
0x3: {  	s2 =	simm.s32 $0x0;
	s3 =	srdreg.scid;
	s20 =	stileid.u32  }
0x4: {  	s28 =	simm.s32 $0x2;
	s29 =	simm.s32 $0x200;
	s6 =	smul.u32 $0x2700, s20  }
0x5: {  	s30 =	simm.s32 $0x280;
	s31 =	simm.s32 $0x10;
	s7 =	smul.u32 $0x4E000, s20  }
0x6: {  	[smem:$0x7FF] =	sst s2;
	s3 =	sand.u32 $0x1, s3;
	s9 =	smul.u32 $0x2710, s20  }
0x7: {  	s5 =	sadd.s32 $0x9200, s0;
	s16 =	sadd.s32 $0x1018C00, s0;
	s17 =	smul.u32 $0x13800, s20  }
0x8: {  	s18 =	sadd.s32 $0x4200, s0;
	s13 =	sadd.s32 $0x124800, s1;
	s26 =	smul.u32 $0x4E2, s20  }
0x9: {  	p0 =	seq.s32 s20, $0xF;
	s20 =	simm.s32 $0x3;
	s4 =	smul.u32 $0x138800, s3  }
0xa: {  	_ =	strace $0x8000004A;
	s3 =	ssub.s32 $0x2, s3;
	[dreg:$0x5] =	wrdreg s13  }
0xb: {  	s6 =	sadd.s32 s6, s0;
	s8 =	sshrl.u32 s3, $0x1;
	s7 =	sshrl.u32 s7, $0x2  }
0xc: {  	s14 =	sshrl.u32 s9, $0x3;
	s15 =	sshrl.u32 s4, $0x3;
	s3 =	ssub.s32 s3, s8  }
0xd: {  	s7 =	sadd.s32 s7, s1;
	s6 =	sadd.s32 $0xFF1A00, s6;
	s19 =	sadd.s32 s5, s14  }
0xe: {  	s21 =	sadd.s32 s18, s14;
	s22 =	sadd.s32 $0x10, s14;
	[dreg:$0x3] =	wrdreg s7  }
0xf: {  	s23 =	sadd.s32 $0x4E0, s14;
	s24 =	sadd.s32 s17, s4;
	[dreg:$0x4] =	wrdreg s6  }
0x10: {  	s10 =	sadd.s32 s15, s0;
	s0 =	sadd.s32 $0x1016300, s0;
	[dreg:$0x7] =	wrdreg s19  }
0x11: {  	[dreg:$0x8] =	wrdreg s21;
	s11 =	sadd.s32 s5, s22;
	s12 =	sadd.s32 s18, s22  }
0x12: {  	s13 =	sadd.s32 s5, s23;
	s14 =	sadd.s32 s18, s23;
	s25 =	sadd.s32 s16, s15  }
0x13: {  	s17 =	smax.u32 s3, $0x1;
	s18 =	sadd.s32 s26, s18;
	s19 =	sadd.s32 s26, s5  }
0x14: {  	s21 =	simm.s32 $0x80;
	s22 =	simm.s32 $0x300;
	s23 =	simm.s32 $0x100  }
0x15: {  	s26 =	simm.s32 $0x1;
	[dreg:$0x6] =	wrdreg s0;
	s0 =	sshrl.u32 s24, $0x3  }
0x16: {  	s10 =	sadd.s32 $0x13200, s10;
	s24 =	simm.s32 $0x180;
	s15 =	sadd.s32 s16, s0  }
0x17: {  	s16 =	sadd.s32 $0x24900, s25;
	s25 =	simm.s32 $0x4300;
	s0 =	simm.s32 $0x0  }
.LBB2_1:
0x18: {  	s3 =	rddreg [dreg:$0x5]  }
0x19: {  	s4 =	simm.s32 @p0 $0x1FC3;
	s5 =	rddreg [dreg:$0x6];
	s3 =	sshrl.u32 @p0 s3, $0x3  }
0x1a: {  	[spmem:s3], [sflag:s4] =	dma.local @p0 [hbm:s5], $0x2800  }
0x1b: {  	s4 =	simm.s32 @p0 $0x3  }
0x1c: {  	s5 =	stileid.u32;
	_ =	swait.ge @p0 [sflag:s4], $0x2800  }
0x1d: {  	s5 =	sshll.u32 @!p0 s5, $0x6;
	[sflag:s4] =	ssyncset.done @p0 $0x0  }
0x1e: {  	[sflag:s4] =	ssyncadd.s32 @p0 $0xFFFFD800;
	s4 =	sor.u32 @!p0 $0x1C03, s5;
	s5 =	rddreg [dreg:$0x3]  }
0x1f: {  	s6 =	rddreg [dreg:$0x4];
	s5 =	sshrl.u32 @!p0 s5, $0x3  }
0x20: {  	[spmem:s5], [sflag:s4] =	dma.local @!p0 [hbm:s6], $0x2700  }
0x21: {  	s6 =	simm.s32 @!p0 $0x3  }
0x22: {  	_ =	swait.ge @!p0 [sflag:s6], $0x2700  }
0x23: {  	[sflag:s6] =	ssyncset.done @!p0 $0x0  }
0x24: {  	[sflag:s6] =	ssyncadd.s32 @!p0 $0xFFFFD900  }
0x25: {  	[bflag:$0x0] =	sbarrier.arrive $0xFFFF  }
0x26: {  	s7 =	rddreg [dreg:$0x7]  }
0x27: {  	[tilespmem:s2], [sflag:$0x3] =	stream.linear.gather [hbm4b:s7+s2], $0x80, $0x38;
	[tilespmem:$0x1BB80] =	vst v63  }
0x28: {  	_ =	swait.ge [sflag:s20], $0x80  }
0x29: {  	[sflag:s20] =	ssyncset.done $0x0  }
0x2a: {  	s8 =	rddreg [dreg:$0x8];
	[sflag:s20] =	ssyncadd.s32 $0xFFFFFF80  }
0x2b: {  	[tilespmem:s21], [sflag:$0x3] =	stream.linear.gather [hbm4b:s8+s2], $0x80, $0x38;
	[tilespmem:$0x1BB80] =	vst v63  }
0x2c: {  	_ =	swait.ge [sflag:s20], $0x80  }
0x2d: {  	[sflag:s20] =	ssyncset.done $0x0  }
0x2e: {  	[sflag:s20] =	ssyncadd.s32 $0xFFFFFF80  }
0x2f: {  	[tilespmem:s22], [sflag:$0x1] =	stream.indirect.gather [hbm4b:s10+s21], $0x80, s2, s21, $0xb8;
	[tilespmem:$0x1BB80] =	vst v63  }
0x30: {  	_ = 	snop  }
0x31: {  	[tilespmem:s23], [sflag:$0x3] =	stream.linear.gather [hbm4b:s11+s2], $0x80, $0x38;
	[tilespmem:$0x1BB80] =	vst v63  }
0x32: {  	_ =	swait.ge [sflag:s20], $0x80  }
0x33: {  	[sflag:s20] =	ssyncset.done $0x0  }
0x34: {  	[sflag:s20] =	ssyncadd.s32 $0xFFFFFF80  }
0x35: {  	[tilespmem:s24], [sflag:$0x3] =	stream.linear.gather [hbm4b:s12+s2], $0x80, $0x38;
	[tilespmem:$0x1BB80] =	vst v63  }
0x36: {  	_ =	swait.ge [sflag:s20], $0x80  }
0x37: {  	[sflag:s20] =	ssyncset.done $0x0  }
0x38: {  	[sflag:s20] =	ssyncadd.s32 $0xFFFFFF80  }
0x39: {  	[tilespmem:s25], [sflag:$0x2] =	stream.indirect.gather [hbm4b:s10+s21], $0x80, s23, s21, $0xb8;
	[tilespmem:$0x1BB80] =	vst v63  }
0x3a: {  	_ =	swait.ge [sflag:s26], $0x4000  }
0x3b: {  	[sflag:s26] =	ssyncset.done $0x0  }
0x3c: {  	[sflag:s26] =	ssyncadd.s32 $0xFFFFC000  }
0x3d: {  	[spmem:s1] =	stream.indirect.scatter.add.f32 [tilespmem:s22], [sflag:$0x3], $0x80, s21, s21, $0xb8;
	[tilespmem:$0x1BB80] =	vst v63  }
0x3e: {  	_ =	swait.ge [sflag:s20], $0x4000  }
0x3f: {  	s6 =	sadd.s32 $0xFFFFFB40, s19;
	[sflag:s20] =	ssyncset.done $0x0  }
0x40: {  	s7 =	sadd.s32 $0x4E0, s6;
	[sflag:s20] =	ssyncadd.s32 $0xFFFFC000  }
0x41: {  	[tilespmem:s2], [sflag:$0x3] =	stream.linear.gather [hbm4b:s7+s2], $0x80, $0x38;
	[tilespmem:$0x1BB80] =	vst v63  }
0x42: {  	_ =	swait.ge [sflag:s20], $0x80  }
0x43: {  	s9 =	sadd.s32 $0xFFFFFB40, s18;
	[sflag:s20] =	ssyncset.done $0x0  }
0x44: {  	s8 =	sadd.s32 $0x4E0, s9;
	[sflag:s20] =	ssyncadd.s32 $0xFFFFFF80  }
0x45: {  	[tilespmem:s21], [sflag:$0x3] =	stream.linear.gather [hbm4b:s8+s2], $0x80, $0x38;
	[tilespmem:$0x1BB80] =	vst v63  }
0x46: {  	_ =	swait.ge [sflag:s20], $0x80  }
0x47: {  	[sflag:s20] =	ssyncset.done $0x0  }
0x48: {  	[sflag:s20] =	ssyncadd.s32 $0xFFFFFF80  }
0x49: {  	[tilespmem:s22], [sflag:$0x1] =	stream.indirect.gather [hbm4b:s10+s21], $0x80, s2, s21, $0xb8;
	[tilespmem:$0x1BB80] =	vst v63  }
0x4a: {  	_ =	swait.ge [sflag:s28], $0x4000  }
0x4b: {  	[sflag:s28] =	ssyncset.done $0x0  }
0x4c: {  	[sflag:s28] =	ssyncadd.s32 $0xFFFFC000  }
0x4d: {  	[spmem:s1] =	stream.indirect.scatter.add.f32 [tilespmem:s25], [sflag:$0x3], $0x80, s24, s21, $0xb8;
	[tilespmem:$0x1BB80] =	vst v63  }
0x4e: {  	_ =	swait.ge [sflag:s20], $0x4000  }
0x4f: {  	[sflag:s20] =	ssyncset.done $0x0  }
0x50: {  	s6 =	sadd.s32 $0x4F0, s6;
	[sflag:s20] =	ssyncadd.s32 $0xFFFFC000  }
0x51: {  	[tilespmem:s23], [sflag:$0x3] =	stream.linear.gather [hbm4b:s6+s2], $0x80, $0x38;
	[tilespmem:$0x1BB80] =	vst v63  }
0x52: {  	_ =	swait.ge [sflag:s20], $0x80  }
0x53: {  	[sflag:s20] =	ssyncset.done $0x0  }
0x54: {  	s9 =	sadd.s32 $0x4F0, s9;
	[sflag:s20] =	ssyncadd.s32 $0xFFFFFF80  }
0x55: {  	[tilespmem:s24], [sflag:$0x3] =	stream.linear.gather [hbm4b:s9+s2], $0x80, $0x38;
	[tilespmem:$0x1BB80] =	vst v63  }
0x56: {  	_ =	swait.ge [sflag:s20], $0x80  }
0x57: {  	[sflag:s20] =	ssyncset.done $0x0  }
0x58: {  	s6 =	simm.s32 $0xFFFFFB60;
	[sflag:s20] =	ssyncadd.s32 $0xFFFFFF80  }
.LBB2_2:
0x59: {  	[tilespmem:s25], [sflag:$0x2] =	stream.indirect.gather [hbm4b:s10+s21], $0x80, s23, s21, $0xb8;
	[tilespmem:$0x1BB80] =	vst v63  }
0x5a: {  	s7 =	smov.u32 s6  }
0x5b: {  	p1 =	sne.s32 s6, $0xFFFFFFE0;
	s6 =	sadd.s32 $0x20, s6;
	_ =	swait.ge [sflag:s26], $0x4000  }
0x5c: {  	[sflag:s26] =	ssyncset.done $0x0  }
0x5d: {  	[sflag:s26] =	ssyncadd.s32 $0xFFFFC000  }
0x5e: {  	[spmem:s1] =	stream.indirect.scatter.add.f32 [tilespmem:s22], [sflag:$0x3], $0x80, s21, s21, $0xb8;
	[tilespmem:$0x1BB80] =	vst v63  }
0x5f: {  	_ =	swait.ge [sflag:s20], $0x4000  }
0x60: {  	s8 =	sadd.s32 s7, s19;
	[sflag:s20] =	ssyncset.done $0x0  }
0x61: {  	s9 =	sadd.s32 $0x4E0, s8;
	[sflag:s20] =	ssyncadd.s32 $0xFFFFC000  }
0x62: {  	[tilespmem:s2], [sflag:$0x3] =	stream.linear.gather [hbm4b:s9+s2], $0x80, $0x38;
	[tilespmem:$0x1BB80] =	vst v63  }
0x63: {  	_ =	swait.ge [sflag:s20], $0x80  }
0x64: {  	s7 =	sadd.s32 s7, s18;
	[sflag:s20] =	ssyncset.done $0x0  }
0x65: {  	s9 =	sadd.s32 $0x4E0, s7;
	[sflag:s20] =	ssyncadd.s32 $0xFFFFFF80  }
0x66: {  	[tilespmem:s21], [sflag:$0x3] =	stream.linear.gather [hbm4b:s9+s2], $0x80, $0x38;
	[tilespmem:$0x1BB80] =	vst v63  }
0x67: {  	_ =	swait.ge [sflag:s20], $0x80  }
0x68: {  	[sflag:s20] =	ssyncset.done $0x0  }
0x69: {  	[sflag:s20] =	ssyncadd.s32 $0xFFFFFF80  }
0x6a: {  	[tilespmem:s22], [sflag:$0x1] =	stream.indirect.gather [hbm4b:s10+s21], $0x80, s2, s21, $0xb8;
	[tilespmem:$0x1BB80] =	vst v63  }
0x6b: {  	_ =	swait.ge [sflag:s28], $0x4000  }
0x6c: {  	[sflag:s28] =	ssyncset.done $0x0  }
0x6d: {  	[sflag:s28] =	ssyncadd.s32 $0xFFFFC000  }
0x6e: {  	[spmem:s1] =	stream.indirect.scatter.add.f32 [tilespmem:s25], [sflag:$0x3], $0x80, s24, s21, $0xb8;
	[tilespmem:$0x1BB80] =	vst v63  }
0x6f: {  	_ =	swait.ge [sflag:s20], $0x4000  }
0x70: {  	[sflag:s20] =	ssyncset.done $0x0  }
0x71: {  	s8 =	sadd.s32 $0x4F0, s8;
	[sflag:s20] =	ssyncadd.s32 $0xFFFFC000  }
0x72: {  	[tilespmem:s23], [sflag:$0x3] =	stream.linear.gather [hbm4b:s8+s2], $0x80, $0x38;
	[tilespmem:$0x1BB80] =	vst v63  }
0x73: {  	_ =	swait.ge [sflag:s20], $0x80  }
0x74: {  	[sflag:s20] =	ssyncset.done $0x0  }
.Ltmp0:
0x75: {  	s7 =	sadd.s32 $0x4F0, s7;
	[sflag:s20] =	ssyncadd.s32 $0xFFFFFF80;
	(pc) =	sbr.rel @p1 .LBB2_2-.Ltmp0, $4  }
0x76: {  	[tilespmem:s24], [sflag:$0x3] =	stream.linear.gather [hbm4b:s7+s2], $0x80, $0x38;
	[tilespmem:$0x1BB80] =	vst v63  }
0x77: {  	_ =	swait.ge [sflag:s20], $0x80  }
0x78: {  	[sflag:s20] =	ssyncset.done $0x0  }
0x79: {  	[sflag:s20] =	ssyncadd.s32 $0xFFFFFF80  }
0x7a: {  	[tilespmem:s25], [sflag:$0x2] =	stream.indirect.gather [hbm4b:s10+s21], $0x80, s23, s21, $0xb8;
	[tilespmem:$0x1BB80] =	vst v63  }
0x7b: {  	_ =	swait.ge [sflag:s26], $0x4000  }
0x7c: {  	[sflag:s26] =	ssyncset.done $0x0  }
0x7d: {  	[sflag:s26] =	ssyncadd.s32 $0xFFFFC000  }
0x7e: {  	[spmem:s1] =	stream.indirect.scatter.add.f32 [tilespmem:s22], [sflag:$0x3], $0x80, s21, s21, $0xb8;
	[tilespmem:$0x1BB80] =	vst v63  }
0x7f: {  	_ =	swait.ge [sflag:s20], $0x4000  }
0x80: {  	[sflag:s20] =	ssyncset.done $0x0  }
0x81: {  	[sflag:s20] =	ssyncadd.s32 $0xFFFFC000  }
0x82: {  	_ =	swait.ge [sflag:s28], $0x4000  }
0x83: {  	[sflag:s28] =	ssyncset.done $0x0  }
0x84: {  	[sflag:s28] =	ssyncadd.s32 $0xFFFFC000  }
0x85: {  	[spmem:s1] =	stream.indirect.scatter.add.f32 [tilespmem:s25], [sflag:$0x3], $0x80, s24, s21, $0xb8;
	[tilespmem:$0x1BB80] =	vst v63  }
0x86: {  	_ =	swait.ge [sflag:s20], $0x4000  }
0x87: {  	[sflag:s20] =	ssyncset.done $0x0  }
0x88: {  	[sflag:s20] =	ssyncadd.s32 $0xFFFFC000  }
0x89: {  	[tilespmem:s29], [sflag:$0x3] =	stream.linear.gather [hbm4b:s13+s2], $0x10, $0x38;
	[tilespmem:$0x1BB80] =	vst v63  }
0x8a: {  	_ =	swait.ge [sflag:s20], $0x10  }
0x8b: {  	[sflag:s20] =	ssyncset.done $0x0  }
0x8c: {  	[sflag:s20] =	ssyncadd.s32 $0xFFFFFFF0  }
0x8d: {  	[tilespmem:s30], [sflag:$0x3] =	stream.linear.gather [hbm4b:s14+s2], $0x10, $0x38;
	[tilespmem:$0x1BB80] =	vst v63  }
0x8e: {  	_ =	swait.ge [sflag:s20], $0x10  }
0x8f: {  	[sflag:s20] =	ssyncset.done $0x0  }
0x90: {  	[sflag:s20] =	ssyncadd.s32 $0xFFFFFFF0  }
0x91: {  	[tilespmem:s22], [sflag:$0x1] =	stream.indirect.gather [hbm4b:s10+s31], $0x80, s29, s31, $0xb8;
	[tilespmem:$0x1BB80] =	vst v63  }
0x92: {  	_ =	swait.ge [sflag:s26], $0x800  }
0x93: {  	[sflag:s26] =	ssyncset.done $0x0  }
0x94: {  	[sflag:s26] =	ssyncadd.s32 $0xFFFFF800  }
0x95: {  	[spmem:s1] =	stream.indirect.scatter.add.f32 [tilespmem:s22], [sflag:$0x3], $0x80, s30, s31, $0xb8;
	[tilespmem:$0x1BB80] =	vst v63  }
0x96: {  	_ =	swait.ge [sflag:s20], $0x800  }
0x97: {  	[sflag:s20] =	ssyncset.done $0x0  }
0x98: {  	[sflag:s20] =	ssyncadd.s32 $0xFFFFF800  }
0x99: {  	s6 =	simm.s32 @p0 $0x1FC3;
	[bflag:$0x0] =	sbarrier.arrive $0xFFFF  }
0x9a: {  	[hbm:s16], [sflag:s6] =	dma.local @p0 [spmem:s3], $0x2800  }
0x9b: {  	s3 =	simm.s32 @p0 $0x3  }
0x9c: {  	s0 =	sadd.s32 $0x1, s0;
	_ =	swait.ge @p0 [sflag:s3], $0x2800  }
0x9d: {  	p1 =	sne.s32 s0, s17;
	[sflag:s3] =	ssyncset.done @p0 $0x0  }
.Ltmp1:
0x9e: {  	[sflag:s3] =	ssyncadd.s32 @p0 $0xFFFFD800;
	s3 =	simm.s32 @!p0 $0x3;
	(pc) =	sbr.rel @p1 .LBB2_1-.Ltmp1, $4  }
0x9f: {  	[hbm:s15], [sflag:s4] =	dma.local @!p0 [spmem:s5], $0x2700  }
0xa0: {  	_ =	swait.ge @!p0 [sflag:s3], $0x2700  }
0xa1: {  	[sflag:s3] =	ssyncset.done @!p0 $0x0  }
0xa2: {  	[sflag:s3] =	ssyncadd.s32 @!p0 $0xFFFFD900  }
0xa3: {  	_ =	sfence.sel $0x180000  }
0xa4: {  	[bflag:$0x0] =	sbarrier.arrive $0xFFFF  }
0xa5: {  	_ =	strace $0x9000004A  }
0xa6: {  	s0 =	stileid.u32;
	[bflag:$0x2] =	sbarrier.arrive $0xFFFF  }
0xa7: {  	p0 =	sne.s32 s0, $0x0;
	s0 =	rddreg [dreg:$0x2]  }
0xa8: {  	s0 =	sadd.s32 @!p0 $0x100000, s0  }
0xa9: {  	[sflag:s0] =	ssyncadd.tile.s32 @!p0 $0x1;
	_ =	shalt  }
.Lfunc_end2:
_tile_overlayer_lowered:
.L_overlay_start_2:
0xaa: {  	(tag) =	ssettag $0x2  }
0xab: {  	s0 =	rddreg [dreg:$0x0];
	s2 =	stileid.u32  }
0xac: {  	s1 =	rddreg [dreg:$0x1];
	p0 =	sne.s32 s2, $0x0  }
0xad: {  	s3 =	rddreg [dreg:$0x2];
	[bflag:$0x3] =	sbarrier.arrive $0xFFFF;
	s2 =	simm.s32 @!p0 $0x1C03  }
0xae: {  	[timem:s3], [sflag:s2] =	dma.local @!p0 [hbm:s0], s1  }
0xaf: {  	s0 =	simm.s32 @!p0 $0x3  }
0xb0: {  	_ =	swait.ge @!p0 [sflag:s0], s1  }
0xb1: {  	s1 =	ssub.s32 @!p0 $0x0, s1;
	[sflag:s0] =	ssyncset.done @!p0 $0x0  }
0xb2: {  	[sflag:s0] =	ssyncadd.s32 @!p0 s1  }
0xb3: {  	[bflag:$0x3] =	sbarrier.arrive $0xFFFF  }
0xb4: {  	_ =	shalt  }

</sc_bundles>
